<compile_context>
chip_gen: v7x
topology: tpu7x:2x2x1
jax: 0.10.2.dev20260603
libtpu: 0.0.44.dev20260713+nightly
codegen_flags: <defaults>
</compile_context>

<pallas_src>
import functools

import jax
import jax.numpy as jnp
from jax import lax
from jax.experimental import pallas as pl
from jax.experimental.pallas import tpu as pltpu
from jax.experimental.pallas import tpu_sc as plsc

D_MODEL = 512
NUM_TILES = 16
TOP_K = 4
B = 4096
TERNARY_W = 0.01
SPARSITY_W = 0.005

TBLK_A = 512
TBLK_B = 512
RBLK = 512
NASSIGN = B * TOP_K
NB = (NASSIGN + NUM_TILES * (RBLK - 1)) // RBLK + 1
NPAD = NB * RBLK
NEG_INF = -3.0e38


def _dot(a, b):
    return jax.lax.dot_general(a, b, (((1,), (0,)), ((), ())),
                               preferred_element_type=jnp.float32)


def _prep_body(ints_ref, opP_ref, sa_ref, sb_ref, sc_ref, w_in_ref,
               b_in_ref, w_r_ref, b_r_ref, tri_ref, eyeT_ref,
               x_ref, topi_ref, topn_ref, lr_ref, topiT_ref, lrT_ref,
               il_ref, run_ref):
    i = pl.program_id(0)
    ints = ints_ref[...]
    op = ints[:, 0:1]
    a = ints[:, 1:2]
    b = ints[:, 2:3]
    c = ints[:, 3:4]
    T = ints.shape[0]

    @pl.when(i == 0)
    def _():
        il_ref[...] = jnp.zeros_like(il_ref)
        run_ref[...] = jnp.zeros_like(run_ref)

    ones16 = jnp.ones((NUM_TILES, 1), jnp.float32)

    oh8 = (op == lax.broadcasted_iota(jnp.int32, (1, 8), 1)
           ).astype(jnp.float32)
    bit_iota = lax.broadcasted_iota(jnp.int32, (1, 8), 1)
    a_bits = ((lax.shift_right_logical(a, bit_iota)) & 1).astype(jnp.float32)
    b_bits = ((lax.shift_right_logical(b, bit_iota)) & 1).astype(jnp.float32)
    feats = (_dot(oh8, opP_ref[...]) + _dot(a_bits, sa_ref[...]) +
             _dot(b_bits, sb_ref[...]) +
             _dot(c.astype(jnp.float32), sc_ref[...]))
    x = _dot(feats, w_in_ref[...]) + b_in_ref[...]
    x_ref[...] = x

    logits = _dot(x, w_r_ref[...]) + b_r_ref[...]
    m = jnp.max(logits, axis=1, keepdims=True)
    e = jnp.exp(logits - m)
    gates = e / _dot(e, ones16)

    iota16 = lax.broadcasted_iota(jnp.int32, (T, NUM_TILES), 1)
    v = gates
    tis, tvs = [], []
    for _ in range(TOP_K):
        mx = jnp.max(v, axis=1, keepdims=True)
        idx = jnp.min(jnp.where(v == mx, iota16, NUM_TILES), axis=1,
                      keepdims=True)
        tis.append(idx)
        tvs.append(mx)
        v = jnp.where(iota16 == idx, NEG_INF, v)
    topi = jnp.concatenate(tis, axis=1)
    topv = jnp.concatenate(tvs, axis=1)
    topn = topv / _dot(topv, jnp.ones((TOP_K, 1), jnp.float32))
    topi_ref[...] = topi
    topn_ref[...] = topn

    ohk = [(iota16 == topi[:, k:k + 1]).astype(jnp.float32)
           for k in range(TOP_K)]
    disp = ohk[0] + ohk[1] + ohk[2] + ohk[3]

    ct = _dot(tri_ref[...], disp)
    base = ct + run_ref[0:1, 0:16]
    prev = jnp.zeros((T, NUM_TILES), jnp.float32)
    lrs = []
    for k in range(TOP_K):
        lrs.append(_dot(ohk[k] * (base + prev), ones16))
        prev = prev + ohk[k]
    lr_f = jnp.concatenate(lrs, axis=1)
    lr_ref[...] = lr_f.astype(jnp.int32)
    run_ref[0:1, 0:16] += jnp.sum(disp, axis=0, keepdims=True)

    topiT_ref[...] = jax.lax.dot_general(
        topi.astype(jnp.float32), eyeT_ref[...],
        (((0,), (0,)), ((), ())),
        preferred_element_type=jnp.float32).astype(jnp.int32)
    lrT_ref[...] = jax.lax.dot_general(
        lr_f, eyeT_ref[...], (((0,), (0,)), ((), ())),
        preferred_element_type=jnp.float32).astype(jnp.int32)

    ones_col = jnp.ones((T, 1), jnp.float32)
    impcol = jax.lax.dot_general(gates, ones_col, (((0,), (0,)), ((), ())),
                                 preferred_element_type=jnp.float32)
    cntcol = jax.lax.dot_general(disp, ones_col, (((0,), (0,)), ((), ())),
                                 preferred_element_type=jnp.float32)
    il_ref[0:NUM_TILES, 0:1] += impcol
    il_ref[0:NUM_TILES, 1:2] += cntcol


def _prep_call(ints, opP, sa, sb, sc, w_in_p, b_in, w_r, b_r, tri, eyeT):
    nblk = B // TBLK_A

    def cst(s):
        return pl.BlockSpec(s, lambda i: tuple(0 for _ in s))

    def blk(s):
        return pl.BlockSpec(s, lambda i: (i,) + tuple(0 for _ in s[1:]))

    return pl.pallas_call(
        _prep_body,
        grid=(nblk,),
        in_specs=[
            blk((TBLK_A, 4)),
            cst((8, 128)),
            cst((8, 128)),
            cst((8, 128)),
            cst((1, 128)),
            cst((128, D_MODEL)),
            cst((1, D_MODEL)),
            cst((D_MODEL, NUM_TILES)),
            cst((1, NUM_TILES)),
            cst((TBLK_A, TBLK_A)),
            cst((TBLK_A, TBLK_A)),
        ],
        out_specs=[
            blk((TBLK_A, D_MODEL)),
            blk((TBLK_A, TOP_K)),
            blk((TBLK_A, TOP_K)),
            blk((TBLK_A, TOP_K)),
            pl.BlockSpec((TOP_K, TBLK_A), lambda i: (0, i)),
            pl.BlockSpec((TOP_K, TBLK_A), lambda i: (0, i)),
            cst((NUM_TILES, 128)),
        ],
        out_shape=[
            jax.ShapeDtypeStruct((B, D_MODEL), jnp.float32),
            jax.ShapeDtypeStruct((B, TOP_K), jnp.int32),
            jax.ShapeDtypeStruct((B, TOP_K), jnp.float32),
            jax.ShapeDtypeStruct((B, TOP_K), jnp.int32),
            jax.ShapeDtypeStruct((TOP_K, B), jnp.int32),
            jax.ShapeDtypeStruct((TOP_K, B), jnp.int32),
            jax.ShapeDtypeStruct((NUM_TILES, 128), jnp.float32),
        ],
        scratch_shapes=[pltpu.VMEM((8, 128), jnp.float32)],
    )(ints, opP, sa, sb, sc, w_in_p, b_in, w_r, b_r, tri, eyeT)


def _plan_body(topi_ref, lr_ref, topiT_ref, lrT_ref, il_ref,
               p_ref, pT_ref, plan_ref):
    cnt = il_ref[0:NUM_TILES, 1:2].astype(jnp.int32)
    cnt_pad = ((cnt + (RBLK - 1)) // RBLK) * RBLK
    tri16 = (lax.broadcasted_iota(jnp.int32, (NUM_TILES, NUM_TILES), 0) >
             lax.broadcasted_iota(jnp.int32, (NUM_TILES, NUM_TILES), 1)
             ).astype(jnp.float32)
    off_col = jax.lax.dot_general(
        tri16, cnt_pad.astype(jnp.float32), (((1,), (0,)), ((), ())),
        preferred_element_type=jnp.float32).astype(jnp.int32)

    eye16 = (lax.broadcasted_iota(jnp.int32, (NUM_TILES, NUM_TILES), 0) ==
             lax.broadcasted_iota(jnp.int32, (NUM_TILES, NUM_TILES), 1)
             ).astype(jnp.float32)
    off_row = jax.lax.dot_general(
        off_col.astype(jnp.float32), eye16, (((0,), (0,)), ((), ())),
        preferred_element_type=jnp.float32)
    thr = (lax.broadcasted_iota(jnp.int32, (NB, 1), 0) * RBLK
           ).astype(jnp.float32)
    cmp = (off_row <= thr).astype(jnp.float32)
    be_col = jax.lax.dot_general(
        cmp, jnp.ones((NUM_TILES, 1), jnp.float32),
        (((1,), (0,)), ((), ())),
        preferred_element_type=jnp.float32).astype(jnp.int32) - 1
    plan_ref[...] = jnp.zeros_like(plan_ref)
    plan_ref[:, 0:1] = be_col
    na = jnp.sum(cnt_pad) // RBLK
    plan_ref[0:1, 1:2] = jnp.reshape(na, (1, 1))
    plan_ref[0:NUM_TILES, 2:3] = off_col

    topi = topi_ref[...]
    offsel = jnp.zeros(topi.shape, jnp.int32)
    for e in range(NUM_TILES):
        offsel = offsel + jnp.where(topi == e, off_col[e, 0], 0)
    p_ref[...] = offsel + lr_ref[...]

    topiT = topiT_ref[...]
    offselT = jnp.zeros(topiT.shape, jnp.int32)
    for e in range(NUM_TILES):
        offselT = offselT + jnp.where(topiT == e, off_col[e, 0], 0)
    pT_ref[...] = offselT + lrT_ref[...]


def _plan_call(topi, lr, topiT, lrT, il):
    return pl.pallas_call(
        _plan_body,
        grid=(1,),
        in_specs=[
            pl.BlockSpec((B, TOP_K), lambda i: (0, 0)),
            pl.BlockSpec((B, TOP_K), lambda i: (0, 0)),
            pl.BlockSpec((TOP_K, B), lambda i: (0, 0)),
            pl.BlockSpec((TOP_K, B), lambda i: (0, 0)),
            pl.BlockSpec((NUM_TILES, 128), lambda i: (0, 0)),
        ],
        out_specs=[
            pl.BlockSpec((B, TOP_K), lambda i: (0, 0)),
            pl.BlockSpec((TOP_K, B), lambda i: (0, 0)),
            pl.BlockSpec((NB, 128), lambda i: (0, 0)),
        ],
        out_shape=[
            jax.ShapeDtypeStruct((B, TOP_K), jnp.int32),
            jax.ShapeDtypeStruct((TOP_K, B), jnp.int32),
            jax.ShapeDtypeStruct((NB, 128), jnp.int32),
        ],
    )(topi, lr, topiT, lrT, il)


SC_TOK = 64


def _make_scatter():
    info = plsc.get_sparse_core_info()
    nw = info.num_cores * info.num_subcores
    tok_per_w = B // nw
    nchunk = tok_per_w // SC_TOK
    mesh = plsc.VectorSubcoreMesh(core_axis_name="c", subcore_axis_name="s")

    @functools.partial(
        pl.kernel, mesh=mesh,
        out_type=jax.ShapeDtypeStruct((NPAD, D_MODEL), jnp.float32),
        scratch_types=[
            pltpu.VMEM((2, TOP_K, SC_TOK), jnp.int32),
            pltpu.VMEM((2, SC_TOK, D_MODEL), jnp.float32),
            pltpu.SemaphoreType.DMA,
            pltpu.SemaphoreType.DMA,
            pltpu.SemaphoreType.DMA,
        ],
    )
    def scatter_k(x_hbm, pT_hbm, xs_hbm, pidx_v, rows_v, sem_l, sem_i,
                  sem_s):
        wid = lax.axis_index("s") * info.num_cores + lax.axis_index("c")

        def load(ci, bb):
            tb = wid * tok_per_w + ci * SC_TOK
            dl = pltpu.async_copy(x_hbm.at[pl.ds(tb, SC_TOK)],
                                  rows_v.at[bb], sem_l)
            dis = [pltpu.async_copy(pT_hbm.at[k, pl.ds(tb, SC_TOK)],
                                    pidx_v.at[bb, k], sem_i)
                   for k in range(TOP_K)]
            return [dl] + dis

        pend = load(0, 0)
        scat = []
        for ci in range(nchunk):
            bb = ci & 1
            for d in pend:
                d.wait()
            if ci + 1 < nchunk:
                pend = load(ci + 1, 1 - bb)
            for d in scat:
                d.wait()
            scat = [pltpu.async_copy(rows_v.at[bb],
                                     xs_hbm.at[pidx_v.at[bb, k]], sem_s)
                    for k in range(TOP_K)]
        for d in scat:
            d.wait()

    return scatter_k


def _ffn_body(be_ref, na_ref, xs_ref, w1_ref, b1_ref, w2_ref, b2_ref,
              ys_ref):
    i = pl.program_id(0)

    @pl.when(i < na_ref[0])
    def _():
        h = jnp.maximum(
            _dot(xs_ref[...].astype(jnp.bfloat16), w1_ref[0]) + b1_ref[0],
            0.0)
        ys_ref[...] = _dot(h.astype(jnp.bfloat16), w2_ref[0]) + b2_ref[0]


def _ffn_call(be, na, xs, w1, b1, w2, b2):
    grid_spec = pltpu.PrefetchScalarGridSpec(
        num_scalar_prefetch=2,
        grid=(NB,),
        in_specs=[
            pl.BlockSpec((RBLK, D_MODEL),
                         lambda i, be, na: (jnp.minimum(i, na[0] - 1), 0)),
            pl.BlockSpec((1, D_MODEL, D_MODEL),
                         lambda i, be, na: (be[i], 0, 0)),
            pl.BlockSpec((1, 1, D_MODEL), lambda i, be, na: (be[i], 0, 0)),
            pl.BlockSpec((1, D_MODEL, D_MODEL),
                         lambda i, be, na: (be[i], 0, 0)),
            pl.BlockSpec((1, 1, D_MODEL), lambda i, be, na: (be[i], 0, 0)),
        ],
        out_specs=pl.BlockSpec((RBLK, D_MODEL), lambda i, be, na: (i, 0)),
    )
    return pl.pallas_call(
        _ffn_body,
        grid_spec=grid_spec,
        out_shape=jax.ShapeDtypeStruct((NPAD, D_MODEL), jnp.float32),
    )(be, na, xs, w1, b1, w2, b2)


GA_CHUNK = 64


def _make_gather():
    info = plsc.get_sparse_core_info()
    nw = info.num_cores * info.num_subcores
    rows_per_w = NASSIGN // nw
    nchunk = rows_per_w // GA_CHUNK
    mesh = plsc.VectorSubcoreMesh(core_axis_name="c", subcore_axis_name="s")

    @functools.partial(
        pl.kernel, mesh=mesh,
        out_type=jax.ShapeDtypeStruct((NASSIGN, D_MODEL), jnp.float32),
        scratch_types=[
            pltpu.VMEM((2, GA_CHUNK), jnp.int32),
            pltpu.VMEM((2, GA_CHUNK, D_MODEL), jnp.float32),
            pltpu.SemaphoreType.DMA,
            pltpu.SemaphoreType.DMA,
            pltpu.SemaphoreType.DMA,
        ],
    )
    def gather_k(ys_hbm, p_hbm, y4_hbm, pidx_v, rows_v, sem_i, sem_g,
                 sem_w):
        wid = lax.axis_index("s") * info.num_cores + lax.axis_index("c")
        base = wid * rows_per_w

        def idx_load(ci, bb):
            return pltpu.async_copy(
                p_hbm.at[pl.ds(base + ci * GA_CHUNK, GA_CHUNK)],
                pidx_v.at[bb], sem_i)

        def gather_start(bb):
            return pltpu.async_copy(ys_hbm.at[pidx_v.at[bb]],
                                    rows_v.at[bb], sem_g)

        def write_start(ci, bb):
            return pltpu.async_copy(
                rows_v.at[bb],
                y4_hbm.at[pl.ds(base + ci * GA_CHUNK, GA_CHUNK)], sem_w)

        idx_load(0, 0).wait()
        gat = gather_start(0)
        idx_pend = idx_load(1, 1)
        wr = None
        for ci in range(nchunk):
            bb = ci & 1
            gat.wait()
            if ci + 1 < nchunk:
                idx_pend.wait()
                if wr is not None:
                    wr.wait()
                gat = gather_start(1 - bb)
                if ci + 2 < nchunk:
                    idx_pend = idx_load(ci + 2, bb)
            elif wr is not None:
                wr.wait()
            wr = write_start(ci, bb)
        wr.wait()

    return gather_k


def _aux_body(w1_ref, w2_ref, il_ref, out_ref):
    e = pl.program_id(0)

    @pl.when(e == 0)
    def _():
        out_ref[...] = jnp.zeros_like(out_ref)

    aw1 = jnp.abs(w1_ref[0].astype(jnp.float32))
    aw2 = jnp.abs(w2_ref[0].astype(jnp.float32))
    s = (jnp.sum(aw1 * jnp.abs(1.0 - aw1)) + jnp.sum(aw2 * jnp.abs(1.0 - aw2)))
    out_ref[0:1, 0:1] += jnp.reshape(s, (1, 1))

    @pl.when(e == NUM_TILES - 1)
    def _():
        imp = il_ref[0:NUM_TILES, 0:1] * (1.0 / B)
        load = il_ref[0:NUM_TILES, 1:2] * (1.0 / B)
        lb = NUM_TILES * jnp.sum(imp * load)
        tern = out_ref[0, 0] / (NUM_TILES * D_MODEL * D_MODEL)
        out_ref[0:1, 0:1] = jnp.reshape(
            SPARSITY_W * lb + TERNARY_W * tern, (1, 1))


def _aux_call(w1, w2, il):
    return pl.pallas_call(
        _aux_body,
        grid=(NUM_TILES,),
        in_specs=[
            pl.BlockSpec((1, D_MODEL, D_MODEL), lambda e: (e, 0, 0)),
            pl.BlockSpec((1, D_MODEL, D_MODEL), lambda e: (e, 0, 0)),
            pl.BlockSpec((NUM_TILES, 128), lambda e: (0, 0)),
        ],
        out_specs=pl.BlockSpec((8, 128), lambda e: (0, 0)),
        out_shape=jax.ShapeDtypeStruct((8, 128), jnp.float32),
    )(w1, w2, il)


def _head_body(y4_ref, topn_ref, wh1_ref, bh1_ref, wh2_ref, bh2_ref,
               rb_ref):
    T = topn_ref.shape[0]
    y3 = y4_ref[...].reshape(T, TOP_K, D_MODEL)
    topn = topn_ref[...]
    out = y3[:, 0, :] * topn[:, 0:1]
    for k in range(1, TOP_K):
        out = out + y3[:, k, :] * topn[:, k:k + 1]
    h = jnp.maximum(_dot(out, wh1_ref[...]) + bh1_ref[...], 0.0)
    z = _dot(h, wh2_ref[...]) + bh2_ref[...]
    rb_ref[...] = 1.0 / (1.0 + jnp.exp(-z))


def _head_call(y4, topn, wh1_p, bh1_p, wh2_p, bh2):
    nblk = B // TBLK_B
    return pl.pallas_call(
        _head_body,
        grid=(nblk,),
        in_specs=[
            pl.BlockSpec((TBLK_B * TOP_K, D_MODEL), lambda i: (i, 0)),
            pl.BlockSpec((TBLK_B, TOP_K), lambda i: (i, 0)),
            pl.BlockSpec((D_MODEL, 128), lambda i: (0, 0)),
            pl.BlockSpec((1, 128), lambda i: (0, 0)),
            pl.BlockSpec((128, 8), lambda i: (0, 0)),
            pl.BlockSpec((1, 8), lambda i: (0, 0)),
        ],
        out_specs=pl.BlockSpec((TBLK_B, 8), lambda i: (i, 0)),
        out_shape=jax.ShapeDtypeStruct((B, 8), jnp.float32),
    )(y4, topn, wh1_p, bh1_p, wh2_p, bh2)


def kernel(op_idx, a, b, c, op_embed, W_in, b_in, W_router, b_router,
           W1, b1, W2, b2, W_h1, b_h1, W_h2, b_h2):
    ints = jnp.stack([op_idx.astype(jnp.int32), a.astype(jnp.int32),
                      b.astype(jnp.int32), c.astype(jnp.int32)], axis=1)
    w_in_p = jnp.pad(W_in, ((0, 128 - 33), (0, 0)))
    opP = jnp.pad(op_embed, ((0, 0), (0, 128 - 16)))
    ar8 = jnp.arange(8)
    ar128 = jnp.arange(128)
    sa = (ar128[None, :] == (16 + ar8)[:, None]).astype(jnp.float32)
    sb = (ar128[None, :] == (24 + ar8)[:, None]).astype(jnp.float32)
    sc = (ar128[None, :] == 32).astype(jnp.float32).reshape(1, 128)
    wh1_p = jnp.pad(W_h1, ((0, 0), (0, 128 - 32)))
    bh1_p = jnp.pad(b_h1, (0, 128 - 32)).reshape(1, 128)
    wh2_p = jnp.pad(W_h2, ((0, 128 - 32), (0, 0)))
    tri = (jnp.arange(TBLK_A)[:, None] > jnp.arange(TBLK_A)[None, :]
           ).astype(jnp.float32)
    eyeT = jnp.eye(TBLK_A, dtype=jnp.float32)

    x_bf, topi, topn, lr, topiT, lrT, il = _prep_call(
        ints, opP, sa, sb, sc, w_in_p,
        b_in.reshape(1, D_MODEL), W_router, b_router.reshape(1, NUM_TILES),
        tri, eyeT)
    p, pT, plan = _plan_call(topi, lr, topiT, lrT, il)

    p_flat = p.reshape(NASSIGN)
    xs = _make_scatter()(x_bf, pT)
    be = plan[:, 0]
    na = plan[0:1, 1].reshape(1)
    w1_bf = W1.astype(jnp.bfloat16)
    w2_bf = W2.astype(jnp.bfloat16)
    ys = _ffn_call(be, na, xs, w1_bf,
                   b1.reshape(NUM_TILES, 1, D_MODEL),
                   w2_bf,
                   b2.reshape(NUM_TILES, 1, D_MODEL))
    auxm = _aux_call(w1_bf, w2_bf, il)
    y4 = _make_gather()(ys, p_flat)
    aux = auxm[0, 0]
    result_bits = _head_call(y4, topn, wh1_p, bh1_p, wh2_p,
                             b_h2.reshape(1, 8))
    return result_bits, topi, aux

# --- scband reference (transcript-rebuilt; emitter-appended) ---
"""Pipeline reference for scband-tri-x6502-5162550690211 (READ-ONLY COPY).

The authoritative reference and input builder live on the scoring server;
editing this copy changes nothing except your own understanding.
"""

import jax, jax.numpy as jnp
import numpy as np

D_MODEL = 512
NUM_TILES = 16
TOP_K = 4
B = 4096
TERNARY_W = 0.01
SPARSITY_W = 0.005


def setup_inputs(seed: int = 0) -> dict:
    key = jax.random.key(seed)
    ks = jax.random.split(key, 16)
    inp = {}
    inp['op_idx'] = jax.random.randint(ks[0], (B,), 0, 8)
    inp['a'] = jax.random.randint(ks[1], (B,), 0, 256)
    inp['b'] = jax.random.randint(ks[2], (B,), 0, 256)
    inp['c'] = jax.random.randint(ks[3], (B,), 0, 2)
    inp['op_embed'] = jax.random.normal(ks[4], (8, 16), dtype=jnp.float32) * 0.02
    inp['W_in'] = jax.random.normal(ks[5], (33, D_MODEL), dtype=jnp.float32) * 0.02
    inp['b_in'] = jnp.zeros((D_MODEL,), dtype=jnp.float32)
    inp['W_router'] = jax.random.normal(ks[6], (D_MODEL, NUM_TILES), dtype=jnp.float32) * 0.02
    inp['b_router'] = jnp.zeros((NUM_TILES,), dtype=jnp.float32)
    inp['W1'] = jax.random.normal(ks[7], (NUM_TILES, D_MODEL, D_MODEL), dtype=jnp.float32) * 0.02
    inp['b1'] = jnp.zeros((NUM_TILES, D_MODEL), dtype=jnp.float32)
    inp['W2'] = jax.random.normal(ks[8], (NUM_TILES, D_MODEL, D_MODEL), dtype=jnp.float32) * 0.02
    inp['b2'] = jnp.zeros((NUM_TILES, D_MODEL), dtype=jnp.float32)
    inp['W_h1'] = jax.random.normal(ks[9], (D_MODEL, 32), dtype=jnp.float32) * 0.02
    inp['b_h1'] = jnp.zeros((32,), dtype=jnp.float32)
    inp['W_h2'] = jax.random.normal(ks[10], (32, 8), dtype=jnp.float32) * 0.02
    inp['b_h2'] = jnp.zeros((8,), dtype=jnp.float32)
    return inp


def _forward(op_idx, a, b, c, op_embed, W_in, b_in, W_router, b_router, W1, b1, W2, b2, W_h1, b_h1, W_h2, b_h2):
    # embedding lookup for opcode
    op_emb = jnp.take(op_embed, op_idx, axis=0)  # [B,16]
    # bit decomposition of operands
    a_bits = jnp.stack([(jnp.right_shift(a, i) & 1) for i in range(8)], axis=1).astype(jnp.float32)
    b_bits = jnp.stack([(jnp.right_shift(b, i) & 1) for i in range(8)], axis=1).astype(jnp.float32)
    x = jnp.concatenate([op_emb, a_bits, b_bits, c[:, None].astype(jnp.float32)], axis=1)  # [B,33]
    x = x @ W_in + b_in  # [B,D]
    # SparseLookupFFNv2: route each token to TOP_K of NUM_TILES tile-FFNs
    logits = x @ W_router + b_router  # [B,E]
    gates = jax.nn.softmax(logits, axis=-1)
    topv, topi = jax.lax.top_k(gates, TOP_K)  # [B,k]
    topv = topv / jnp.sum(topv, axis=-1, keepdims=True)
    oh = jax.nn.one_hot(topi, NUM_TILES, dtype=jnp.float32)  # [B,k,E]
    full_gates = jnp.sum(oh * topv[..., None], axis=1)  # [B,E]
    # dense expert compute, gated combine
    h = jnp.einsum('bd,edh->ebh', x, W1) + b1[:, None, :]
    h = jax.nn.relu(h)
    y = jnp.einsum('ebh,ehd->ebd', h, W2) + b2[:, None, :]
    out = jnp.einsum('ebd,be->bd', y, full_gates)  # [B,D]
    # aux losses: load-balance (sparsity) + ternary regularizer
    dispatch = jnp.sum(oh, axis=1)  # [B,E] binary
    importance = jnp.mean(gates, axis=0)
    load = jnp.mean(dispatch, axis=0)
    lb_loss = NUM_TILES * jnp.sum(importance * load)
    ternary = jnp.mean(jnp.abs(W1) * jnp.abs(1.0 - jnp.abs(W1))) + jnp.mean(jnp.abs(W2) * jnp.abs(1.0 - jnp.abs(W2)))
    aux = SPARSITY_W * lb_loss + TERNARY_W * ternary
    # result head
    hdd = jax.nn.relu(out @ W_h1 + b_h1)
    result_bits = jax.nn.sigmoid(hdd @ W_h2 + b_h2)  # [B,8]
    return result_bits, topi, aux


def reference(op_idx, a, b, c, op_embed, W_in, b_in, W_router, b_router, W1, b1, W2, b2, W_h1, b_h1, W_h2, b_h2):
    return _forward(op_idx, a, b, c, op_embed, W_in, b_in, W_router, b_router, W1, b1, W2, b2, W_h1, b_h1, W_h2, b_h2)

if __name__ == "__main__":
    import jax
    _d = setup_inputs()
    print(jax.jit(kernel)(*tuple(_d.values())))

</pallas_src>

<mosaic_0001>
#map = affine_map<(d0, d1) -> (0, 0)>
#map1 = affine_map<(d0, d1) -> (0)>
module attributes {stable_mosaic.version = 14 : i64} {
  func.func @gather_k(%arg0: i32, %arg1: i32, %arg2: memref<24576x512xf32, #tpu.memory_space<hbm>>, %arg3: memref<16384xi32, #tpu.memory_space<hbm>>, %arg4: memref<16384x512xf32, #tpu.memory_space<hbm>>, %arg5: memref<2x64xi32, #tpu.memory_space<vmem>>, %arg6: memref<2x64x512xf32, #tpu.memory_space<vmem>>, %arg7: memref<!tpu.dma_semaphore, #tpu.memory_space<semaphore_mem>>, %arg8: memref<!tpu.dma_semaphore, #tpu.memory_space<semaphore_mem>>, %arg9: memref<!tpu.dma_semaphore, #tpu.memory_space<semaphore_mem>>) attributes {dimension_semantics = [#tpu.dimension_semantics<core_parallel>, #tpu.dimension_semantics<subcore_parallel>], iteration_bounds = array<i64: 2, 16>, scalar_prefetch = 0 : i64, scratch_operands = 5 : i64, tpu.core_type = #tpu.core_type<sc_vector_subcore>, window_params = [{transform_indices = #map}, {transform_indices = #map1}, {transform_indices = #map}]} {
    %mul3A = arith.constant 2 : i32
    %mul3A_0 = arith.muli %arg1, %mul3A : i32
    %add3A = arith.addi %mul3A_0, %arg0 : i32
    %mul3A_1 = arith.constant 512 : i32
    %mul3A_2 = arith.muli %add3A, %mul3A_1 : i32
    %add3A_3 = arith.constant 0 : i32
    %add3A_4 = arith.addi %mul3A_2, %add3A_3 : i32
    %dma_start3A = arith.constant 0 : i32
    %dma_start3A_5 = arith.constant 0 : i32
    %dma_start3A_6 = tpu.memref_slice %arg5[%dma_start3A, %dma_start3A_5] : memref<2x64xi32, #tpu.memory_space<vmem>> -> memref<1x64xi32, #tpu.memory_space<vmem>>
    %dma_start3A_7 = tpu.memref_squeeze %dma_start3A_6 : memref<1x64xi32, #tpu.memory_space<vmem>> -> memref<64xi32, #tpu.memory_space<vmem>>
    %dma_start3A_8 = tpu.memref_slice %arg3[%add3A_4] : memref<16384xi32, #tpu.memory_space<hbm>> -> memref<64xi32, #tpu.memory_space<hbm>>
    %dma_start3A_9 = arith.constant 0 : i32
    %dma_start3A_10 = tpu.memref_slice %arg5[%dma_start3A, %dma_start3A_9] : memref<2x64xi32, #tpu.memory_space<vmem>> -> memref<1x64xi32, #tpu.memory_space<vmem>>
    %dma_start3A_11 = tpu.memref_squeeze %dma_start3A_10 : memref<1x64xi32, #tpu.memory_space<vmem>> -> memref<64xi32, #tpu.memory_space<vmem>>
    %dma_start3A_12 = tpu.memref_slice %arg3[%add3A_4] : memref<16384xi32, #tpu.memory_space<hbm>> -> memref<64xi32, #tpu.memory_space<hbm>>
    tpu.enqueue_dma source(%dma_start3A_12 : memref<64xi32, #tpu.memory_space<hbm>>) target(%dma_start3A_11 : memref<64xi32, #tpu.memory_space<vmem>>) target_semaphore(%arg7 : memref<!tpu.dma_semaphore, #tpu.memory_space<semaphore_mem>>)
    %dma_wait3A = arith.constant 0 : i32
    %dma_wait3A_13 = arith.constant 0 : i32
    %dma_wait3A_14 = tpu.memref_slice %arg5[%dma_wait3A, %dma_wait3A_13] : memref<2x64xi32, #tpu.memory_space<vmem>> -> memref<1x64xi32, #tpu.memory_space<vmem>>
    %dma_wait3A_15 = tpu.memref_squeeze %dma_wait3A_14 : memref<1x64xi32, #tpu.memory_space<vmem>> -> memref<64xi32, #tpu.memory_space<vmem>>
    %dma_wait3A_16 = tpu.memref_slice %arg3[%add3A_4] : memref<16384xi32, #tpu.memory_space<hbm>> -> memref<64xi32, #tpu.memory_space<hbm>>
    %dma_wait3A_17 = arith.constant 0 : i32
    %dma_wait3A_18 = tpu.memref_slice %arg5[%dma_wait3A, %dma_wait3A_17] : memref<2x64xi32, #tpu.memory_space<vmem>> -> memref<1x64xi32, #tpu.memory_space<vmem>>
    %dma_wait3A_19 = tpu.memref_squeeze %dma_wait3A_18 : memref<1x64xi32, #tpu.memory_space<vmem>> -> memref<64xi32, #tpu.memory_space<vmem>>
    %dma_wait3A_20 = tpu.memref_slice %arg3[%add3A_4] : memref<16384xi32, #tpu.memory_space<hbm>> -> memref<64xi32, #tpu.memory_space<hbm>>
    tpu.wait_dma2 semaphore(%arg7 : memref<!tpu.dma_semaphore, #tpu.memory_space<semaphore_mem>>) src(%dma_wait3A_20 : memref<64xi32, #tpu.memory_space<hbm>>) dst(%dma_wait3A_19 : memref<64xi32, #tpu.memory_space<vmem>>)
    %dma_start3A_21 = arith.constant 0 : i32
    %dma_start3A_22 = arith.constant 0 : i32
    %dma_start3A_23 = arith.constant 0 : i32
    %dma_start3A_24 = arith.constant 0 : i32
    %dma_start3A_25 = tpu.memref_slice %arg6[%dma_start3A_22, %dma_start3A_23, %dma_start3A_24] : memref<2x64x512xf32, #tpu.memory_space<vmem>> -> memref<1x64x512xf32, #tpu.memory_space<vmem>>
    %dma_start3A_26 = tpu.memref_squeeze %dma_start3A_25 : memref<1x64x512xf32, #tpu.memory_space<vmem>> -> memref<64x512xf32, #tpu.memory_space<vmem>>
    %dma_start3A_27 = arith.constant 0 : i32
    %dma_start3A_28 = tpu.memref_slice %arg5[%dma_start3A_21, %dma_start3A_27] : memref<2x64xi32, #tpu.memory_space<vmem>> -> memref<1x64xi32, #tpu.memory_space<vmem>>
    %dma_start3A_29 = tpu.memref_squeeze %dma_start3A_28 : memref<1x64xi32, #tpu.memory_space<vmem>> -> memref<64xi32, #tpu.memory_space<vmem>>
    %dma_start3A_30 = arith.constant 0 : i32
    %dma_start3A_31 = arith.constant 0 : i32
    %dma_start3A_32 = tpu.memref_slice %arg2[%dma_start3A_30, %dma_start3A_31] : memref<24576x512xf32, #tpu.memory_space<hbm>> -> memref<24576x512xf32, #tpu.memory_space<hbm>>
    tpu.enqueue_indirect_dma source(%dma_start3A_32 : memref<24576x512xf32, #tpu.memory_space<hbm>>) target(%dma_start3A_26 : memref<64x512xf32, #tpu.memory_space<vmem>>) offsets(%dma_start3A_29 : memref<64xi32, #tpu.memory_space<vmem>>) semaphore(%arg8 : memref<!tpu.dma_semaphore, #tpu.memory_space<semaphore_mem>>)
    %add3A_33 = arith.constant 64 : i32
    %add3A_34 = arith.addi %mul3A_2, %add3A_33 : i32
    %dma_start3A_35 = arith.constant 1 : i32
    %dma_start3A_36 = arith.constant 0 : i32
    %dma_start3A_37 = tpu.memref_slice %arg5[%dma_start3A_35, %dma_start3A_36] : memref<2x64xi32, #tpu.memory_space<vmem>> -> memref<1x64xi32, #tpu.memory_space<vmem>>
    %dma_start3A_38 = tpu.memref_squeeze %dma_start3A_37 : memref<1x64xi32, #tpu.memory_space<vmem>> -> memref<64xi32, #tpu.memory_space<vmem>>
    %dma_start3A_39 = tpu.memref_slice %arg3[%add3A_34] : memref<16384xi32, #tpu.memory_space<hbm>> -> memref<64xi32, #tpu.memory_space<hbm>>
    %dma_start3A_40 = arith.constant 0 : i32
    %dma_start3A_41 = tpu.memref_slice %arg5[%dma_start3A_35, %dma_start3A_40] : memref<2x64xi32, #tpu.memory_space<vmem>> -> memref<1x64xi32, #tpu.memory_space<vmem>>
    %dma_start3A_42 = tpu.memref_squeeze %dma_start3A_41 : memref<1x64xi32, #tpu.memory_space<vmem>> -> memref<64xi32, #tpu.memory_space<vmem>>
    %dma_start3A_43 = tpu.memref_slice %arg3[%add3A_34] : memref<16384xi32, #tpu.memory_space<hbm>> -> memref<64xi32, #tpu.memory_space<hbm>>
    tpu.enqueue_dma source(%dma_start3A_43 : memref<64xi32, #tpu.memory_space<hbm>>) target(%dma_start3A_42 : memref<64xi32, #tpu.memory_space<vmem>>) target_semaphore(%arg7 : memref<!tpu.dma_semaphore, #tpu.memory_space<semaphore_mem>>)
    %dma_wait3A_44 = arith.constant 0 : i32
    %dma_wait3A_45 = arith.constant 0 : i32
    %dma_wait3A_46 = arith.constant 0 : i32
    %dma_wait3A_47 = arith.constant 0 : i32
    %dma_wait3A_48 = tpu.memref_slice %arg6[%dma_wait3A_45, %dma_wait3A_46, %dma_wait3A_47] : memref<2x64x512xf32, #tpu.memory_space<vmem>> -> memref<1x64x512xf32, #tpu.memory_space<vmem>>
    %dma_wait3A_49 = tpu.memref_squeeze %dma_wait3A_48 : memref<1x64x512xf32, #tpu.memory_space<vmem>> -> memref<64x512xf32, #tpu.memory_space<vmem>>
    %dma_wait3A_50 = arith.constant 0 : i32
    %dma_wait3A_51 = tpu.memref_slice %arg5[%dma_wait3A_44, %dma_wait3A_50] : memref<2x64xi32, #tpu.memory_space<vmem>> -> memref<1x64xi32, #tpu.memory_space<vmem>>
    %dma_wait3A_52 = tpu.memref_squeeze %dma_wait3A_51 : memref<1x64xi32, #tpu.memory_space<vmem>> -> memref<64xi32, #tpu.memory_space<vmem>>
    %dma_wait3A_53 = arith.constant 0 : i32
    %dma_wait3A_54 = arith.constant 0 : i32
    %dma_wait3A_55 = tpu.memref_slice %arg2[%dma_wait3A_53, %dma_wait3A_54] : memref<24576x512xf32, #tpu.memory_space<hbm>> -> memref<24576x512xf32, #tpu.memory_space<hbm>>
    tpu.wait_indirect_dma semaphore(%arg8 : memref<!tpu.dma_semaphore, #tpu.memory_space<semaphore_mem>>) src(%dma_wait3A_55 : memref<24576x512xf32, #tpu.memory_space<hbm>>) dst(%dma_wait3A_49 : memref<64x512xf32, #tpu.memory_space<vmem>>)
    %dma_wait3A_56 = arith.constant 1 : i32
    %dma_wait3A_57 = arith.constant 0 : i32
    %dma_wait3A_58 = tpu.memref_slice %arg5[%dma_wait3A_56, %dma_wait3A_57] : memref<2x64xi32, #tpu.memory_space<vmem>> -> memref<1x64xi32, #tpu.memory_space<vmem>>
    %dma_wait3A_59 = tpu.memref_squeeze %dma_wait3A_58 : memref<1x64xi32, #tpu.memory_space<vmem>> -> memref<64xi32, #tpu.memory_space<vmem>>
    %dma_wait3A_60 = tpu.memref_slice %arg3[%add3A_34] : memref<16384xi32, #tpu.memory_space<hbm>> -> memref<64xi32, #tpu.memory_space<hbm>>
    %dma_wait3A_61 = arith.constant 0 : i32
    %dma_wait3A_62 = tpu.memref_slice %arg5[%dma_wait3A_56, %dma_wait3A_61] : memref<2x64xi32, #tpu.memory_space<vmem>> -> memref<1x64xi32, #tpu.memory_space<vmem>>
    %dma_wait3A_63 = tpu.memref_squeeze %dma_wait3A_62 : memref<1x64xi32, #tpu.memory_space<vmem>> -> memref<64xi32, #tpu.memory_space<vmem>>
    %dma_wait3A_64 = tpu.memref_slice %arg3[%add3A_34] : memref<16384xi32, #tpu.memory_space<hbm>> -> memref<64xi32, #tpu.memory_space<hbm>>
    tpu.wait_dma2 semaphore(%arg7 : memref<!tpu.dma_semaphore, #tpu.memory_space<semaphore_mem>>) src(%dma_wait3A_64 : memref<64xi32, #tpu.memory_space<hbm>>) dst(%dma_wait3A_63 : memref<64xi32, #tpu.memory_space<vmem>>)
    %dma_start3A_65 = arith.constant 1 : i32
    %dma_start3A_66 = arith.constant 1 : i32
    %dma_start3A_67 = arith.constant 0 : i32
    %dma_start3A_68 = arith.constant 0 : i32
    %dma_start3A_69 = tpu.memref_slice %arg6[%dma_start3A_66, %dma_start3A_67, %dma_start3A_68] : memref<2x64x512xf32, #tpu.memory_space<vmem>> -> memref<1x64x512xf32, #tpu.memory_space<vmem>>
    %dma_start3A_70 = tpu.memref_squeeze %dma_start3A_69 : memref<1x64x512xf32, #tpu.memory_space<vmem>> -> memref<64x512xf32, #tpu.memory_space<vmem>>
    %dma_start3A_71 = arith.constant 0 : i32
    %dma_start3A_72 = tpu.memref_slice %arg5[%dma_start3A_65, %dma_start3A_71] : memref<2x64xi32, #tpu.memory_space<vmem>> -> memref<1x64xi32, #tpu.memory_space<vmem>>
    %dma_start3A_73 = tpu.memref_squeeze %dma_start3A_72 : memref<1x64xi32, #tpu.memory_space<vmem>> -> memref<64xi32, #tpu.memory_space<vmem>>
    %dma_start3A_74 = arith.constant 0 : i32
    %dma_start3A_75 = arith.constant 0 : i32
    %dma_start3A_76 = tpu.memref_slice %arg2[%dma_start3A_74, %dma_start3A_75] : memref<24576x512xf32, #tpu.memory_space<hbm>> -> memref<24576x512xf32, #tpu.memory_space<hbm>>
    tpu.enqueue_indirect_dma source(%dma_start3A_76 : memref<24576x512xf32, #tpu.memory_space<hbm>>) target(%dma_start3A_70 : memref<64x512xf32, #tpu.memory_space<vmem>>) offsets(%dma_start3A_73 : memref<64xi32, #tpu.memory_space<vmem>>) semaphore(%arg8 : memref<!tpu.dma_semaphore, #tpu.memory_space<semaphore_mem>>)
    %add3A_77 = arith.constant 128 : i32
    %add3A_78 = arith.addi %mul3A_2, %add3A_77 : i32
    %dma_start3A_79 = arith.constant 0 : i32
    %dma_start3A_80 = arith.constant 0 : i32
    %dma_start3A_81 = tpu.memref_slice %arg5[%dma_start3A_79, %dma_start3A_80] : memref<2x64xi32, #tpu.memory_space<vmem>> -> memref<1x64xi32, #tpu.memory_space<vmem>>
    %dma_start3A_82 = tpu.memref_squeeze %dma_start3A_81 : memref<1x64xi32, #tpu.memory_space<vmem>> -> memref<64xi32, #tpu.memory_space<vmem>>
    %dma_start3A_83 = tpu.memref_slice %arg3[%add3A_78] : memref<16384xi32, #tpu.memory_space<hbm>> -> memref<64xi32, #tpu.memory_space<hbm>>
    %dma_start3A_84 = arith.constant 0 : i32
    %dma_start3A_85 = tpu.memref_slice %arg5[%dma_start3A_79, %dma_start3A_84] : memref<2x64xi32, #tpu.memory_space<vmem>> -> memref<1x64xi32, #tpu.memory_space<vmem>>
    %dma_start3A_86 = tpu.memref_squeeze %dma_start3A_85 : memref<1x64xi32, #tpu.memory_space<vmem>> -> memref<64xi32, #tpu.memory_space<vmem>>
    %dma_start3A_87 = tpu.memref_slice %arg3[%add3A_78] : memref<16384xi32, #tpu.memory_space<hbm>> -> memref<64xi32, #tpu.memory_space<hbm>>
    tpu.enqueue_dma source(%dma_start3A_87 : memref<64xi32, #tpu.memory_space<hbm>>) target(%dma_start3A_86 : memref<64xi32, #tpu.memory_space<vmem>>) target_semaphore(%arg7 : memref<!tpu.dma_semaphore, #tpu.memory_space<semaphore_mem>>)
    %add3A_88 = arith.constant 0 : i32
    %add3A_89 = arith.addi %mul3A_2, %add3A_88 : i32
    %dma_start3A_90 = arith.constant 0 : i32
    %dma_start3A_91 = arith.constant 0 : i32
    %dma_start3A_92 = arith.constant 0 : i32
    %dma_start3A_93 = tpu.memref_slice %arg6[%dma_start3A_90, %dma_start3A_91, %dma_start3A_92] : memref<2x64x512xf32, #tpu.memory_space<vmem>> -> memref<1x64x512xf32, #tpu.memory_space<vmem>>
    %dma_start3A_94 = tpu.memref_squeeze %dma_start3A_93 : memref<1x64x512xf32, #tpu.memory_space<vmem>> -> memref<64x512xf32, #tpu.memory_space<vmem>>
    %dma_start3A_95 = arith.constant 0 : i32
    %dma_start3A_96 = tpu.memref_slice %arg4[%add3A_89, %dma_start3A_95] : memref<16384x512xf32, #tpu.memory_space<hbm>> -> memref<64x512xf32, #tpu.memory_space<hbm>>
    %dma_start3A_97 = arith.constant 0 : i32
    %dma_start3A_98 = tpu.memref_slice %arg4[%add3A_89, %dma_start3A_97] : memref<16384x512xf32, #tpu.memory_space<hbm>> -> memref<64x512xf32, #tpu.memory_space<hbm>>
    %dma_start3A_99 = arith.constant 0 : i32
    %dma_start3A_100 = arith.constant 0 : i32
    %dma_start3A_101 = tpu.memref_slice %arg6[%dma_start3A_90, %dma_start3A_99, %dma_start3A_100] : memref<2x64x512xf32, #tpu.memory_space<vmem>> -> memref<1x64x512xf32, #tpu.memory_space<vmem>>
    %dma_start3A_102 = tpu.memref_squeeze %dma_start3A_101 : memref<1x64x512xf32, #tpu.memory_space<vmem>> -> memref<64x512xf32, #tpu.memory_space<vmem>>
    tpu.enqueue_dma source(%dma_start3A_102 : memref<64x512xf32, #tpu.memory_space<vmem>>) target(%dma_start3A_98 : memref<64x512xf32, #tpu.memory_space<hbm>>) target_semaphore(%arg9 : memref<!tpu.dma_semaphore, #tpu.memory_space<semaphore_mem>>)
    %dma_wait3A_103 = arith.constant 1 : i32
    %dma_wait3A_104 = arith.constant 1 : i32
    %dma_wait3A_105 = arith.constant 0 : i32
    %dma_wait3A_106 = arith.constant 0 : i32
    %dma_wait3A_107 = tpu.memref_slice %arg6[%dma_wait3A_104, %dma_wait3A_105, %dma_wait3A_106] : memref<2x64x512xf32, #tpu.memory_space<vmem>> -> memref<1x64x512xf32, #tpu.memory_space<vmem>>
    %dma_wait3A_108 = tpu.memref_squeeze %dma_wait3A_107 : memref<1x64x512xf32, #tpu.memory_space<vmem>> -> memref<64x512xf32, #tpu.memory_space<vmem>>
    %dma_wait3A_109 = arith.constant 0 : i32
    %dma_wait3A_110 = tpu.memref_slice %arg5[%dma_wait3A_103, %dma_wait3A_109] : memref<2x64xi32, #tpu.memory_space<vmem>> -> memref<1x64xi32, #tpu.memory_space<vmem>>
    %dma_wait3A_111 = tpu.memref_squeeze %dma_wait3A_110 : memref<1x64xi32, #tpu.memory_space<vmem>> -> memref<64xi32, #tpu.memory_space<vmem>>
    %dma_wait3A_112 = arith.constant 0 : i32
    %dma_wait3A_113 = arith.constant 0 : i32
    %dma_wait3A_114 = tpu.memref_slice %arg2[%dma_wait3A_112, %dma_wait3A_113] : memref<24576x512xf32, #tpu.memory_space<hbm>> -> memref<24576x512xf32, #tpu.memory_space<hbm>>
    tpu.wait_indirect_dma semaphore(%arg8 : memref<!tpu.dma_semaphore, #tpu.memory_space<semaphore_mem>>) src(%dma_wait3A_114 : memref<24576x512xf32, #tpu.memory_space<hbm>>) dst(%dma_wait3A_108 : memref<64x512xf32, #tpu.memory_space<vmem>>)
    %dma_wait3A_115 = arith.constant 0 : i32
    %dma_wait3A_116 = arith.constant 0 : i32
    %dma_wait3A_117 = tpu.memref_slice %arg5[%dma_wait3A_115, %dma_wait3A_116] : memref<2x64xi32, #tpu.memory_space<vmem>> -> memref<1x64xi32, #tpu.memory_space<vmem>>
    %dma_wait3A_118 = tpu.memref_squeeze %dma_wait3A_117 : memref<1x64xi32, #tpu.memory_space<vmem>> -> memref<64xi32, #tpu.memory_space<vmem>>
    %dma_wait3A_119 = tpu.memref_slice %arg3[%add3A_78] : memref<16384xi32, #tpu.memory_space<hbm>> -> memref<64xi32, #tpu.memory_space<hbm>>
    %dma_wait3A_120 = arith.constant 0 : i32
    %dma_wait3A_121 = tpu.memref_slice %arg5[%dma_wait3A_115, %dma_wait3A_120] : memref<2x64xi32, #tpu.memory_space<vmem>> -> memref<1x64xi32, #tpu.memory_space<vmem>>
    %dma_wait3A_122 = tpu.memref_squeeze %dma_wait3A_121 : memref<1x64xi32, #tpu.memory_space<vmem>> -> memref<64xi32, #tpu.memory_space<vmem>>
    %dma_wait3A_123 = tpu.memref_slice %arg3[%add3A_78] : memref<16384xi32, #tpu.memory_space<hbm>> -> memref<64xi32, #tpu.memory_space<hbm>>
    tpu.wait_dma2 semaphore(%arg7 : memref<!tpu.dma_semaphore, #tpu.memory_space<semaphore_mem>>) src(%dma_wait3A_123 : memref<64xi32, #tpu.memory_space<hbm>>) dst(%dma_wait3A_122 : memref<64xi32, #tpu.memory_space<vmem>>)
    %dma_wait3A_124 = arith.constant 0 : i32
    %dma_wait3A_125 = arith.constant 0 : i32
    %dma_wait3A_126 = arith.constant 0 : i32
    %dma_wait3A_127 = tpu.memref_slice %arg6[%dma_wait3A_124, %dma_wait3A_125, %dma_wait3A_126] : memref<2x64x512xf32, #tpu.memory_space<vmem>> -> memref<1x64x512xf32, #tpu.memory_space<vmem>>
    %dma_wait3A_128 = tpu.memref_squeeze %dma_wait3A_127 : memref<1x64x512xf32, #tpu.memory_space<vmem>> -> memref<64x512xf32, #tpu.memory_space<vmem>>
    %dma_wait3A_129 = arith.constant 0 : i32
    %dma_wait3A_130 = tpu.memref_slice %arg4[%add3A_89, %dma_wait3A_129] : memref<16384x512xf32, #tpu.memory_space<hbm>> -> memref<64x512xf32, #tpu.memory_space<hbm>>
    %dma_wait3A_131 = arith.constant 0 : i32
    %dma_wait3A_132 = tpu.memref_slice %arg4[%add3A_89, %dma_wait3A_131] : memref<16384x512xf32, #tpu.memory_space<hbm>> -> memref<64x512xf32, #tpu.memory_space<hbm>>
    %dma_wait3A_133 = arith.constant 0 : i32
    %dma_wait3A_134 = arith.constant 0 : i32
    %dma_wait3A_135 = tpu.memref_slice %arg6[%dma_wait3A_124, %dma_wait3A_133, %dma_wait3A_134] : memref<2x64x512xf32, #tpu.memory_space<vmem>> -> memref<1x64x512xf32, #tpu.memory_space<vmem>>
    %dma_wait3A_136 = tpu.memref_squeeze %dma_wait3A_135 : memref<1x64x512xf32, #tpu.memory_space<vmem>> -> memref<64x512xf32, #tpu.memory_space<vmem>>
    tpu.wait_dma2 semaphore(%arg9 : memref<!tpu.dma_semaphore, #tpu.memory_space<semaphore_mem>>) src(%dma_wait3A_136 : memref<64x512xf32, #tpu.memory_space<vmem>>) dst(%dma_wait3A_132 : memref<64x512xf32, #tpu.memory_space<hbm>>)
    %dma_start3A_137 = arith.constant 0 : i32
    %dma_start3A_138 = arith.constant 0 : i32
    %dma_start3A_139 = arith.constant 0 : i32
    %dma_start3A_140 = arith.constant 0 : i32
    %dma_start3A_141 = tpu.memref_slice %arg6[%dma_start3A_138, %dma_start3A_139, %dma_start3A_140] : memref<2x64x512xf32, #tpu.memory_space<vmem>> -> memref<1x64x512xf32, #tpu.memory_space<vmem>>
    %dma_start3A_142 = tpu.memref_squeeze %dma_start3A_141 : memref<1x64x512xf32, #tpu.memory_space<vmem>> -> memref<64x512xf32, #tpu.memory_space<vmem>>
    %dma_start3A_143 = arith.constant 0 : i32
    %dma_start3A_144 = tpu.memref_slice %arg5[%dma_start3A_137, %dma_start3A_143] : memref<2x64xi32, #tpu.memory_space<vmem>> -> memref<1x64xi32, #tpu.memory_space<vmem>>
    %dma_start3A_145 = tpu.memref_squeeze %dma_start3A_144 : memref<1x64xi32, #tpu.memory_space<vmem>> -> memref<64xi32, #tpu.memory_space<vmem>>
    %dma_start3A_146 = arith.constant 0 : i32
    %dma_start3A_147 = arith.constant 0 : i32
    %dma_start3A_148 = tpu.memref_slice %arg2[%dma_start3A_146, %dma_start3A_147] : memref<24576x512xf32, #tpu.memory_space<hbm>> -> memref<24576x512xf32, #tpu.memory_space<hbm>>
    tpu.enqueue_indirect_dma source(%dma_start3A_148 : memref<24576x512xf32, #tpu.memory_space<hbm>>) target(%dma_start3A_142 : memref<64x512xf32, #tpu.memory_space<vmem>>) offsets(%dma_start3A_145 : memref<64xi32, #tpu.memory_space<vmem>>) semaphore(%arg8 : memref<!tpu.dma_semaphore, #tpu.memory_space<semaphore_mem>>)
    %add3A_149 = arith.constant 192 : i32
    %add3A_150 = arith.addi %mul3A_2, %add3A_149 : i32
    %dma_start3A_151 = arith.constant 1 : i32
    %dma_start3A_152 = arith.constant 0 : i32
    %dma_start3A_153 = tpu.memref_slice %arg5[%dma_start3A_151, %dma_start3A_152] : memref<2x64xi32, #tpu.memory_space<vmem>> -> memref<1x64xi32, #tpu.memory_space<vmem>>
    %dma_start3A_154 = tpu.memref_squeeze %dma_start3A_153 : memref<1x64xi32, #tpu.memory_space<vmem>> -> memref<64xi32, #tpu.memory_space<vmem>>
    %dma_start3A_155 = tpu.memref_slice %arg3[%add3A_150] : memref<16384xi32, #tpu.memory_space<hbm>> -> memref<64xi32, #tpu.memory_space<hbm>>
    %dma_start3A_156 = arith.constant 0 : i32
    %dma_start3A_157 = tpu.memref_slice %arg5[%dma_start3A_151, %dma_start3A_156] : memref<2x64xi32, #tpu.memory_space<vmem>> -> memref<1x64xi32, #tpu.memory_space<vmem>>
    %dma_start3A_158 = tpu.memref_squeeze %dma_start3A_157 : memref<1x64xi32, #tpu.memory_space<vmem>> -> memref<64xi32, #tpu.memory_space<vmem>>
    %dma_start3A_159 = tpu.memref_slice %arg3[%add3A_150] : memref<16384xi32, #tpu.memory_space<hbm>> -> memref<64xi32, #tpu.memory_space<hbm>>
    tpu.enqueue_dma source(%dma_start3A_159 : memref<64xi32, #tpu.memory_space<hbm>>) target(%dma_start3A_158 : memref<64xi32, #tpu.memory_space<vmem>>) target_semaphore(%arg7 : memref<!tpu.dma_semaphore, #tpu.memory_space<semaphore_mem>>)
    %add3A_160 = arith.constant 64 : i32
    %add3A_161 = arith.addi %mul3A_2, %add3A_160 : i32
    %dma_start3A_162 = arith.constant 1 : i32
    %dma_start3A_163 = arith.constant 0 : i32
    %dma_start3A_164 = arith.constant 0 : i32
    %dma_start3A_165 = tpu.memref_slice %arg6[%dma_start3A_162, %dma_start3A_163, %dma_start3A_164] : memref<2x64x512xf32, #tpu.memory_space<vmem>> -> memref<1x64x512xf32, #tpu.memory_space<vmem>>
    %dma_start3A_166 = tpu.memref_squeeze %dma_start3A_165 : memref<1x64x512xf32, #tpu.memory_space<vmem>> -> memref<64x512xf32, #tpu.memory_space<vmem>>
    %dma_start3A_167 = arith.constant 0 : i32
    %dma_start3A_168 = tpu.memref_slice %arg4[%add3A_161, %dma_start3A_167] : memref<16384x512xf32, #tpu.memory_space<hbm>> -> memref<64x512xf32, #tpu.memory_space<hbm>>
    %dma_start3A_169 = arith.constant 0 : i32
    %dma_start3A_170 = tpu.memref_slice %arg4[%add3A_161, %dma_start3A_169] : memref<16384x512xf32, #tpu.memory_space<hbm>> -> memref<64x512xf32, #tpu.memory_space<hbm>>
    %dma_start3A_171 = arith.constant 0 : i32
    %dma_start3A_172 = arith.constant 0 : i32
    %dma_start3A_173 = tpu.memref_slice %arg6[%dma_start3A_162, %dma_start3A_171, %dma_start3A_172] : memref<2x64x512xf32, #tpu.memory_space<vmem>> -> memref<1x64x512xf32, #tpu.memory_space<vmem>>
    %dma_start3A_174 = tpu.memref_squeeze %dma_start3A_173 : memref<1x64x512xf32, #tpu.memory_space<vmem>> -> memref<64x512xf32, #tpu.memory_space<vmem>>
    tpu.enqueue_dma source(%dma_start3A_174 : memref<64x512xf32, #tpu.memory_space<vmem>>) target(%dma_start3A_170 : memref<64x512xf32, #tpu.memory_space<hbm>>) target_semaphore(%arg9 : memref<!tpu.dma_semaphore, #tpu.memory_space<semaphore_mem>>)
    %dma_wait3A_175 = arith.constant 0 : i32
    %dma_wait3A_176 = arith.constant 0 : i32
    %dma_wait3A_177 = arith.constant 0 : i32
    %dma_wait3A_178 = arith.constant 0 : i32
    %dma_wait3A_179 = tpu.memref_slice %arg6[%dma_wait3A_176, %dma_wait3A_177, %dma_wait3A_178] : memref<2x64x512xf32, #tpu.memory_space<vmem>> -> memref<1x64x512xf32, #tpu.memory_space<vmem>>
    %dma_wait3A_180 = tpu.memref_squeeze %dma_wait3A_179 : memref<1x64x512xf32, #tpu.memory_space<vmem>> -> memref<64x512xf32, #tpu.memory_space<vmem>>
    %dma_wait3A_181 = arith.constant 0 : i32
    %dma_wait3A_182 = tpu.memref_slice %arg5[%dma_wait3A_175, %dma_wait3A_181] : memref<2x64xi32, #tpu.memory_space<vmem>> -> memref<1x64xi32, #tpu.memory_space<vmem>>
    %dma_wait3A_183 = tpu.memref_squeeze %dma_wait3A_182 : memref<1x64xi32, #tpu.memory_space<vmem>> -> memref<64xi32, #tpu.memory_space<vmem>>
    %dma_wait3A_184 = arith.constant 0 : i32
    %dma_wait3A_185 = arith.constant 0 : i32
    %dma_wait3A_186 = tpu.memref_slice %arg2[%dma_wait3A_184, %dma_wait3A_185] : memref<24576x512xf32, #tpu.memory_space<hbm>> -> memref<24576x512xf32, #tpu.memory_space<hbm>>
    tpu.wait_indirect_dma semaphore(%arg8 : memref<!tpu.dma_semaphore, #tpu.memory_space<semaphore_mem>>) src(%dma_wait3A_186 : memref<24576x512xf32, #tpu.memory_space<hbm>>) dst(%dma_wait3A_180 : memref<64x512xf32, #tpu.memory_space<vmem>>)
    %dma_wait3A_187 = arith.constant 1 : i32
    %dma_wait3A_188 = arith.constant 0 : i32
    %dma_wait3A_189 = tpu.memref_slice %arg5[%dma_wait3A_187, %dma_wait3A_188] : memref<2x64xi32, #tpu.memory_space<vmem>> -> memref<1x64xi32, #tpu.memory_space<vmem>>
    %dma_wait3A_190 = tpu.memref_squeeze %dma_wait3A_189 : memref<1x64xi32, #tpu.memory_space<vmem>> -> memref<64xi32, #tpu.memory_space<vmem>>
    %dma_wait3A_191 = tpu.memref_slice %arg3[%add3A_150] : memref<16384xi32, #tpu.memory_space<hbm>> -> memref<64xi32, #tpu.memory_space<hbm>>
    %dma_wait3A_192 = arith.constant 0 : i32
    %dma_wait3A_193 = tpu.memref_slice %arg5[%dma_wait3A_187, %dma_wait3A_192] : memref<2x64xi32, #tpu.memory_space<vmem>> -> memref<1x64xi32, #tpu.memory_space<vmem>>
    %dma_wait3A_194 = tpu.memref_squeeze %dma_wait3A_193 : memref<1x64xi32, #tpu.memory_space<vmem>> -> memref<64xi32, #tpu.memory_space<vmem>>
    %dma_wait3A_195 = tpu.memref_slice %arg3[%add3A_150] : memref<16384xi32, #tpu.memory_space<hbm>> -> memref<64xi32, #tpu.memory_space<hbm>>
    tpu.wait_dma2 semaphore(%arg7 : memref<!tpu.dma_semaphore, #tpu.memory_space<semaphore_mem>>) src(%dma_wait3A_195 : memref<64xi32, #tpu.memory_space<hbm>>) dst(%dma_wait3A_194 : memref<64xi32, #tpu.memory_space<vmem>>)
    %dma_wait3A_196 = arith.constant 1 : i32
    %dma_wait3A_197 = arith.constant 0 : i32
    %dma_wait3A_198 = arith.constant 0 : i32
    %dma_wait3A_199 = tpu.memref_slice %arg6[%dma_wait3A_196, %dma_wait3A_197, %dma_wait3A_198] : memref<2x64x512xf32, #tpu.memory_space<vmem>> -> memref<1x64x512xf32, #tpu.memory_space<vmem>>
    %dma_wait3A_200 = tpu.memref_squeeze %dma_wait3A_199 : memref<1x64x512xf32, #tpu.memory_space<vmem>> -> memref<64x512xf32, #tpu.memory_space<vmem>>
    %dma_wait3A_201 = arith.constant 0 : i32
    %dma_wait3A_202 = tpu.memref_slice %arg4[%add3A_161, %dma_wait3A_201] : memref<16384x512xf32, #tpu.memory_space<hbm>> -> memref<64x512xf32, #tpu.memory_space<hbm>>
    %dma_wait3A_203 = arith.constant 0 : i32
    %dma_wait3A_204 = tpu.memref_slice %arg4[%add3A_161, %dma_wait3A_203] : memref<16384x512xf32, #tpu.memory_space<hbm>> -> memref<64x512xf32, #tpu.memory_space<hbm>>
    %dma_wait3A_205 = arith.constant 0 : i32
    %dma_wait3A_206 = arith.constant 0 : i32
    %dma_wait3A_207 = tpu.memref_slice %arg6[%dma_wait3A_196, %dma_wait3A_205, %dma_wait3A_206] : memref<2x64x512xf32, #tpu.memory_space<vmem>> -> memref<1x64x512xf32, #tpu.memory_space<vmem>>
    %dma_wait3A_208 = tpu.memref_squeeze %dma_wait3A_207 : memref<1x64x512xf32, #tpu.memory_space<vmem>> -> memref<64x512xf32, #tpu.memory_space<vmem>>
    tpu.wait_dma2 semaphore(%arg9 : memref<!tpu.dma_semaphore, #tpu.memory_space<semaphore_mem>>) src(%dma_wait3A_208 : memref<64x512xf32, #tpu.memory_space<vmem>>) dst(%dma_wait3A_204 : memref<64x512xf32, #tpu.memory_space<hbm>>)
    %dma_start3A_209 = arith.constant 1 : i32
    %dma_start3A_210 = arith.constant 1 : i32
    %dma_start3A_211 = arith.constant 0 : i32
    %dma_start3A_212 = arith.constant 0 : i32
    %dma_start3A_213 = tpu.memref_slice %arg6[%dma_start3A_210, %dma_start3A_211, %dma_start3A_212] : memref<2x64x512xf32, #tpu.memory_space<vmem>> -> memref<1x64x512xf32, #tpu.memory_space<vmem>>
    %dma_start3A_214 = tpu.memref_squeeze %dma_start3A_213 : memref<1x64x512xf32, #tpu.memory_space<vmem>> -> memref<64x512xf32, #tpu.memory_space<vmem>>
    %dma_start3A_215 = arith.constant 0 : i32
    %dma_start3A_216 = tpu.memref_slice %arg5[%dma_start3A_209, %dma_start3A_215] : memref<2x64xi32, #tpu.memory_space<vmem>> -> memref<1x64xi32, #tpu.memory_space<vmem>>
    %dma_start3A_217 = tpu.memref_squeeze %dma_start3A_216 : memref<1x64xi32, #tpu.memory_space<vmem>> -> memref<64xi32, #tpu.memory_space<vmem>>
    %dma_start3A_218 = arith.constant 0 : i32
    %dma_start3A_219 = arith.constant 0 : i32
    %dma_start3A_220 = tpu.memref_slice %arg2[%dma_start3A_218, %dma_start3A_219] : memref<24576x512xf32, #tpu.memory_space<hbm>> -> memref<24576x512xf32, #tpu.memory_space<hbm>>
    tpu.enqueue_indirect_dma source(%dma_start3A_220 : memref<24576x512xf32, #tpu.memory_space<hbm>>) target(%dma_start3A_214 : memref<64x512xf32, #tpu.memory_space<vmem>>) offsets(%dma_start3A_217 : memref<64xi32, #tpu.memory_space<vmem>>) semaphore(%arg8 : memref<!tpu.dma_semaphore, #tpu.memory_space<semaphore_mem>>)
    %add3A_221 = arith.constant 256 : i32
    %add3A_222 = arith.addi %mul3A_2, %add3A_221 : i32
    %dma_start3A_223 = arith.constant 0 : i32
    %dma_start3A_224 = arith.constant 0 : i32
    %dma_start3A_225 = tpu.memref_slice %arg5[%dma_start3A_223, %dma_start3A_224] : memref<2x64xi32, #tpu.memory_space<vmem>> -> memref<1x64xi32, #tpu.memory_space<vmem>>
    %dma_start3A_226 = tpu.memref_squeeze %dma_start3A_225 : memref<1x64xi32, #tpu.memory_space<vmem>> -> memref<64xi32, #tpu.memory_space<vmem>>
    %dma_start3A_227 = tpu.memref_slice %arg3[%add3A_222] : memref<16384xi32, #tpu.memory_space<hbm>> -> memref<64xi32, #tpu.memory_space<hbm>>
    %dma_start3A_228 = arith.constant 0 : i32
    %dma_start3A_229 = tpu.memref_slice %arg5[%dma_start3A_223, %dma_start3A_228] : memref<2x64xi32, #tpu.memory_space<vmem>> -> memref<1x64xi32, #tpu.memory_space<vmem>>
    %dma_start3A_230 = tpu.memref_squeeze %dma_start3A_229 : memref<1x64xi32, #tpu.memory_space<vmem>> -> memref<64xi32, #tpu.memory_space<vmem>>
    %dma_start3A_231 = tpu.memref_slice %arg3[%add3A_222] : memref<16384xi32, #tpu.memory_space<hbm>> -> memref<64xi32, #tpu.memory_space<hbm>>
    tpu.enqueue_dma source(%dma_start3A_231 : memref<64xi32, #tpu.memory_space<hbm>>) target(%dma_start3A_230 : memref<64xi32, #tpu.memory_space<vmem>>) target_semaphore(%arg7 : memref<!tpu.dma_semaphore, #tpu.memory_space<semaphore_mem>>)
    %add3A_232 = arith.constant 128 : i32
    %add3A_233 = arith.addi %mul3A_2, %add3A_232 : i32
    %dma_start3A_234 = arith.constant 0 : i32
    %dma_start3A_235 = arith.constant 0 : i32
    %dma_start3A_236 = arith.constant 0 : i32
    %dma_start3A_237 = tpu.memref_slice %arg6[%dma_start3A_234, %dma_start3A_235, %dma_start3A_236] : memref<2x64x512xf32, #tpu.memory_space<vmem>> -> memref<1x64x512xf32, #tpu.memory_space<vmem>>
    %dma_start3A_238 = tpu.memref_squeeze %dma_start3A_237 : memref<1x64x512xf32, #tpu.memory_space<vmem>> -> memref<64x512xf32, #tpu.memory_space<vmem>>
    %dma_start3A_239 = arith.constant 0 : i32
    %dma_start3A_240 = tpu.memref_slice %arg4[%add3A_233, %dma_start3A_239] : memref<16384x512xf32, #tpu.memory_space<hbm>> -> memref<64x512xf32, #tpu.memory_space<hbm>>
    %dma_start3A_241 = arith.constant 0 : i32
    %dma_start3A_242 = tpu.memref_slice %arg4[%add3A_233, %dma_start3A_241] : memref<16384x512xf32, #tpu.memory_space<hbm>> -> memref<64x512xf32, #tpu.memory_space<hbm>>
    %dma_start3A_243 = arith.constant 0 : i32
    %dma_start3A_244 = arith.constant 0 : i32
    %dma_start3A_245 = tpu.memref_slice %arg6[%dma_start3A_234, %dma_start3A_243, %dma_start3A_244] : memref<2x64x512xf32, #tpu.memory_space<vmem>> -> memref<1x64x512xf32, #tpu.memory_space<vmem>>
    %dma_start3A_246 = tpu.memref_squeeze %dma_start3A_245 : memref<1x64x512xf32, #tpu.memory_space<vmem>> -> memref<64x512xf32, #tpu.memory_space<vmem>>
    tpu.enqueue_dma source(%dma_start3A_246 : memref<64x512xf32, #tpu.memory_space<vmem>>) target(%dma_start3A_242 : memref<64x512xf32, #tpu.memory_space<hbm>>) target_semaphore(%arg9 : memref<!tpu.dma_semaphore, #tpu.memory_space<semaphore_mem>>)
    %dma_wait3A_247 = arith.constant 1 : i32
    %dma_wait3A_248 = arith.constant 1 : i32
    %dma_wait3A_249 = arith.constant 0 : i32
    %dma_wait3A_250 = arith.constant 0 : i32
    %dma_wait3A_251 = tpu.memref_slice %arg6[%dma_wait3A_248, %dma_wait3A_249, %dma_wait3A_250] : memref<2x64x512xf32, #tpu.memory_space<vmem>> -> memref<1x64x512xf32, #tpu.memory_space<vmem>>
    %dma_wait3A_252 = tpu.memref_squeeze %dma_wait3A_251 : memref<1x64x512xf32, #tpu.memory_space<vmem>> -> memref<64x512xf32, #tpu.memory_space<vmem>>
    %dma_wait3A_253 = arith.constant 0 : i32
    %dma_wait3A_254 = tpu.memref_slice %arg5[%dma_wait3A_247, %dma_wait3A_253] : memref<2x64xi32, #tpu.memory_space<vmem>> -> memref<1x64xi32, #tpu.memory_space<vmem>>
    %dma_wait3A_255 = tpu.memref_squeeze %dma_wait3A_254 : memref<1x64xi32, #tpu.memory_space<vmem>> -> memref<64xi32, #tpu.memory_space<vmem>>
    %dma_wait3A_256 = arith.constant 0 : i32
    %dma_wait3A_257 = arith.constant 0 : i32
    %dma_wait3A_258 = tpu.memref_slice %arg2[%dma_wait3A_256, %dma_wait3A_257] : memref<24576x512xf32, #tpu.memory_space<hbm>> -> memref<24576x512xf32, #tpu.memory_space<hbm>>
    tpu.wait_indirect_dma semaphore(%arg8 : memref<!tpu.dma_semaphore, #tpu.memory_space<semaphore_mem>>) src(%dma_wait3A_258 : memref<24576x512xf32, #tpu.memory_space<hbm>>) dst(%dma_wait3A_252 : memref<64x512xf32, #tpu.memory_space<vmem>>)
    %dma_wait3A_259 = arith.constant 0 : i32
    %dma_wait3A_260 = arith.constant 0 : i32
    %dma_wait3A_261 = tpu.memref_slice %arg5[%dma_wait3A_259, %dma_wait3A_260] : memref<2x64xi32, #tpu.memory_space<vmem>> -> memref<1x64xi32, #tpu.memory_space<vmem>>
    %dma_wait3A_262 = tpu.memref_squeeze %dma_wait3A_261 : memref<1x64xi32, #tpu.memory_space<vmem>> -> memref<64xi32, #tpu.memory_space<vmem>>
    %dma_wait3A_263 = tpu.memref_slice %arg3[%add3A_222] : memref<16384xi32, #tpu.memory_space<hbm>> -> memref<64xi32, #tpu.memory_space<hbm>>
    %dma_wait3A_264 = arith.constant 0 : i32
    %dma_wait3A_265 = tpu.memref_slice %arg5[%dma_wait3A_259, %dma_wait3A_264] : memref<2x64xi32, #tpu.memory_space<vmem>> -> memref<1x64xi32, #tpu.memory_space<vmem>>
    %dma_wait3A_266 = tpu.memref_squeeze %dma_wait3A_265 : memref<1x64xi32, #tpu.memory_space<vmem>> -> memref<64xi32, #tpu.memory_space<vmem>>
    %dma_wait3A_267 = tpu.memref_slice %arg3[%add3A_222] : memref<16384xi32, #tpu.memory_space<hbm>> -> memref<64xi32, #tpu.memory_space<hbm>>
    tpu.wait_dma2 semaphore(%arg7 : memref<!tpu.dma_semaphore, #tpu.memory_space<semaphore_mem>>) src(%dma_wait3A_267 : memref<64xi32, #tpu.memory_space<hbm>>) dst(%dma_wait3A_266 : memref<64xi32, #tpu.memory_space<vmem>>)
    %dma_wait3A_268 = arith.constant 0 : i32
    %dma_wait3A_269 = arith.constant 0 : i32
    %dma_wait3A_270 = arith.constant 0 : i32
    %dma_wait3A_271 = tpu.memref_slice %arg6[%dma_wait3A_268, %dma_wait3A_269, %dma_wait3A_270] : memref<2x64x512xf32, #tpu.memory_space<vmem>> -> memref<1x64x512xf32, #tpu.memory_space<vmem>>
    %dma_wait3A_272 = tpu.memref_squeeze %dma_wait3A_271 : memref<1x64x512xf32, #tpu.memory_space<vmem>> -> memref<64x512xf32, #tpu.memory_space<vmem>>
    %dma_wait3A_273 = arith.constant 0 : i32
    %dma_wait3A_274 = tpu.memref_slice %arg4[%add3A_233, %dma_wait3A_273] : memref<16384x512xf32, #tpu.memory_space<hbm>> -> memref<64x512xf32, #tpu.memory_space<hbm>>
    %dma_wait3A_275 = arith.constant 0 : i32
    %dma_wait3A_276 = tpu.memref_slice %arg4[%add3A_233, %dma_wait3A_275] : memref<16384x512xf32, #tpu.memory_space<hbm>> -> memref<64x512xf32, #tpu.memory_space<hbm>>
    %dma_wait3A_277 = arith.constant 0 : i32
    %dma_wait3A_278 = arith.constant 0 : i32
    %dma_wait3A_279 = tpu.memref_slice %arg6[%dma_wait3A_268, %dma_wait3A_277, %dma_wait3A_278] : memref<2x64x512xf32, #tpu.memory_space<vmem>> -> memref<1x64x512xf32, #tpu.memory_space<vmem>>
    %dma_wait3A_280 = tpu.memref_squeeze %dma_wait3A_279 : memref<1x64x512xf32, #tpu.memory_space<vmem>> -> memref<64x512xf32, #tpu.memory_space<vmem>>
    tpu.wait_dma2 semaphore(%arg9 : memref<!tpu.dma_semaphore, #tpu.memory_space<semaphore_mem>>) src(%dma_wait3A_280 : memref<64x512xf32, #tpu.memory_space<vmem>>) dst(%dma_wait3A_276 : memref<64x512xf32, #tpu.memory_space<hbm>>)
    %dma_start3A_281 = arith.constant 0 : i32
    %dma_start3A_282 = arith.constant 0 : i32
    %dma_start3A_283 = arith.constant 0 : i32
    %dma_start3A_284 = arith.constant 0 : i32
    %dma_start3A_285 = tpu.memref_slice %arg6[%dma_start3A_282, %dma_start3A_283, %dma_start3A_284] : memref<2x64x512xf32, #tpu.memory_space<vmem>> -> memref<1x64x512xf32, #tpu.memory_space<vmem>>
    %dma_start3A_286 = tpu.memref_squeeze %dma_start3A_285 : memref<1x64x512xf32, #tpu.memory_space<vmem>> -> memref<64x512xf32, #tpu.memory_space<vmem>>
    %dma_start3A_287 = arith.constant 0 : i32
    %dma_start3A_288 = tpu.memref_slice %arg5[%dma_start3A_281, %dma_start3A_287] : memref<2x64xi32, #tpu.memory_space<vmem>> -> memref<1x64xi32, #tpu.memory_space<vmem>>
    %dma_start3A_289 = tpu.memref_squeeze %dma_start3A_288 : memref<1x64xi32, #tpu.memory_space<vmem>> -> memref<64xi32, #tpu.memory_space<vmem>>
    %dma_start3A_290 = arith.constant 0 : i32
    %dma_start3A_291 = arith.constant 0 : i32
    %dma_start3A_292 = tpu.memref_slice %arg2[%dma_start3A_290, %dma_start3A_291] : memref<24576x512xf32, #tpu.memory_space<hbm>> -> memref<24576x512xf32, #tpu.memory_space<hbm>>
    tpu.enqueue_indirect_dma source(%dma_start3A_292 : memref<24576x512xf32, #tpu.memory_space<hbm>>) target(%dma_start3A_286 : memref<64x512xf32, #tpu.memory_space<vmem>>) offsets(%dma_start3A_289 : memref<64xi32, #tpu.memory_space<vmem>>) semaphore(%arg8 : memref<!tpu.dma_semaphore, #tpu.memory_space<semaphore_mem>>)
    %add3A_293 = arith.constant 320 : i32
    %add3A_294 = arith.addi %mul3A_2, %add3A_293 : i32
    %dma_start3A_295 = arith.constant 1 : i32
    %dma_start3A_296 = arith.constant 0 : i32
    %dma_start3A_297 = tpu.memref_slice %arg5[%dma_start3A_295, %dma_start3A_296] : memref<2x64xi32, #tpu.memory_space<vmem>> -> memref<1x64xi32, #tpu.memory_space<vmem>>
    %dma_start3A_298 = tpu.memref_squeeze %dma_start3A_297 : memref<1x64xi32, #tpu.memory_space<vmem>> -> memref<64xi32, #tpu.memory_space<vmem>>
    %dma_start3A_299 = tpu.memref_slice %arg3[%add3A_294] : memref<16384xi32, #tpu.memory_space<hbm>> -> memref<64xi32, #tpu.memory_space<hbm>>
    %dma_start3A_300 = arith.constant 0 : i32
    %dma_start3A_301 = tpu.memref_slice %arg5[%dma_start3A_295, %dma_start3A_300] : memref<2x64xi32, #tpu.memory_space<vmem>> -> memref<1x64xi32, #tpu.memory_space<vmem>>
    %dma_start3A_302 = tpu.memref_squeeze %dma_start3A_301 : memref<1x64xi32, #tpu.memory_space<vmem>> -> memref<64xi32, #tpu.memory_space<vmem>>
    %dma_start3A_303 = tpu.memref_slice %arg3[%add3A_294] : memref<16384xi32, #tpu.memory_space<hbm>> -> memref<64xi32, #tpu.memory_space<hbm>>
    tpu.enqueue_dma source(%dma_start3A_303 : memref<64xi32, #tpu.memory_space<hbm>>) target(%dma_start3A_302 : memref<64xi32, #tpu.memory_space<vmem>>) target_semaphore(%arg7 : memref<!tpu.dma_semaphore, #tpu.memory_space<semaphore_mem>>)
    %add3A_304 = arith.constant 192 : i32
    %add3A_305 = arith.addi %mul3A_2, %add3A_304 : i32
    %dma_start3A_306 = arith.constant 1 : i32
    %dma_start3A_307 = arith.constant 0 : i32
    %dma_start3A_308 = arith.constant 0 : i32
    %dma_start3A_309 = tpu.memref_slice %arg6[%dma_start3A_306, %dma_start3A_307, %dma_start3A_308] : memref<2x64x512xf32, #tpu.memory_space<vmem>> -> memref<1x64x512xf32, #tpu.memory_space<vmem>>
    %dma_start3A_310 = tpu.memref_squeeze %dma_start3A_309 : memref<1x64x512xf32, #tpu.memory_space<vmem>> -> memref<64x512xf32, #tpu.memory_space<vmem>>
    %dma_start3A_311 = arith.constant 0 : i32
    %dma_start3A_312 = tpu.memref_slice %arg4[%add3A_305, %dma_start3A_311] : memref<16384x512xf32, #tpu.memory_space<hbm>> -> memref<64x512xf32, #tpu.memory_space<hbm>>
    %dma_start3A_313 = arith.constant 0 : i32
    %dma_start3A_314 = tpu.memref_slice %arg4[%add3A_305, %dma_start3A_313] : memref<16384x512xf32, #tpu.memory_space<hbm>> -> memref<64x512xf32, #tpu.memory_space<hbm>>
    %dma_start3A_315 = arith.constant 0 : i32
    %dma_start3A_316 = arith.constant 0 : i32
    %dma_start3A_317 = tpu.memref_slice %arg6[%dma_start3A_306, %dma_start3A_315, %dma_start3A_316] : memref<2x64x512xf32, #tpu.memory_space<vmem>> -> memref<1x64x512xf32, #tpu.memory_space<vmem>>
    %dma_start3A_318 = tpu.memref_squeeze %dma_start3A_317 : memref<1x64x512xf32, #tpu.memory_space<vmem>> -> memref<64x512xf32, #tpu.memory_space<vmem>>
    tpu.enqueue_dma source(%dma_start3A_318 : memref<64x512xf32, #tpu.memory_space<vmem>>) target(%dma_start3A_314 : memref<64x512xf32, #tpu.memory_space<hbm>>) target_semaphore(%arg9 : memref<!tpu.dma_semaphore, #tpu.memory_space<semaphore_mem>>)
    %dma_wait3A_319 = arith.constant 0 : i32
    %dma_wait3A_320 = arith.constant 0 : i32
    %dma_wait3A_321 = arith.constant 0 : i32
    %dma_wait3A_322 = arith.constant 0 : i32
    %dma_wait3A_323 = tpu.memref_slice %arg6[%dma_wait3A_320, %dma_wait3A_321, %dma_wait3A_322] : memref<2x64x512xf32, #tpu.memory_space<vmem>> -> memref<1x64x512xf32, #tpu.memory_space<vmem>>
    %dma_wait3A_324 = tpu.memref_squeeze %dma_wait3A_323 : memref<1x64x512xf32, #tpu.memory_space<vmem>> -> memref<64x512xf32, #tpu.memory_space<vmem>>
    %dma_wait3A_325 = arith.constant 0 : i32
    %dma_wait3A_326 = tpu.memref_slice %arg5[%dma_wait3A_319, %dma_wait3A_325] : memref<2x64xi32, #tpu.memory_space<vmem>> -> memref<1x64xi32, #tpu.memory_space<vmem>>
    %dma_wait3A_327 = tpu.memref_squeeze %dma_wait3A_326 : memref<1x64xi32, #tpu.memory_space<vmem>> -> memref<64xi32, #tpu.memory_space<vmem>>
    %dma_wait3A_328 = arith.constant 0 : i32
    %dma_wait3A_329 = arith.constant 0 : i32
    %dma_wait3A_330 = tpu.memref_slice %arg2[%dma_wait3A_328, %dma_wait3A_329] : memref<24576x512xf32, #tpu.memory_space<hbm>> -> memref<24576x512xf32, #tpu.memory_space<hbm>>
    tpu.wait_indirect_dma semaphore(%arg8 : memref<!tpu.dma_semaphore, #tpu.memory_space<semaphore_mem>>) src(%dma_wait3A_330 : memref<24576x512xf32, #tpu.memory_space<hbm>>) dst(%dma_wait3A_324 : memref<64x512xf32, #tpu.memory_space<vmem>>)
    %dma_wait3A_331 = arith.constant 1 : i32
    %dma_wait3A_332 = arith.constant 0 : i32
    %dma_wait3A_333 = tpu.memref_slice %arg5[%dma_wait3A_331, %dma_wait3A_332] : memref<2x64xi32, #tpu.memory_space<vmem>> -> memref<1x64xi32, #tpu.memory_space<vmem>>
    %dma_wait3A_334 = tpu.memref_squeeze %dma_wait3A_333 : memref<1x64xi32, #tpu.memory_space<vmem>> -> memref<64xi32, #tpu.memory_space<vmem>>
    %dma_wait3A_335 = tpu.memref_slice %arg3[%add3A_294] : memref<16384xi32, #tpu.memory_space<hbm>> -> memref<64xi32, #tpu.memory_space<hbm>>
    %dma_wait3A_336 = arith.constant 0 : i32
    %dma_wait3A_337 = tpu.memref_slice %arg5[%dma_wait3A_331, %dma_wait3A_336] : memref<2x64xi32, #tpu.memory_space<vmem>> -> memref<1x64xi32, #tpu.memory_space<vmem>>
    %dma_wait3A_338 = tpu.memref_squeeze %dma_wait3A_337 : memref<1x64xi32, #tpu.memory_space<vmem>> -> memref<64xi32, #tpu.memory_space<vmem>>
    %dma_wait3A_339 = tpu.memref_slice %arg3[%add3A_294] : memref<16384xi32, #tpu.memory_space<hbm>> -> memref<64xi32, #tpu.memory_space<hbm>>
    tpu.wait_dma2 semaphore(%arg7 : memref<!tpu.dma_semaphore, #tpu.memory_space<semaphore_mem>>) src(%dma_wait3A_339 : memref<64xi32, #tpu.memory_space<hbm>>) dst(%dma_wait3A_338 : memref<64xi32, #tpu.memory_space<vmem>>)
    %dma_wait3A_340 = arith.constant 1 : i32
    %dma_wait3A_341 = arith.constant 0 : i32
    %dma_wait3A_342 = arith.constant 0 : i32
    %dma_wait3A_343 = tpu.memref_slice %arg6[%dma_wait3A_340, %dma_wait3A_341, %dma_wait3A_342] : memref<2x64x512xf32, #tpu.memory_space<vmem>> -> memref<1x64x512xf32, #tpu.memory_space<vmem>>
    %dma_wait3A_344 = tpu.memref_squeeze %dma_wait3A_343 : memref<1x64x512xf32, #tpu.memory_space<vmem>> -> memref<64x512xf32, #tpu.memory_space<vmem>>
    %dma_wait3A_345 = arith.constant 0 : i32
    %dma_wait3A_346 = tpu.memref_slice %arg4[%add3A_305, %dma_wait3A_345] : memref<16384x512xf32, #tpu.memory_space<hbm>> -> memref<64x512xf32, #tpu.memory_space<hbm>>
    %dma_wait3A_347 = arith.constant 0 : i32
    %dma_wait3A_348 = tpu.memref_slice %arg4[%add3A_305, %dma_wait3A_347] : memref<16384x512xf32, #tpu.memory_space<hbm>> -> memref<64x512xf32, #tpu.memory_space<hbm>>
    %dma_wait3A_349 = arith.constant 0 : i32
    %dma_wait3A_350 = arith.constant 0 : i32
    %dma_wait3A_351 = tpu.memref_slice %arg6[%dma_wait3A_340, %dma_wait3A_349, %dma_wait3A_350] : memref<2x64x512xf32, #tpu.memory_space<vmem>> -> memref<1x64x512xf32, #tpu.memory_space<vmem>>
    %dma_wait3A_352 = tpu.memref_squeeze %dma_wait3A_351 : memref<1x64x512xf32, #tpu.memory_space<vmem>> -> memref<64x512xf32, #tpu.memory_space<vmem>>
    tpu.wait_dma2 semaphore(%arg9 : memref<!tpu.dma_semaphore, #tpu.memory_space<semaphore_mem>>) src(%dma_wait3A_352 : memref<64x512xf32, #tpu.memory_space<vmem>>) dst(%dma_wait3A_348 : memref<64x512xf32, #tpu.memory_space<hbm>>)
    %dma_start3A_353 = arith.constant 1 : i32
    %dma_start3A_354 = arith.constant 1 : i32
    %dma_start3A_355 = arith.constant 0 : i32
    %dma_start3A_356 = arith.constant 0 : i32
    %dma_start3A_357 = tpu.memref_slice %arg6[%dma_start3A_354, %dma_start3A_355, %dma_start3A_356] : memref<2x64x512xf32, #tpu.memory_space<vmem>> -> memref<1x64x512xf32, #tpu.memory_space<vmem>>
    %dma_start3A_358 = tpu.memref_squeeze %dma_start3A_357 : memref<1x64x512xf32, #tpu.memory_space<vmem>> -> memref<64x512xf32, #tpu.memory_space<vmem>>
    %dma_start3A_359 = arith.constant 0 : i32
    %dma_start3A_360 = tpu.memref_slice %arg5[%dma_start3A_353, %dma_start3A_359] : memref<2x64xi32, #tpu.memory_space<vmem>> -> memref<1x64xi32, #tpu.memory_space<vmem>>
    %dma_start3A_361 = tpu.memref_squeeze %dma_start3A_360 : memref<1x64xi32, #tpu.memory_space<vmem>> -> memref<64xi32, #tpu.memory_space<vmem>>
    %dma_start3A_362 = arith.constant 0 : i32
    %dma_start3A_363 = arith.constant 0 : i32
    %dma_start3A_364 = tpu.memref_slice %arg2[%dma_start3A_362, %dma_start3A_363] : memref<24576x512xf32, #tpu.memory_space<hbm>> -> memref<24576x512xf32, #tpu.memory_space<hbm>>
    tpu.enqueue_indirect_dma source(%dma_start3A_364 : memref<24576x512xf32, #tpu.memory_space<hbm>>) target(%dma_start3A_358 : memref<64x512xf32, #tpu.memory_space<vmem>>) offsets(%dma_start3A_361 : memref<64xi32, #tpu.memory_space<vmem>>) semaphore(%arg8 : memref<!tpu.dma_semaphore, #tpu.memory_space<semaphore_mem>>)
    %add3A_365 = arith.constant 384 : i32
    %add3A_366 = arith.addi %mul3A_2, %add3A_365 : i32
    %dma_start3A_367 = arith.constant 0 : i32
    %dma_start3A_368 = arith.constant 0 : i32
    %dma_start3A_369 = tpu.memref_slice %arg5[%dma_start3A_367, %dma_start3A_368] : memref<2x64xi32, #tpu.memory_space<vmem>> -> memref<1x64xi32, #tpu.memory_space<vmem>>
    %dma_start3A_370 = tpu.memref_squeeze %dma_start3A_369 : memref<1x64xi32, #tpu.memory_space<vmem>> -> memref<64xi32, #tpu.memory_space<vmem>>
    %dma_start3A_371 = tpu.memref_slice %arg3[%add3A_366] : memref<16384xi32, #tpu.memory_space<hbm>> -> memref<64xi32, #tpu.memory_space<hbm>>
    %dma_start3A_372 = arith.constant 0 : i32
    %dma_start3A_373 = tpu.memref_slice %arg5[%dma_start3A_367, %dma_start3A_372] : memref<2x64xi32, #tpu.memory_space<vmem>> -> memref<1x64xi32, #tpu.memory_space<vmem>>
    %dma_start3A_374 = tpu.memref_squeeze %dma_start3A_373 : memref<1x64xi32, #tpu.memory_space<vmem>> -> memref<64xi32, #tpu.memory_space<vmem>>
    %dma_start3A_375 = tpu.memref_slice %arg3[%add3A_366] : memref<16384xi32, #tpu.memory_space<hbm>> -> memref<64xi32, #tpu.memory_space<hbm>>
    tpu.enqueue_dma source(%dma_start3A_375 : memref<64xi32, #tpu.memory_space<hbm>>) target(%dma_start3A_374 : memref<64xi32, #tpu.memory_space<vmem>>) target_semaphore(%arg7 : memref<!tpu.dma_semaphore, #tpu.memory_space<semaphore_mem>>)
    %add3A_376 = arith.constant 256 : i32
    %add3A_377 = arith.addi %mul3A_2, %add3A_376 : i32
    %dma_start3A_378 = arith.constant 0 : i32
    %dma_start3A_379 = arith.constant 0 : i32
    %dma_start3A_380 = arith.constant 0 : i32
    %dma_start3A_381 = tpu.memref_slice %arg6[%dma_start3A_378, %dma_start3A_379, %dma_start3A_380] : memref<2x64x512xf32, #tpu.memory_space<vmem>> -> memref<1x64x512xf32, #tpu.memory_space<vmem>>
    %dma_start3A_382 = tpu.memref_squeeze %dma_start3A_381 : memref<1x64x512xf32, #tpu.memory_space<vmem>> -> memref<64x512xf32, #tpu.memory_space<vmem>>
    %dma_start3A_383 = arith.constant 0 : i32
    %dma_start3A_384 = tpu.memref_slice %arg4[%add3A_377, %dma_start3A_383] : memref<16384x512xf32, #tpu.memory_space<hbm>> -> memref<64x512xf32, #tpu.memory_space<hbm>>
    %dma_start3A_385 = arith.constant 0 : i32
    %dma_start3A_386 = tpu.memref_slice %arg4[%add3A_377, %dma_start3A_385] : memref<16384x512xf32, #tpu.memory_space<hbm>> -> memref<64x512xf32, #tpu.memory_space<hbm>>
    %dma_start3A_387 = arith.constant 0 : i32
    %dma_start3A_388 = arith.constant 0 : i32
    %dma_start3A_389 = tpu.memref_slice %arg6[%dma_start3A_378, %dma_start3A_387, %dma_start3A_388] : memref<2x64x512xf32, #tpu.memory_space<vmem>> -> memref<1x64x512xf32, #tpu.memory_space<vmem>>
    %dma_start3A_390 = tpu.memref_squeeze %dma_start3A_389 : memref<1x64x512xf32, #tpu.memory_space<vmem>> -> memref<64x512xf32, #tpu.memory_space<vmem>>
    tpu.enqueue_dma source(%dma_start3A_390 : memref<64x512xf32, #tpu.memory_space<vmem>>) target(%dma_start3A_386 : memref<64x512xf32, #tpu.memory_space<hbm>>) target_semaphore(%arg9 : memref<!tpu.dma_semaphore, #tpu.memory_space<semaphore_mem>>)
    %dma_wait3A_391 = arith.constant 1 : i32
    %dma_wait3A_392 = arith.constant 1 : i32
    %dma_wait3A_393 = arith.constant 0 : i32
    %dma_wait3A_394 = arith.constant 0 : i32
    %dma_wait3A_395 = tpu.memref_slice %arg6[%dma_wait3A_392, %dma_wait3A_393, %dma_wait3A_394] : memref<2x64x512xf32, #tpu.memory_space<vmem>> -> memref<1x64x512xf32, #tpu.memory_space<vmem>>
    %dma_wait3A_396 = tpu.memref_squeeze %dma_wait3A_395 : memref<1x64x512xf32, #tpu.memory_space<vmem>> -> memref<64x512xf32, #tpu.memory_space<vmem>>
    %dma_wait3A_397 = arith.constant 0 : i32
    %dma_wait3A_398 = tpu.memref_slice %arg5[%dma_wait3A_391, %dma_wait3A_397] : memref<2x64xi32, #tpu.memory_space<vmem>> -> memref<1x64xi32, #tpu.memory_space<vmem>>
    %dma_wait3A_399 = tpu.memref_squeeze %dma_wait3A_398 : memref<1x64xi32, #tpu.memory_space<vmem>> -> memref<64xi32, #tpu.memory_space<vmem>>
    %dma_wait3A_400 = arith.constant 0 : i32
    %dma_wait3A_401 = arith.constant 0 : i32
    %dma_wait3A_402 = tpu.memref_slice %arg2[%dma_wait3A_400, %dma_wait3A_401] : memref<24576x512xf32, #tpu.memory_space<hbm>> -> memref<24576x512xf32, #tpu.memory_space<hbm>>
    tpu.wait_indirect_dma semaphore(%arg8 : memref<!tpu.dma_semaphore, #tpu.memory_space<semaphore_mem>>) src(%dma_wait3A_402 : memref<24576x512xf32, #tpu.memory_space<hbm>>) dst(%dma_wait3A_396 : memref<64x512xf32, #tpu.memory_space<vmem>>)
    %dma_wait3A_403 = arith.constant 0 : i32
    %dma_wait3A_404 = arith.constant 0 : i32
    %dma_wait3A_405 = tpu.memref_slice %arg5[%dma_wait3A_403, %dma_wait3A_404] : memref<2x64xi32, #tpu.memory_space<vmem>> -> memref<1x64xi32, #tpu.memory_space<vmem>>
    %dma_wait3A_406 = tpu.memref_squeeze %dma_wait3A_405 : memref<1x64xi32, #tpu.memory_space<vmem>> -> memref<64xi32, #tpu.memory_space<vmem>>
    %dma_wait3A_407 = tpu.memref_slice %arg3[%add3A_366] : memref<16384xi32, #tpu.memory_space<hbm>> -> memref<64xi32, #tpu.memory_space<hbm>>
    %dma_wait3A_408 = arith.constant 0 : i32
    %dma_wait3A_409 = tpu.memref_slice %arg5[%dma_wait3A_403, %dma_wait3A_408] : memref<2x64xi32, #tpu.memory_space<vmem>> -> memref<1x64xi32, #tpu.memory_space<vmem>>
    %dma_wait3A_410 = tpu.memref_squeeze %dma_wait3A_409 : memref<1x64xi32, #tpu.memory_space<vmem>> -> memref<64xi32, #tpu.memory_space<vmem>>
    %dma_wait3A_411 = tpu.memref_slice %arg3[%add3A_366] : memref<16384xi32, #tpu.memory_space<hbm>> -> memref<64xi32, #tpu.memory_space<hbm>>
    tpu.wait_dma2 semaphore(%arg7 : memref<!tpu.dma_semaphore, #tpu.memory_space<semaphore_mem>>) src(%dma_wait3A_411 : memref<64xi32, #tpu.memory_space<hbm>>) dst(%dma_wait3A_410 : memref<64xi32, #tpu.memory_space<vmem>>)
    %dma_wait3A_412 = arith.constant 0 : i32
    %dma_wait3A_413 = arith.constant 0 : i32
    %dma_wait3A_414 = arith.constant 0 : i32
    %dma_wait3A_415 = tpu.memref_slice %arg6[%dma_wait3A_412, %dma_wait3A_413, %dma_wait3A_414] : memref<2x64x512xf32, #tpu.memory_space<vmem>> -> memref<1x64x512xf32, #tpu.memory_space<vmem>>
    %dma_wait3A_416 = tpu.memref_squeeze %dma_wait3A_415 : memref<1x64x512xf32, #tpu.memory_space<vmem>> -> memref<64x512xf32, #tpu.memory_space<vmem>>
    %dma_wait3A_417 = arith.constant 0 : i32
    %dma_wait3A_418 = tpu.memref_slice %arg4[%add3A_377, %dma_wait3A_417] : memref<16384x512xf32, #tpu.memory_space<hbm>> -> memref<64x512xf32, #tpu.memory_space<hbm>>
    %dma_wait3A_419 = arith.constant 0 : i32
    %dma_wait3A_420 = tpu.memref_slice %arg4[%add3A_377, %dma_wait3A_419] : memref<16384x512xf32, #tpu.memory_space<hbm>> -> memref<64x512xf32, #tpu.memory_space<hbm>>
    %dma_wait3A_421 = arith.constant 0 : i32
    %dma_wait3A_422 = arith.constant 0 : i32
    %dma_wait3A_423 = tpu.memref_slice %arg6[%dma_wait3A_412, %dma_wait3A_421, %dma_wait3A_422] : memref<2x64x512xf32, #tpu.memory_space<vmem>> -> memref<1x64x512xf32, #tpu.memory_space<vmem>>
    %dma_wait3A_424 = tpu.memref_squeeze %dma_wait3A_423 : memref<1x64x512xf32, #tpu.memory_space<vmem>> -> memref<64x512xf32, #tpu.memory_space<vmem>>
    tpu.wait_dma2 semaphore(%arg9 : memref<!tpu.dma_semaphore, #tpu.memory_space<semaphore_mem>>) src(%dma_wait3A_424 : memref<64x512xf32, #tpu.memory_space<vmem>>) dst(%dma_wait3A_420 : memref<64x512xf32, #tpu.memory_space<hbm>>)
    %dma_start3A_425 = arith.constant 0 : i32
    %dma_start3A_426 = arith.constant 0 : i32
    %dma_start3A_427 = arith.constant 0 : i32
    %dma_start3A_428 = arith.constant 0 : i32
    %dma_start3A_429 = tpu.memref_slice %arg6[%dma_start3A_426, %dma_start3A_427, %dma_start3A_428] : memref<2x64x512xf32, #tpu.memory_space<vmem>> -> memref<1x64x512xf32, #tpu.memory_space<vmem>>
    %dma_start3A_430 = tpu.memref_squeeze %dma_start3A_429 : memref<1x64x512xf32, #tpu.memory_space<vmem>> -> memref<64x512xf32, #tpu.memory_space<vmem>>
    %dma_start3A_431 = arith.constant 0 : i32
    %dma_start3A_432 = tpu.memref_slice %arg5[%dma_start3A_425, %dma_start3A_431] : memref<2x64xi32, #tpu.memory_space<vmem>> -> memref<1x64xi32, #tpu.memory_space<vmem>>
    %dma_start3A_433 = tpu.memref_squeeze %dma_start3A_432 : memref<1x64xi32, #tpu.memory_space<vmem>> -> memref<64xi32, #tpu.memory_space<vmem>>
    %dma_start3A_434 = arith.constant 0 : i32
    %dma_start3A_435 = arith.constant 0 : i32
    %dma_start3A_436 = tpu.memref_slice %arg2[%dma_start3A_434, %dma_start3A_435] : memref<24576x512xf32, #tpu.memory_space<hbm>> -> memref<24576x512xf32, #tpu.memory_space<hbm>>
    tpu.enqueue_indirect_dma source(%dma_start3A_436 : memref<24576x512xf32, #tpu.memory_space<hbm>>) target(%dma_start3A_430 : memref<64x512xf32, #tpu.memory_space<vmem>>) offsets(%dma_start3A_433 : memref<64xi32, #tpu.memory_space<vmem>>) semaphore(%arg8 : memref<!tpu.dma_semaphore, #tpu.memory_space<semaphore_mem>>)
    %add3A_437 = arith.constant 448 : i32
    %add3A_438 = arith.addi %mul3A_2, %add3A_437 : i32
    %dma_start3A_439 = arith.constant 1 : i32
    %dma_start3A_440 = arith.constant 0 : i32
    %dma_start3A_441 = tpu.memref_slice %arg5[%dma_start3A_439, %dma_start3A_440] : memref<2x64xi32, #tpu.memory_space<vmem>> -> memref<1x64xi32, #tpu.memory_space<vmem>>
    %dma_start3A_442 = tpu.memref_squeeze %dma_start3A_441 : memref<1x64xi32, #tpu.memory_space<vmem>> -> memref<64xi32, #tpu.memory_space<vmem>>
    %dma_start3A_443 = tpu.memref_slice %arg3[%add3A_438] : memref<16384xi32, #tpu.memory_space<hbm>> -> memref<64xi32, #tpu.memory_space<hbm>>
    %dma_start3A_444 = arith.constant 0 : i32
    %dma_start3A_445 = tpu.memref_slice %arg5[%dma_start3A_439, %dma_start3A_444] : memref<2x64xi32, #tpu.memory_space<vmem>> -> memref<1x64xi32, #tpu.memory_space<vmem>>
    %dma_start3A_446 = tpu.memref_squeeze %dma_start3A_445 : memref<1x64xi32, #tpu.memory_space<vmem>> -> memref<64xi32, #tpu.memory_space<vmem>>
    %dma_start3A_447 = tpu.memref_slice %arg3[%add3A_438] : memref<16384xi32, #tpu.memory_space<hbm>> -> memref<64xi32, #tpu.memory_space<hbm>>
    tpu.enqueue_dma source(%dma_start3A_447 : memref<64xi32, #tpu.memory_space<hbm>>) target(%dma_start3A_446 : memref<64xi32, #tpu.memory_space<vmem>>) target_semaphore(%arg7 : memref<!tpu.dma_semaphore, #tpu.memory_space<semaphore_mem>>)
    %add3A_448 = arith.constant 320 : i32
    %add3A_449 = arith.addi %mul3A_2, %add3A_448 : i32
    %dma_start3A_450 = arith.constant 1 : i32
    %dma_start3A_451 = arith.constant 0 : i32
    %dma_start3A_452 = arith.constant 0 : i32
    %dma_start3A_453 = tpu.memref_slice %arg6[%dma_start3A_450, %dma_start3A_451, %dma_start3A_452] : memref<2x64x512xf32, #tpu.memory_space<vmem>> -> memref<1x64x512xf32, #tpu.memory_space<vmem>>
    %dma_start3A_454 = tpu.memref_squeeze %dma_start3A_453 : memref<1x64x512xf32, #tpu.memory_space<vmem>> -> memref<64x512xf32, #tpu.memory_space<vmem>>
    %dma_start3A_455 = arith.constant 0 : i32
    %dma_start3A_456 = tpu.memref_slice %arg4[%add3A_449, %dma_start3A_455] : memref<16384x512xf32, #tpu.memory_space<hbm>> -> memref<64x512xf32, #tpu.memory_space<hbm>>
    %dma_start3A_457 = arith.constant 0 : i32
    %dma_start3A_458 = tpu.memref_slice %arg4[%add3A_449, %dma_start3A_457] : memref<16384x512xf32, #tpu.memory_space<hbm>> -> memref<64x512xf32, #tpu.memory_space<hbm>>
    %dma_start3A_459 = arith.constant 0 : i32
    %dma_start3A_460 = arith.constant 0 : i32
    %dma_start3A_461 = tpu.memref_slice %arg6[%dma_start3A_450, %dma_start3A_459, %dma_start3A_460] : memref<2x64x512xf32, #tpu.memory_space<vmem>> -> memref<1x64x512xf32, #tpu.memory_space<vmem>>
    %dma_start3A_462 = tpu.memref_squeeze %dma_start3A_461 : memref<1x64x512xf32, #tpu.memory_space<vmem>> -> memref<64x512xf32, #tpu.memory_space<vmem>>
    tpu.enqueue_dma source(%dma_start3A_462 : memref<64x512xf32, #tpu.memory_space<vmem>>) target(%dma_start3A_458 : memref<64x512xf32, #tpu.memory_space<hbm>>) target_semaphore(%arg9 : memref<!tpu.dma_semaphore, #tpu.memory_space<semaphore_mem>>)
    %dma_wait3A_463 = arith.constant 0 : i32
    %dma_wait3A_464 = arith.constant 0 : i32
    %dma_wait3A_465 = arith.constant 0 : i32
    %dma_wait3A_466 = arith.constant 0 : i32
    %dma_wait3A_467 = tpu.memref_slice %arg6[%dma_wait3A_464, %dma_wait3A_465, %dma_wait3A_466] : memref<2x64x512xf32, #tpu.memory_space<vmem>> -> memref<1x64x512xf32, #tpu.memory_space<vmem>>
    %dma_wait3A_468 = tpu.memref_squeeze %dma_wait3A_467 : memref<1x64x512xf32, #tpu.memory_space<vmem>> -> memref<64x512xf32, #tpu.memory_space<vmem>>
    %dma_wait3A_469 = arith.constant 0 : i32
    %dma_wait3A_470 = tpu.memref_slice %arg5[%dma_wait3A_463, %dma_wait3A_469] : memref<2x64xi32, #tpu.memory_space<vmem>> -> memref<1x64xi32, #tpu.memory_space<vmem>>
    %dma_wait3A_471 = tpu.memref_squeeze %dma_wait3A_470 : memref<1x64xi32, #tpu.memory_space<vmem>> -> memref<64xi32, #tpu.memory_space<vmem>>
    %dma_wait3A_472 = arith.constant 0 : i32
    %dma_wait3A_473 = arith.constant 0 : i32
    %dma_wait3A_474 = tpu.memref_slice %arg2[%dma_wait3A_472, %dma_wait3A_473] : memref<24576x512xf32, #tpu.memory_space<hbm>> -> memref<24576x512xf32, #tpu.memory_space<hbm>>
    tpu.wait_indirect_dma semaphore(%arg8 : memref<!tpu.dma_semaphore, #tpu.memory_space<semaphore_mem>>) src(%dma_wait3A_474 : memref<24576x512xf32, #tpu.memory_space<hbm>>) dst(%dma_wait3A_468 : memref<64x512xf32, #tpu.memory_space<vmem>>)
    %dma_wait3A_475 = arith.constant 1 : i32
    %dma_wait3A_476 = arith.constant 0 : i32
    %dma_wait3A_477 = tpu.memref_slice %arg5[%dma_wait3A_475, %dma_wait3A_476] : memref<2x64xi32, #tpu.memory_space<vmem>> -> memref<1x64xi32, #tpu.memory_space<vmem>>
    %dma_wait3A_478 = tpu.memref_squeeze %dma_wait3A_477 : memref<1x64xi32, #tpu.memory_space<vmem>> -> memref<64xi32, #tpu.memory_space<vmem>>
    %dma_wait3A_479 = tpu.memref_slice %arg3[%add3A_438] : memref<16384xi32, #tpu.memory_space<hbm>> -> memref<64xi32, #tpu.memory_space<hbm>>
    %dma_wait3A_480 = arith.constant 0 : i32
    %dma_wait3A_481 = tpu.memref_slice %arg5[%dma_wait3A_475, %dma_wait3A_480] : memref<2x64xi32, #tpu.memory_space<vmem>> -> memref<1x64xi32, #tpu.memory_space<vmem>>
    %dma_wait3A_482 = tpu.memref_squeeze %dma_wait3A_481 : memref<1x64xi32, #tpu.memory_space<vmem>> -> memref<64xi32, #tpu.memory_space<vmem>>
    %dma_wait3A_483 = tpu.memref_slice %arg3[%add3A_438] : memref<16384xi32, #tpu.memory_space<hbm>> -> memref<64xi32, #tpu.memory_space<hbm>>
    tpu.wait_dma2 semaphore(%arg7 : memref<!tpu.dma_semaphore, #tpu.memory_space<semaphore_mem>>) src(%dma_wait3A_483 : memref<64xi32, #tpu.memory_space<hbm>>) dst(%dma_wait3A_482 : memref<64xi32, #tpu.memory_space<vmem>>)
    %dma_wait3A_484 = arith.constant 1 : i32
    %dma_wait3A_485 = arith.constant 0 : i32
    %dma_wait3A_486 = arith.constant 0 : i32
    %dma_wait3A_487 = tpu.memref_slice %arg6[%dma_wait3A_484, %dma_wait3A_485, %dma_wait3A_486] : memref<2x64x512xf32, #tpu.memory_space<vmem>> -> memref<1x64x512xf32, #tpu.memory_space<vmem>>
    %dma_wait3A_488 = tpu.memref_squeeze %dma_wait3A_487 : memref<1x64x512xf32, #tpu.memory_space<vmem>> -> memref<64x512xf32, #tpu.memory_space<vmem>>
    %dma_wait3A_489 = arith.constant 0 : i32
    %dma_wait3A_490 = tpu.memref_slice %arg4[%add3A_449, %dma_wait3A_489] : memref<16384x512xf32, #tpu.memory_space<hbm>> -> memref<64x512xf32, #tpu.memory_space<hbm>>
    %dma_wait3A_491 = arith.constant 0 : i32
    %dma_wait3A_492 = tpu.memref_slice %arg4[%add3A_449, %dma_wait3A_491] : memref<16384x512xf32, #tpu.memory_space<hbm>> -> memref<64x512xf32, #tpu.memory_space<hbm>>
    %dma_wait3A_493 = arith.constant 0 : i32
    %dma_wait3A_494 = arith.constant 0 : i32
    %dma_wait3A_495 = tpu.memref_slice %arg6[%dma_wait3A_484, %dma_wait3A_493, %dma_wait3A_494] : memref<2x64x512xf32, #tpu.memory_space<vmem>> -> memref<1x64x512xf32, #tpu.memory_space<vmem>>
    %dma_wait3A_496 = tpu.memref_squeeze %dma_wait3A_495 : memref<1x64x512xf32, #tpu.memory_space<vmem>> -> memref<64x512xf32, #tpu.memory_space<vmem>>
    tpu.wait_dma2 semaphore(%arg9 : memref<!tpu.dma_semaphore, #tpu.memory_space<semaphore_mem>>) src(%dma_wait3A_496 : memref<64x512xf32, #tpu.memory_space<vmem>>) dst(%dma_wait3A_492 : memref<64x512xf32, #tpu.memory_space<hbm>>)
    %dma_start3A_497 = arith.constant 1 : i32
    %dma_start3A_498 = arith.constant 1 : i32
    %dma_start3A_499 = arith.constant 0 : i32
    %dma_start3A_500 = arith.constant 0 : i32
    %dma_start3A_501 = tpu.memref_slice %arg6[%dma_start3A_498, %dma_start3A_499, %dma_start3A_500] : memref<2x64x512xf32, #tpu.memory_space<vmem>> -> memref<1x64x512xf32, #tpu.memory_space<vmem>>
    %dma_start3A_502 = tpu.memref_squeeze %dma_start3A_501 : memref<1x64x512xf32, #tpu.memory_space<vmem>> -> memref<64x512xf32, #tpu.memory_space<vmem>>
    %dma_start3A_503 = arith.constant 0 : i32
    %dma_start3A_504 = tpu.memref_slice %arg5[%dma_start3A_497, %dma_start3A_503] : memref<2x64xi32, #tpu.memory_space<vmem>> -> memref<1x64xi32, #tpu.memory_space<vmem>>
    %dma_start3A_505 = tpu.memref_squeeze %dma_start3A_504 : memref<1x64xi32, #tpu.memory_space<vmem>> -> memref<64xi32, #tpu.memory_space<vmem>>
    %dma_start3A_506 = arith.constant 0 : i32
    %dma_start3A_507 = arith.constant 0 : i32
    %dma_start3A_508 = tpu.memref_slice %arg2[%dma_start3A_506, %dma_start3A_507] : memref<24576x512xf32, #tpu.memory_space<hbm>> -> memref<24576x512xf32, #tpu.memory_space<hbm>>
    tpu.enqueue_indirect_dma source(%dma_start3A_508 : memref<24576x512xf32, #tpu.memory_space<hbm>>) target(%dma_start3A_502 : memref<64x512xf32, #tpu.memory_space<vmem>>) offsets(%dma_start3A_505 : memref<64xi32, #tpu.memory_space<vmem>>) semaphore(%arg8 : memref<!tpu.dma_semaphore, #tpu.memory_space<semaphore_mem>>)
    %add3A_509 = arith.constant 384 : i32
    %add3A_510 = arith.addi %mul3A_2, %add3A_509 : i32
    %dma_start3A_511 = arith.constant 0 : i32
    %dma_start3A_512 = arith.constant 0 : i32
    %dma_start3A_513 = arith.constant 0 : i32
    %dma_start3A_514 = tpu.memref_slice %arg6[%dma_start3A_511, %dma_start3A_512, %dma_start3A_513] : memref<2x64x512xf32, #tpu.memory_space<vmem>> -> memref<1x64x512xf32, #tpu.memory_space<vmem>>
    %dma_start3A_515 = tpu.memref_squeeze %dma_start3A_514 : memref<1x64x512xf32, #tpu.memory_space<vmem>> -> memref<64x512xf32, #tpu.memory_space<vmem>>
    %dma_start3A_516 = arith.constant 0 : i32
    %dma_start3A_517 = tpu.memref_slice %arg4[%add3A_510, %dma_start3A_516] : memref<16384x512xf32, #tpu.memory_space<hbm>> -> memref<64x512xf32, #tpu.memory_space<hbm>>
    %dma_start3A_518 = arith.constant 0 : i32
    %dma_start3A_519 = tpu.memref_slice %arg4[%add3A_510, %dma_start3A_518] : memref<16384x512xf32, #tpu.memory_space<hbm>> -> memref<64x512xf32, #tpu.memory_space<hbm>>
    %dma_start3A_520 = arith.constant 0 : i32
    %dma_start3A_521 = arith.constant 0 : i32
    %dma_start3A_522 = tpu.memref_slice %arg6[%dma_start3A_511, %dma_start3A_520, %dma_start3A_521] : memref<2x64x512xf32, #tpu.memory_space<vmem>> -> memref<1x64x512xf32, #tpu.memory_space<vmem>>
    %dma_start3A_523 = tpu.memref_squeeze %dma_start3A_522 : memref<1x64x512xf32, #tpu.memory_space<vmem>> -> memref<64x512xf32, #tpu.memory_space<vmem>>
    tpu.enqueue_dma source(%dma_start3A_523 : memref<64x512xf32, #tpu.memory_space<vmem>>) target(%dma_start3A_519 : memref<64x512xf32, #tpu.memory_space<hbm>>) target_semaphore(%arg9 : memref<!tpu.dma_semaphore, #tpu.memory_space<semaphore_mem>>)
    %dma_wait3A_524 = arith.constant 1 : i32
    %dma_wait3A_525 = arith.constant 1 : i32
    %dma_wait3A_526 = arith.constant 0 : i32
    %dma_wait3A_527 = arith.constant 0 : i32
    %dma_wait3A_528 = tpu.memref_slice %arg6[%dma_wait3A_525, %dma_wait3A_526, %dma_wait3A_527] : memref<2x64x512xf32, #tpu.memory_space<vmem>> -> memref<1x64x512xf32, #tpu.memory_space<vmem>>
    %dma_wait3A_529 = tpu.memref_squeeze %dma_wait3A_528 : memref<1x64x512xf32, #tpu.memory_space<vmem>> -> memref<64x512xf32, #tpu.memory_space<vmem>>
    %dma_wait3A_530 = arith.constant 0 : i32
    %dma_wait3A_531 = tpu.memref_slice %arg5[%dma_wait3A_524, %dma_wait3A_530] : memref<2x64xi32, #tpu.memory_space<vmem>> -> memref<1x64xi32, #tpu.memory_space<vmem>>
    %dma_wait3A_532 = tpu.memref_squeeze %dma_wait3A_531 : memref<1x64xi32, #tpu.memory_space<vmem>> -> memref<64xi32, #tpu.memory_space<vmem>>
    %dma_wait3A_533 = arith.constant 0 : i32
    %dma_wait3A_534 = arith.constant 0 : i32
    %dma_wait3A_535 = tpu.memref_slice %arg2[%dma_wait3A_533, %dma_wait3A_534] : memref<24576x512xf32, #tpu.memory_space<hbm>> -> memref<24576x512xf32, #tpu.memory_space<hbm>>
    tpu.wait_indirect_dma semaphore(%arg8 : memref<!tpu.dma_semaphore, #tpu.memory_space<semaphore_mem>>) src(%dma_wait3A_535 : memref<24576x512xf32, #tpu.memory_space<hbm>>) dst(%dma_wait3A_529 : memref<64x512xf32, #tpu.memory_space<vmem>>)
    %dma_wait3A_536 = arith.constant 0 : i32
    %dma_wait3A_537 = arith.constant 0 : i32
    %dma_wait3A_538 = arith.constant 0 : i32
    %dma_wait3A_539 = tpu.memref_slice %arg6[%dma_wait3A_536, %dma_wait3A_537, %dma_wait3A_538] : memref<2x64x512xf32, #tpu.memory_space<vmem>> -> memref<1x64x512xf32, #tpu.memory_space<vmem>>
    %dma_wait3A_540 = tpu.memref_squeeze %dma_wait3A_539 : memref<1x64x512xf32, #tpu.memory_space<vmem>> -> memref<64x512xf32, #tpu.memory_space<vmem>>
    %dma_wait3A_541 = arith.constant 0 : i32
    %dma_wait3A_542 = tpu.memref_slice %arg4[%add3A_510, %dma_wait3A_541] : memref<16384x512xf32, #tpu.memory_space<hbm>> -> memref<64x512xf32, #tpu.memory_space<hbm>>
    %dma_wait3A_543 = arith.constant 0 : i32
    %dma_wait3A_544 = tpu.memref_slice %arg4[%add3A_510, %dma_wait3A_543] : memref<16384x512xf32, #tpu.memory_space<hbm>> -> memref<64x512xf32, #tpu.memory_space<hbm>>
    %dma_wait3A_545 = arith.constant 0 : i32
    %dma_wait3A_546 = arith.constant 0 : i32
    %dma_wait3A_547 = tpu.memref_slice %arg6[%dma_wait3A_536, %dma_wait3A_545, %dma_wait3A_546] : memref<2x64x512xf32, #tpu.memory_space<vmem>> -> memref<1x64x512xf32, #tpu.memory_space<vmem>>
    %dma_wait3A_548 = tpu.memref_squeeze %dma_wait3A_547 : memref<1x64x512xf32, #tpu.memory_space<vmem>> -> memref<64x512xf32, #tpu.memory_space<vmem>>
    tpu.wait_dma2 semaphore(%arg9 : memref<!tpu.dma_semaphore, #tpu.memory_space<semaphore_mem>>) src(%dma_wait3A_548 : memref<64x512xf32, #tpu.memory_space<vmem>>) dst(%dma_wait3A_544 : memref<64x512xf32, #tpu.memory_space<hbm>>)
    %add3A_549 = arith.constant 448 : i32
    %add3A_550 = arith.addi %mul3A_2, %add3A_549 : i32
    %dma_start3A_551 = arith.constant 1 : i32
    %dma_start3A_552 = arith.constant 0 : i32
    %dma_start3A_553 = arith.constant 0 : i32
    %dma_start3A_554 = tpu.memref_slice %arg6[%dma_start3A_551, %dma_start3A_552, %dma_start3A_553] : memref<2x64x512xf32, #tpu.memory_space<vmem>> -> memref<1x64x512xf32, #tpu.memory_space<vmem>>
    %dma_start3A_555 = tpu.memref_squeeze %dma_start3A_554 : memref<1x64x512xf32, #tpu.memory_space<vmem>> -> memref<64x512xf32, #tpu.memory_space<vmem>>
    %dma_start3A_556 = arith.constant 0 : i32
    %dma_start3A_557 = tpu.memref_slice %arg4[%add3A_550, %dma_start3A_556] : memref<16384x512xf32, #tpu.memory_space<hbm>> -> memref<64x512xf32, #tpu.memory_space<hbm>>
    %dma_start3A_558 = arith.constant 0 : i32
    %dma_start3A_559 = tpu.memref_slice %arg4[%add3A_550, %dma_start3A_558] : memref<16384x512xf32, #tpu.memory_space<hbm>> -> memref<64x512xf32, #tpu.memory_space<hbm>>
    %dma_start3A_560 = arith.constant 0 : i32
    %dma_start3A_561 = arith.constant 0 : i32
    %dma_start3A_562 = tpu.memref_slice %arg6[%dma_start3A_551, %dma_start3A_560, %dma_start3A_561] : memref<2x64x512xf32, #tpu.memory_space<vmem>> -> memref<1x64x512xf32, #tpu.memory_space<vmem>>
    %dma_start3A_563 = tpu.memref_squeeze %dma_start3A_562 : memref<1x64x512xf32, #tpu.memory_space<vmem>> -> memref<64x512xf32, #tpu.memory_space<vmem>>
    tpu.enqueue_dma source(%dma_start3A_563 : memref<64x512xf32, #tpu.memory_space<vmem>>) target(%dma_start3A_559 : memref<64x512xf32, #tpu.memory_space<hbm>>) target_semaphore(%arg9 : memref<!tpu.dma_semaphore, #tpu.memory_space<semaphore_mem>>)
    %dma_wait3A_564 = arith.constant 1 : i32
    %dma_wait3A_565 = arith.constant 0 : i32
    %dma_wait3A_566 = arith.constant 0 : i32
    %dma_wait3A_567 = tpu.memref_slice %arg6[%dma_wait3A_564, %dma_wait3A_565, %dma_wait3A_566] : memref<2x64x512xf32, #tpu.memory_space<vmem>> -> memref<1x64x512xf32, #tpu.memory_space<vmem>>
    %dma_wait3A_568 = tpu.memref_squeeze %dma_wait3A_567 : memref<1x64x512xf32, #tpu.memory_space<vmem>> -> memref<64x512xf32, #tpu.memory_space<vmem>>
    %dma_wait3A_569 = arith.constant 0 : i32
    %dma_wait3A_570 = tpu.memref_slice %arg4[%add3A_550, %dma_wait3A_569] : memref<16384x512xf32, #tpu.memory_space<hbm>> -> memref<64x512xf32, #tpu.memory_space<hbm>>
    %dma_wait3A_571 = arith.constant 0 : i32
    %dma_wait3A_572 = tpu.memref_slice %arg4[%add3A_550, %dma_wait3A_571] : memref<16384x512xf32, #tpu.memory_space<hbm>> -> memref<64x512xf32, #tpu.memory_space<hbm>>
    %dma_wait3A_573 = arith.constant 0 : i32
    %dma_wait3A_574 = arith.constant 0 : i32
    %dma_wait3A_575 = tpu.memref_slice %arg6[%dma_wait3A_564, %dma_wait3A_573, %dma_wait3A_574] : memref<2x64x512xf32, #tpu.memory_space<vmem>> -> memref<1x64x512xf32, #tpu.memory_space<vmem>>
    %dma_wait3A_576 = tpu.memref_squeeze %dma_wait3A_575 : memref<1x64x512xf32, #tpu.memory_space<vmem>> -> memref<64x512xf32, #tpu.memory_space<vmem>>
    tpu.wait_dma2 semaphore(%arg9 : memref<!tpu.dma_semaphore, #tpu.memory_space<semaphore_mem>>) src(%dma_wait3A_576 : memref<64x512xf32, #tpu.memory_space<vmem>>) dst(%dma_wait3A_572 : memref<64x512xf32, #tpu.memory_space<hbm>>)
    return
  }
}

#map = affine_map<(d0, d1) -> (0, 0)>
module attributes {stable_mosaic.version = 14 : i64} {
  func.func @scatter_k(%arg0: i32, %arg1: i32, %arg2: memref<4096x512xf32, #tpu.memory_space<hbm>>, %arg3: memref<4x4096xi32, #tpu.memory_space<hbm>>, %arg4: memref<24576x512xf32, #tpu.memory_space<hbm>>, %arg5: memref<2x4x64xi32, #tpu.memory_space<vmem>>, %arg6: memref<2x64x512xf32, #tpu.memory_space<vmem>>, %arg7: memref<!tpu.dma_semaphore, #tpu.memory_space<semaphore_mem>>, %arg8: memref<!tpu.dma_semaphore, #tpu.memory_space<semaphore_mem>>, %arg9: memref<!tpu.dma_semaphore, #tpu.memory_space<semaphore_mem>>) attributes {dimension_semantics = [#tpu.dimension_semantics<core_parallel>, #tpu.dimension_semantics<subcore_parallel>], iteration_bounds = array<i64: 2, 16>, scalar_prefetch = 0 : i64, scratch_operands = 5 : i64, tpu.core_type = #tpu.core_type<sc_vector_subcore>, window_params = [{transform_indices = #map}, {transform_indices = #map}, {transform_indices = #map}]} {
    %mul3A = arith.constant 2 : i32
    %mul3A_0 = arith.muli %arg1, %mul3A : i32
    %add3A = arith.addi %mul3A_0, %arg0 : i32
    %mul3A_1 = arith.constant 128 : i32
    %mul3A_2 = arith.muli %add3A, %mul3A_1 : i32
    %add3A_3 = arith.constant 0 : i32
    %add3A_4 = arith.addi %mul3A_2, %add3A_3 : i32
    %dma_start3A = arith.constant 0 : i32
    %dma_start3A_5 = arith.constant 0 : i32
    %dma_start3A_6 = arith.constant 0 : i32
    %dma_start3A_7 = tpu.memref_slice %arg6[%dma_start3A, %dma_start3A_5, %dma_start3A_6] : memref<2x64x512xf32, #tpu.memory_space<vmem>> -> memref<1x64x512xf32, #tpu.memory_space<vmem>>
    %dma_start3A_8 = tpu.memref_squeeze %dma_start3A_7 : memref<1x64x512xf32, #tpu.memory_space<vmem>> -> memref<64x512xf32, #tpu.memory_space<vmem>>
    %dma_start3A_9 = arith.constant 0 : i32
    %dma_start3A_10 = tpu.memref_slice %arg2[%add3A_4, %dma_start3A_9] : memref<4096x512xf32, #tpu.memory_space<hbm>> -> memref<64x512xf32, #tpu.memory_space<hbm>>
    %dma_start3A_11 = arith.constant 0 : i32
    %dma_start3A_12 = arith.constant 0 : i32
    %dma_start3A_13 = tpu.memref_slice %arg6[%dma_start3A, %dma_start3A_11, %dma_start3A_12] : memref<2x64x512xf32, #tpu.memory_space<vmem>> -> memref<1x64x512xf32, #tpu.memory_space<vmem>>
    %dma_start3A_14 = tpu.memref_squeeze %dma_start3A_13 : memref<1x64x512xf32, #tpu.memory_space<vmem>> -> memref<64x512xf32, #tpu.memory_space<vmem>>
    %dma_start3A_15 = arith.constant 0 : i32
    %dma_start3A_16 = tpu.memref_slice %arg2[%add3A_4, %dma_start3A_15] : memref<4096x512xf32, #tpu.memory_space<hbm>> -> memref<64x512xf32, #tpu.memory_space<hbm>>
    tpu.enqueue_dma source(%dma_start3A_16 : memref<64x512xf32, #tpu.memory_space<hbm>>) target(%dma_start3A_14 : memref<64x512xf32, #tpu.memory_space<vmem>>) target_semaphore(%arg7 : memref<!tpu.dma_semaphore, #tpu.memory_space<semaphore_mem>>)
    %dma_start3A_17 = arith.constant 0 : i32
    %dma_start3A_18 = arith.constant 0 : i32
    %dma_start3A_19 = arith.constant 0 : i32
    %dma_start3A_20 = arith.constant 0 : i32
    %dma_start3A_21 = tpu.memref_slice %arg5[%dma_start3A_18, %dma_start3A_19, %dma_start3A_20] : memref<2x4x64xi32, #tpu.memory_space<vmem>> -> memref<1x1x64xi32, #tpu.memory_space<vmem>>
    %dma_start3A_22 = tpu.memref_squeeze %dma_start3A_21 : memref<1x1x64xi32, #tpu.memory_space<vmem>> -> memref<64xi32, #tpu.memory_space<vmem>>
    %dma_start3A_23 = tpu.memref_slice %arg3[%dma_start3A_17, %add3A_4] : memref<4x4096xi32, #tpu.memory_space<hbm>> -> memref<1x64xi32, #tpu.memory_space<hbm>>
    %dma_start3A_24 = tpu.memref_squeeze %dma_start3A_23 : memref<1x64xi32, #tpu.memory_space<hbm>> -> memref<64xi32, #tpu.memory_space<hbm>>
    %dma_start3A_25 = arith.constant 0 : i32
    %dma_start3A_26 = tpu.memref_slice %arg5[%dma_start3A_18, %dma_start3A_19, %dma_start3A_25] : memref<2x4x64xi32, #tpu.memory_space<vmem>> -> memref<1x1x64xi32, #tpu.memory_space<vmem>>
    %dma_start3A_27 = tpu.memref_squeeze %dma_start3A_26 : memref<1x1x64xi32, #tpu.memory_space<vmem>> -> memref<64xi32, #tpu.memory_space<vmem>>
    %dma_start3A_28 = tpu.memref_slice %arg3[%dma_start3A_17, %add3A_4] : memref<4x4096xi32, #tpu.memory_space<hbm>> -> memref<1x64xi32, #tpu.memory_space<hbm>>
    %dma_start3A_29 = tpu.memref_squeeze %dma_start3A_28 : memref<1x64xi32, #tpu.memory_space<hbm>> -> memref<64xi32, #tpu.memory_space<hbm>>
    tpu.enqueue_dma source(%dma_start3A_29 : memref<64xi32, #tpu.memory_space<hbm>>) target(%dma_start3A_27 : memref<64xi32, #tpu.memory_space<vmem>>) target_semaphore(%arg8 : memref<!tpu.dma_semaphore, #tpu.memory_space<semaphore_mem>>)
    %dma_start3A_30 = arith.constant 1 : i32
    %dma_start3A_31 = arith.constant 0 : i32
    %dma_start3A_32 = arith.constant 1 : i32
    %dma_start3A_33 = arith.constant 0 : i32
    %dma_start3A_34 = tpu.memref_slice %arg5[%dma_start3A_31, %dma_start3A_32, %dma_start3A_33] : memref<2x4x64xi32, #tpu.memory_space<vmem>> -> memref<1x1x64xi32, #tpu.memory_space<vmem>>
    %dma_start3A_35 = tpu.memref_squeeze %dma_start3A_34 : memref<1x1x64xi32, #tpu.memory_space<vmem>> -> memref<64xi32, #tpu.memory_space<vmem>>
    %dma_start3A_36 = tpu.memref_slice %arg3[%dma_start3A_30, %add3A_4] : memref<4x4096xi32, #tpu.memory_space<hbm>> -> memref<1x64xi32, #tpu.memory_space<hbm>>
    %dma_start3A_37 = tpu.memref_squeeze %dma_start3A_36 : memref<1x64xi32, #tpu.memory_space<hbm>> -> memref<64xi32, #tpu.memory_space<hbm>>
    %dma_start3A_38 = arith.constant 0 : i32
    %dma_start3A_39 = tpu.memref_slice %arg5[%dma_start3A_31, %dma_start3A_32, %dma_start3A_38] : memref<2x4x64xi32, #tpu.memory_space<vmem>> -> memref<1x1x64xi32, #tpu.memory_space<vmem>>
    %dma_start3A_40 = tpu.memref_squeeze %dma_start3A_39 : memref<1x1x64xi32, #tpu.memory_space<vmem>> -> memref<64xi32, #tpu.memory_space<vmem>>
    %dma_start3A_41 = tpu.memref_slice %arg3[%dma_start3A_30, %add3A_4] : memref<4x4096xi32, #tpu.memory_space<hbm>> -> memref<1x64xi32, #tpu.memory_space<hbm>>
    %dma_start3A_42 = tpu.memref_squeeze %dma_start3A_41 : memref<1x64xi32, #tpu.memory_space<hbm>> -> memref<64xi32, #tpu.memory_space<hbm>>
    tpu.enqueue_dma source(%dma_start3A_42 : memref<64xi32, #tpu.memory_space<hbm>>) target(%dma_start3A_40 : memref<64xi32, #tpu.memory_space<vmem>>) target_semaphore(%arg8 : memref<!tpu.dma_semaphore, #tpu.memory_space<semaphore_mem>>)
    %dma_start3A_43 = arith.constant 2 : i32
    %dma_start3A_44 = arith.constant 0 : i32
    %dma_start3A_45 = arith.constant 2 : i32
    %dma_start3A_46 = arith.constant 0 : i32
    %dma_start3A_47 = tpu.memref_slice %arg5[%dma_start3A_44, %dma_start3A_45, %dma_start3A_46] : memref<2x4x64xi32, #tpu.memory_space<vmem>> -> memref<1x1x64xi32, #tpu.memory_space<vmem>>
    %dma_start3A_48 = tpu.memref_squeeze %dma_start3A_47 : memref<1x1x64xi32, #tpu.memory_space<vmem>> -> memref<64xi32, #tpu.memory_space<vmem>>
    %dma_start3A_49 = tpu.memref_slice %arg3[%dma_start3A_43, %add3A_4] : memref<4x4096xi32, #tpu.memory_space<hbm>> -> memref<1x64xi32, #tpu.memory_space<hbm>>
    %dma_start3A_50 = tpu.memref_squeeze %dma_start3A_49 : memref<1x64xi32, #tpu.memory_space<hbm>> -> memref<64xi32, #tpu.memory_space<hbm>>
    %dma_start3A_51 = arith.constant 0 : i32
    %dma_start3A_52 = tpu.memref_slice %arg5[%dma_start3A_44, %dma_start3A_45, %dma_start3A_51] : memref<2x4x64xi32, #tpu.memory_space<vmem>> -> memref<1x1x64xi32, #tpu.memory_space<vmem>>
    %dma_start3A_53 = tpu.memref_squeeze %dma_start3A_52 : memref<1x1x64xi32, #tpu.memory_space<vmem>> -> memref<64xi32, #tpu.memory_space<vmem>>
    %dma_start3A_54 = tpu.memref_slice %arg3[%dma_start3A_43, %add3A_4] : memref<4x4096xi32, #tpu.memory_space<hbm>> -> memref<1x64xi32, #tpu.memory_space<hbm>>
    %dma_start3A_55 = tpu.memref_squeeze %dma_start3A_54 : memref<1x64xi32, #tpu.memory_space<hbm>> -> memref<64xi32, #tpu.memory_space<hbm>>
    tpu.enqueue_dma source(%dma_start3A_55 : memref<64xi32, #tpu.memory_space<hbm>>) target(%dma_start3A_53 : memref<64xi32, #tpu.memory_space<vmem>>) target_semaphore(%arg8 : memref<!tpu.dma_semaphore, #tpu.memory_space<semaphore_mem>>)
    %dma_start3A_56 = arith.constant 3 : i32
    %dma_start3A_57 = arith.constant 0 : i32
    %dma_start3A_58 = arith.constant 3 : i32
    %dma_start3A_59 = arith.constant 0 : i32
    %dma_start3A_60 = tpu.memref_slice %arg5[%dma_start3A_57, %dma_start3A_58, %dma_start3A_59] : memref<2x4x64xi32, #tpu.memory_space<vmem>> -> memref<1x1x64xi32, #tpu.memory_space<vmem>>
    %dma_start3A_61 = tpu.memref_squeeze %dma_start3A_60 : memref<1x1x64xi32, #tpu.memory_space<vmem>> -> memref<64xi32, #tpu.memory_space<vmem>>
    %dma_start3A_62 = tpu.memref_slice %arg3[%dma_start3A_56, %add3A_4] : memref<4x4096xi32, #tpu.memory_space<hbm>> -> memref<1x64xi32, #tpu.memory_space<hbm>>
    %dma_start3A_63 = tpu.memref_squeeze %dma_start3A_62 : memref<1x64xi32, #tpu.memory_space<hbm>> -> memref<64xi32, #tpu.memory_space<hbm>>
    %dma_start3A_64 = arith.constant 0 : i32
    %dma_start3A_65 = tpu.memref_slice %arg5[%dma_start3A_57, %dma_start3A_58, %dma_start3A_64] : memref<2x4x64xi32, #tpu.memory_space<vmem>> -> memref<1x1x64xi32, #tpu.memory_space<vmem>>
    %dma_start3A_66 = tpu.memref_squeeze %dma_start3A_65 : memref<1x1x64xi32, #tpu.memory_space<vmem>> -> memref<64xi32, #tpu.memory_space<vmem>>
    %dma_start3A_67 = tpu.memref_slice %arg3[%dma_start3A_56, %add3A_4] : memref<4x4096xi32, #tpu.memory_space<hbm>> -> memref<1x64xi32, #tpu.memory_space<hbm>>
    %dma_start3A_68 = tpu.memref_squeeze %dma_start3A_67 : memref<1x64xi32, #tpu.memory_space<hbm>> -> memref<64xi32, #tpu.memory_space<hbm>>
    tpu.enqueue_dma source(%dma_start3A_68 : memref<64xi32, #tpu.memory_space<hbm>>) target(%dma_start3A_66 : memref<64xi32, #tpu.memory_space<vmem>>) target_semaphore(%arg8 : memref<!tpu.dma_semaphore, #tpu.memory_space<semaphore_mem>>)
    %dma_wait3A = arith.constant 0 : i32
    %dma_wait3A_69 = arith.constant 0 : i32
    %dma_wait3A_70 = arith.constant 0 : i32
    %dma_wait3A_71 = tpu.memref_slice %arg6[%dma_wait3A, %dma_wait3A_69, %dma_wait3A_70] : memref<2x64x512xf32, #tpu.memory_space<vmem>> -> memref<1x64x512xf32, #tpu.memory_space<vmem>>
    %dma_wait3A_72 = tpu.memref_squeeze %dma_wait3A_71 : memref<1x64x512xf32, #tpu.memory_space<vmem>> -> memref<64x512xf32, #tpu.memory_space<vmem>>
    %dma_wait3A_73 = arith.constant 0 : i32
    %dma_wait3A_74 = tpu.memref_slice %arg2[%add3A_4, %dma_wait3A_73] : memref<4096x512xf32, #tpu.memory_space<hbm>> -> memref<64x512xf32, #tpu.memory_space<hbm>>
    %dma_wait3A_75 = arith.constant 0 : i32
    %dma_wait3A_76 = arith.constant 0 : i32
    %dma_wait3A_77 = tpu.memref_slice %arg6[%dma_wait3A, %dma_wait3A_75, %dma_wait3A_76] : memref<2x64x512xf32, #tpu.memory_space<vmem>> -> memref<1x64x512xf32, #tpu.memory_space<vmem>>
    %dma_wait3A_78 = tpu.memref_squeeze %dma_wait3A_77 : memref<1x64x512xf32, #tpu.memory_space<vmem>> -> memref<64x512xf32, #tpu.memory_space<vmem>>
    %dma_wait3A_79 = arith.constant 0 : i32
    %dma_wait3A_80 = tpu.memref_slice %arg2[%add3A_4, %dma_wait3A_79] : memref<4096x512xf32, #tpu.memory_space<hbm>> -> memref<64x512xf32, #tpu.memory_space<hbm>>
    tpu.wait_dma2 semaphore(%arg7 : memref<!tpu.dma_semaphore, #tpu.memory_space<semaphore_mem>>) src(%dma_wait3A_80 : memref<64x512xf32, #tpu.memory_space<hbm>>) dst(%dma_wait3A_78 : memref<64x512xf32, #tpu.memory_space<vmem>>)
    %dma_wait3A_81 = arith.constant 0 : i32
    %dma_wait3A_82 = arith.constant 0 : i32
    %dma_wait3A_83 = arith.constant 0 : i32
    %dma_wait3A_84 = arith.constant 0 : i32
    %dma_wait3A_85 = tpu.memref_slice %arg5[%dma_wait3A_82, %dma_wait3A_83, %dma_wait3A_84] : memref<2x4x64xi32, #tpu.memory_space<vmem>> -> memref<1x1x64xi32, #tpu.memory_space<vmem>>
    %dma_wait3A_86 = tpu.memref_squeeze %dma_wait3A_85 : memref<1x1x64xi32, #tpu.memory_space<vmem>> -> memref<64xi32, #tpu.memory_space<vmem>>
    %dma_wait3A_87 = tpu.memref_slice %arg3[%dma_wait3A_81, %add3A_4] : memref<4x4096xi32, #tpu.memory_space<hbm>> -> memref<1x64xi32, #tpu.memory_space<hbm>>
    %dma_wait3A_88 = tpu.memref_squeeze %dma_wait3A_87 : memref<1x64xi32, #tpu.memory_space<hbm>> -> memref<64xi32, #tpu.memory_space<hbm>>
    %dma_wait3A_89 = arith.constant 0 : i32
    %dma_wait3A_90 = tpu.memref_slice %arg5[%dma_wait3A_82, %dma_wait3A_83, %dma_wait3A_89] : memref<2x4x64xi32, #tpu.memory_space<vmem>> -> memref<1x1x64xi32, #tpu.memory_space<vmem>>
    %dma_wait3A_91 = tpu.memref_squeeze %dma_wait3A_90 : memref<1x1x64xi32, #tpu.memory_space<vmem>> -> memref<64xi32, #tpu.memory_space<vmem>>
    %dma_wait3A_92 = tpu.memref_slice %arg3[%dma_wait3A_81, %add3A_4] : memref<4x4096xi32, #tpu.memory_space<hbm>> -> memref<1x64xi32, #tpu.memory_space<hbm>>
    %dma_wait3A_93 = tpu.memref_squeeze %dma_wait3A_92 : memref<1x64xi32, #tpu.memory_space<hbm>> -> memref<64xi32, #tpu.memory_space<hbm>>
    tpu.wait_dma2 semaphore(%arg8 : memref<!tpu.dma_semaphore, #tpu.memory_space<semaphore_mem>>) src(%dma_wait3A_93 : memref<64xi32, #tpu.memory_space<hbm>>) dst(%dma_wait3A_91 : memref<64xi32, #tpu.memory_space<vmem>>)
    %dma_wait3A_94 = arith.constant 1 : i32
    %dma_wait3A_95 = arith.constant 0 : i32
    %dma_wait3A_96 = arith.constant 1 : i32
    %dma_wait3A_97 = arith.constant 0 : i32
    %dma_wait3A_98 = tpu.memref_slice %arg5[%dma_wait3A_95, %dma_wait3A_96, %dma_wait3A_97] : memref<2x4x64xi32, #tpu.memory_space<vmem>> -> memref<1x1x64xi32, #tpu.memory_space<vmem>>
    %dma_wait3A_99 = tpu.memref_squeeze %dma_wait3A_98 : memref<1x1x64xi32, #tpu.memory_space<vmem>> -> memref<64xi32, #tpu.memory_space<vmem>>
    %dma_wait3A_100 = tpu.memref_slice %arg3[%dma_wait3A_94, %add3A_4] : memref<4x4096xi32, #tpu.memory_space<hbm>> -> memref<1x64xi32, #tpu.memory_space<hbm>>
    %dma_wait3A_101 = tpu.memref_squeeze %dma_wait3A_100 : memref<1x64xi32, #tpu.memory_space<hbm>> -> memref<64xi32, #tpu.memory_space<hbm>>
    %dma_wait3A_102 = arith.constant 0 : i32
    %dma_wait3A_103 = tpu.memref_slice %arg5[%dma_wait3A_95, %dma_wait3A_96, %dma_wait3A_102] : memref<2x4x64xi32, #tpu.memory_space<vmem>> -> memref<1x1x64xi32, #tpu.memory_space<vmem>>
    %dma_wait3A_104 = tpu.memref_squeeze %dma_wait3A_103 : memref<1x1x64xi32, #tpu.memory_space<vmem>> -> memref<64xi32, #tpu.memory_space<vmem>>
    %dma_wait3A_105 = tpu.memref_slice %arg3[%dma_wait3A_94, %add3A_4] : memref<4x4096xi32, #tpu.memory_space<hbm>> -> memref<1x64xi32, #tpu.memory_space<hbm>>
    %dma_wait3A_106 = tpu.memref_squeeze %dma_wait3A_105 : memref<1x64xi32, #tpu.memory_space<hbm>> -> memref<64xi32, #tpu.memory_space<hbm>>
    tpu.wait_dma2 semaphore(%arg8 : memref<!tpu.dma_semaphore, #tpu.memory_space<semaphore_mem>>) src(%dma_wait3A_106 : memref<64xi32, #tpu.memory_space<hbm>>) dst(%dma_wait3A_104 : memref<64xi32, #tpu.memory_space<vmem>>)
    %dma_wait3A_107 = arith.constant 2 : i32
    %dma_wait3A_108 = arith.constant 0 : i32
    %dma_wait3A_109 = arith.constant 2 : i32
    %dma_wait3A_110 = arith.constant 0 : i32
    %dma_wait3A_111 = tpu.memref_slice %arg5[%dma_wait3A_108, %dma_wait3A_109, %dma_wait3A_110] : memref<2x4x64xi32, #tpu.memory_space<vmem>> -> memref<1x1x64xi32, #tpu.memory_space<vmem>>
    %dma_wait3A_112 = tpu.memref_squeeze %dma_wait3A_111 : memref<1x1x64xi32, #tpu.memory_space<vmem>> -> memref<64xi32, #tpu.memory_space<vmem>>
    %dma_wait3A_113 = tpu.memref_slice %arg3[%dma_wait3A_107, %add3A_4] : memref<4x4096xi32, #tpu.memory_space<hbm>> -> memref<1x64xi32, #tpu.memory_space<hbm>>
    %dma_wait3A_114 = tpu.memref_squeeze %dma_wait3A_113 : memref<1x64xi32, #tpu.memory_space<hbm>> -> memref<64xi32, #tpu.memory_space<hbm>>
    %dma_wait3A_115 = arith.constant 0 : i32
    %dma_wait3A_116 = tpu.memref_slice %arg5[%dma_wait3A_108, %dma_wait3A_109, %dma_wait3A_115] : memref<2x4x64xi32, #tpu.memory_space<vmem>> -> memref<1x1x64xi32, #tpu.memory_space<vmem>>
    %dma_wait3A_117 = tpu.memref_squeeze %dma_wait3A_116 : memref<1x1x64xi32, #tpu.memory_space<vmem>> -> memref<64xi32, #tpu.memory_space<vmem>>
    %dma_wait3A_118 = tpu.memref_slice %arg3[%dma_wait3A_107, %add3A_4] : memref<4x4096xi32, #tpu.memory_space<hbm>> -> memref<1x64xi32, #tpu.memory_space<hbm>>
    %dma_wait3A_119 = tpu.memref_squeeze %dma_wait3A_118 : memref<1x64xi32, #tpu.memory_space<hbm>> -> memref<64xi32, #tpu.memory_space<hbm>>
    tpu.wait_dma2 semaphore(%arg8 : memref<!tpu.dma_semaphore, #tpu.memory_space<semaphore_mem>>) src(%dma_wait3A_119 : memref<64xi32, #tpu.memory_space<hbm>>) dst(%dma_wait3A_117 : memref<64xi32, #tpu.memory_space<vmem>>)
    %dma_wait3A_120 = arith.constant 3 : i32
    %dma_wait3A_121 = arith.constant 0 : i32
    %dma_wait3A_122 = arith.constant 3 : i32
    %dma_wait3A_123 = arith.constant 0 : i32
    %dma_wait3A_124 = tpu.memref_slice %arg5[%dma_wait3A_121, %dma_wait3A_122, %dma_wait3A_123] : memref<2x4x64xi32, #tpu.memory_space<vmem>> -> memref<1x1x64xi32, #tpu.memory_space<vmem>>
    %dma_wait3A_125 = tpu.memref_squeeze %dma_wait3A_124 : memref<1x1x64xi32, #tpu.memory_space<vmem>> -> memref<64xi32, #tpu.memory_space<vmem>>
    %dma_wait3A_126 = tpu.memref_slice %arg3[%dma_wait3A_120, %add3A_4] : memref<4x4096xi32, #tpu.memory_space<hbm>> -> memref<1x64xi32, #tpu.memory_space<hbm>>
    %dma_wait3A_127 = tpu.memref_squeeze %dma_wait3A_126 : memref<1x64xi32, #tpu.memory_space<hbm>> -> memref<64xi32, #tpu.memory_space<hbm>>
    %dma_wait3A_128 = arith.constant 0 : i32
    %dma_wait3A_129 = tpu.memref_slice %arg5[%dma_wait3A_121, %dma_wait3A_122, %dma_wait3A_128] : memref<2x4x64xi32, #tpu.memory_space<vmem>> -> memref<1x1x64xi32, #tpu.memory_space<vmem>>
    %dma_wait3A_130 = tpu.memref_squeeze %dma_wait3A_129 : memref<1x1x64xi32, #tpu.memory_space<vmem>> -> memref<64xi32, #tpu.memory_space<vmem>>
    %dma_wait3A_131 = tpu.memref_slice %arg3[%dma_wait3A_120, %add3A_4] : memref<4x4096xi32, #tpu.memory_space<hbm>> -> memref<1x64xi32, #tpu.memory_space<hbm>>
    %dma_wait3A_132 = tpu.memref_squeeze %dma_wait3A_131 : memref<1x64xi32, #tpu.memory_space<hbm>> -> memref<64xi32, #tpu.memory_space<hbm>>
    tpu.wait_dma2 semaphore(%arg8 : memref<!tpu.dma_semaphore, #tpu.memory_space<semaphore_mem>>) src(%dma_wait3A_132 : memref<64xi32, #tpu.memory_space<hbm>>) dst(%dma_wait3A_130 : memref<64xi32, #tpu.memory_space<vmem>>)
    %mul3A_133 = arith.constant 128 : i32
    %mul3A_134 = arith.muli %add3A, %mul3A_133 : i32
    %add3A_135 = arith.constant 64 : i32
    %add3A_136 = arith.addi %mul3A_134, %add3A_135 : i32
    %dma_start3A_137 = arith.constant 1 : i32
    %dma_start3A_138 = arith.constant 0 : i32
    %dma_start3A_139 = arith.constant 0 : i32
    %dma_start3A_140 = tpu.memref_slice %arg6[%dma_start3A_137, %dma_start3A_138, %dma_start3A_139] : memref<2x64x512xf32, #tpu.memory_space<vmem>> -> memref<1x64x512xf32, #tpu.memory_space<vmem>>
    %dma_start3A_141 = tpu.memref_squeeze %dma_start3A_140 : memref<1x64x512xf32, #tpu.memory_space<vmem>> -> memref<64x512xf32, #tpu.memory_space<vmem>>
    %dma_start3A_142 = arith.constant 0 : i32
    %dma_start3A_143 = tpu.memref_slice %arg2[%add3A_136, %dma_start3A_142] : memref<4096x512xf32, #tpu.memory_space<hbm>> -> memref<64x512xf32, #tpu.memory_space<hbm>>
    %dma_start3A_144 = arith.constant 0 : i32
    %dma_start3A_145 = arith.constant 0 : i32
    %dma_start3A_146 = tpu.memref_slice %arg6[%dma_start3A_137, %dma_start3A_144, %dma_start3A_145] : memref<2x64x512xf32, #tpu.memory_space<vmem>> -> memref<1x64x512xf32, #tpu.memory_space<vmem>>
    %dma_start3A_147 = tpu.memref_squeeze %dma_start3A_146 : memref<1x64x512xf32, #tpu.memory_space<vmem>> -> memref<64x512xf32, #tpu.memory_space<vmem>>
    %dma_start3A_148 = arith.constant 0 : i32
    %dma_start3A_149 = tpu.memref_slice %arg2[%add3A_136, %dma_start3A_148] : memref<4096x512xf32, #tpu.memory_space<hbm>> -> memref<64x512xf32, #tpu.memory_space<hbm>>
    tpu.enqueue_dma source(%dma_start3A_149 : memref<64x512xf32, #tpu.memory_space<hbm>>) target(%dma_start3A_147 : memref<64x512xf32, #tpu.memory_space<vmem>>) target_semaphore(%arg7 : memref<!tpu.dma_semaphore, #tpu.memory_space<semaphore_mem>>)
    %dma_start3A_150 = arith.constant 0 : i32
    %dma_start3A_151 = arith.constant 1 : i32
    %dma_start3A_152 = arith.constant 0 : i32
    %dma_start3A_153 = arith.constant 0 : i32
    %dma_start3A_154 = tpu.memref_slice %arg5[%dma_start3A_151, %dma_start3A_152, %dma_start3A_153] : memref<2x4x64xi32, #tpu.memory_space<vmem>> -> memref<1x1x64xi32, #tpu.memory_space<vmem>>
    %dma_start3A_155 = tpu.memref_squeeze %dma_start3A_154 : memref<1x1x64xi32, #tpu.memory_space<vmem>> -> memref<64xi32, #tpu.memory_space<vmem>>
    %dma_start3A_156 = tpu.memref_slice %arg3[%dma_start3A_150, %add3A_136] : memref<4x4096xi32, #tpu.memory_space<hbm>> -> memref<1x64xi32, #tpu.memory_space<hbm>>
    %dma_start3A_157 = tpu.memref_squeeze %dma_start3A_156 : memref<1x64xi32, #tpu.memory_space<hbm>> -> memref<64xi32, #tpu.memory_space<hbm>>
    %dma_start3A_158 = arith.constant 0 : i32
    %dma_start3A_159 = tpu.memref_slice %arg5[%dma_start3A_151, %dma_start3A_152, %dma_start3A_158] : memref<2x4x64xi32, #tpu.memory_space<vmem>> -> memref<1x1x64xi32, #tpu.memory_space<vmem>>
    %dma_start3A_160 = tpu.memref_squeeze %dma_start3A_159 : memref<1x1x64xi32, #tpu.memory_space<vmem>> -> memref<64xi32, #tpu.memory_space<vmem>>
    %dma_start3A_161 = tpu.memref_slice %arg3[%dma_start3A_150, %add3A_136] : memref<4x4096xi32, #tpu.memory_space<hbm>> -> memref<1x64xi32, #tpu.memory_space<hbm>>
    %dma_start3A_162 = tpu.memref_squeeze %dma_start3A_161 : memref<1x64xi32, #tpu.memory_space<hbm>> -> memref<64xi32, #tpu.memory_space<hbm>>
    tpu.enqueue_dma source(%dma_start3A_162 : memref<64xi32, #tpu.memory_space<hbm>>) target(%dma_start3A_160 : memref<64xi32, #tpu.memory_space<vmem>>) target_semaphore(%arg8 : memref<!tpu.dma_semaphore, #tpu.memory_space<semaphore_mem>>)
    %dma_start3A_163 = arith.constant 1 : i32
    %dma_start3A_164 = arith.constant 1 : i32
    %dma_start3A_165 = arith.constant 1 : i32
    %dma_start3A_166 = arith.constant 0 : i32
    %dma_start3A_167 = tpu.memref_slice %arg5[%dma_start3A_164, %dma_start3A_165, %dma_start3A_166] : memref<2x4x64xi32, #tpu.memory_space<vmem>> -> memref<1x1x64xi32, #tpu.memory_space<vmem>>
    %dma_start3A_168 = tpu.memref_squeeze %dma_start3A_167 : memref<1x1x64xi32, #tpu.memory_space<vmem>> -> memref<64xi32, #tpu.memory_space<vmem>>
    %dma_start3A_169 = tpu.memref_slice %arg3[%dma_start3A_163, %add3A_136] : memref<4x4096xi32, #tpu.memory_space<hbm>> -> memref<1x64xi32, #tpu.memory_space<hbm>>
    %dma_start3A_170 = tpu.memref_squeeze %dma_start3A_169 : memref<1x64xi32, #tpu.memory_space<hbm>> -> memref<64xi32, #tpu.memory_space<hbm>>
    %dma_start3A_171 = arith.constant 0 : i32
    %dma_start3A_172 = tpu.memref_slice %arg5[%dma_start3A_164, %dma_start3A_165, %dma_start3A_171] : memref<2x4x64xi32, #tpu.memory_space<vmem>> -> memref<1x1x64xi32, #tpu.memory_space<vmem>>
    %dma_start3A_173 = tpu.memref_squeeze %dma_start3A_172 : memref<1x1x64xi32, #tpu.memory_space<vmem>> -> memref<64xi32, #tpu.memory_space<vmem>>
    %dma_start3A_174 = tpu.memref_slice %arg3[%dma_start3A_163, %add3A_136] : memref<4x4096xi32, #tpu.memory_space<hbm>> -> memref<1x64xi32, #tpu.memory_space<hbm>>
    %dma_start3A_175 = tpu.memref_squeeze %dma_start3A_174 : memref<1x64xi32, #tpu.memory_space<hbm>> -> memref<64xi32, #tpu.memory_space<hbm>>
    tpu.enqueue_dma source(%dma_start3A_175 : memref<64xi32, #tpu.memory_space<hbm>>) target(%dma_start3A_173 : memref<64xi32, #tpu.memory_space<vmem>>) target_semaphore(%arg8 : memref<!tpu.dma_semaphore, #tpu.memory_space<semaphore_mem>>)
    %dma_start3A_176 = arith.constant 2 : i32
    %dma_start3A_177 = arith.constant 1 : i32
    %dma_start3A_178 = arith.constant 2 : i32
    %dma_start3A_179 = arith.constant 0 : i32
    %dma_start3A_180 = tpu.memref_slice %arg5[%dma_start3A_177, %dma_start3A_178, %dma_start3A_179] : memref<2x4x64xi32, #tpu.memory_space<vmem>> -> memref<1x1x64xi32, #tpu.memory_space<vmem>>
    %dma_start3A_181 = tpu.memref_squeeze %dma_start3A_180 : memref<1x1x64xi32, #tpu.memory_space<vmem>> -> memref<64xi32, #tpu.memory_space<vmem>>
    %dma_start3A_182 = tpu.memref_slice %arg3[%dma_start3A_176, %add3A_136] : memref<4x4096xi32, #tpu.memory_space<hbm>> -> memref<1x64xi32, #tpu.memory_space<hbm>>
    %dma_start3A_183 = tpu.memref_squeeze %dma_start3A_182 : memref<1x64xi32, #tpu.memory_space<hbm>> -> memref<64xi32, #tpu.memory_space<hbm>>
    %dma_start3A_184 = arith.constant 0 : i32
    %dma_start3A_185 = tpu.memref_slice %arg5[%dma_start3A_177, %dma_start3A_178, %dma_start3A_184] : memref<2x4x64xi32, #tpu.memory_space<vmem>> -> memref<1x1x64xi32, #tpu.memory_space<vmem>>
    %dma_start3A_186 = tpu.memref_squeeze %dma_start3A_185 : memref<1x1x64xi32, #tpu.memory_space<vmem>> -> memref<64xi32, #tpu.memory_space<vmem>>
    %dma_start3A_187 = tpu.memref_slice %arg3[%dma_start3A_176, %add3A_136] : memref<4x4096xi32, #tpu.memory_space<hbm>> -> memref<1x64xi32, #tpu.memory_space<hbm>>
    %dma_start3A_188 = tpu.memref_squeeze %dma_start3A_187 : memref<1x64xi32, #tpu.memory_space<hbm>> -> memref<64xi32, #tpu.memory_space<hbm>>
    tpu.enqueue_dma source(%dma_start3A_188 : memref<64xi32, #tpu.memory_space<hbm>>) target(%dma_start3A_186 : memref<64xi32, #tpu.memory_space<vmem>>) target_semaphore(%arg8 : memref<!tpu.dma_semaphore, #tpu.memory_space<semaphore_mem>>)
    %dma_start3A_189 = arith.constant 3 : i32
    %dma_start3A_190 = arith.constant 1 : i32
    %dma_start3A_191 = arith.constant 3 : i32
    %dma_start3A_192 = arith.constant 0 : i32
    %dma_start3A_193 = tpu.memref_slice %arg5[%dma_start3A_190, %dma_start3A_191, %dma_start3A_192] : memref<2x4x64xi32, #tpu.memory_space<vmem>> -> memref<1x1x64xi32, #tpu.memory_space<vmem>>
    %dma_start3A_194 = tpu.memref_squeeze %dma_start3A_193 : memref<1x1x64xi32, #tpu.memory_space<vmem>> -> memref<64xi32, #tpu.memory_space<vmem>>
    %dma_start3A_195 = tpu.memref_slice %arg3[%dma_start3A_189, %add3A_136] : memref<4x4096xi32, #tpu.memory_space<hbm>> -> memref<1x64xi32, #tpu.memory_space<hbm>>
    %dma_start3A_196 = tpu.memref_squeeze %dma_start3A_195 : memref<1x64xi32, #tpu.memory_space<hbm>> -> memref<64xi32, #tpu.memory_space<hbm>>
    %dma_start3A_197 = arith.constant 0 : i32
    %dma_start3A_198 = tpu.memref_slice %arg5[%dma_start3A_190, %dma_start3A_191, %dma_start3A_197] : memref<2x4x64xi32, #tpu.memory_space<vmem>> -> memref<1x1x64xi32, #tpu.memory_space<vmem>>
    %dma_start3A_199 = tpu.memref_squeeze %dma_start3A_198 : memref<1x1x64xi32, #tpu.memory_space<vmem>> -> memref<64xi32, #tpu.memory_space<vmem>>
    %dma_start3A_200 = tpu.memref_slice %arg3[%dma_start3A_189, %add3A_136] : memref<4x4096xi32, #tpu.memory_space<hbm>> -> memref<1x64xi32, #tpu.memory_space<hbm>>
    %dma_start3A_201 = tpu.memref_squeeze %dma_start3A_200 : memref<1x64xi32, #tpu.memory_space<hbm>> -> memref<64xi32, #tpu.memory_space<hbm>>
    tpu.enqueue_dma source(%dma_start3A_201 : memref<64xi32, #tpu.memory_space<hbm>>) target(%dma_start3A_199 : memref<64xi32, #tpu.memory_space<vmem>>) target_semaphore(%arg8 : memref<!tpu.dma_semaphore, #tpu.memory_space<semaphore_mem>>)
    %dma_start3A_202 = arith.constant 0 : i32
    %dma_start3A_203 = arith.constant 0 : i32
    %dma_start3A_204 = arith.constant 0 : i32
    %dma_start3A_205 = arith.constant 0 : i32
    %dma_start3A_206 = arith.constant 0 : i32
    %dma_start3A_207 = tpu.memref_slice %arg6[%dma_start3A_202, %dma_start3A_205, %dma_start3A_206] : memref<2x64x512xf32, #tpu.memory_space<vmem>> -> memref<1x64x512xf32, #tpu.memory_space<vmem>>
    %dma_start3A_208 = tpu.memref_squeeze %dma_start3A_207 : memref<1x64x512xf32, #tpu.memory_space<vmem>> -> memref<64x512xf32, #tpu.memory_space<vmem>>
    %dma_start3A_209 = arith.constant 0 : i32
    %dma_start3A_210 = tpu.memref_slice %arg5[%dma_start3A_203, %dma_start3A_204, %dma_start3A_209] : memref<2x4x64xi32, #tpu.memory_space<vmem>> -> memref<1x1x64xi32, #tpu.memory_space<vmem>>
    %dma_start3A_211 = tpu.memref_squeeze %dma_start3A_210 : memref<1x1x64xi32, #tpu.memory_space<vmem>> -> memref<64xi32, #tpu.memory_space<vmem>>
    %dma_start3A_212 = arith.constant 0 : i32
    %dma_start3A_213 = arith.constant 0 : i32
    %dma_start3A_214 = tpu.memref_slice %arg4[%dma_start3A_212, %dma_start3A_213] : memref<24576x512xf32, #tpu.memory_space<hbm>> -> memref<24576x512xf32, #tpu.memory_space<hbm>>
    tpu.enqueue_indirect_dma source(%dma_start3A_208 : memref<64x512xf32, #tpu.memory_space<vmem>>) target(%dma_start3A_214 : memref<24576x512xf32, #tpu.memory_space<hbm>>) offsets(%dma_start3A_211 : memref<64xi32, #tpu.memory_space<vmem>>) semaphore(%arg9 : memref<!tpu.dma_semaphore, #tpu.memory_space<semaphore_mem>>)
    %dma_start3A_215 = arith.constant 0 : i32
    %dma_start3A_216 = arith.constant 0 : i32
    %dma_start3A_217 = arith.constant 1 : i32
    %dma_start3A_218 = arith.constant 0 : i32
    %dma_start3A_219 = arith.constant 0 : i32
    %dma_start3A_220 = tpu.memref_slice %arg6[%dma_start3A_215, %dma_start3A_218, %dma_start3A_219] : memref<2x64x512xf32, #tpu.memory_space<vmem>> -> memref<1x64x512xf32, #tpu.memory_space<vmem>>
    %dma_start3A_221 = tpu.memref_squeeze %dma_start3A_220 : memref<1x64x512xf32, #tpu.memory_space<vmem>> -> memref<64x512xf32, #tpu.memory_space<vmem>>
    %dma_start3A_222 = arith.constant 0 : i32
    %dma_start3A_223 = tpu.memref_slice %arg5[%dma_start3A_216, %dma_start3A_217, %dma_start3A_222] : memref<2x4x64xi32, #tpu.memory_space<vmem>> -> memref<1x1x64xi32, #tpu.memory_space<vmem>>
    %dma_start3A_224 = tpu.memref_squeeze %dma_start3A_223 : memref<1x1x64xi32, #tpu.memory_space<vmem>> -> memref<64xi32, #tpu.memory_space<vmem>>
    %dma_start3A_225 = arith.constant 0 : i32
    %dma_start3A_226 = arith.constant 0 : i32
    %dma_start3A_227 = tpu.memref_slice %arg4[%dma_start3A_225, %dma_start3A_226] : memref<24576x512xf32, #tpu.memory_space<hbm>> -> memref<24576x512xf32, #tpu.memory_space<hbm>>
    tpu.enqueue_indirect_dma source(%dma_start3A_221 : memref<64x512xf32, #tpu.memory_space<vmem>>) target(%dma_start3A_227 : memref<24576x512xf32, #tpu.memory_space<hbm>>) offsets(%dma_start3A_224 : memref<64xi32, #tpu.memory_space<vmem>>) semaphore(%arg9 : memref<!tpu.dma_semaphore, #tpu.memory_space<semaphore_mem>>)
    %dma_start3A_228 = arith.constant 0 : i32
    %dma_start3A_229 = arith.constant 0 : i32
    %dma_start3A_230 = arith.constant 2 : i32
    %dma_start3A_231 = arith.constant 0 : i32
    %dma_start3A_232 = arith.constant 0 : i32
    %dma_start3A_233 = tpu.memref_slice %arg6[%dma_start3A_228, %dma_start3A_231, %dma_start3A_232] : memref<2x64x512xf32, #tpu.memory_space<vmem>> -> memref<1x64x512xf32, #tpu.memory_space<vmem>>
    %dma_start3A_234 = tpu.memref_squeeze %dma_start3A_233 : memref<1x64x512xf32, #tpu.memory_space<vmem>> -> memref<64x512xf32, #tpu.memory_space<vmem>>
    %dma_start3A_235 = arith.constant 0 : i32
    %dma_start3A_236 = tpu.memref_slice %arg5[%dma_start3A_229, %dma_start3A_230, %dma_start3A_235] : memref<2x4x64xi32, #tpu.memory_space<vmem>> -> memref<1x1x64xi32, #tpu.memory_space<vmem>>
    %dma_start3A_237 = tpu.memref_squeeze %dma_start3A_236 : memref<1x1x64xi32, #tpu.memory_space<vmem>> -> memref<64xi32, #tpu.memory_space<vmem>>
    %dma_start3A_238 = arith.constant 0 : i32
    %dma_start3A_239 = arith.constant 0 : i32
    %dma_start3A_240 = tpu.memref_slice %arg4[%dma_start3A_238, %dma_start3A_239] : memref<24576x512xf32, #tpu.memory_space<hbm>> -> memref<24576x512xf32, #tpu.memory_space<hbm>>
    tpu.enqueue_indirect_dma source(%dma_start3A_234 : memref<64x512xf32, #tpu.memory_space<vmem>>) target(%dma_start3A_240 : memref<24576x512xf32, #tpu.memory_space<hbm>>) offsets(%dma_start3A_237 : memref<64xi32, #tpu.memory_space<vmem>>) semaphore(%arg9 : memref<!tpu.dma_semaphore, #tpu.memory_space<semaphore_mem>>)
    %dma_start3A_241 = arith.constant 0 : i32
    %dma_start3A_242 = arith.constant 0 : i32
    %dma_start3A_243 = arith.constant 3 : i32
    %dma_start3A_244 = arith.constant 0 : i32
    %dma_start3A_245 = arith.constant 0 : i32
    %dma_start3A_246 = tpu.memref_slice %arg6[%dma_start3A_241, %dma_start3A_244, %dma_start3A_245] : memref<2x64x512xf32, #tpu.memory_space<vmem>> -> memref<1x64x512xf32, #tpu.memory_space<vmem>>
    %dma_start3A_247 = tpu.memref_squeeze %dma_start3A_246 : memref<1x64x512xf32, #tpu.memory_space<vmem>> -> memref<64x512xf32, #tpu.memory_space<vmem>>
    %dma_start3A_248 = arith.constant 0 : i32
    %dma_start3A_249 = tpu.memref_slice %arg5[%dma_start3A_242, %dma_start3A_243, %dma_start3A_248] : memref<2x4x64xi32, #tpu.memory_space<vmem>> -> memref<1x1x64xi32, #tpu.memory_space<vmem>>
    %dma_start3A_250 = tpu.memref_squeeze %dma_start3A_249 : memref<1x1x64xi32, #tpu.memory_space<vmem>> -> memref<64xi32, #tpu.memory_space<vmem>>
    %dma_start3A_251 = arith.constant 0 : i32
    %dma_start3A_252 = arith.constant 0 : i32
    %dma_start3A_253 = tpu.memref_slice %arg4[%dma_start3A_251, %dma_start3A_252] : memref<24576x512xf32, #tpu.memory_space<hbm>> -> memref<24576x512xf32, #tpu.memory_space<hbm>>
    tpu.enqueue_indirect_dma source(%dma_start3A_247 : memref<64x512xf32, #tpu.memory_space<vmem>>) target(%dma_start3A_253 : memref<24576x512xf32, #tpu.memory_space<hbm>>) offsets(%dma_start3A_250 : memref<64xi32, #tpu.memory_space<vmem>>) semaphore(%arg9 : memref<!tpu.dma_semaphore, #tpu.memory_space<semaphore_mem>>)
    %dma_wait3A_254 = arith.constant 1 : i32
    %dma_wait3A_255 = arith.constant 0 : i32
    %dma_wait3A_256 = arith.constant 0 : i32
    %dma_wait3A_257 = tpu.memref_slice %arg6[%dma_wait3A_254, %dma_wait3A_255, %dma_wait3A_256] : memref<2x64x512xf32, #tpu.memory_space<vmem>> -> memref<1x64x512xf32, #tpu.memory_space<vmem>>
    %dma_wait3A_258 = tpu.memref_squeeze %dma_wait3A_257 : memref<1x64x512xf32, #tpu.memory_space<vmem>> -> memref<64x512xf32, #tpu.memory_space<vmem>>
    %dma_wait3A_259 = arith.constant 0 : i32
    %dma_wait3A_260 = tpu.memref_slice %arg2[%add3A_136, %dma_wait3A_259] : memref<4096x512xf32, #tpu.memory_space<hbm>> -> memref<64x512xf32, #tpu.memory_space<hbm>>
    %dma_wait3A_261 = arith.constant 0 : i32
    %dma_wait3A_262 = arith.constant 0 : i32
    %dma_wait3A_263 = tpu.memref_slice %arg6[%dma_wait3A_254, %dma_wait3A_261, %dma_wait3A_262] : memref<2x64x512xf32, #tpu.memory_space<vmem>> -> memref<1x64x512xf32, #tpu.memory_space<vmem>>
    %dma_wait3A_264 = tpu.memref_squeeze %dma_wait3A_263 : memref<1x64x512xf32, #tpu.memory_space<vmem>> -> memref<64x512xf32, #tpu.memory_space<vmem>>
    %dma_wait3A_265 = arith.constant 0 : i32
    %dma_wait3A_266 = tpu.memref_slice %arg2[%add3A_136, %dma_wait3A_265] : memref<4096x512xf32, #tpu.memory_space<hbm>> -> memref<64x512xf32, #tpu.memory_space<hbm>>
    tpu.wait_dma2 semaphore(%arg7 : memref<!tpu.dma_semaphore, #tpu.memory_space<semaphore_mem>>) src(%dma_wait3A_266 : memref<64x512xf32, #tpu.memory_space<hbm>>) dst(%dma_wait3A_264 : memref<64x512xf32, #tpu.memory_space<vmem>>)
    %dma_wait3A_267 = arith.constant 0 : i32
    %dma_wait3A_268 = arith.constant 1 : i32
    %dma_wait3A_269 = arith.constant 0 : i32
    %dma_wait3A_270 = arith.constant 0 : i32
    %dma_wait3A_271 = tpu.memref_slice %arg5[%dma_wait3A_268, %dma_wait3A_269, %dma_wait3A_270] : memref<2x4x64xi32, #tpu.memory_space<vmem>> -> memref<1x1x64xi32, #tpu.memory_space<vmem>>
    %dma_wait3A_272 = tpu.memref_squeeze %dma_wait3A_271 : memref<1x1x64xi32, #tpu.memory_space<vmem>> -> memref<64xi32, #tpu.memory_space<vmem>>
    %dma_wait3A_273 = tpu.memref_slice %arg3[%dma_wait3A_267, %add3A_136] : memref<4x4096xi32, #tpu.memory_space<hbm>> -> memref<1x64xi32, #tpu.memory_space<hbm>>
    %dma_wait3A_274 = tpu.memref_squeeze %dma_wait3A_273 : memref<1x64xi32, #tpu.memory_space<hbm>> -> memref<64xi32, #tpu.memory_space<hbm>>
    %dma_wait3A_275 = arith.constant 0 : i32
    %dma_wait3A_276 = tpu.memref_slice %arg5[%dma_wait3A_268, %dma_wait3A_269, %dma_wait3A_275] : memref<2x4x64xi32, #tpu.memory_space<vmem>> -> memref<1x1x64xi32, #tpu.memory_space<vmem>>
    %dma_wait3A_277 = tpu.memref_squeeze %dma_wait3A_276 : memref<1x1x64xi32, #tpu.memory_space<vmem>> -> memref<64xi32, #tpu.memory_space<vmem>>
    %dma_wait3A_278 = tpu.memref_slice %arg3[%dma_wait3A_267, %add3A_136] : memref<4x4096xi32, #tpu.memory_space<hbm>> -> memref<1x64xi32, #tpu.memory_space<hbm>>
    %dma_wait3A_279 = tpu.memref_squeeze %dma_wait3A_278 : memref<1x64xi32, #tpu.memory_space<hbm>> -> memref<64xi32, #tpu.memory_space<hbm>>
    tpu.wait_dma2 semaphore(%arg8 : memref<!tpu.dma_semaphore, #tpu.memory_space<semaphore_mem>>) src(%dma_wait3A_279 : memref<64xi32, #tpu.memory_space<hbm>>) dst(%dma_wait3A_277 : memref<64xi32, #tpu.memory_space<vmem>>)
    %dma_wait3A_280 = arith.constant 1 : i32
    %dma_wait3A_281 = arith.constant 1 : i32
    %dma_wait3A_282 = arith.constant 1 : i32
    %dma_wait3A_283 = arith.constant 0 : i32
    %dma_wait3A_284 = tpu.memref_slice %arg5[%dma_wait3A_281, %dma_wait3A_282, %dma_wait3A_283] : memref<2x4x64xi32, #tpu.memory_space<vmem>> -> memref<1x1x64xi32, #tpu.memory_space<vmem>>
    %dma_wait3A_285 = tpu.memref_squeeze %dma_wait3A_284 : memref<1x1x64xi32, #tpu.memory_space<vmem>> -> memref<64xi32, #tpu.memory_space<vmem>>
    %dma_wait3A_286 = tpu.memref_slice %arg3[%dma_wait3A_280, %add3A_136] : memref<4x4096xi32, #tpu.memory_space<hbm>> -> memref<1x64xi32, #tpu.memory_space<hbm>>
    %dma_wait3A_287 = tpu.memref_squeeze %dma_wait3A_286 : memref<1x64xi32, #tpu.memory_space<hbm>> -> memref<64xi32, #tpu.memory_space<hbm>>
    %dma_wait3A_288 = arith.constant 0 : i32
    %dma_wait3A_289 = tpu.memref_slice %arg5[%dma_wait3A_281, %dma_wait3A_282, %dma_wait3A_288] : memref<2x4x64xi32, #tpu.memory_space<vmem>> -> memref<1x1x64xi32, #tpu.memory_space<vmem>>
    %dma_wait3A_290 = tpu.memref_squeeze %dma_wait3A_289 : memref<1x1x64xi32, #tpu.memory_space<vmem>> -> memref<64xi32, #tpu.memory_space<vmem>>
    %dma_wait3A_291 = tpu.memref_slice %arg3[%dma_wait3A_280, %add3A_136] : memref<4x4096xi32, #tpu.memory_space<hbm>> -> memref<1x64xi32, #tpu.memory_space<hbm>>
    %dma_wait3A_292 = tpu.memref_squeeze %dma_wait3A_291 : memref<1x64xi32, #tpu.memory_space<hbm>> -> memref<64xi32, #tpu.memory_space<hbm>>
    tpu.wait_dma2 semaphore(%arg8 : memref<!tpu.dma_semaphore, #tpu.memory_space<semaphore_mem>>) src(%dma_wait3A_292 : memref<64xi32, #tpu.memory_space<hbm>>) dst(%dma_wait3A_290 : memref<64xi32, #tpu.memory_space<vmem>>)
    %dma_wait3A_293 = arith.constant 2 : i32
    %dma_wait3A_294 = arith.constant 1 : i32
    %dma_wait3A_295 = arith.constant 2 : i32
    %dma_wait3A_296 = arith.constant 0 : i32
    %dma_wait3A_297 = tpu.memref_slice %arg5[%dma_wait3A_294, %dma_wait3A_295, %dma_wait3A_296] : memref<2x4x64xi32, #tpu.memory_space<vmem>> -> memref<1x1x64xi32, #tpu.memory_space<vmem>>
    %dma_wait3A_298 = tpu.memref_squeeze %dma_wait3A_297 : memref<1x1x64xi32, #tpu.memory_space<vmem>> -> memref<64xi32, #tpu.memory_space<vmem>>
    %dma_wait3A_299 = tpu.memref_slice %arg3[%dma_wait3A_293, %add3A_136] : memref<4x4096xi32, #tpu.memory_space<hbm>> -> memref<1x64xi32, #tpu.memory_space<hbm>>
    %dma_wait3A_300 = tpu.memref_squeeze %dma_wait3A_299 : memref<1x64xi32, #tpu.memory_space<hbm>> -> memref<64xi32, #tpu.memory_space<hbm>>
    %dma_wait3A_301 = arith.constant 0 : i32
    %dma_wait3A_302 = tpu.memref_slice %arg5[%dma_wait3A_294, %dma_wait3A_295, %dma_wait3A_301] : memref<2x4x64xi32, #tpu.memory_space<vmem>> -> memref<1x1x64xi32, #tpu.memory_space<vmem>>
    %dma_wait3A_303 = tpu.memref_squeeze %dma_wait3A_302 : memref<1x1x64xi32, #tpu.memory_space<vmem>> -> memref<64xi32, #tpu.memory_space<vmem>>
    %dma_wait3A_304 = tpu.memref_slice %arg3[%dma_wait3A_293, %add3A_136] : memref<4x4096xi32, #tpu.memory_space<hbm>> -> memref<1x64xi32, #tpu.memory_space<hbm>>
    %dma_wait3A_305 = tpu.memref_squeeze %dma_wait3A_304 : memref<1x64xi32, #tpu.memory_space<hbm>> -> memref<64xi32, #tpu.memory_space<hbm>>
    tpu.wait_dma2 semaphore(%arg8 : memref<!tpu.dma_semaphore, #tpu.memory_space<semaphore_mem>>) src(%dma_wait3A_305 : memref<64xi32, #tpu.memory_space<hbm>>) dst(%dma_wait3A_303 : memref<64xi32, #tpu.memory_space<vmem>>)
    %dma_wait3A_306 = arith.constant 3 : i32
    %dma_wait3A_307 = arith.constant 1 : i32
    %dma_wait3A_308 = arith.constant 3 : i32
    %dma_wait3A_309 = arith.constant 0 : i32
    %dma_wait3A_310 = tpu.memref_slice %arg5[%dma_wait3A_307, %dma_wait3A_308, %dma_wait3A_309] : memref<2x4x64xi32, #tpu.memory_space<vmem>> -> memref<1x1x64xi32, #tpu.memory_space<vmem>>
    %dma_wait3A_311 = tpu.memref_squeeze %dma_wait3A_310 : memref<1x1x64xi32, #tpu.memory_space<vmem>> -> memref<64xi32, #tpu.memory_space<vmem>>
    %dma_wait3A_312 = tpu.memref_slice %arg3[%dma_wait3A_306, %add3A_136] : memref<4x4096xi32, #tpu.memory_space<hbm>> -> memref<1x64xi32, #tpu.memory_space<hbm>>
    %dma_wait3A_313 = tpu.memref_squeeze %dma_wait3A_312 : memref<1x64xi32, #tpu.memory_space<hbm>> -> memref<64xi32, #tpu.memory_space<hbm>>
    %dma_wait3A_314 = arith.constant 0 : i32
    %dma_wait3A_315 = tpu.memref_slice %arg5[%dma_wait3A_307, %dma_wait3A_308, %dma_wait3A_314] : memref<2x4x64xi32, #tpu.memory_space<vmem>> -> memref<1x1x64xi32, #tpu.memory_space<vmem>>
    %dma_wait3A_316 = tpu.memref_squeeze %dma_wait3A_315 : memref<1x1x64xi32, #tpu.memory_space<vmem>> -> memref<64xi32, #tpu.memory_space<vmem>>
    %dma_wait3A_317 = tpu.memref_slice %arg3[%dma_wait3A_306, %add3A_136] : memref<4x4096xi32, #tpu.memory_space<hbm>> -> memref<1x64xi32, #tpu.memory_space<hbm>>
    %dma_wait3A_318 = tpu.memref_squeeze %dma_wait3A_317 : memref<1x64xi32, #tpu.memory_space<hbm>> -> memref<64xi32, #tpu.memory_space<hbm>>
    tpu.wait_dma2 semaphore(%arg8 : memref<!tpu.dma_semaphore, #tpu.memory_space<semaphore_mem>>) src(%dma_wait3A_318 : memref<64xi32, #tpu.memory_space<hbm>>) dst(%dma_wait3A_316 : memref<64xi32, #tpu.memory_space<vmem>>)
    %dma_wait3A_319 = arith.constant 0 : i32
    %dma_wait3A_320 = arith.constant 0 : i32
    %dma_wait3A_321 = arith.constant 0 : i32
    %dma_wait3A_322 = arith.constant 0 : i32
    %dma_wait3A_323 = arith.constant 0 : i32
    %dma_wait3A_324 = tpu.memref_slice %arg6[%dma_wait3A_319, %dma_wait3A_322, %dma_wait3A_323] : memref<2x64x512xf32, #tpu.memory_space<vmem>> -> memref<1x64x512xf32, #tpu.memory_space<vmem>>
    %dma_wait3A_325 = tpu.memref_squeeze %dma_wait3A_324 : memref<1x64x512xf32, #tpu.memory_space<vmem>> -> memref<64x512xf32, #tpu.memory_space<vmem>>
    %dma_wait3A_326 = arith.constant 0 : i32
    %dma_wait3A_327 = tpu.memref_slice %arg5[%dma_wait3A_320, %dma_wait3A_321, %dma_wait3A_326] : memref<2x4x64xi32, #tpu.memory_space<vmem>> -> memref<1x1x64xi32, #tpu.memory_space<vmem>>
    %dma_wait3A_328 = tpu.memref_squeeze %dma_wait3A_327 : memref<1x1x64xi32, #tpu.memory_space<vmem>> -> memref<64xi32, #tpu.memory_space<vmem>>
    %dma_wait3A_329 = arith.constant 0 : i32
    %dma_wait3A_330 = arith.constant 0 : i32
    %dma_wait3A_331 = tpu.memref_slice %arg4[%dma_wait3A_329, %dma_wait3A_330] : memref<24576x512xf32, #tpu.memory_space<hbm>> -> memref<24576x512xf32, #tpu.memory_space<hbm>>
    tpu.wait_indirect_dma semaphore(%arg9 : memref<!tpu.dma_semaphore, #tpu.memory_space<semaphore_mem>>) src(%dma_wait3A_325 : memref<64x512xf32, #tpu.memory_space<vmem>>) dst(%dma_wait3A_331 : memref<24576x512xf32, #tpu.memory_space<hbm>>)
    %dma_wait3A_332 = arith.constant 0 : i32
    %dma_wait3A_333 = arith.constant 0 : i32
    %dma_wait3A_334 = arith.constant 1 : i32
    %dma_wait3A_335 = arith.constant 0 : i32
    %dma_wait3A_336 = arith.constant 0 : i32
    %dma_wait3A_337 = tpu.memref_slice %arg6[%dma_wait3A_332, %dma_wait3A_335, %dma_wait3A_336] : memref<2x64x512xf32, #tpu.memory_space<vmem>> -> memref<1x64x512xf32, #tpu.memory_space<vmem>>
    %dma_wait3A_338 = tpu.memref_squeeze %dma_wait3A_337 : memref<1x64x512xf32, #tpu.memory_space<vmem>> -> memref<64x512xf32, #tpu.memory_space<vmem>>
    %dma_wait3A_339 = arith.constant 0 : i32
    %dma_wait3A_340 = tpu.memref_slice %arg5[%dma_wait3A_333, %dma_wait3A_334, %dma_wait3A_339] : memref<2x4x64xi32, #tpu.memory_space<vmem>> -> memref<1x1x64xi32, #tpu.memory_space<vmem>>
    %dma_wait3A_341 = tpu.memref_squeeze %dma_wait3A_340 : memref<1x1x64xi32, #tpu.memory_space<vmem>> -> memref<64xi32, #tpu.memory_space<vmem>>
    %dma_wait3A_342 = arith.constant 0 : i32
    %dma_wait3A_343 = arith.constant 0 : i32
    %dma_wait3A_344 = tpu.memref_slice %arg4[%dma_wait3A_342, %dma_wait3A_343] : memref<24576x512xf32, #tpu.memory_space<hbm>> -> memref<24576x512xf32, #tpu.memory_space<hbm>>
    tpu.wait_indirect_dma semaphore(%arg9 : memref<!tpu.dma_semaphore, #tpu.memory_space<semaphore_mem>>) src(%dma_wait3A_338 : memref<64x512xf32, #tpu.memory_space<vmem>>) dst(%dma_wait3A_344 : memref<24576x512xf32, #tpu.memory_space<hbm>>)
    %dma_wait3A_345 = arith.constant 0 : i32
    %dma_wait3A_346 = arith.constant 0 : i32
    %dma_wait3A_347 = arith.constant 2 : i32
    %dma_wait3A_348 = arith.constant 0 : i32
    %dma_wait3A_349 = arith.constant 0 : i32
    %dma_wait3A_350 = tpu.memref_slice %arg6[%dma_wait3A_345, %dma_wait3A_348, %dma_wait3A_349] : memref<2x64x512xf32, #tpu.memory_space<vmem>> -> memref<1x64x512xf32, #tpu.memory_space<vmem>>
    %dma_wait3A_351 = tpu.memref_squeeze %dma_wait3A_350 : memref<1x64x512xf32, #tpu.memory_space<vmem>> -> memref<64x512xf32, #tpu.memory_space<vmem>>
    %dma_wait3A_352 = arith.constant 0 : i32
    %dma_wait3A_353 = tpu.memref_slice %arg5[%dma_wait3A_346, %dma_wait3A_347, %dma_wait3A_352] : memref<2x4x64xi32, #tpu.memory_space<vmem>> -> memref<1x1x64xi32, #tpu.memory_space<vmem>>
    %dma_wait3A_354 = tpu.memref_squeeze %dma_wait3A_353 : memref<1x1x64xi32, #tpu.memory_space<vmem>> -> memref<64xi32, #tpu.memory_space<vmem>>
    %dma_wait3A_355 = arith.constant 0 : i32
    %dma_wait3A_356 = arith.constant 0 : i32
    %dma_wait3A_357 = tpu.memref_slice %arg4[%dma_wait3A_355, %dma_wait3A_356] : memref<24576x512xf32, #tpu.memory_space<hbm>> -> memref<24576x512xf32, #tpu.memory_space<hbm>>
    tpu.wait_indirect_dma semaphore(%arg9 : memref<!tpu.dma_semaphore, #tpu.memory_space<semaphore_mem>>) src(%dma_wait3A_351 : memref<64x512xf32, #tpu.memory_space<vmem>>) dst(%dma_wait3A_357 : memref<24576x512xf32, #tpu.memory_space<hbm>>)
    %dma_wait3A_358 = arith.constant 0 : i32
    %dma_wait3A_359 = arith.constant 0 : i32
    %dma_wait3A_360 = arith.constant 3 : i32
    %dma_wait3A_361 = arith.constant 0 : i32
    %dma_wait3A_362 = arith.constant 0 : i32
    %dma_wait3A_363 = tpu.memref_slice %arg6[%dma_wait3A_358, %dma_wait3A_361, %dma_wait3A_362] : memref<2x64x512xf32, #tpu.memory_space<vmem>> -> memref<1x64x512xf32, #tpu.memory_space<vmem>>
    %dma_wait3A_364 = tpu.memref_squeeze %dma_wait3A_363 : memref<1x64x512xf32, #tpu.memory_space<vmem>> -> memref<64x512xf32, #tpu.memory_space<vmem>>
    %dma_wait3A_365 = arith.constant 0 : i32
    %dma_wait3A_366 = tpu.memref_slice %arg5[%dma_wait3A_359, %dma_wait3A_360, %dma_wait3A_365] : memref<2x4x64xi32, #tpu.memory_space<vmem>> -> memref<1x1x64xi32, #tpu.memory_space<vmem>>
    %dma_wait3A_367 = tpu.memref_squeeze %dma_wait3A_366 : memref<1x1x64xi32, #tpu.memory_space<vmem>> -> memref<64xi32, #tpu.memory_space<vmem>>
    %dma_wait3A_368 = arith.constant 0 : i32
    %dma_wait3A_369 = arith.constant 0 : i32
    %dma_wait3A_370 = tpu.memref_slice %arg4[%dma_wait3A_368, %dma_wait3A_369] : memref<24576x512xf32, #tpu.memory_space<hbm>> -> memref<24576x512xf32, #tpu.memory_space<hbm>>
    tpu.wait_indirect_dma semaphore(%arg9 : memref<!tpu.dma_semaphore, #tpu.memory_space<semaphore_mem>>) src(%dma_wait3A_364 : memref<64x512xf32, #tpu.memory_space<vmem>>) dst(%dma_wait3A_370 : memref<24576x512xf32, #tpu.memory_space<hbm>>)
    %dma_start3A_371 = arith.constant 1 : i32
    %dma_start3A_372 = arith.constant 1 : i32
    %dma_start3A_373 = arith.constant 0 : i32
    %dma_start3A_374 = arith.constant 0 : i32
    %dma_start3A_375 = arith.constant 0 : i32
    %dma_start3A_376 = tpu.memref_slice %arg6[%dma_start3A_371, %dma_start3A_374, %dma_start3A_375] : memref<2x64x512xf32, #tpu.memory_space<vmem>> -> memref<1x64x512xf32, #tpu.memory_space<vmem>>
    %dma_start3A_377 = tpu.memref_squeeze %dma_start3A_376 : memref<1x64x512xf32, #tpu.memory_space<vmem>> -> memref<64x512xf32, #tpu.memory_space<vmem>>
    %dma_start3A_378 = arith.constant 0 : i32
    %dma_start3A_379 = tpu.memref_slice %arg5[%dma_start3A_372, %dma_start3A_373, %dma_start3A_378] : memref<2x4x64xi32, #tpu.memory_space<vmem>> -> memref<1x1x64xi32, #tpu.memory_space<vmem>>
    %dma_start3A_380 = tpu.memref_squeeze %dma_start3A_379 : memref<1x1x64xi32, #tpu.memory_space<vmem>> -> memref<64xi32, #tpu.memory_space<vmem>>
    %dma_start3A_381 = arith.constant 0 : i32
    %dma_start3A_382 = arith.constant 0 : i32
    %dma_start3A_383 = tpu.memref_slice %arg4[%dma_start3A_381, %dma_start3A_382] : memref<24576x512xf32, #tpu.memory_space<hbm>> -> memref<24576x512xf32, #tpu.memory_space<hbm>>
    tpu.enqueue_indirect_dma source(%dma_start3A_377 : memref<64x512xf32, #tpu.memory_space<vmem>>) target(%dma_start3A_383 : memref<24576x512xf32, #tpu.memory_space<hbm>>) offsets(%dma_start3A_380 : memref<64xi32, #tpu.memory_space<vmem>>) semaphore(%arg9 : memref<!tpu.dma_semaphore, #tpu.memory_space<semaphore_mem>>)
    %dma_start3A_384 = arith.constant 1 : i32
    %dma_start3A_385 = arith.constant 1 : i32
    %dma_start3A_386 = arith.constant 1 : i32
    %dma_start3A_387 = arith.constant 0 : i32
    %dma_start3A_388 = arith.constant 0 : i32
    %dma_start3A_389 = tpu.memref_slice %arg6[%dma_start3A_384, %dma_start3A_387, %dma_start3A_388] : memref<2x64x512xf32, #tpu.memory_space<vmem>> -> memref<1x64x512xf32, #tpu.memory_space<vmem>>
    %dma_start3A_390 = tpu.memref_squeeze %dma_start3A_389 : memref<1x64x512xf32, #tpu.memory_space<vmem>> -> memref<64x512xf32, #tpu.memory_space<vmem>>
    %dma_start3A_391 = arith.constant 0 : i32
    %dma_start3A_392 = tpu.memref_slice %arg5[%dma_start3A_385, %dma_start3A_386, %dma_start3A_391] : memref<2x4x64xi32, #tpu.memory_space<vmem>> -> memref<1x1x64xi32, #tpu.memory_space<vmem>>
    %dma_start3A_393 = tpu.memref_squeeze %dma_start3A_392 : memref<1x1x64xi32, #tpu.memory_space<vmem>> -> memref<64xi32, #tpu.memory_space<vmem>>
    %dma_start3A_394 = arith.constant 0 : i32
    %dma_start3A_395 = arith.constant 0 : i32
    %dma_start3A_396 = tpu.memref_slice %arg4[%dma_start3A_394, %dma_start3A_395] : memref<24576x512xf32, #tpu.memory_space<hbm>> -> memref<24576x512xf32, #tpu.memory_space<hbm>>
    tpu.enqueue_indirect_dma source(%dma_start3A_390 : memref<64x512xf32, #tpu.memory_space<vmem>>) target(%dma_start3A_396 : memref<24576x512xf32, #tpu.memory_space<hbm>>) offsets(%dma_start3A_393 : memref<64xi32, #tpu.memory_space<vmem>>) semaphore(%arg9 : memref<!tpu.dma_semaphore, #tpu.memory_space<semaphore_mem>>)
    %dma_start3A_397 = arith.constant 1 : i32
    %dma_start3A_398 = arith.constant 1 : i32
    %dma_start3A_399 = arith.constant 2 : i32
    %dma_start3A_400 = arith.constant 0 : i32
    %dma_start3A_401 = arith.constant 0 : i32
    %dma_start3A_402 = tpu.memref_slice %arg6[%dma_start3A_397, %dma_start3A_400, %dma_start3A_401] : memref<2x64x512xf32, #tpu.memory_space<vmem>> -> memref<1x64x512xf32, #tpu.memory_space<vmem>>
    %dma_start3A_403 = tpu.memref_squeeze %dma_start3A_402 : memref<1x64x512xf32, #tpu.memory_space<vmem>> -> memref<64x512xf32, #tpu.memory_space<vmem>>
    %dma_start3A_404 = arith.constant 0 : i32
    %dma_start3A_405 = tpu.memref_slice %arg5[%dma_start3A_398, %dma_start3A_399, %dma_start3A_404] : memref<2x4x64xi32, #tpu.memory_space<vmem>> -> memref<1x1x64xi32, #tpu.memory_space<vmem>>
    %dma_start3A_406 = tpu.memref_squeeze %dma_start3A_405 : memref<1x1x64xi32, #tpu.memory_space<vmem>> -> memref<64xi32, #tpu.memory_space<vmem>>
    %dma_start3A_407 = arith.constant 0 : i32
    %dma_start3A_408 = arith.constant 0 : i32
    %dma_start3A_409 = tpu.memref_slice %arg4[%dma_start3A_407, %dma_start3A_408] : memref<24576x512xf32, #tpu.memory_space<hbm>> -> memref<24576x512xf32, #tpu.memory_space<hbm>>
    tpu.enqueue_indirect_dma source(%dma_start3A_403 : memref<64x512xf32, #tpu.memory_space<vmem>>) target(%dma_start3A_409 : memref<24576x512xf32, #tpu.memory_space<hbm>>) offsets(%dma_start3A_406 : memref<64xi32, #tpu.memory_space<vmem>>) semaphore(%arg9 : memref<!tpu.dma_semaphore, #tpu.memory_space<semaphore_mem>>)
    %dma_start3A_410 = arith.constant 1 : i32
    %dma_start3A_411 = arith.constant 1 : i32
    %dma_start3A_412 = arith.constant 3 : i32
    %dma_start3A_413 = arith.constant 0 : i32
    %dma_start3A_414 = arith.constant 0 : i32
    %dma_start3A_415 = tpu.memref_slice %arg6[%dma_start3A_410, %dma_start3A_413, %dma_start3A_414] : memref<2x64x512xf32, #tpu.memory_space<vmem>> -> memref<1x64x512xf32, #tpu.memory_space<vmem>>
    %dma_start3A_416 = tpu.memref_squeeze %dma_start3A_415 : memref<1x64x512xf32, #tpu.memory_space<vmem>> -> memref<64x512xf32, #tpu.memory_space<vmem>>
    %dma_start3A_417 = arith.constant 0 : i32
    %dma_start3A_418 = tpu.memref_slice %arg5[%dma_start3A_411, %dma_start3A_412, %dma_start3A_417] : memref<2x4x64xi32, #tpu.memory_space<vmem>> -> memref<1x1x64xi32, #tpu.memory_space<vmem>>
    %dma_start3A_419 = tpu.memref_squeeze %dma_start3A_418 : memref<1x1x64xi32, #tpu.memory_space<vmem>> -> memref<64xi32, #tpu.memory_space<vmem>>
    %dma_start3A_420 = arith.constant 0 : i32
    %dma_start3A_421 = arith.constant 0 : i32
    %dma_start3A_422 = tpu.memref_slice %arg4[%dma_start3A_420, %dma_start3A_421] : memref<24576x512xf32, #tpu.memory_space<hbm>> -> memref<24576x512xf32, #tpu.memory_space<hbm>>
    tpu.enqueue_indirect_dma source(%dma_start3A_416 : memref<64x512xf32, #tpu.memory_space<vmem>>) target(%dma_start3A_422 : memref<24576x512xf32, #tpu.memory_space<hbm>>) offsets(%dma_start3A_419 : memref<64xi32, #tpu.memory_space<vmem>>) semaphore(%arg9 : memref<!tpu.dma_semaphore, #tpu.memory_space<semaphore_mem>>)
    %dma_wait3A_423 = arith.constant 1 : i32
    %dma_wait3A_424 = arith.constant 1 : i32
    %dma_wait3A_425 = arith.constant 0 : i32
    %dma_wait3A_426 = arith.constant 0 : i32
    %dma_wait3A_427 = arith.constant 0 : i32
    %dma_wait3A_428 = tpu.memref_slice %arg6[%dma_wait3A_423, %dma_wait3A_426, %dma_wait3A_427] : memref<2x64x512xf32, #tpu.memory_space<vmem>> -> memref<1x64x512xf32, #tpu.memory_space<vmem>>
    %dma_wait3A_429 = tpu.memref_squeeze %dma_wait3A_428 : memref<1x64x512xf32, #tpu.memory_space<vmem>> -> memref<64x512xf32, #tpu.memory_space<vmem>>
    %dma_wait3A_430 = arith.constant 0 : i32
    %dma_wait3A_431 = tpu.memref_slice %arg5[%dma_wait3A_424, %dma_wait3A_425, %dma_wait3A_430] : memref<2x4x64xi32, #tpu.memory_space<vmem>> -> memref<1x1x64xi32, #tpu.memory_space<vmem>>
    %dma_wait3A_432 = tpu.memref_squeeze %dma_wait3A_431 : memref<1x1x64xi32, #tpu.memory_space<vmem>> -> memref<64xi32, #tpu.memory_space<vmem>>
    %dma_wait3A_433 = arith.constant 0 : i32
    %dma_wait3A_434 = arith.constant 0 : i32
    %dma_wait3A_435 = tpu.memref_slice %arg4[%dma_wait3A_433, %dma_wait3A_434] : memref<24576x512xf32, #tpu.memory_space<hbm>> -> memref<24576x512xf32, #tpu.memory_space<hbm>>
    tpu.wait_indirect_dma semaphore(%arg9 : memref<!tpu.dma_semaphore, #tpu.memory_space<semaphore_mem>>) src(%dma_wait3A_429 : memref<64x512xf32, #tpu.memory_space<vmem>>) dst(%dma_wait3A_435 : memref<24576x512xf32, #tpu.memory_space<hbm>>)
    %dma_wait3A_436 = arith.constant 1 : i32
    %dma_wait3A_437 = arith.constant 1 : i32
    %dma_wait3A_438 = arith.constant 1 : i32
    %dma_wait3A_439 = arith.constant 0 : i32
    %dma_wait3A_440 = arith.constant 0 : i32
    %dma_wait3A_441 = tpu.memref_slice %arg6[%dma_wait3A_436, %dma_wait3A_439, %dma_wait3A_440] : memref<2x64x512xf32, #tpu.memory_space<vmem>> -> memref<1x64x512xf32, #tpu.memory_space<vmem>>
    %dma_wait3A_442 = tpu.memref_squeeze %dma_wait3A_441 : memref<1x64x512xf32, #tpu.memory_space<vmem>> -> memref<64x512xf32, #tpu.memory_space<vmem>>
    %dma_wait3A_443 = arith.constant 0 : i32
    %dma_wait3A_444 = tpu.memref_slice %arg5[%dma_wait3A_437, %dma_wait3A_438, %dma_wait3A_443] : memref<2x4x64xi32, #tpu.memory_space<vmem>> -> memref<1x1x64xi32, #tpu.memory_space<vmem>>
    %dma_wait3A_445 = tpu.memref_squeeze %dma_wait3A_444 : memref<1x1x64xi32, #tpu.memory_space<vmem>> -> memref<64xi32, #tpu.memory_space<vmem>>
    %dma_wait3A_446 = arith.constant 0 : i32
    %dma_wait3A_447 = arith.constant 0 : i32
    %dma_wait3A_448 = tpu.memref_slice %arg4[%dma_wait3A_446, %dma_wait3A_447] : memref<24576x512xf32, #tpu.memory_space<hbm>> -> memref<24576x512xf32, #tpu.memory_space<hbm>>
    tpu.wait_indirect_dma semaphore(%arg9 : memref<!tpu.dma_semaphore, #tpu.memory_space<semaphore_mem>>) src(%dma_wait3A_442 : memref<64x512xf32, #tpu.memory_space<vmem>>) dst(%dma_wait3A_448 : memref<24576x512xf32, #tpu.memory_space<hbm>>)
    %dma_wait3A_449 = arith.constant 1 : i32
    %dma_wait3A_450 = arith.constant 1 : i32
    %dma_wait3A_451 = arith.constant 2 : i32
    %dma_wait3A_452 = arith.constant 0 : i32
    %dma_wait3A_453 = arith.constant 0 : i32
    %dma_wait3A_454 = tpu.memref_slice %arg6[%dma_wait3A_449, %dma_wait3A_452, %dma_wait3A_453] : memref<2x64x512xf32, #tpu.memory_space<vmem>> -> memref<1x64x512xf32, #tpu.memory_space<vmem>>
    %dma_wait3A_455 = tpu.memref_squeeze %dma_wait3A_454 : memref<1x64x512xf32, #tpu.memory_space<vmem>> -> memref<64x512xf32, #tpu.memory_space<vmem>>
    %dma_wait3A_456 = arith.constant 0 : i32
    %dma_wait3A_457 = tpu.memref_slice %arg5[%dma_wait3A_450, %dma_wait3A_451, %dma_wait3A_456] : memref<2x4x64xi32, #tpu.memory_space<vmem>> -> memref<1x1x64xi32, #tpu.memory_space<vmem>>
    %dma_wait3A_458 = tpu.memref_squeeze %dma_wait3A_457 : memref<1x1x64xi32, #tpu.memory_space<vmem>> -> memref<64xi32, #tpu.memory_space<vmem>>
    %dma_wait3A_459 = arith.constant 0 : i32
    %dma_wait3A_460 = arith.constant 0 : i32
    %dma_wait3A_461 = tpu.memref_slice %arg4[%dma_wait3A_459, %dma_wait3A_460] : memref<24576x512xf32, #tpu.memory_space<hbm>> -> memref<24576x512xf32, #tpu.memory_space<hbm>>
    tpu.wait_indirect_dma semaphore(%arg9 : memref<!tpu.dma_semaphore, #tpu.memory_space<semaphore_mem>>) src(%dma_wait3A_455 : memref<64x512xf32, #tpu.memory_space<vmem>>) dst(%dma_wait3A_461 : memref<24576x512xf32, #tpu.memory_space<hbm>>)
    %dma_wait3A_462 = arith.constant 1 : i32
    %dma_wait3A_463 = arith.constant 1 : i32
    %dma_wait3A_464 = arith.constant 3 : i32
    %dma_wait3A_465 = arith.constant 0 : i32
    %dma_wait3A_466 = arith.constant 0 : i32
    %dma_wait3A_467 = tpu.memref_slice %arg6[%dma_wait3A_462, %dma_wait3A_465, %dma_wait3A_466] : memref<2x64x512xf32, #tpu.memory_space<vmem>> -> memref<1x64x512xf32, #tpu.memory_space<vmem>>
    %dma_wait3A_468 = tpu.memref_squeeze %dma_wait3A_467 : memref<1x64x512xf32, #tpu.memory_space<vmem>> -> memref<64x512xf32, #tpu.memory_space<vmem>>
    %dma_wait3A_469 = arith.constant 0 : i32
    %dma_wait3A_470 = tpu.memref_slice %arg5[%dma_wait3A_463, %dma_wait3A_464, %dma_wait3A_469] : memref<2x4x64xi32, #tpu.memory_space<vmem>> -> memref<1x1x64xi32, #tpu.memory_space<vmem>>
    %dma_wait3A_471 = tpu.memref_squeeze %dma_wait3A_470 : memref<1x1x64xi32, #tpu.memory_space<vmem>> -> memref<64xi32, #tpu.memory_space<vmem>>
    %dma_wait3A_472 = arith.constant 0 : i32
    %dma_wait3A_473 = arith.constant 0 : i32
    %dma_wait3A_474 = tpu.memref_slice %arg4[%dma_wait3A_472, %dma_wait3A_473] : memref<24576x512xf32, #tpu.memory_space<hbm>> -> memref<24576x512xf32, #tpu.memory_space<hbm>>
    tpu.wait_indirect_dma semaphore(%arg9 : memref<!tpu.dma_semaphore, #tpu.memory_space<semaphore_mem>>) src(%dma_wait3A_468 : memref<64x512xf32, #tpu.memory_space<vmem>>) dst(%dma_wait3A_474 : memref<24576x512xf32, #tpu.memory_space<hbm>>)
    return
  }
}

module attributes {stable_mosaic.version = 14 : i64} {
  func.func @_prep_body(%arg0: i32, %arg1: memref<512x4xi32, #tpu.memory_space<vmem>>, %arg2: memref<8x128xf32, #tpu.memory_space<vmem>>, %arg3: memref<8x128xf32, #tpu.memory_space<vmem>>, %arg4: memref<8x128xf32, #tpu.memory_space<vmem>>, %arg5: memref<1x128xf32, #tpu.memory_space<vmem>>, %arg6: memref<128x512xf32, #tpu.memory_space<vmem>>, %arg7: memref<1x512xf32, #tpu.memory_space<vmem>>, %arg8: memref<512x16xf32, #tpu.memory_space<vmem>>, %arg9: memref<1x16xf32, #tpu.memory_space<vmem>>, %arg10: memref<512x512xf32, #tpu.memory_space<vmem>>, %arg11: memref<512x512xf32, #tpu.memory_space<vmem>>, %arg12: memref<512x512xf32, #tpu.memory_space<vmem>>, %arg13: memref<512x4xi32, #tpu.memory_space<vmem>>, %arg14: memref<512x4xf32, #tpu.memory_space<vmem>>, %arg15: memref<512x4xi32, #tpu.memory_space<vmem>>, %arg16: memref<4x512xi32, #tpu.memory_space<vmem>>, %arg17: memref<4x512xi32, #tpu.memory_space<vmem>>, %arg18: memref<16x128xf32, #tpu.memory_space<vmem>>, %arg19: memref<8x128xf32, #tpu.memory_space<vmem>>) attributes {dimension_semantics = [#tpu.dimension_semantics<arbitrary>], iteration_bounds = array<i64: 8>, scalar_prefetch = 0 : i64, scratch_operands = 1 : i64, tpu.core_type = #tpu.core_type<tc>, window_params = [{transform_indices = @transform_0, window_bounds = array<i64: 512, 4>}, {pipeline_mode = #tpu.pipeline_mode<synchronous>, transform_indices = @transform_1, window_bounds = array<i64: 8, 128>}, {pipeline_mode = #tpu.pipeline_mode<synchronous>, transform_indices = @transform_2, window_bounds = array<i64: 8, 128>}, {pipeline_mode = #tpu.pipeline_mode<synchronous>, transform_indices = @transform_3, window_bounds = array<i64: 8, 128>}, {pipeline_mode = #tpu.pipeline_mode<synchronous>, transform_indices = @transform_4, window_bounds = array<i64: 1, 128>}, {pipeline_mode = #tpu.pipeline_mode<synchronous>, transform_indices = @transform_5, window_bounds = array<i64: 128, 512>}, {pipeline_mode = #tpu.pipeline_mode<synchronous>, transform_indices = @transform_6, window_bounds = array<i64: 1, 512>}, {pipeline_mode = #tpu.pipeline_mode<synchronous>, transform_indices = @transform_7, window_bounds = array<i64: 512, 16>}, {pipeline_mode = #tpu.pipeline_mode<synchronous>, transform_indices = @transform_8, window_bounds = array<i64: 1, 16>}, {pipeline_mode = #tpu.pipeline_mode<synchronous>, transform_indices = @transform_9, window_bounds = array<i64: 512, 512>}, {pipeline_mode = #tpu.pipeline_mode<synchronous>, transform_indices = @transform_10, window_bounds = array<i64: 512, 512>}, {transform_indices = @transform_11, window_bounds = array<i64: 512, 512>}, {transform_indices = @transform_12, window_bounds = array<i64: 512, 4>}, {transform_indices = @transform_13, window_bounds = array<i64: 512, 4>}, {transform_indices = @transform_14, window_bounds = array<i64: 512, 4>}, {transform_indices = @transform_15, window_bounds = array<i64: 4, 512>}, {transform_indices = @transform_16, window_bounds = array<i64: 4, 512>}, {pipeline_mode = #tpu.pipeline_mode<synchronous>, transform_indices = @transform_17, window_bounds = array<i64: 16, 128>}]} {
    %get3A = arith.constant 0 : index
    %get3A_0 = arith.constant 0 : index
    %get3A_1 = vector.load %arg1[%get3A, %get3A_0] : memref<512x4xi32, #tpu.memory_space<vmem>>, vector<512x4xi32>
    %slice3A = vector.extract_strided_slice %get3A_1 {offsets = [0, 0], sizes = [512, 1], strides = [1, 1]} : vector<512x4xi32> to vector<512x1xi32>
    %slice3A_2 = vector.extract_strided_slice %get3A_1 {offsets = [0, 1], sizes = [512, 1], strides = [1, 1]} : vector<512x4xi32> to vector<512x1xi32>
    %slice3A_3 = vector.extract_strided_slice %get3A_1 {offsets = [0, 2], sizes = [512, 1], strides = [1, 1]} : vector<512x4xi32> to vector<512x1xi32>
    %slice3A_4 = vector.extract_strided_slice %get3A_1 {offsets = [0, 3], sizes = [512, 1], strides = [1, 1]} : vector<512x4xi32> to vector<512x1xi32>
    %eq3A = arith.constant 0 : i32
    %eq3A_5 = arith.cmpi eq, %arg0, %eq3A : i32
    %convert_element_type3A = arith.extui %eq3A_5 : i1 to i32
    %cond3A = arith.constant 0 : i32
    %cond3A_6 = arith.cmpi ne, %convert_element_type3A, %cond3A : i32
    scf.if %cond3A_6 {
      %broadcast_in_dim3A_252 = arith.constant 0.000000e+00 : f32
      %broadcast_in_dim3A_253 = vector.broadcast %broadcast_in_dim3A_252 : f32 to vector<16x128xf32>
      %swap3A_254 = arith.constant 0 : index
      %swap3A_255 = arith.constant 0 : index
      %swap3A_256 = vector.load %arg18[%swap3A_254, %swap3A_255] : memref<16x128xf32, #tpu.memory_space<vmem>>, vector<16x128xf32>
      tpu.vector_store %arg18[%swap3A_254, %swap3A_255], %broadcast_in_dim3A_253 {strides = array<i32>} : memref<16x128xf32, #tpu.memory_space<vmem>>, vector<16x128xf32>,
      %broadcast_in_dim3A_257 = arith.constant 0.000000e+00 : f32
      %broadcast_in_dim3A_258 = vector.broadcast %broadcast_in_dim3A_257 : f32 to vector<8x128xf32>
      %swap3A_259 = arith.constant 0 : index
      %swap3A_260 = arith.constant 0 : index
      %swap3A_261 = vector.load %arg19[%swap3A_259, %swap3A_260] : memref<8x128xf32, #tpu.memory_space<vmem>>, vector<8x128xf32>
      tpu.vector_store %arg19[%swap3A_259, %swap3A_260], %broadcast_in_dim3A_258 {strides = array<i32>} : memref<8x128xf32, #tpu.memory_space<vmem>>, vector<8x128xf32>,
    } else {
    }
    %broadcast_in_dim3A = arith.constant 1.000000e+00 : f32
    %broadcast_in_dim3A_7 = vector.broadcast %broadcast_in_dim3A : f32 to vector<16x1xf32>
    %iota3A = tpu.iota {dimensions = array<i32: 1>} : vector<1x8xi32>
    %eq3A_8 = vector.broadcast %slice3A : vector<512x1xi32> to vector<512x8xi32>
    %eq3A_9 = vector.broadcast %iota3A : vector<1x8xi32> to vector<512x8xi32>
    %eq3A_10 = arith.cmpi eq, %eq3A_8, %eq3A_9 : vector<512x8xi32>
    %convert_element_type3A_11 = arith.extui %eq3A_10 : vector<512x8xi1> to vector<512x8xi32>
    %convert_element_type3A_12 = arith.sitofp %convert_element_type3A_11 : vector<512x8xi32> to vector<512x8xf32>
    %iota3A_13 = tpu.iota {dimensions = array<i32: 1>} : vector<1x8xi32>
    %shift_right_logical3A = vector.broadcast %slice3A_2 : vector<512x1xi32> to vector<512x8xi32>
    %shift_right_logical3A_14 = vector.broadcast %iota3A_13 : vector<1x8xi32> to vector<512x8xi32>
    %shift_right_logical3A_15 = arith.shrui %shift_right_logical3A, %shift_right_logical3A_14 : vector<512x8xi32>
    %and3A = arith.constant 1 : i32
    %and3A_16 = vector.broadcast %and3A : i32 to vector<512x8xi32>
    %and3A_17 = arith.andi %shift_right_logical3A_15, %and3A_16 : vector<512x8xi32>
    %convert_element_type3A_18 = arith.sitofp %and3A_17 : vector<512x8xi32> to vector<512x8xf32>
    %shift_right_logical3A_19 = vector.broadcast %slice3A_3 : vector<512x1xi32> to vector<512x8xi32>
    %shift_right_logical3A_20 = vector.broadcast %iota3A_13 : vector<1x8xi32> to vector<512x8xi32>
    %shift_right_logical3A_21 = arith.shrui %shift_right_logical3A_19, %shift_right_logical3A_20 : vector<512x8xi32>
    %and3A_22 = arith.constant 1 : i32
    %and3A_23 = vector.broadcast %and3A_22 : i32 to vector<512x8xi32>
    %and3A_24 = arith.andi %shift_right_logical3A_21, %and3A_23 : vector<512x8xi32>
    %convert_element_type3A_25 = arith.sitofp %and3A_24 : vector<512x8xi32> to vector<512x8xf32>
    %get3A_26 = arith.constant 0 : index
    %get3A_27 = arith.constant 0 : index
    %get3A_28 = vector.load %arg2[%get3A_26, %get3A_27] : memref<8x128xf32, #tpu.memory_space<vmem>>, vector<8x128xf32>
    %dot_general3A = arith.constant dense<0.000000e+00> : vector<512x128xf32>
    %dot_general3A_29 = tpu.matmul %convert_element_type3A_12, %get3A_28, %dot_general3A {dimension_numbers = #tpu.dot_dimension_numbers<[1], [0], [0], [1], [0, 0, 1, 1], [], []>, transpose_lhs_hint = false} : vector<512x8xf32>, vector<8x128xf32>, vector<512x128xf32> -> vector<512x128xf32>
    %get3A_30 = arith.constant 0 : index
    %get3A_31 = arith.constant 0 : index
    %get3A_32 = vector.load %arg3[%get3A_30, %get3A_31] : memref<8x128xf32, #tpu.memory_space<vmem>>, vector<8x128xf32>
    %dot_general3A_33 = arith.constant dense<0.000000e+00> : vector<512x128xf32>
    %dot_general3A_34 = tpu.matmul %convert_element_type3A_18, %get3A_32, %dot_general3A_33 {dimension_numbers = #tpu.dot_dimension_numbers<[1], [0], [0], [1], [0, 0, 1, 1], [], []>, transpose_lhs_hint = false} : vector<512x8xf32>, vector<8x128xf32>, vector<512x128xf32> -> vector<512x128xf32>
    %add3A = arith.addf %dot_general3A_29, %dot_general3A_34 : vector<512x128xf32>
    %get3A_35 = arith.constant 0 : index
    %get3A_36 = arith.constant 0 : index
    %get3A_37 = vector.load %arg4[%get3A_35, %get3A_36] : memref<8x128xf32, #tpu.memory_space<vmem>>, vector<8x128xf32>
    %dot_general3A_38 = arith.constant dense<0.000000e+00> : vector<512x128xf32>
    %dot_general3A_39 = tpu.matmul %convert_element_type3A_25, %get3A_37, %dot_general3A_38 {dimension_numbers = #tpu.dot_dimension_numbers<[1], [0], [0], [1], [0, 0, 1, 1], [], []>, transpose_lhs_hint = false} : vector<512x8xf32>, vector<8x128xf32>, vector<512x128xf32> -> vector<512x128xf32>
    %add3A_40 = arith.addf %add3A, %dot_general3A_39 : vector<512x128xf32>
    %convert_element_type3A_41 = arith.sitofp %slice3A_4 : vector<512x1xi32> to vector<512x1xf32>
    %get3A_42 = arith.constant 0 : index
    %get3A_43 = arith.constant 0 : index
    %get3A_44 = vector.load %arg5[%get3A_42, %get3A_43] : memref<1x128xf32, #tpu.memory_space<vmem>>, vector<1x128xf32>
    %dot_general3A_45 = arith.constant dense<0.000000e+00> : vector<512x128xf32>
    %dot_general3A_46 = tpu.matmul %convert_element_type3A_41, %get3A_44, %dot_general3A_45 {dimension_numbers = #tpu.dot_dimension_numbers<[1], [0], [0], [1], [0, 0, 1, 1], [], []>, transpose_lhs_hint = false} : vector<512x1xf32>, vector<1x128xf32>, vector<512x128xf32> -> vector<512x128xf32>
    %add3A_47 = arith.addf %add3A_40, %dot_general3A_46 : vector<512x128xf32>
    %get3A_48 = arith.constant 0 : index
    %get3A_49 = arith.constant 0 : index
    %get3A_50 = vector.load %arg6[%get3A_48, %get3A_49] : memref<128x512xf32, #tpu.memory_space<vmem>>, vector<128x512xf32>
    %dot_general3A_51 = arith.constant dense<0.000000e+00> : vector<512x512xf32>
    %dot_general3A_52 = tpu.matmul %add3A_47, %get3A_50, %dot_general3A_51 {dimension_numbers = #tpu.dot_dimension_numbers<[1], [0], [0], [1], [0, 0, 1, 1], [], []>, transpose_lhs_hint = false} : vector<512x128xf32>, vector<128x512xf32>, vector<512x512xf32> -> vector<512x512xf32>
    %get3A_53 = arith.constant 0 : index
    %get3A_54 = arith.constant 0 : index
    %get3A_55 = vector.load %arg7[%get3A_53, %get3A_54] : memref<1x512xf32, #tpu.memory_space<vmem>>, vector<1x512xf32>
    %add3A_56 = vector.broadcast %get3A_55 : vector<1x512xf32> to vector<512x512xf32>
    %add3A_57 = arith.addf %dot_general3A_52, %add3A_56 : vector<512x512xf32>
    %swap3A = arith.constant 0 : index
    %swap3A_58 = arith.constant 0 : index
    %swap3A_59 = vector.load %arg12[%swap3A, %swap3A_58] : memref<512x512xf32, #tpu.memory_space<vmem>>, vector<512x512xf32>
    tpu.vector_store %arg12[%swap3A, %swap3A_58], %add3A_57 {strides = array<i32>} : memref<512x512xf32, #tpu.memory_space<vmem>>, vector<512x512xf32>,
    %get3A_60 = arith.constant 0 : index
    %get3A_61 = arith.constant 0 : index
    %get3A_62 = vector.load %arg8[%get3A_60, %get3A_61] : memref<512x16xf32, #tpu.memory_space<vmem>>, vector<512x16xf32>
    %dot_general3A_63 = arith.constant dense<0.000000e+00> : vector<512x16xf32>
    %dot_general3A_64 = tpu.matmul %add3A_57, %get3A_62, %dot_general3A_63 {dimension_numbers = #tpu.dot_dimension_numbers<[1], [0], [0], [1], [0, 0, 1, 1], [], []>, transpose_lhs_hint = false} : vector<512x512xf32>, vector<512x16xf32>, vector<512x16xf32> -> vector<512x16xf32>
    %get3A_65 = arith.constant 0 : index
    %get3A_66 = arith.constant 0 : index
    %get3A_67 = vector.load %arg9[%get3A_65, %get3A_66] : memref<1x16xf32, #tpu.memory_space<vmem>>, vector<1x16xf32>
    %add3A_68 = vector.broadcast %get3A_67 : vector<1x16xf32> to vector<512x16xf32>
    %add3A_69 = arith.addf %dot_general3A_64, %add3A_68 : vector<512x16xf32>
    %reduce_max3A = arith.constant dense<0xFF800000> : vector<512xf32>
    %reduce_max3A_70 = vector.multi_reduction <maximumf>, %add3A_69, %reduce_max3A [1] : vector<512x16xf32> to vector<512xf32>
    %broadcast_in_dim3A_71 = vector.shape_cast %reduce_max3A_70 : vector<512xf32> to vector<512x1xf32>
    %sub3A = vector.broadcast %broadcast_in_dim3A_71 : vector<512x1xf32> to vector<512x16xf32>
    %sub3A_72 = arith.subf %add3A_69, %sub3A : vector<512x16xf32>
    %exp3A = math.exp %sub3A_72 : vector<512x16xf32>
    %dot_general3A_73 = arith.constant dense<0.000000e+00> : vector<512x1xf32>
    %dot_general3A_74 = tpu.matmul %exp3A, %broadcast_in_dim3A_7, %dot_general3A_73 {dimension_numbers = #tpu.dot_dimension_numbers<[1], [0], [0], [1], [0, 0, 1, 1], [], []>, transpose_lhs_hint = false} : vector<512x16xf32>, vector<16x1xf32>, vector<512x1xf32> -> vector<512x1xf32>
    %div3A = vector.broadcast %dot_general3A_74 : vector<512x1xf32> to vector<512x16xf32>
    %div3A_75 = arith.divf %exp3A, %div3A : vector<512x16xf32>
    %iota3A_76 = tpu.iota {dimensions = array<i32: 1>} : vector<512x16xi32>
    %reduce_max3A_77 = arith.constant dense<0xFF800000> : vector<512xf32>
    %reduce_max3A_78 = vector.multi_reduction <maximumf>, %div3A_75, %reduce_max3A_77 [1] : vector<512x16xf32> to vector<512xf32>
    %broadcast_in_dim3A_79 = vector.shape_cast %reduce_max3A_78 : vector<512xf32> to vector<512x1xf32>
    %eq3A_80 = vector.broadcast %broadcast_in_dim3A_79 : vector<512x1xf32> to vector<512x16xf32>
    %eq3A_81 = arith.cmpf oeq, %div3A_75, %eq3A_80 : vector<512x16xf32>
    %jit3A = arith.constant 16 : i32
    %broadcast_in_dim3A_82 = vector.broadcast %jit3A : i32 to vector<512x16xi32>
    %select_n3A = arith.select %eq3A_81, %iota3A_76, %broadcast_in_dim3A_82 : vector<512x16xi1>, vector<512x16xi32>
    %reduce_min3A = arith.constant dense<2147483647> : vector<512xi32>
    %reduce_min3A_83 = vector.multi_reduction <minsi>, %select_n3A, %reduce_min3A [1] : vector<512x16xi32> to vector<512xi32>
    %broadcast_in_dim3A_84 = vector.shape_cast %reduce_min3A_83 : vector<512xi32> to vector<512x1xi32>
    %eq3A_85 = vector.broadcast %broadcast_in_dim3A_84 : vector<512x1xi32> to vector<512x16xi32>
    %eq3A_86 = arith.cmpi eq, %iota3A_76, %eq3A_85 : vector<512x16xi32>
    %jit3A_87 = arith.constant -3.000000e+38 : f32
    %broadcast_in_dim3A_88 = vector.broadcast %jit3A_87 : f32 to vector<512x16xf32>
    %select_n3A_89 = arith.select %eq3A_86, %broadcast_in_dim3A_88, %div3A_75 : vector<512x16xi1>, vector<512x16xf32>
    %reduce_max3A_90 = arith.constant dense<0xFF800000> : vector<512xf32>
    %reduce_max3A_91 = vector.multi_reduction <maximumf>, %select_n3A_89, %reduce_max3A_90 [1] : vector<512x16xf32> to vector<512xf32>
    %broadcast_in_dim3A_92 = vector.shape_cast %reduce_max3A_91 : vector<512xf32> to vector<512x1xf32>
    %eq3A_93 = vector.broadcast %broadcast_in_dim3A_92 : vector<512x1xf32> to vector<512x16xf32>
    %eq3A_94 = arith.cmpf oeq, %select_n3A_89, %eq3A_93 : vector<512x16xf32>
    %jit3A_95 = arith.constant 16 : i32
    %broadcast_in_dim3A_96 = vector.broadcast %jit3A_95 : i32 to vector<512x16xi32>
    %select_n3A_97 = arith.select %eq3A_94, %iota3A_76, %broadcast_in_dim3A_96 : vector<512x16xi1>, vector<512x16xi32>
    %reduce_min3A_98 = arith.constant dense<2147483647> : vector<512xi32>
    %reduce_min3A_99 = vector.multi_reduction <minsi>, %select_n3A_97, %reduce_min3A_98 [1] : vector<512x16xi32> to vector<512xi32>
    %broadcast_in_dim3A_100 = vector.shape_cast %reduce_min3A_99 : vector<512xi32> to vector<512x1xi32>
    %eq3A_101 = vector.broadcast %broadcast_in_dim3A_100 : vector<512x1xi32> to vector<512x16xi32>
    %eq3A_102 = arith.cmpi eq, %iota3A_76, %eq3A_101 : vector<512x16xi32>
    %jit3A_103 = arith.constant -3.000000e+38 : f32
    %broadcast_in_dim3A_104 = vector.broadcast %jit3A_103 : f32 to vector<512x16xf32>
    %select_n3A_105 = arith.select %eq3A_102, %broadcast_in_dim3A_104, %select_n3A_89 : vector<512x16xi1>, vector<512x16xf32>
    %reduce_max3A_106 = arith.constant dense<0xFF800000> : vector<512xf32>
    %reduce_max3A_107 = vector.multi_reduction <maximumf>, %select_n3A_105, %reduce_max3A_106 [1] : vector<512x16xf32> to vector<512xf32>
    %broadcast_in_dim3A_108 = vector.shape_cast %reduce_max3A_107 : vector<512xf32> to vector<512x1xf32>
    %eq3A_109 = vector.broadcast %broadcast_in_dim3A_108 : vector<512x1xf32> to vector<512x16xf32>
    %eq3A_110 = arith.cmpf oeq, %select_n3A_105, %eq3A_109 : vector<512x16xf32>
    %jit3A_111 = arith.constant 16 : i32
    %broadcast_in_dim3A_112 = vector.broadcast %jit3A_111 : i32 to vector<512x16xi32>
    %select_n3A_113 = arith.select %eq3A_110, %iota3A_76, %broadcast_in_dim3A_112 : vector<512x16xi1>, vector<512x16xi32>
    %reduce_min3A_114 = arith.constant dense<2147483647> : vector<512xi32>
    %reduce_min3A_115 = vector.multi_reduction <minsi>, %select_n3A_113, %reduce_min3A_114 [1] : vector<512x16xi32> to vector<512xi32>
    %broadcast_in_dim3A_116 = vector.shape_cast %reduce_min3A_115 : vector<512xi32> to vector<512x1xi32>
    %eq3A_117 = vector.broadcast %broadcast_in_dim3A_116 : vector<512x1xi32> to vector<512x16xi32>
    %eq3A_118 = arith.cmpi eq, %iota3A_76, %eq3A_117 : vector<512x16xi32>
    %jit3A_119 = arith.constant -3.000000e+38 : f32
    %broadcast_in_dim3A_120 = vector.broadcast %jit3A_119 : f32 to vector<512x16xf32>
    %select_n3A_121 = arith.select %eq3A_118, %broadcast_in_dim3A_120, %select_n3A_105 : vector<512x16xi1>, vector<512x16xf32>
    %reduce_max3A_122 = arith.constant dense<0xFF800000> : vector<512xf32>
    %reduce_max3A_123 = vector.multi_reduction <maximumf>, %select_n3A_121, %reduce_max3A_122 [1] : vector<512x16xf32> to vector<512xf32>
    %broadcast_in_dim3A_124 = vector.shape_cast %reduce_max3A_123 : vector<512xf32> to vector<512x1xf32>
    %eq3A_125 = vector.broadcast %broadcast_in_dim3A_124 : vector<512x1xf32> to vector<512x16xf32>
    %eq3A_126 = arith.cmpf oeq, %select_n3A_121, %eq3A_125 : vector<512x16xf32>
    %jit3A_127 = arith.constant 16 : i32
    %broadcast_in_dim3A_128 = vector.broadcast %jit3A_127 : i32 to vector<512x16xi32>
    %select_n3A_129 = arith.select %eq3A_126, %iota3A_76, %broadcast_in_dim3A_128 : vector<512x16xi1>, vector<512x16xi32>
    %reduce_min3A_130 = arith.constant dense<2147483647> : vector<512xi32>
    %reduce_min3A_131 = vector.multi_reduction <minsi>, %select_n3A_129, %reduce_min3A_130 [1] : vector<512x16xi32> to vector<512xi32>
    %broadcast_in_dim3A_132 = vector.shape_cast %reduce_min3A_131 : vector<512xi32> to vector<512x1xi32>
    %concatenate3A = tpu.concatenate %broadcast_in_dim3A_84, %broadcast_in_dim3A_100, %broadcast_in_dim3A_116, %broadcast_in_dim3A_132 in 1 : vector<512x1xi32>, vector<512x1xi32>, vector<512x1xi32>, vector<512x1xi32> -> vector<512x4xi32>
    %concatenate3A_133 = tpu.concatenate %broadcast_in_dim3A_79, %broadcast_in_dim3A_92, %broadcast_in_dim3A_108, %broadcast_in_dim3A_124 in 1 : vector<512x1xf32>, vector<512x1xf32>, vector<512x1xf32>, vector<512x1xf32> -> vector<512x4xf32>
    %broadcast_in_dim3A_134 = arith.constant 1.000000e+00 : f32
    %broadcast_in_dim3A_135 = vector.broadcast %broadcast_in_dim3A_134 : f32 to vector<4x1xf32>
    %dot_general3A_136 = arith.constant dense<0.000000e+00> : vector<512x1xf32>
    %dot_general3A_137 = tpu.matmul %concatenate3A_133, %broadcast_in_dim3A_135, %dot_general3A_136 {dimension_numbers = #tpu.dot_dimension_numbers<[1], [0], [0], [1], [0, 0, 1, 1], [], []>, transpose_lhs_hint = false} : vector<512x4xf32>, vector<4x1xf32>, vector<512x1xf32> -> vector<512x1xf32>
    %div3A_138 = vector.broadcast %dot_general3A_137 : vector<512x1xf32> to vector<512x4xf32>
    %div3A_139 = arith.divf %concatenate3A_133, %div3A_138 : vector<512x4xf32>
    %swap3A_140 = arith.constant 0 : index
    %swap3A_141 = arith.constant 0 : index
    %swap3A_142 = vector.load %arg13[%swap3A_140, %swap3A_141] : memref<512x4xi32, #tpu.memory_space<vmem>>, vector<512x4xi32>
    tpu.vector_store %arg13[%swap3A_140, %swap3A_141], %concatenate3A {strides = array<i32>} : memref<512x4xi32, #tpu.memory_space<vmem>>, vector<512x4xi32>,
    %swap3A_143 = arith.constant 0 : index
    %swap3A_144 = arith.constant 0 : index
    %swap3A_145 = vector.load %arg14[%swap3A_143, %swap3A_144] : memref<512x4xf32, #tpu.memory_space<vmem>>, vector<512x4xf32>
    tpu.vector_store %arg14[%swap3A_143, %swap3A_144], %div3A_139 {strides = array<i32>} : memref<512x4xf32, #tpu.memory_space<vmem>>, vector<512x4xf32>,
    %slice3A_146 = vector.extract_strided_slice %concatenate3A {offsets = [0, 0], sizes = [512, 1], strides = [1, 1]} : vector<512x4xi32> to vector<512x1xi32>
    %eq3A_147 = vector.broadcast %slice3A_146 : vector<512x1xi32> to vector<512x16xi32>
    %eq3A_148 = arith.cmpi eq, %iota3A_76, %eq3A_147 : vector<512x16xi32>
    %convert_element_type3A_149 = arith.extui %eq3A_148 : vector<512x16xi1> to vector<512x16xi32>
    %convert_element_type3A_150 = arith.sitofp %convert_element_type3A_149 : vector<512x16xi32> to vector<512x16xf32>
    %slice3A_151 = vector.extract_strided_slice %concatenate3A {offsets = [0, 1], sizes = [512, 1], strides = [1, 1]} : vector<512x4xi32> to vector<512x1xi32>
    %eq3A_152 = vector.broadcast %slice3A_151 : vector<512x1xi32> to vector<512x16xi32>
    %eq3A_153 = arith.cmpi eq, %iota3A_76, %eq3A_152 : vector<512x16xi32>
    %convert_element_type3A_154 = arith.extui %eq3A_153 : vector<512x16xi1> to vector<512x16xi32>
    %convert_element_type3A_155 = arith.sitofp %convert_element_type3A_154 : vector<512x16xi32> to vector<512x16xf32>
    %slice3A_156 = vector.extract_strided_slice %concatenate3A {offsets = [0, 2], sizes = [512, 1], strides = [1, 1]} : vector<512x4xi32> to vector<512x1xi32>
    %eq3A_157 = vector.broadcast %slice3A_156 : vector<512x1xi32> to vector<512x16xi32>
    %eq3A_158 = arith.cmpi eq, %iota3A_76, %eq3A_157 : vector<512x16xi32>
    %convert_element_type3A_159 = arith.extui %eq3A_158 : vector<512x16xi1> to vector<512x16xi32>
    %convert_element_type3A_160 = arith.sitofp %convert_element_type3A_159 : vector<512x16xi32> to vector<512x16xf32>
    %slice3A_161 = vector.extract_strided_slice %concatenate3A {offsets = [0, 3], sizes = [512, 1], strides = [1, 1]} : vector<512x4xi32> to vector<512x1xi32>
    %eq3A_162 = vector.broadcast %slice3A_161 : vector<512x1xi32> to vector<512x16xi32>
    %eq3A_163 = arith.cmpi eq, %iota3A_76, %eq3A_162 : vector<512x16xi32>
    %convert_element_type3A_164 = arith.extui %eq3A_163 : vector<512x16xi1> to vector<512x16xi32>
    %convert_element_type3A_165 = arith.sitofp %convert_element_type3A_164 : vector<512x16xi32> to vector<512x16xf32>
    %add3A_166 = arith.addf %convert_element_type3A_150, %convert_element_type3A_155 : vector<512x16xf32>
    %add3A_167 = arith.addf %add3A_166, %convert_element_type3A_160 : vector<512x16xf32>
    %add3A_168 = arith.addf %add3A_167, %convert_element_type3A_165 : vector<512x16xf32>
    %get3A_169 = arith.constant 0 : index
    %get3A_170 = arith.constant 0 : index
    %get3A_171 = vector.load %arg10[%get3A_169, %get3A_170] : memref<512x512xf32, #tpu.memory_space<vmem>>, vector<512x512xf32>
    %dot_general3A_172 = arith.constant dense<0.000000e+00> : vector<512x16xf32>
    %dot_general3A_173 = tpu.matmul %get3A_171, %add3A_168, %dot_general3A_172 {dimension_numbers = #tpu.dot_dimension_numbers<[1], [0], [0], [1], [0, 0, 1, 1], [], []>, transpose_lhs_hint = false} : vector<512x512xf32>, vector<512x16xf32>, vector<512x16xf32> -> vector<512x16xf32>
    %get3A_174 = arith.constant 0 : index
    %get3A_175 = arith.constant 0 : index
    %get3A_176 = vector.load %arg19[%get3A_174, %get3A_175] : memref<8x128xf32, #tpu.memory_space<vmem>>, vector<1x16xf32>
    %add3A_177 = vector.broadcast %get3A_176 : vector<1x16xf32> to vector<512x16xf32>
    %add3A_178 = arith.addf %dot_general3A_173, %add3A_177 : vector<512x16xf32>
    %broadcast_in_dim3A_179 = arith.constant 0.000000e+00 : f32
    %broadcast_in_dim3A_180 = vector.broadcast %broadcast_in_dim3A_179 : f32 to vector<512x16xf32>
    %add3A_181 = arith.addf %add3A_178, %broadcast_in_dim3A_180 : vector<512x16xf32>
    %mul3A = arith.mulf %convert_element_type3A_150, %add3A_181 : vector<512x16xf32>
    %dot_general3A_182 = arith.constant dense<0.000000e+00> : vector<512x1xf32>
    %dot_general3A_183 = tpu.matmul %mul3A, %broadcast_in_dim3A_7, %dot_general3A_182 {dimension_numbers = #tpu.dot_dimension_numbers<[1], [0], [0], [1], [0, 0, 1, 1], [], []>, transpose_lhs_hint = false} : vector<512x16xf32>, vector<16x1xf32>, vector<512x1xf32> -> vector<512x1xf32>
    %add3A_184 = arith.addf %broadcast_in_dim3A_180, %convert_element_type3A_150 : vector<512x16xf32>
    %add3A_185 = arith.addf %add3A_178, %add3A_184 : vector<512x16xf32>
    %mul3A_186 = arith.mulf %convert_element_type3A_155, %add3A_185 : vector<512x16xf32>
    %dot_general3A_187 = arith.constant dense<0.000000e+00> : vector<512x1xf32>
    %dot_general3A_188 = tpu.matmul %mul3A_186, %broadcast_in_dim3A_7, %dot_general3A_187 {dimension_numbers = #tpu.dot_dimension_numbers<[1], [0], [0], [1], [0, 0, 1, 1], [], []>, transpose_lhs_hint = false} : vector<512x16xf32>, vector<16x1xf32>, vector<512x1xf32> -> vector<512x1xf32>
    %add3A_189 = arith.addf %add3A_184, %convert_element_type3A_155 : vector<512x16xf32>
    %add3A_190 = arith.addf %add3A_178, %add3A_189 : vector<512x16xf32>
    %mul3A_191 = arith.mulf %convert_element_type3A_160, %add3A_190 : vector<512x16xf32>
    %dot_general3A_192 = arith.constant dense<0.000000e+00> : vector<512x1xf32>
    %dot_general3A_193 = tpu.matmul %mul3A_191, %broadcast_in_dim3A_7, %dot_general3A_192 {dimension_numbers = #tpu.dot_dimension_numbers<[1], [0], [0], [1], [0, 0, 1, 1], [], []>, transpose_lhs_hint = false} : vector<512x16xf32>, vector<16x1xf32>, vector<512x1xf32> -> vector<512x1xf32>
    %add3A_194 = arith.addf %add3A_189, %convert_element_type3A_160 : vector<512x16xf32>
    %add3A_195 = arith.addf %add3A_178, %add3A_194 : vector<512x16xf32>
    %mul3A_196 = arith.mulf %convert_element_type3A_165, %add3A_195 : vector<512x16xf32>
    %dot_general3A_197 = arith.constant dense<0.000000e+00> : vector<512x1xf32>
    %dot_general3A_198 = tpu.matmul %mul3A_196, %broadcast_in_dim3A_7, %dot_general3A_197 {dimension_numbers = #tpu.dot_dimension_numbers<[1], [0], [0], [1], [0, 0, 1, 1], [], []>, transpose_lhs_hint = false} : vector<512x16xf32>, vector<16x1xf32>, vector<512x1xf32> -> vector<512x1xf32>
    %concatenate3A_199 = tpu.concatenate %dot_general3A_183, %dot_general3A_188, %dot_general3A_193, %dot_general3A_198 in 1 : vector<512x1xf32>, vector<512x1xf32>, vector<512x1xf32>, vector<512x1xf32> -> vector<512x4xf32>
    %convert_element_type3A_200 = arith.fptosi %concatenate3A_199 : vector<512x4xf32> to vector<512x4xi32>
    %swap3A_201 = arith.constant 0 : index
    %swap3A_202 = arith.constant 0 : index
    %swap3A_203 = vector.load %arg15[%swap3A_201, %swap3A_202] : memref<512x4xi32, #tpu.memory_space<vmem>>, vector<512x4xi32>
    tpu.vector_store %arg15[%swap3A_201, %swap3A_202], %convert_element_type3A_200 {strides = array<i32>} : memref<512x4xi32, #tpu.memory_space<vmem>>, vector<512x4xi32>,
    %get3A_204 = arith.constant 0 : index
    %get3A_205 = arith.constant 0 : index
    %get3A_206 = vector.load %arg19[%get3A_204, %get3A_205] : memref<8x128xf32, #tpu.memory_space<vmem>>, vector<1x16xf32>
    %reduce_sum3A = arith.constant dense<0.000000e+00> : vector<16xf32>
    %reduce_sum3A_207 = vector.multi_reduction <add>, %add3A_168, %reduce_sum3A [0] : vector<512x16xf32> to vector<16xf32>
    %broadcast_in_dim3A_208 = vector.shape_cast %reduce_sum3A_207 : vector<16xf32> to vector<1x16xf32>
    %add3A_209 = arith.addf %get3A_206, %broadcast_in_dim3A_208 : vector<1x16xf32>
    %swap3A_210 = arith.constant 0 : index
    %swap3A_211 = arith.constant 0 : index
    %swap3A_212 = vector.load %arg19[%swap3A_210, %swap3A_211] : memref<8x128xf32, #tpu.memory_space<vmem>>, vector<1x16xf32>
    tpu.vector_store %arg19[%swap3A_210, %swap3A_211], %add3A_209 {strides = array<i32>} : memref<8x128xf32, #tpu.memory_space<vmem>>, vector<1x16xf32>,
    %convert_element_type3A_213 = arith.sitofp %concatenate3A : vector<512x4xi32> to vector<512x4xf32>
    %get3A_214 = arith.constant 0 : index
    %get3A_215 = arith.constant 0 : index
    %get3A_216 = vector.load %arg11[%get3A_214, %get3A_215] : memref<512x512xf32, #tpu.memory_space<vmem>>, vector<512x512xf32>
    %dot_general3A_217 = arith.constant dense<0.000000e+00> : vector<4x512xf32>
    %dot_general3A_218 = tpu.matmul %convert_element_type3A_213, %get3A_216, %dot_general3A_217 {dimension_numbers = #tpu.dot_dimension_numbers<[0], [0], [1], [1], [0, 1, 1, 1], [], []>, transpose_lhs_hint = false} : vector<512x4xf32>, vector<512x512xf32>, vector<4x512xf32> -> vector<4x512xf32>
    %convert_element_type3A_219 = arith.fptosi %dot_general3A_218 : vector<4x512xf32> to vector<4x512xi32>
    %swap3A_220 = arith.constant 0 : index
    %swap3A_221 = arith.constant 0 : index
    %swap3A_222 = vector.load %arg16[%swap3A_220, %swap3A_221] : memref<4x512xi32, #tpu.memory_space<vmem>>, vector<4x512xi32>
    tpu.vector_store %arg16[%swap3A_220, %swap3A_221], %convert_element_type3A_219 {strides = array<i32>} : memref<4x512xi32, #tpu.memory_space<vmem>>, vector<4x512xi32>,
    %get3A_223 = arith.constant 0 : index
    %get3A_224 = arith.constant 0 : index
    %get3A_225 = vector.load %arg11[%get3A_223, %get3A_224] : memref<512x512xf32, #tpu.memory_space<vmem>>, vector<512x512xf32>
    %dot_general3A_226 = arith.constant dense<0.000000e+00> : vector<4x512xf32>
    %dot_general3A_227 = tpu.matmul %concatenate3A_199, %get3A_225, %dot_general3A_226 {dimension_numbers = #tpu.dot_dimension_numbers<[0], [0], [1], [1], [0, 1, 1, 1], [], []>, transpose_lhs_hint = false} : vector<512x4xf32>, vector<512x512xf32>, vector<4x512xf32> -> vector<4x512xf32>
    %convert_element_type3A_228 = arith.fptosi %dot_general3A_227 : vector<4x512xf32> to vector<4x512xi32>
    %swap3A_229 = arith.constant 0 : index
    %swap3A_230 = arith.constant 0 : index
    %swap3A_231 = vector.load %arg17[%swap3A_229, %swap3A_230] : memref<4x512xi32, #tpu.memory_space<vmem>>, vector<4x512xi32>
    tpu.vector_store %arg17[%swap3A_229, %swap3A_230], %convert_element_type3A_228 {strides = array<i32>} : memref<4x512xi32, #tpu.memory_space<vmem>>, vector<4x512xi32>,
    %broadcast_in_dim3A_232 = arith.constant 1.000000e+00 : f32
    %broadcast_in_dim3A_233 = vector.broadcast %broadcast_in_dim3A_232 : f32 to vector<512x1xf32>
    %dot_general3A_234 = arith.constant dense<0.000000e+00> : vector<16x1xf32>
    %dot_general3A_235 = tpu.matmul %div3A_75, %broadcast_in_dim3A_233, %dot_general3A_234 {dimension_numbers = #tpu.dot_dimension_numbers<[0], [0], [1], [1], [0, 1, 1, 1], [], []>, transpose_lhs_hint = false} : vector<512x16xf32>, vector<512x1xf32>, vector<16x1xf32> -> vector<16x1xf32>
    %dot_general3A_236 = arith.constant dense<0.000000e+00> : vector<16x1xf32>
    %dot_general3A_237 = tpu.matmul %add3A_168, %broadcast_in_dim3A_233, %dot_general3A_236 {dimension_numbers = #tpu.dot_dimension_numbers<[0], [0], [1], [1], [0, 1, 1, 1], [], []>, transpose_lhs_hint = false} : vector<512x16xf32>, vector<512x1xf32>, vector<16x1xf32> -> vector<16x1xf32>
    %get3A_238 = arith.constant 0 : index
    %get3A_239 = arith.constant 0 : index
    %get3A_240 = vector.load %arg18[%get3A_238, %get3A_239] : memref<16x128xf32, #tpu.memory_space<vmem>>, vector<16x1xf32>
    %add3A_241 = arith.addf %get3A_240, %dot_general3A_235 : vector<16x1xf32>
    %swap3A_242 = arith.constant 0 : index
    %swap3A_243 = arith.constant 0 : index
    %swap3A_244 = vector.load %arg18[%swap3A_242, %swap3A_243] : memref<16x128xf32, #tpu.memory_space<vmem>>, vector<16x1xf32>
    tpu.vector_store %arg18[%swap3A_242, %swap3A_243], %add3A_241 {strides = array<i32>} : memref<16x128xf32, #tpu.memory_space<vmem>>, vector<16x1xf32>,
    %get3A_245 = arith.constant 0 : index
    %get3A_246 = arith.constant 1 : index
    %get3A_247 = vector.load %arg18[%get3A_245, %get3A_246] : memref<16x128xf32, #tpu.memory_space<vmem>>, vector<16x1xf32>
    %add3A_248 = arith.addf %get3A_247, %dot_general3A_237 : vector<16x1xf32>
    %swap3A_249 = arith.constant 0 : index
    %swap3A_250 = arith.constant 1 : index
    %swap3A_251 = vector.load %arg18[%swap3A_249, %swap3A_250] : memref<16x128xf32, #tpu.memory_space<vmem>>, vector<16x1xf32>
    tpu.vector_store %arg18[%swap3A_249, %swap3A_250], %add3A_248 {strides = array<i32>} : memref<16x128xf32, #tpu.memory_space<vmem>>, vector<16x1xf32>,
    return
  }
  func.func @transform_0(%arg0: i32) -> (i32, i32) {
    %c0_i32 = arith.constant 0 : i32
    %c0_i32_0 = arith.constant 0 : i32
    return %arg0, %c0_i32 : i32, i32
  }
  func.func @transform_1(%arg0: i32) -> (i32, i32) {
    %c0_i32 = arith.constant 0 : i32
    %c0_i32_0 = arith.constant 0 : i32
    %c0_i32_1 = arith.constant 0 : i32
    return %c0_i32, %c0_i32_0 : i32, i32
  }
  func.func @transform_2(%arg0: i32) -> (i32, i32) {
    %c0_i32 = arith.constant 0 : i32
    %c0_i32_0 = arith.constant 0 : i32
    %c0_i32_1 = arith.constant 0 : i32
    return %c0_i32, %c0_i32_0 : i32, i32
  }
  func.func @transform_3(%arg0: i32) -> (i32, i32) {
    %c0_i32 = arith.constant 0 : i32
    %c0_i32_0 = arith.constant 0 : i32
    %c0_i32_1 = arith.constant 0 : i32
    return %c0_i32, %c0_i32_0 : i32, i32
  }
  func.func @transform_4(%arg0: i32) -> (i32, i32) {
    %c0_i32 = arith.constant 0 : i32
    %c0_i32_0 = arith.constant 0 : i32
    %c0_i32_1 = arith.constant 0 : i32
    return %c0_i32, %c0_i32_0 : i32, i32
  }
  func.func @transform_5(%arg0: i32) -> (i32, i32) {
    %c0_i32 = arith.constant 0 : i32
    %c0_i32_0 = arith.constant 0 : i32
    %c0_i32_1 = arith.constant 0 : i32
    return %c0_i32, %c0_i32_0 : i32, i32
  }
  func.func @transform_6(%arg0: i32) -> (i32, i32) {
    %c0_i32 = arith.constant 0 : i32
    %c0_i32_0 = arith.constant 0 : i32
    %c0_i32_1 = arith.constant 0 : i32
    return %c0_i32, %c0_i32_0 : i32, i32
  }
  func.func @transform_7(%arg0: i32) -> (i32, i32) {
    %c0_i32 = arith.constant 0 : i32
    %c0_i32_0 = arith.constant 0 : i32
    %c0_i32_1 = arith.constant 0 : i32
    return %c0_i32, %c0_i32_0 : i32, i32
  }
  func.func @transform_8(%arg0: i32) -> (i32, i32) {
    %c0_i32 = arith.constant 0 : i32
    %c0_i32_0 = arith.constant 0 : i32
    %c0_i32_1 = arith.constant 0 : i32
    return %c0_i32, %c0_i32_0 : i32, i32
  }
  func.func @transform_9(%arg0: i32) -> (i32, i32) {
    %c0_i32 = arith.constant 0 : i32
    %c0_i32_0 = arith.constant 0 : i32
    %c0_i32_1 = arith.constant 0 : i32
    return %c0_i32, %c0_i32_0 : i32, i32
  }
  func.func @transform_10(%arg0: i32) -> (i32, i32) {
    %c0_i32 = arith.constant 0 : i32
    %c0_i32_0 = arith.constant 0 : i32
    %c0_i32_1 = arith.constant 0 : i32
    return %c0_i32, %c0_i32_0 : i32, i32
  }
  func.func @transform_11(%arg0: i32) -> (i32, i32) {
    %c0_i32 = arith.constant 0 : i32
    %c0_i32_0 = arith.constant 0 : i32
    return %arg0, %c0_i32 : i32, i32
  }
  func.func @transform_12(%arg0: i32) -> (i32, i32) {
    %c0_i32 = arith.constant 0 : i32
    %c0_i32_0 = arith.constant 0 : i32
    return %arg0, %c0_i32 : i32, i32
  }
  func.func @transform_13(%arg0: i32) -> (i32, i32) {
    %c0_i32 = arith.constant 0 : i32
    %c0_i32_0 = arith.constant 0 : i32
    return %arg0, %c0_i32 : i32, i32
  }
  func.func @transform_14(%arg0: i32) -> (i32, i32) {
    %c0_i32 = arith.constant 0 : i32
    %c0_i32_0 = arith.constant 0 : i32
    return %arg0, %c0_i32 : i32, i32
  }
  func.func @transform_15(%arg0: i32) -> (i32, i32) {
    %c0_i32 = arith.constant 0 : i32
    %c0_i32_0 = arith.constant 0 : i32
    return %c0_i32, %arg0 : i32, i32
  }
  func.func @transform_16(%arg0: i32) -> (i32, i32) {
    %c0_i32 = arith.constant 0 : i32
    %c0_i32_0 = arith.constant 0 : i32
    return %c0_i32, %arg0 : i32, i32
  }
  func.func @transform_17(%arg0: i32) -> (i32, i32) {
    %c0_i32 = arith.constant 0 : i32
    %c0_i32_0 = arith.constant 0 : i32
    %c0_i32_1 = arith.constant 0 : i32
    return %c0_i32, %c0_i32_0 : i32, i32
  }
}

module attributes {stable_mosaic.version = 14 : i64} {
  func.func @_plan_body(%arg0: i32, %arg1: memref<4096x4xi32, #tpu.memory_space<vmem>>, %arg2: memref<4096x4xi32, #tpu.memory_space<vmem>>, %arg3: memref<4x4096xi32, #tpu.memory_space<vmem>>, %arg4: memref<4x4096xi32, #tpu.memory_space<vmem>>, %arg5: memref<16x128xf32, #tpu.memory_space<vmem>>, %arg6: memref<4096x4xi32, #tpu.memory_space<vmem>>, %arg7: memref<4x4096xi32, #tpu.memory_space<vmem>>, %arg8: memref<48x128xi32, #tpu.memory_space<vmem>>) attributes {dimension_semantics = [#tpu.dimension_semantics<arbitrary>], iteration_bounds = array<i64: 1>, scalar_prefetch = 0 : i64, scratch_operands = 0 : i64, tpu.core_type = #tpu.core_type<tc>, window_params = [{pipeline_mode = #tpu.pipeline_mode<synchronous>, transform_indices = @transform_0, window_bounds = array<i64: 4096, 4>}, {pipeline_mode = #tpu.pipeline_mode<synchronous>, transform_indices = @transform_1, window_bounds = array<i64: 4096, 4>}, {pipeline_mode = #tpu.pipeline_mode<synchronous>, transform_indices = @transform_2, window_bounds = array<i64: 4, 4096>}, {pipeline_mode = #tpu.pipeline_mode<synchronous>, transform_indices = @transform_3, window_bounds = array<i64: 4, 4096>}, {pipeline_mode = #tpu.pipeline_mode<synchronous>, transform_indices = @transform_4, window_bounds = array<i64: 16, 128>}, {pipeline_mode = #tpu.pipeline_mode<synchronous>, transform_indices = @transform_5, window_bounds = array<i64: 4096, 4>}, {pipeline_mode = #tpu.pipeline_mode<synchronous>, transform_indices = @transform_6, window_bounds = array<i64: 4, 4096>}, {pipeline_mode = #tpu.pipeline_mode<synchronous>, transform_indices = @transform_7, window_bounds = array<i64: 48, 128>}]} {
    %get3A = arith.constant 0 : index
    %get3A_0 = arith.constant 1 : index
    %get3A_1 = vector.load %arg5[%get3A, %get3A_0] : memref<16x128xf32, #tpu.memory_space<vmem>>, vector<16x1xf32>
    %convert_element_type3A = arith.fptosi %get3A_1 : vector<16x1xf32> to vector<16x1xi32>
    %add3A = arith.constant 511 : i32
    %add3A_2 = vector.broadcast %add3A : i32 to vector<16x1xi32>
    %add3A_3 = arith.addi %convert_element_type3A, %add3A_2 : vector<16x1xi32>
    %jit3A = arith.constant 512 : i32
    %div3A = vector.broadcast %jit3A : i32 to vector<16x1xi32>
    %div3A_4 = arith.divsi %add3A_3, %div3A : vector<16x1xi32>
    %sign3A = arith.constant 0 : i32
    %sign3A_5 = vector.broadcast %sign3A : i32 to vector<16x1xi32>
    %sign3A_6 = arith.cmpi sgt, %add3A_3, %sign3A_5 : vector<16x1xi32>
    %sign3A_7 = arith.extui %sign3A_6 : vector<16x1xi1> to vector<16x1xi32>
    %sign3A_8 = arith.constant 0 : i32
    %sign3A_9 = vector.broadcast %sign3A_8 : i32 to vector<16x1xi32>
    %sign3A_10 = arith.cmpi slt, %add3A_3, %sign3A_9 : vector<16x1xi32>
    %sign3A_11 = arith.extui %sign3A_10 : vector<16x1xi1> to vector<16x1xi32>
    %sign3A_12 = arith.subi %sign3A_7, %sign3A_11 : vector<16x1xi32>
    %sign3A_13 = arith.constant 0 : i32
    %sign3A_14 = arith.cmpi sgt, %jit3A, %sign3A_13 : i32
    %sign3A_15 = arith.extui %sign3A_14 : i1 to i32
    %sign3A_16 = arith.constant 0 : i32
    %sign3A_17 = arith.cmpi slt, %jit3A, %sign3A_16 : i32
    %sign3A_18 = arith.extui %sign3A_17 : i1 to i32
    %sign3A_19 = arith.subi %sign3A_15, %sign3A_18 : i32
    %ne3A = vector.broadcast %sign3A_19 : i32 to vector<16x1xi32>
    %ne3A_20 = arith.cmpi ne, %sign3A_12, %ne3A : vector<16x1xi32>
    %rem3A = vector.broadcast %jit3A : i32 to vector<16x1xi32>
    %rem3A_21 = arith.remsi %add3A_3, %rem3A : vector<16x1xi32>
    %ne3A_22 = arith.constant 0 : i32
    %ne3A_23 = vector.broadcast %ne3A_22 : i32 to vector<16x1xi32>
    %ne3A_24 = arith.cmpi ne, %rem3A_21, %ne3A_23 : vector<16x1xi32>
    %and3A = arith.andi %ne3A_20, %ne3A_24 : vector<16x1xi1>
    %sub3A = arith.constant 1 : i32
    %sub3A_25 = vector.broadcast %sub3A : i32 to vector<16x1xi32>
    %sub3A_26 = arith.subi %div3A_4, %sub3A_25 : vector<16x1xi32>
    %select_n3A = arith.select %and3A, %sub3A_26, %div3A_4 : vector<16x1xi1>, vector<16x1xi32>
    %mul3A = arith.constant 512 : i32
    %mul3A_27 = vector.broadcast %mul3A : i32 to vector<16x1xi32>
    %mul3A_28 = arith.muli %select_n3A, %mul3A_27 : vector<16x1xi32>
    %iota3A = tpu.iota {dimensions = array<i32: 0>} : vector<16x16xi32>
    %iota3A_29 = tpu.iota {dimensions = array<i32: 1>} : vector<16x16xi32>
    %gt3A = arith.cmpi sgt, %iota3A, %iota3A_29 : vector<16x16xi32>
    %convert_element_type3A_30 = arith.extui %gt3A : vector<16x16xi1> to vector<16x16xi32>
    %convert_element_type3A_31 = arith.sitofp %convert_element_type3A_30 : vector<16x16xi32> to vector<16x16xf32>
    %convert_element_type3A_32 = arith.sitofp %mul3A_28 : vector<16x1xi32> to vector<16x1xf32>
    %dot_general3A = arith.constant dense<0.000000e+00> : vector<16x1xf32>
    %dot_general3A_33 = tpu.matmul %convert_element_type3A_31, %convert_element_type3A_32, %dot_general3A {dimension_numbers = #tpu.dot_dimension_numbers<[1], [0], [0], [1], [0, 0, 1, 1], [], []>, transpose_lhs_hint = false} : vector<16x16xf32>, vector<16x1xf32>, vector<16x1xf32> -> vector<16x1xf32>
    %convert_element_type3A_34 = arith.fptosi %dot_general3A_33 : vector<16x1xf32> to vector<16x1xi32>
    %iota3A_35 = tpu.iota {dimensions = array<i32: 0>} : vector<16x16xi32>
    %iota3A_36 = tpu.iota {dimensions = array<i32: 1>} : vector<16x16xi32>
    %eq3A = arith.cmpi eq, %iota3A_35, %iota3A_36 : vector<16x16xi32>
    %convert_element_type3A_37 = arith.extui %eq3A : vector<16x16xi1> to vector<16x16xi32>
    %convert_element_type3A_38 = arith.sitofp %convert_element_type3A_37 : vector<16x16xi32> to vector<16x16xf32>
    %convert_element_type3A_39 = arith.sitofp %convert_element_type3A_34 : vector<16x1xi32> to vector<16x1xf32>
    %dot_general3A_40 = arith.constant dense<0.000000e+00> : vector<1x16xf32>
    %dot_general3A_41 = tpu.matmul %convert_element_type3A_39, %convert_element_type3A_38, %dot_general3A_40 {dimension_numbers = #tpu.dot_dimension_numbers<[0], [0], [1], [1], [0, 1, 1, 1], [], []>, transpose_lhs_hint = false} : vector<16x1xf32>, vector<16x16xf32>, vector<1x16xf32> -> vector<1x16xf32>
    %iota3A_42 = tpu.iota {dimensions = array<i32: 0>} : vector<48x1xi32>
    %mul3A_43 = arith.constant 512 : i32
    %mul3A_44 = vector.broadcast %mul3A_43 : i32 to vector<48x1xi32>
    %mul3A_45 = arith.muli %iota3A_42, %mul3A_44 : vector<48x1xi32>
    %convert_element_type3A_46 = arith.sitofp %mul3A_45 : vector<48x1xi32> to vector<48x1xf32>
    %le3A = vector.broadcast %dot_general3A_41 : vector<1x16xf32> to vector<48x16xf32>
    %le3A_47 = vector.broadcast %convert_element_type3A_46 : vector<48x1xf32> to vector<48x16xf32>
    %le3A_48 = arith.cmpf ole, %le3A, %le3A_47 : vector<48x16xf32>
    %convert_element_type3A_49 = arith.extui %le3A_48 : vector<48x16xi1> to vector<48x16xi32>
    %convert_element_type3A_50 = arith.sitofp %convert_element_type3A_49 : vector<48x16xi32> to vector<48x16xf32>
    %broadcast_in_dim3A = arith.constant 1.000000e+00 : f32
    %broadcast_in_dim3A_51 = vector.broadcast %broadcast_in_dim3A : f32 to vector<16x1xf32>
    %dot_general3A_52 = arith.constant dense<0.000000e+00> : vector<48x1xf32>
    %dot_general3A_53 = tpu.matmul %convert_element_type3A_50, %broadcast_in_dim3A_51, %dot_general3A_52 {dimension_numbers = #tpu.dot_dimension_numbers<[1], [0], [0], [1], [0, 0, 1, 1], [], []>, transpose_lhs_hint = false} : vector<48x16xf32>, vector<16x1xf32>, vector<48x1xf32> -> vector<48x1xf32>
    %convert_element_type3A_54 = arith.fptosi %dot_general3A_53 : vector<48x1xf32> to vector<48x1xi32>
    %sub3A_55 = arith.constant 1 : i32
    %sub3A_56 = vector.broadcast %sub3A_55 : i32 to vector<48x1xi32>
    %sub3A_57 = arith.subi %convert_element_type3A_54, %sub3A_56 : vector<48x1xi32>
    %broadcast_in_dim3A_58 = arith.constant 0 : i32
    %broadcast_in_dim3A_59 = vector.broadcast %broadcast_in_dim3A_58 : i32 to vector<48x128xi32>
    %swap3A = arith.constant 0 : index
    %swap3A_60 = arith.constant 0 : index
    %swap3A_61 = vector.load %arg8[%swap3A, %swap3A_60] : memref<48x128xi32, #tpu.memory_space<vmem>>, vector<48x128xi32>
    tpu.vector_store %arg8[%swap3A, %swap3A_60], %broadcast_in_dim3A_59 {strides = array<i32>} : memref<48x128xi32, #tpu.memory_space<vmem>>, vector<48x128xi32>,
    %swap3A_62 = arith.constant 0 : index
    %swap3A_63 = arith.constant 0 : index
    %swap3A_64 = vector.load %arg8[%swap3A_62, %swap3A_63] : memref<48x128xi32, #tpu.memory_space<vmem>>, vector<48x1xi32>
    tpu.vector_store %arg8[%swap3A_62, %swap3A_63], %sub3A_57 {strides = array<i32>} : memref<48x128xi32, #tpu.memory_space<vmem>>, vector<48x1xi32>,
    %reduce_sum3A = vector.shape_cast %mul3A_28 : vector<16x1xi32> to vector<1x16x1xi32>
    %reduce_sum3A_65 = arith.constant dense<0> : vector<1xi32>
    %reduce_sum3A_66 = vector.multi_reduction <add>, %reduce_sum3A, %reduce_sum3A_65 [1, 2] : vector<1x16x1xi32> to vector<1xi32>
    %reduce_sum3A_67 = vector.shape_cast %reduce_sum3A_66 : vector<1xi32> to vector<1x1x1xi32>
    %reduce_sum3A_68 = vector.extract %reduce_sum3A_67[0, 0, 0] : i32 from vector<1x1x1xi32>
    %jit3A_69 = arith.constant 512 : i32
    %div3A_70 = arith.divsi %reduce_sum3A_68, %jit3A_69 : i32
    %sign3A_71 = arith.constant 0 : i32
    %sign3A_72 = arith.cmpi sgt, %reduce_sum3A_68, %sign3A_71 : i32
    %sign3A_73 = arith.extui %sign3A_72 : i1 to i32
    %sign3A_74 = arith.constant 0 : i32
    %sign3A_75 = arith.cmpi slt, %reduce_sum3A_68, %sign3A_74 : i32
    %sign3A_76 = arith.extui %sign3A_75 : i1 to i32
    %sign3A_77 = arith.subi %sign3A_73, %sign3A_76 : i32
    %sign3A_78 = arith.constant 0 : i32
    %sign3A_79 = arith.cmpi sgt, %jit3A_69, %sign3A_78 : i32
    %sign3A_80 = arith.extui %sign3A_79 : i1 to i32
    %sign3A_81 = arith.constant 0 : i32
    %sign3A_82 = arith.cmpi slt, %jit3A_69, %sign3A_81 : i32
    %sign3A_83 = arith.extui %sign3A_82 : i1 to i32
    %sign3A_84 = arith.subi %sign3A_80, %sign3A_83 : i32
    %ne3A_85 = arith.cmpi ne, %sign3A_77, %sign3A_84 : i32
    %rem3A_86 = arith.remsi %reduce_sum3A_68, %jit3A_69 : i32
    %ne3A_87 = arith.constant 0 : i32
    %ne3A_88 = arith.cmpi ne, %rem3A_86, %ne3A_87 : i32
    %and3A_89 = arith.andi %ne3A_85, %ne3A_88 : i1
    %sub3A_90 = arith.constant 1 : i32
    %sub3A_91 = arith.subi %div3A_70, %sub3A_90 : i32
    %select_n3A_92 = arith.select %and3A_89, %sub3A_91, %div3A_70 : i32
    %reshape3A = vector.broadcast %select_n3A_92 : i32 to vector<1x1xi32>
    %swap3A_93 = arith.constant 0 : index
    %swap3A_94 = arith.constant 1 : index
    %swap3A_95 = vector.load %arg8[%swap3A_93, %swap3A_94] : memref<48x128xi32, #tpu.memory_space<vmem>>, vector<1x1xi32>
    tpu.vector_store %arg8[%swap3A_93, %swap3A_94], %reshape3A {strides = array<i32>} : memref<48x128xi32, #tpu.memory_space<vmem>>, vector<1x1xi32>,
    %swap3A_96 = arith.constant 0 : index
    %swap3A_97 = arith.constant 2 : index
    %swap3A_98 = vector.load %arg8[%swap3A_96, %swap3A_97] : memref<48x128xi32, #tpu.memory_space<vmem>>, vector<16x1xi32>
    tpu.vector_store %arg8[%swap3A_96, %swap3A_97], %convert_element_type3A_34 {strides = array<i32>} : memref<48x128xi32, #tpu.memory_space<vmem>>, vector<16x1xi32>,
    %get3A_99 = arith.constant 0 : index
    %get3A_100 = arith.constant 0 : index
    %get3A_101 = vector.load %arg1[%get3A_99, %get3A_100] : memref<4096x4xi32, #tpu.memory_space<vmem>>, vector<4096x4xi32>
    %broadcast_in_dim3A_102 = arith.constant 0 : i32
    %broadcast_in_dim3A_103 = vector.broadcast %broadcast_in_dim3A_102 : i32 to vector<4096x4xi32>
    %eq3A_104 = arith.constant 0 : i32
    %eq3A_105 = vector.broadcast %eq3A_104 : i32 to vector<4096x4xi32>
    %eq3A_106 = arith.cmpi eq, %get3A_101, %eq3A_105 : vector<4096x4xi32>
    %slice3A = vector.extract_strided_slice %convert_element_type3A_34 {offsets = [0, 0], sizes = [1, 1], strides = [1, 1]} : vector<16x1xi32> to vector<1x1xi32>
    %squeeze3A = vector.extract %slice3A[0, 0] : i32 from vector<1x1xi32>
    %jit3A_107 = arith.constant 0 : i32
    %broadcast_in_dim3A_108 = vector.broadcast %squeeze3A : i32 to vector<4096x4xi32>
    %broadcast_in_dim3A_109 = vector.broadcast %jit3A_107 : i32 to vector<4096x4xi32>
    %select_n3A_110 = arith.select %eq3A_106, %broadcast_in_dim3A_108, %broadcast_in_dim3A_109 : vector<4096x4xi1>, vector<4096x4xi32>
    %add3A_111 = arith.addi %broadcast_in_dim3A_103, %select_n3A_110 : vector<4096x4xi32>
    %eq3A_112 = arith.constant 1 : i32
    %eq3A_113 = vector.broadcast %eq3A_112 : i32 to vector<4096x4xi32>
    %eq3A_114 = arith.cmpi eq, %get3A_101, %eq3A_113 : vector<4096x4xi32>
    %slice3A_115 = vector.extract_strided_slice %convert_element_type3A_34 {offsets = [1, 0], sizes = [1, 1], strides = [1, 1]} : vector<16x1xi32> to vector<1x1xi32>
    %squeeze3A_116 = vector.extract %slice3A_115[0, 0] : i32 from vector<1x1xi32>
    %jit3A_117 = arith.constant 0 : i32
    %broadcast_in_dim3A_118 = vector.broadcast %squeeze3A_116 : i32 to vector<4096x4xi32>
    %broadcast_in_dim3A_119 = vector.broadcast %jit3A_117 : i32 to vector<4096x4xi32>
    %select_n3A_120 = arith.select %eq3A_114, %broadcast_in_dim3A_118, %broadcast_in_dim3A_119 : vector<4096x4xi1>, vector<4096x4xi32>
    %add3A_121 = arith.addi %add3A_111, %select_n3A_120 : vector<4096x4xi32>
    %eq3A_122 = arith.constant 2 : i32
    %eq3A_123 = vector.broadcast %eq3A_122 : i32 to vector<4096x4xi32>
    %eq3A_124 = arith.cmpi eq, %get3A_101, %eq3A_123 : vector<4096x4xi32>
    %slice3A_125 = vector.extract_strided_slice %convert_element_type3A_34 {offsets = [2, 0], sizes = [1, 1], strides = [1, 1]} : vector<16x1xi32> to vector<1x1xi32>
    %squeeze3A_126 = vector.extract %slice3A_125[0, 0] : i32 from vector<1x1xi32>
    %jit3A_127 = arith.constant 0 : i32
    %broadcast_in_dim3A_128 = vector.broadcast %squeeze3A_126 : i32 to vector<4096x4xi32>
    %broadcast_in_dim3A_129 = vector.broadcast %jit3A_127 : i32 to vector<4096x4xi32>
    %select_n3A_130 = arith.select %eq3A_124, %broadcast_in_dim3A_128, %broadcast_in_dim3A_129 : vector<4096x4xi1>, vector<4096x4xi32>
    %add3A_131 = arith.addi %add3A_121, %select_n3A_130 : vector<4096x4xi32>
    %eq3A_132 = arith.constant 3 : i32
    %eq3A_133 = vector.broadcast %eq3A_132 : i32 to vector<4096x4xi32>
    %eq3A_134 = arith.cmpi eq, %get3A_101, %eq3A_133 : vector<4096x4xi32>
    %slice3A_135 = vector.extract_strided_slice %convert_element_type3A_34 {offsets = [3, 0], sizes = [1, 1], strides = [1, 1]} : vector<16x1xi32> to vector<1x1xi32>
    %squeeze3A_136 = vector.extract %slice3A_135[0, 0] : i32 from vector<1x1xi32>
    %jit3A_137 = arith.constant 0 : i32
    %broadcast_in_dim3A_138 = vector.broadcast %squeeze3A_136 : i32 to vector<4096x4xi32>
    %broadcast_in_dim3A_139 = vector.broadcast %jit3A_137 : i32 to vector<4096x4xi32>
    %select_n3A_140 = arith.select %eq3A_134, %broadcast_in_dim3A_138, %broadcast_in_dim3A_139 : vector<4096x4xi1>, vector<4096x4xi32>
    %add3A_141 = arith.addi %add3A_131, %select_n3A_140 : vector<4096x4xi32>
    %eq3A_142 = arith.constant 4 : i32
    %eq3A_143 = vector.broadcast %eq3A_142 : i32 to vector<4096x4xi32>
    %eq3A_144 = arith.cmpi eq, %get3A_101, %eq3A_143 : vector<4096x4xi32>
    %slice3A_145 = vector.extract_strided_slice %convert_element_type3A_34 {offsets = [4, 0], sizes = [1, 1], strides = [1, 1]} : vector<16x1xi32> to vector<1x1xi32>
    %squeeze3A_146 = vector.extract %slice3A_145[0, 0] : i32 from vector<1x1xi32>
    %jit3A_147 = arith.constant 0 : i32
    %broadcast_in_dim3A_148 = vector.broadcast %squeeze3A_146 : i32 to vector<4096x4xi32>
    %broadcast_in_dim3A_149 = vector.broadcast %jit3A_147 : i32 to vector<4096x4xi32>
    %select_n3A_150 = arith.select %eq3A_144, %broadcast_in_dim3A_148, %broadcast_in_dim3A_149 : vector<4096x4xi1>, vector<4096x4xi32>
    %add3A_151 = arith.addi %add3A_141, %select_n3A_150 : vector<4096x4xi32>
    %eq3A_152 = arith.constant 5 : i32
    %eq3A_153 = vector.broadcast %eq3A_152 : i32 to vector<4096x4xi32>
    %eq3A_154 = arith.cmpi eq, %get3A_101, %eq3A_153 : vector<4096x4xi32>
    %slice3A_155 = vector.extract_strided_slice %convert_element_type3A_34 {offsets = [5, 0], sizes = [1, 1], strides = [1, 1]} : vector<16x1xi32> to vector<1x1xi32>
    %squeeze3A_156 = vector.extract %slice3A_155[0, 0] : i32 from vector<1x1xi32>
    %jit3A_157 = arith.constant 0 : i32
    %broadcast_in_dim3A_158 = vector.broadcast %squeeze3A_156 : i32 to vector<4096x4xi32>
    %broadcast_in_dim3A_159 = vector.broadcast %jit3A_157 : i32 to vector<4096x4xi32>
    %select_n3A_160 = arith.select %eq3A_154, %broadcast_in_dim3A_158, %broadcast_in_dim3A_159 : vector<4096x4xi1>, vector<4096x4xi32>
    %add3A_161 = arith.addi %add3A_151, %select_n3A_160 : vector<4096x4xi32>
    %eq3A_162 = arith.constant 6 : i32
    %eq3A_163 = vector.broadcast %eq3A_162 : i32 to vector<4096x4xi32>
    %eq3A_164 = arith.cmpi eq, %get3A_101, %eq3A_163 : vector<4096x4xi32>
    %slice3A_165 = vector.extract_strided_slice %convert_element_type3A_34 {offsets = [6, 0], sizes = [1, 1], strides = [1, 1]} : vector<16x1xi32> to vector<1x1xi32>
    %squeeze3A_166 = vector.extract %slice3A_165[0, 0] : i32 from vector<1x1xi32>
    %jit3A_167 = arith.constant 0 : i32
    %broadcast_in_dim3A_168 = vector.broadcast %squeeze3A_166 : i32 to vector<4096x4xi32>
    %broadcast_in_dim3A_169 = vector.broadcast %jit3A_167 : i32 to vector<4096x4xi32>
    %select_n3A_170 = arith.select %eq3A_164, %broadcast_in_dim3A_168, %broadcast_in_dim3A_169 : vector<4096x4xi1>, vector<4096x4xi32>
    %add3A_171 = arith.addi %add3A_161, %select_n3A_170 : vector<4096x4xi32>
    %eq3A_172 = arith.constant 7 : i32
    %eq3A_173 = vector.broadcast %eq3A_172 : i32 to vector<4096x4xi32>
    %eq3A_174 = arith.cmpi eq, %get3A_101, %eq3A_173 : vector<4096x4xi32>
    %slice3A_175 = vector.extract_strided_slice %convert_element_type3A_34 {offsets = [7, 0], sizes = [1, 1], strides = [1, 1]} : vector<16x1xi32> to vector<1x1xi32>
    %squeeze3A_176 = vector.extract %slice3A_175[0, 0] : i32 from vector<1x1xi32>
    %jit3A_177 = arith.constant 0 : i32
    %broadcast_in_dim3A_178 = vector.broadcast %squeeze3A_176 : i32 to vector<4096x4xi32>
    %broadcast_in_dim3A_179 = vector.broadcast %jit3A_177 : i32 to vector<4096x4xi32>
    %select_n3A_180 = arith.select %eq3A_174, %broadcast_in_dim3A_178, %broadcast_in_dim3A_179 : vector<4096x4xi1>, vector<4096x4xi32>
    %add3A_181 = arith.addi %add3A_171, %select_n3A_180 : vector<4096x4xi32>
    %eq3A_182 = arith.constant 8 : i32
    %eq3A_183 = vector.broadcast %eq3A_182 : i32 to vector<4096x4xi32>
    %eq3A_184 = arith.cmpi eq, %get3A_101, %eq3A_183 : vector<4096x4xi32>
    %slice3A_185 = vector.extract_strided_slice %convert_element_type3A_34 {offsets = [8, 0], sizes = [1, 1], strides = [1, 1]} : vector<16x1xi32> to vector<1x1xi32>
    %squeeze3A_186 = vector.extract %slice3A_185[0, 0] : i32 from vector<1x1xi32>
    %jit3A_187 = arith.constant 0 : i32
    %broadcast_in_dim3A_188 = vector.broadcast %squeeze3A_186 : i32 to vector<4096x4xi32>
    %broadcast_in_dim3A_189 = vector.broadcast %jit3A_187 : i32 to vector<4096x4xi32>
    %select_n3A_190 = arith.select %eq3A_184, %broadcast_in_dim3A_188, %broadcast_in_dim3A_189 : vector<4096x4xi1>, vector<4096x4xi32>
    %add3A_191 = arith.addi %add3A_181, %select_n3A_190 : vector<4096x4xi32>
    %eq3A_192 = arith.constant 9 : i32
    %eq3A_193 = vector.broadcast %eq3A_192 : i32 to vector<4096x4xi32>
    %eq3A_194 = arith.cmpi eq, %get3A_101, %eq3A_193 : vector<4096x4xi32>
    %slice3A_195 = vector.extract_strided_slice %convert_element_type3A_34 {offsets = [9, 0], sizes = [1, 1], strides = [1, 1]} : vector<16x1xi32> to vector<1x1xi32>
    %squeeze3A_196 = vector.extract %slice3A_195[0, 0] : i32 from vector<1x1xi32>
    %jit3A_197 = arith.constant 0 : i32
    %broadcast_in_dim3A_198 = vector.broadcast %squeeze3A_196 : i32 to vector<4096x4xi32>
    %broadcast_in_dim3A_199 = vector.broadcast %jit3A_197 : i32 to vector<4096x4xi32>
    %select_n3A_200 = arith.select %eq3A_194, %broadcast_in_dim3A_198, %broadcast_in_dim3A_199 : vector<4096x4xi1>, vector<4096x4xi32>
    %add3A_201 = arith.addi %add3A_191, %select_n3A_200 : vector<4096x4xi32>
    %eq3A_202 = arith.constant 10 : i32
    %eq3A_203 = vector.broadcast %eq3A_202 : i32 to vector<4096x4xi32>
    %eq3A_204 = arith.cmpi eq, %get3A_101, %eq3A_203 : vector<4096x4xi32>
    %slice3A_205 = vector.extract_strided_slice %convert_element_type3A_34 {offsets = [10, 0], sizes = [1, 1], strides = [1, 1]} : vector<16x1xi32> to vector<1x1xi32>
    %squeeze3A_206 = vector.extract %slice3A_205[0, 0] : i32 from vector<1x1xi32>
    %jit3A_207 = arith.constant 0 : i32
    %broadcast_in_dim3A_208 = vector.broadcast %squeeze3A_206 : i32 to vector<4096x4xi32>
    %broadcast_in_dim3A_209 = vector.broadcast %jit3A_207 : i32 to vector<4096x4xi32>
    %select_n3A_210 = arith.select %eq3A_204, %broadcast_in_dim3A_208, %broadcast_in_dim3A_209 : vector<4096x4xi1>, vector<4096x4xi32>
    %add3A_211 = arith.addi %add3A_201, %select_n3A_210 : vector<4096x4xi32>
    %eq3A_212 = arith.constant 11 : i32
    %eq3A_213 = vector.broadcast %eq3A_212 : i32 to vector<4096x4xi32>
    %eq3A_214 = arith.cmpi eq, %get3A_101, %eq3A_213 : vector<4096x4xi32>
    %slice3A_215 = vector.extract_strided_slice %convert_element_type3A_34 {offsets = [11, 0], sizes = [1, 1], strides = [1, 1]} : vector<16x1xi32> to vector<1x1xi32>
    %squeeze3A_216 = vector.extract %slice3A_215[0, 0] : i32 from vector<1x1xi32>
    %jit3A_217 = arith.constant 0 : i32
    %broadcast_in_dim3A_218 = vector.broadcast %squeeze3A_216 : i32 to vector<4096x4xi32>
    %broadcast_in_dim3A_219 = vector.broadcast %jit3A_217 : i32 to vector<4096x4xi32>
    %select_n3A_220 = arith.select %eq3A_214, %broadcast_in_dim3A_218, %broadcast_in_dim3A_219 : vector<4096x4xi1>, vector<4096x4xi32>
    %add3A_221 = arith.addi %add3A_211, %select_n3A_220 : vector<4096x4xi32>
    %eq3A_222 = arith.constant 12 : i32
    %eq3A_223 = vector.broadcast %eq3A_222 : i32 to vector<4096x4xi32>
    %eq3A_224 = arith.cmpi eq, %get3A_101, %eq3A_223 : vector<4096x4xi32>
    %slice3A_225 = vector.extract_strided_slice %convert_element_type3A_34 {offsets = [12, 0], sizes = [1, 1], strides = [1, 1]} : vector<16x1xi32> to vector<1x1xi32>
    %squeeze3A_226 = vector.extract %slice3A_225[0, 0] : i32 from vector<1x1xi32>
    %jit3A_227 = arith.constant 0 : i32
    %broadcast_in_dim3A_228 = vector.broadcast %squeeze3A_226 : i32 to vector<4096x4xi32>
    %broadcast_in_dim3A_229 = vector.broadcast %jit3A_227 : i32 to vector<4096x4xi32>
    %select_n3A_230 = arith.select %eq3A_224, %broadcast_in_dim3A_228, %broadcast_in_dim3A_229 : vector<4096x4xi1>, vector<4096x4xi32>
    %add3A_231 = arith.addi %add3A_221, %select_n3A_230 : vector<4096x4xi32>
    %eq3A_232 = arith.constant 13 : i32
    %eq3A_233 = vector.broadcast %eq3A_232 : i32 to vector<4096x4xi32>
    %eq3A_234 = arith.cmpi eq, %get3A_101, %eq3A_233 : vector<4096x4xi32>
    %slice3A_235 = vector.extract_strided_slice %convert_element_type3A_34 {offsets = [13, 0], sizes = [1, 1], strides = [1, 1]} : vector<16x1xi32> to vector<1x1xi32>
    %squeeze3A_236 = vector.extract %slice3A_235[0, 0] : i32 from vector<1x1xi32>
    %jit3A_237 = arith.constant 0 : i32
    %broadcast_in_dim3A_238 = vector.broadcast %squeeze3A_236 : i32 to vector<4096x4xi32>
    %broadcast_in_dim3A_239 = vector.broadcast %jit3A_237 : i32 to vector<4096x4xi32>
    %select_n3A_240 = arith.select %eq3A_234, %broadcast_in_dim3A_238, %broadcast_in_dim3A_239 : vector<4096x4xi1>, vector<4096x4xi32>
    %add3A_241 = arith.addi %add3A_231, %select_n3A_240 : vector<4096x4xi32>
    %eq3A_242 = arith.constant 14 : i32
    %eq3A_243 = vector.broadcast %eq3A_242 : i32 to vector<4096x4xi32>
    %eq3A_244 = arith.cmpi eq, %get3A_101, %eq3A_243 : vector<4096x4xi32>
    %slice3A_245 = vector.extract_strided_slice %convert_element_type3A_34 {offsets = [14, 0], sizes = [1, 1], strides = [1, 1]} : vector<16x1xi32> to vector<1x1xi32>
    %squeeze3A_246 = vector.extract %slice3A_245[0, 0] : i32 from vector<1x1xi32>
    %jit3A_247 = arith.constant 0 : i32
    %broadcast_in_dim3A_248 = vector.broadcast %squeeze3A_246 : i32 to vector<4096x4xi32>
    %broadcast_in_dim3A_249 = vector.broadcast %jit3A_247 : i32 to vector<4096x4xi32>
    %select_n3A_250 = arith.select %eq3A_244, %broadcast_in_dim3A_248, %broadcast_in_dim3A_249 : vector<4096x4xi1>, vector<4096x4xi32>
    %add3A_251 = arith.addi %add3A_241, %select_n3A_250 : vector<4096x4xi32>
    %eq3A_252 = arith.constant 15 : i32
    %eq3A_253 = vector.broadcast %eq3A_252 : i32 to vector<4096x4xi32>
    %eq3A_254 = arith.cmpi eq, %get3A_101, %eq3A_253 : vector<4096x4xi32>
    %slice3A_255 = vector.extract_strided_slice %convert_element_type3A_34 {offsets = [15, 0], sizes = [1, 1], strides = [1, 1]} : vector<16x1xi32> to vector<1x1xi32>
    %squeeze3A_256 = vector.extract %slice3A_255[0, 0] : i32 from vector<1x1xi32>
    %jit3A_257 = arith.constant 0 : i32
    %broadcast_in_dim3A_258 = vector.broadcast %squeeze3A_256 : i32 to vector<4096x4xi32>
    %broadcast_in_dim3A_259 = vector.broadcast %jit3A_257 : i32 to vector<4096x4xi32>
    %select_n3A_260 = arith.select %eq3A_254, %broadcast_in_dim3A_258, %broadcast_in_dim3A_259 : vector<4096x4xi1>, vector<4096x4xi32>
    %add3A_261 = arith.addi %add3A_251, %select_n3A_260 : vector<4096x4xi32>
    %get3A_262 = arith.constant 0 : index
    %get3A_263 = arith.constant 0 : index
    %get3A_264 = vector.load %arg2[%get3A_262, %get3A_263] : memref<4096x4xi32, #tpu.memory_space<vmem>>, vector<4096x4xi32>
    %add3A_265 = arith.addi %add3A_261, %get3A_264 : vector<4096x4xi32>
    %swap3A_266 = arith.constant 0 : index
    %swap3A_267 = arith.constant 0 : index
    %swap3A_268 = vector.load %arg6[%swap3A_266, %swap3A_267] : memref<4096x4xi32, #tpu.memory_space<vmem>>, vector<4096x4xi32>
    tpu.vector_store %arg6[%swap3A_266, %swap3A_267], %add3A_265 {strides = array<i32>} : memref<4096x4xi32, #tpu.memory_space<vmem>>, vector<4096x4xi32>,
    %get3A_269 = arith.constant 0 : index
    %get3A_270 = arith.constant 0 : index
    %get3A_271 = vector.load %arg3[%get3A_269, %get3A_270] : memref<4x4096xi32, #tpu.memory_space<vmem>>, vector<4x4096xi32>
    %broadcast_in_dim3A_272 = arith.constant 0 : i32
    %broadcast_in_dim3A_273 = vector.broadcast %broadcast_in_dim3A_272 : i32 to vector<4x4096xi32>
    %eq3A_274 = arith.constant 0 : i32
    %eq3A_275 = vector.broadcast %eq3A_274 : i32 to vector<4x4096xi32>
    %eq3A_276 = arith.cmpi eq, %get3A_271, %eq3A_275 : vector<4x4096xi32>
    %slice3A_277 = vector.extract_strided_slice %convert_element_type3A_34 {offsets = [0, 0], sizes = [1, 1], strides = [1, 1]} : vector<16x1xi32> to vector<1x1xi32>
    %squeeze3A_278 = vector.extract %slice3A_277[0, 0] : i32 from vector<1x1xi32>
    %jit3A_279 = arith.constant 0 : i32
    %broadcast_in_dim3A_280 = vector.broadcast %squeeze3A_278 : i32 to vector<4x4096xi32>
    %broadcast_in_dim3A_281 = vector.broadcast %jit3A_279 : i32 to vector<4x4096xi32>
    %select_n3A_282 = arith.select %eq3A_276, %broadcast_in_dim3A_280, %broadcast_in_dim3A_281 : vector<4x4096xi1>, vector<4x4096xi32>
    %add3A_283 = arith.addi %broadcast_in_dim3A_273, %select_n3A_282 : vector<4x4096xi32>
    %eq3A_284 = arith.constant 1 : i32
    %eq3A_285 = vector.broadcast %eq3A_284 : i32 to vector<4x4096xi32>
    %eq3A_286 = arith.cmpi eq, %get3A_271, %eq3A_285 : vector<4x4096xi32>
    %slice3A_287 = vector.extract_strided_slice %convert_element_type3A_34 {offsets = [1, 0], sizes = [1, 1], strides = [1, 1]} : vector<16x1xi32> to vector<1x1xi32>
    %squeeze3A_288 = vector.extract %slice3A_287[0, 0] : i32 from vector<1x1xi32>
    %jit3A_289 = arith.constant 0 : i32
    %broadcast_in_dim3A_290 = vector.broadcast %squeeze3A_288 : i32 to vector<4x4096xi32>
    %broadcast_in_dim3A_291 = vector.broadcast %jit3A_289 : i32 to vector<4x4096xi32>
    %select_n3A_292 = arith.select %eq3A_286, %broadcast_in_dim3A_290, %broadcast_in_dim3A_291 : vector<4x4096xi1>, vector<4x4096xi32>
    %add3A_293 = arith.addi %add3A_283, %select_n3A_292 : vector<4x4096xi32>
    %eq3A_294 = arith.constant 2 : i32
    %eq3A_295 = vector.broadcast %eq3A_294 : i32 to vector<4x4096xi32>
    %eq3A_296 = arith.cmpi eq, %get3A_271, %eq3A_295 : vector<4x4096xi32>
    %slice3A_297 = vector.extract_strided_slice %convert_element_type3A_34 {offsets = [2, 0], sizes = [1, 1], strides = [1, 1]} : vector<16x1xi32> to vector<1x1xi32>
    %squeeze3A_298 = vector.extract %slice3A_297[0, 0] : i32 from vector<1x1xi32>
    %jit3A_299 = arith.constant 0 : i32
    %broadcast_in_dim3A_300 = vector.broadcast %squeeze3A_298 : i32 to vector<4x4096xi32>
    %broadcast_in_dim3A_301 = vector.broadcast %jit3A_299 : i32 to vector<4x4096xi32>
    %select_n3A_302 = arith.select %eq3A_296, %broadcast_in_dim3A_300, %broadcast_in_dim3A_301 : vector<4x4096xi1>, vector<4x4096xi32>
    %add3A_303 = arith.addi %add3A_293, %select_n3A_302 : vector<4x4096xi32>
    %eq3A_304 = arith.constant 3 : i32
    %eq3A_305 = vector.broadcast %eq3A_304 : i32 to vector<4x4096xi32>
    %eq3A_306 = arith.cmpi eq, %get3A_271, %eq3A_305 : vector<4x4096xi32>
    %slice3A_307 = vector.extract_strided_slice %convert_element_type3A_34 {offsets = [3, 0], sizes = [1, 1], strides = [1, 1]} : vector<16x1xi32> to vector<1x1xi32>
    %squeeze3A_308 = vector.extract %slice3A_307[0, 0] : i32 from vector<1x1xi32>
    %jit3A_309 = arith.constant 0 : i32
    %broadcast_in_dim3A_310 = vector.broadcast %squeeze3A_308 : i32 to vector<4x4096xi32>
    %broadcast_in_dim3A_311 = vector.broadcast %jit3A_309 : i32 to vector<4x4096xi32>
    %select_n3A_312 = arith.select %eq3A_306, %broadcast_in_dim3A_310, %broadcast_in_dim3A_311 : vector<4x4096xi1>, vector<4x4096xi32>
    %add3A_313 = arith.addi %add3A_303, %select_n3A_312 : vector<4x4096xi32>
    %eq3A_314 = arith.constant 4 : i32
    %eq3A_315 = vector.broadcast %eq3A_314 : i32 to vector<4x4096xi32>
    %eq3A_316 = arith.cmpi eq, %get3A_271, %eq3A_315 : vector<4x4096xi32>
    %slice3A_317 = vector.extract_strided_slice %convert_element_type3A_34 {offsets = [4, 0], sizes = [1, 1], strides = [1, 1]} : vector<16x1xi32> to vector<1x1xi32>
    %squeeze3A_318 = vector.extract %slice3A_317[0, 0] : i32 from vector<1x1xi32>
    %jit3A_319 = arith.constant 0 : i32
    %broadcast_in_dim3A_320 = vector.broadcast %squeeze3A_318 : i32 to vector<4x4096xi32>
    %broadcast_in_dim3A_321 = vector.broadcast %jit3A_319 : i32 to vector<4x4096xi32>
    %select_n3A_322 = arith.select %eq3A_316, %broadcast_in_dim3A_320, %broadcast_in_dim3A_321 : vector<4x4096xi1>, vector<4x4096xi32>
    %add3A_323 = arith.addi %add3A_313, %select_n3A_322 : vector<4x4096xi32>
    %eq3A_324 = arith.constant 5 : i32
    %eq3A_325 = vector.broadcast %eq3A_324 : i32 to vector<4x4096xi32>
    %eq3A_326 = arith.cmpi eq, %get3A_271, %eq3A_325 : vector<4x4096xi32>
    %slice3A_327 = vector.extract_strided_slice %convert_element_type3A_34 {offsets = [5, 0], sizes = [1, 1], strides = [1, 1]} : vector<16x1xi32> to vector<1x1xi32>
    %squeeze3A_328 = vector.extract %slice3A_327[0, 0] : i32 from vector<1x1xi32>
    %jit3A_329 = arith.constant 0 : i32
    %broadcast_in_dim3A_330 = vector.broadcast %squeeze3A_328 : i32 to vector<4x4096xi32>
    %broadcast_in_dim3A_331 = vector.broadcast %jit3A_329 : i32 to vector<4x4096xi32>
    %select_n3A_332 = arith.select %eq3A_326, %broadcast_in_dim3A_330, %broadcast_in_dim3A_331 : vector<4x4096xi1>, vector<4x4096xi32>
    %add3A_333 = arith.addi %add3A_323, %select_n3A_332 : vector<4x4096xi32>
    %eq3A_334 = arith.constant 6 : i32
    %eq3A_335 = vector.broadcast %eq3A_334 : i32 to vector<4x4096xi32>
    %eq3A_336 = arith.cmpi eq, %get3A_271, %eq3A_335 : vector<4x4096xi32>
    %slice3A_337 = vector.extract_strided_slice %convert_element_type3A_34 {offsets = [6, 0], sizes = [1, 1], strides = [1, 1]} : vector<16x1xi32> to vector<1x1xi32>
    %squeeze3A_338 = vector.extract %slice3A_337[0, 0] : i32 from vector<1x1xi32>
    %jit3A_339 = arith.constant 0 : i32
    %broadcast_in_dim3A_340 = vector.broadcast %squeeze3A_338 : i32 to vector<4x4096xi32>
    %broadcast_in_dim3A_341 = vector.broadcast %jit3A_339 : i32 to vector<4x4096xi32>
    %select_n3A_342 = arith.select %eq3A_336, %broadcast_in_dim3A_340, %broadcast_in_dim3A_341 : vector<4x4096xi1>, vector<4x4096xi32>
    %add3A_343 = arith.addi %add3A_333, %select_n3A_342 : vector<4x4096xi32>
    %eq3A_344 = arith.constant 7 : i32
    %eq3A_345 = vector.broadcast %eq3A_344 : i32 to vector<4x4096xi32>
    %eq3A_346 = arith.cmpi eq, %get3A_271, %eq3A_345 : vector<4x4096xi32>
    %slice3A_347 = vector.extract_strided_slice %convert_element_type3A_34 {offsets = [7, 0], sizes = [1, 1], strides = [1, 1]} : vector<16x1xi32> to vector<1x1xi32>
    %squeeze3A_348 = vector.extract %slice3A_347[0, 0] : i32 from vector<1x1xi32>
    %jit3A_349 = arith.constant 0 : i32
    %broadcast_in_dim3A_350 = vector.broadcast %squeeze3A_348 : i32 to vector<4x4096xi32>
    %broadcast_in_dim3A_351 = vector.broadcast %jit3A_349 : i32 to vector<4x4096xi32>
    %select_n3A_352 = arith.select %eq3A_346, %broadcast_in_dim3A_350, %broadcast_in_dim3A_351 : vector<4x4096xi1>, vector<4x4096xi32>
    %add3A_353 = arith.addi %add3A_343, %select_n3A_352 : vector<4x4096xi32>
    %eq3A_354 = arith.constant 8 : i32
    %eq3A_355 = vector.broadcast %eq3A_354 : i32 to vector<4x4096xi32>
    %eq3A_356 = arith.cmpi eq, %get3A_271, %eq3A_355 : vector<4x4096xi32>
    %slice3A_357 = vector.extract_strided_slice %convert_element_type3A_34 {offsets = [8, 0], sizes = [1, 1], strides = [1, 1]} : vector<16x1xi32> to vector<1x1xi32>
    %squeeze3A_358 = vector.extract %slice3A_357[0, 0] : i32 from vector<1x1xi32>
    %jit3A_359 = arith.constant 0 : i32
    %broadcast_in_dim3A_360 = vector.broadcast %squeeze3A_358 : i32 to vector<4x4096xi32>
    %broadcast_in_dim3A_361 = vector.broadcast %jit3A_359 : i32 to vector<4x4096xi32>
    %select_n3A_362 = arith.select %eq3A_356, %broadcast_in_dim3A_360, %broadcast_in_dim3A_361 : vector<4x4096xi1>, vector<4x4096xi32>
    %add3A_363 = arith.addi %add3A_353, %select_n3A_362 : vector<4x4096xi32>
    %eq3A_364 = arith.constant 9 : i32
    %eq3A_365 = vector.broadcast %eq3A_364 : i32 to vector<4x4096xi32>
    %eq3A_366 = arith.cmpi eq, %get3A_271, %eq3A_365 : vector<4x4096xi32>
    %slice3A_367 = vector.extract_strided_slice %convert_element_type3A_34 {offsets = [9, 0], sizes = [1, 1], strides = [1, 1]} : vector<16x1xi32> to vector<1x1xi32>
    %squeeze3A_368 = vector.extract %slice3A_367[0, 0] : i32 from vector<1x1xi32>
    %jit3A_369 = arith.constant 0 : i32
    %broadcast_in_dim3A_370 = vector.broadcast %squeeze3A_368 : i32 to vector<4x4096xi32>
    %broadcast_in_dim3A_371 = vector.broadcast %jit3A_369 : i32 to vector<4x4096xi32>
    %select_n3A_372 = arith.select %eq3A_366, %broadcast_in_dim3A_370, %broadcast_in_dim3A_371 : vector<4x4096xi1>, vector<4x4096xi32>
    %add3A_373 = arith.addi %add3A_363, %select_n3A_372 : vector<4x4096xi32>
    %eq3A_374 = arith.constant 10 : i32
    %eq3A_375 = vector.broadcast %eq3A_374 : i32 to vector<4x4096xi32>
    %eq3A_376 = arith.cmpi eq, %get3A_271, %eq3A_375 : vector<4x4096xi32>
    %slice3A_377 = vector.extract_strided_slice %convert_element_type3A_34 {offsets = [10, 0], sizes = [1, 1], strides = [1, 1]} : vector<16x1xi32> to vector<1x1xi32>
    %squeeze3A_378 = vector.extract %slice3A_377[0, 0] : i32 from vector<1x1xi32>
    %jit3A_379 = arith.constant 0 : i32
    %broadcast_in_dim3A_380 = vector.broadcast %squeeze3A_378 : i32 to vector<4x4096xi32>
    %broadcast_in_dim3A_381 = vector.broadcast %jit3A_379 : i32 to vector<4x4096xi32>
    %select_n3A_382 = arith.select %eq3A_376, %broadcast_in_dim3A_380, %broadcast_in_dim3A_381 : vector<4x4096xi1>, vector<4x4096xi32>
    %add3A_383 = arith.addi %add3A_373, %select_n3A_382 : vector<4x4096xi32>
    %eq3A_384 = arith.constant 11 : i32
    %eq3A_385 = vector.broadcast %eq3A_384 : i32 to vector<4x4096xi32>
    %eq3A_386 = arith.cmpi eq, %get3A_271, %eq3A_385 : vector<4x4096xi32>
    %slice3A_387 = vector.extract_strided_slice %convert_element_type3A_34 {offsets = [11, 0], sizes = [1, 1], strides = [1, 1]} : vector<16x1xi32> to vector<1x1xi32>
    %squeeze3A_388 = vector.extract %slice3A_387[0, 0] : i32 from vector<1x1xi32>
    %jit3A_389 = arith.constant 0 : i32
    %broadcast_in_dim3A_390 = vector.broadcast %squeeze3A_388 : i32 to vector<4x4096xi32>
    %broadcast_in_dim3A_391 = vector.broadcast %jit3A_389 : i32 to vector<4x4096xi32>
    %select_n3A_392 = arith.select %eq3A_386, %broadcast_in_dim3A_390, %broadcast_in_dim3A_391 : vector<4x4096xi1>, vector<4x4096xi32>
    %add3A_393 = arith.addi %add3A_383, %select_n3A_392 : vector<4x4096xi32>
    %eq3A_394 = arith.constant 12 : i32
    %eq3A_395 = vector.broadcast %eq3A_394 : i32 to vector<4x4096xi32>
    %eq3A_396 = arith.cmpi eq, %get3A_271, %eq3A_395 : vector<4x4096xi32>
    %slice3A_397 = vector.extract_strided_slice %convert_element_type3A_34 {offsets = [12, 0], sizes = [1, 1], strides = [1, 1]} : vector<16x1xi32> to vector<1x1xi32>
    %squeeze3A_398 = vector.extract %slice3A_397[0, 0] : i32 from vector<1x1xi32>
    %jit3A_399 = arith.constant 0 : i32
    %broadcast_in_dim3A_400 = vector.broadcast %squeeze3A_398 : i32 to vector<4x4096xi32>
    %broadcast_in_dim3A_401 = vector.broadcast %jit3A_399 : i32 to vector<4x4096xi32>
    %select_n3A_402 = arith.select %eq3A_396, %broadcast_in_dim3A_400, %broadcast_in_dim3A_401 : vector<4x4096xi1>, vector<4x4096xi32>
    %add3A_403 = arith.addi %add3A_393, %select_n3A_402 : vector<4x4096xi32>
    %eq3A_404 = arith.constant 13 : i32
    %eq3A_405 = vector.broadcast %eq3A_404 : i32 to vector<4x4096xi32>
    %eq3A_406 = arith.cmpi eq, %get3A_271, %eq3A_405 : vector<4x4096xi32>
    %slice3A_407 = vector.extract_strided_slice %convert_element_type3A_34 {offsets = [13, 0], sizes = [1, 1], strides = [1, 1]} : vector<16x1xi32> to vector<1x1xi32>
    %squeeze3A_408 = vector.extract %slice3A_407[0, 0] : i32 from vector<1x1xi32>
    %jit3A_409 = arith.constant 0 : i32
    %broadcast_in_dim3A_410 = vector.broadcast %squeeze3A_408 : i32 to vector<4x4096xi32>
    %broadcast_in_dim3A_411 = vector.broadcast %jit3A_409 : i32 to vector<4x4096xi32>
    %select_n3A_412 = arith.select %eq3A_406, %broadcast_in_dim3A_410, %broadcast_in_dim3A_411 : vector<4x4096xi1>, vector<4x4096xi32>
    %add3A_413 = arith.addi %add3A_403, %select_n3A_412 : vector<4x4096xi32>
    %eq3A_414 = arith.constant 14 : i32
    %eq3A_415 = vector.broadcast %eq3A_414 : i32 to vector<4x4096xi32>
    %eq3A_416 = arith.cmpi eq, %get3A_271, %eq3A_415 : vector<4x4096xi32>
    %slice3A_417 = vector.extract_strided_slice %convert_element_type3A_34 {offsets = [14, 0], sizes = [1, 1], strides = [1, 1]} : vector<16x1xi32> to vector<1x1xi32>
    %squeeze3A_418 = vector.extract %slice3A_417[0, 0] : i32 from vector<1x1xi32>
    %jit3A_419 = arith.constant 0 : i32
    %broadcast_in_dim3A_420 = vector.broadcast %squeeze3A_418 : i32 to vector<4x4096xi32>
    %broadcast_in_dim3A_421 = vector.broadcast %jit3A_419 : i32 to vector<4x4096xi32>
    %select_n3A_422 = arith.select %eq3A_416, %broadcast_in_dim3A_420, %broadcast_in_dim3A_421 : vector<4x4096xi1>, vector<4x4096xi32>
    %add3A_423 = arith.addi %add3A_413, %select_n3A_422 : vector<4x4096xi32>
    %eq3A_424 = arith.constant 15 : i32
    %eq3A_425 = vector.broadcast %eq3A_424 : i32 to vector<4x4096xi32>
    %eq3A_426 = arith.cmpi eq, %get3A_271, %eq3A_425 : vector<4x4096xi32>
    %slice3A_427 = vector.extract_strided_slice %convert_element_type3A_34 {offsets = [15, 0], sizes = [1, 1], strides = [1, 1]} : vector<16x1xi32> to vector<1x1xi32>
    %squeeze3A_428 = vector.extract %slice3A_427[0, 0] : i32 from vector<1x1xi32>
    %jit3A_429 = arith.constant 0 : i32
    %broadcast_in_dim3A_430 = vector.broadcast %squeeze3A_428 : i32 to vector<4x4096xi32>
    %broadcast_in_dim3A_431 = vector.broadcast %jit3A_429 : i32 to vector<4x4096xi32>
    %select_n3A_432 = arith.select %eq3A_426, %broadcast_in_dim3A_430, %broadcast_in_dim3A_431 : vector<4x4096xi1>, vector<4x4096xi32>
    %add3A_433 = arith.addi %add3A_423, %select_n3A_432 : vector<4x4096xi32>
    %get3A_434 = arith.constant 0 : index
    %get3A_435 = arith.constant 0 : index
    %get3A_436 = vector.load %arg4[%get3A_434, %get3A_435] : memref<4x4096xi32, #tpu.memory_space<vmem>>, vector<4x4096xi32>
    %add3A_437 = arith.addi %add3A_433, %get3A_436 : vector<4x4096xi32>
    %swap3A_438 = arith.constant 0 : index
    %swap3A_439 = arith.constant 0 : index
    %swap3A_440 = vector.load %arg7[%swap3A_438, %swap3A_439] : memref<4x4096xi32, #tpu.memory_space<vmem>>, vector<4x4096xi32>
    tpu.vector_store %arg7[%swap3A_438, %swap3A_439], %add3A_437 {strides = array<i32>} : memref<4x4096xi32, #tpu.memory_space<vmem>>, vector<4x4096xi32>,
    return
  }
  func.func @transform_0(%arg0: i32) -> (i32, i32) {
    %c0_i32 = arith.constant 0 : i32
    %c0_i32_0 = arith.constant 0 : i32
    %c0_i32_1 = arith.constant 0 : i32
    return %c0_i32, %c0_i32_0 : i32, i32
  }
  func.func @transform_1(%arg0: i32) -> (i32, i32) {
    %c0_i32 = arith.constant 0 : i32
    %c0_i32_0 = arith.constant 0 : i32
    %c0_i32_1 = arith.constant 0 : i32
    return %c0_i32, %c0_i32_0 : i32, i32
  }
  func.func @transform_2(%arg0: i32) -> (i32, i32) {
    %c0_i32 = arith.constant 0 : i32
    %c0_i32_0 = arith.constant 0 : i32
    %c0_i32_1 = arith.constant 0 : i32
    return %c0_i32, %c0_i32_0 : i32, i32
  }
  func.func @transform_3(%arg0: i32) -> (i32, i32) {
    %c0_i32 = arith.constant 0 : i32
    %c0_i32_0 = arith.constant 0 : i32
    %c0_i32_1 = arith.constant 0 : i32
    return %c0_i32, %c0_i32_0 : i32, i32
  }
  func.func @transform_4(%arg0: i32) -> (i32, i32) {
    %c0_i32 = arith.constant 0 : i32
    %c0_i32_0 = arith.constant 0 : i32
    %c0_i32_1 = arith.constant 0 : i32
    return %c0_i32, %c0_i32_0 : i32, i32
  }
  func.func @transform_5(%arg0: i32) -> (i32, i32) {
    %c0_i32 = arith.constant 0 : i32
    %c0_i32_0 = arith.constant 0 : i32
    %c0_i32_1 = arith.constant 0 : i32
    return %c0_i32, %c0_i32_0 : i32, i32
  }
  func.func @transform_6(%arg0: i32) -> (i32, i32) {
    %c0_i32 = arith.constant 0 : i32
    %c0_i32_0 = arith.constant 0 : i32
    %c0_i32_1 = arith.constant 0 : i32
    return %c0_i32, %c0_i32_0 : i32, i32
  }
  func.func @transform_7(%arg0: i32) -> (i32, i32) {
    %c0_i32 = arith.constant 0 : i32
    %c0_i32_0 = arith.constant 0 : i32
    %c0_i32_1 = arith.constant 0 : i32
    return %c0_i32, %c0_i32_0 : i32, i32
  }
}

module attributes {stable_mosaic.version = 14 : i64} {
  func.func @_ffn_body(%arg0: i32, %arg1: memref<48xi32, #tpu.memory_space<smem>>, %arg2: memref<1xi32, #tpu.memory_space<smem>>, %arg3: memref<512x512xf32, #tpu.memory_space<vmem>>, %arg4: memref<1x512x512xbf16, #tpu.memory_space<vmem>>, %arg5: memref<1x1x512xf32, #tpu.memory_space<vmem>>, %arg6: memref<1x512x512xbf16, #tpu.memory_space<vmem>>, %arg7: memref<1x1x512xf32, #tpu.memory_space<vmem>>, %arg8: memref<512x512xf32, #tpu.memory_space<vmem>>) attributes {dimension_semantics = [#tpu.dimension_semantics<arbitrary>], iteration_bounds = array<i64: 48>, scalar_prefetch = 2 : i64, scratch_operands = 0 : i64, tpu.core_type = #tpu.core_type<tc>, window_params = [{transform_indices = @transform_0, window_bounds = array<i64: 512, 512>}, {transform_indices = @transform_1, window_bounds = array<i64: 1, 512, 512>}, {transform_indices = @transform_2, window_bounds = array<i64: 1, 1, 512>}, {transform_indices = @transform_3, window_bounds = array<i64: 1, 512, 512>}, {transform_indices = @transform_4, window_bounds = array<i64: 1, 1, 512>}, {transform_indices = @transform_5, window_bounds = array<i64: 512, 512>}]} {
    %get3A = arith.constant 0 : index
    %get3A_0 = memref.load %arg2[%get3A] : memref<1xi32, #tpu.memory_space<smem>>
    %lt3A = arith.cmpi slt, %arg0, %get3A_0 : i32
    %convert_element_type3A = arith.extui %lt3A : i1 to i32
    %cond3A = arith.constant 0 : i32
    %cond3A_1 = arith.cmpi ne, %convert_element_type3A, %cond3A : i32
    scf.if %cond3A_1 {
      %get3A_2 = arith.constant 0 : index
      %get3A_3 = arith.constant 0 : index
      %get3A_4 = vector.load %arg3[%get3A_2, %get3A_3] : memref<512x512xf32, #tpu.memory_space<vmem>>, vector<512x512xf32>
      %convert_element_type3A_5 = arith.truncf %get3A_4 : vector<512x512xf32> to vector<512x512xbf16>
      %get3A_6 = arith.constant 0 : index
      %get3A_7 = arith.constant 0 : index
      %get3A_8 = arith.constant 0 : index
      %get3A_9 = vector.load %arg4[%get3A_6, %get3A_7, %get3A_8] : memref<1x512x512xbf16, #tpu.memory_space<vmem>>, vector<1x512x512xbf16>
      %get3A_10 = vector.shape_cast %get3A_9 : vector<1x512x512xbf16> to vector<512x512xbf16>
      %dot_general3A = arith.constant dense<0.000000e+00> : vector<512x512xf32>
      %dot_general3A_11 = tpu.matmul %convert_element_type3A_5, %get3A_10, %dot_general3A {dimension_numbers = #tpu.dot_dimension_numbers<[1], [0], [0], [1], [0, 0, 1, 1], [], []>, transpose_lhs_hint = false} : vector<512x512xbf16>, vector<512x512xbf16>, vector<512x512xf32> -> vector<512x512xf32>
      %get3A_12 = arith.constant 0 : index
      %get3A_13 = arith.constant 0 : index
      %get3A_14 = arith.constant 0 : index
      %get3A_15 = vector.load %arg5[%get3A_12, %get3A_13, %get3A_14] : memref<1x1x512xf32, #tpu.memory_space<vmem>>, vector<1x1x512xf32>
      %get3A_16 = vector.shape_cast %get3A_15 : vector<1x1x512xf32> to vector<1x512xf32>
      %add3A = vector.broadcast %get3A_16 : vector<1x512xf32> to vector<512x512xf32>
      %add3A_17 = arith.addf %dot_general3A_11, %add3A : vector<512x512xf32>
      %max3A = arith.constant 0.000000e+00 : f32
      %max3A_18 = vector.broadcast %max3A : f32 to vector<512x512xf32>
      %max3A_19 = arith.maximumf %add3A_17, %max3A_18 : vector<512x512xf32>
      %convert_element_type3A_20 = arith.truncf %max3A_19 : vector<512x512xf32> to vector<512x512xbf16>
      %get3A_21 = arith.constant 0 : index
      %get3A_22 = arith.constant 0 : index
      %get3A_23 = arith.constant 0 : index
      %get3A_24 = vector.load %arg6[%get3A_21, %get3A_22, %get3A_23] : memref<1x512x512xbf16, #tpu.memory_space<vmem>>, vector<1x512x512xbf16>
      %get3A_25 = vector.shape_cast %get3A_24 : vector<1x512x512xbf16> to vector<512x512xbf16>
      %dot_general3A_26 = arith.constant dense<0.000000e+00> : vector<512x512xf32>
      %dot_general3A_27 = tpu.matmul %convert_element_type3A_20, %get3A_25, %dot_general3A_26 {dimension_numbers = #tpu.dot_dimension_numbers<[1], [0], [0], [1], [0, 0, 1, 1], [], []>, transpose_lhs_hint = false} : vector<512x512xbf16>, vector<512x512xbf16>, vector<512x512xf32> -> vector<512x512xf32>
      %get3A_28 = arith.constant 0 : index
      %get3A_29 = arith.constant 0 : index
      %get3A_30 = arith.constant 0 : index
      %get3A_31 = vector.load %arg7[%get3A_28, %get3A_29, %get3A_30] : memref<1x1x512xf32, #tpu.memory_space<vmem>>, vector<1x1x512xf32>
      %get3A_32 = vector.shape_cast %get3A_31 : vector<1x1x512xf32> to vector<1x512xf32>
      %add3A_33 = vector.broadcast %get3A_32 : vector<1x512xf32> to vector<512x512xf32>
      %add3A_34 = arith.addf %dot_general3A_27, %add3A_33 : vector<512x512xf32>
      %swap3A = arith.constant 0 : index
      %swap3A_35 = arith.constant 0 : index
      %swap3A_36 = vector.load %arg8[%swap3A, %swap3A_35] : memref<512x512xf32, #tpu.memory_space<vmem>>, vector<512x512xf32>
      tpu.vector_store %arg8[%swap3A, %swap3A_35], %add3A_34 {strides = array<i32>} : memref<512x512xf32, #tpu.memory_space<vmem>>, vector<512x512xf32>,
    } else {
    }
    return
  }
  func.func @transform_0(%arg0: i32, %arg1: memref<48xi32, #tpu.memory_space<smem>>, %arg2: memref<1xi32, #tpu.memory_space<smem>>) -> (i32, i32) {
    %get3A = arith.constant 0 : index
    %get3A_0 = memref.load %arg2[%get3A] : memref<1xi32, #tpu.memory_space<smem>>
    %sub3A = arith.constant 1 : i32
    %sub3A_1 = arith.subi %get3A_0, %sub3A : i32
    %min3A = arith.minsi %arg0, %sub3A_1 : i32
    %c0_i32 = arith.constant 0 : i32
    %c0_i32_2 = arith.constant 0 : i32
    return %min3A, %c0_i32 : i32, i32
  }
  func.func @transform_1(%arg0: i32, %arg1: memref<48xi32, #tpu.memory_space<smem>>, %arg2: memref<1xi32, #tpu.memory_space<smem>>) -> (i32, i32, i32) {
    %get3A = arith.index_cast %arg0 : i32 to index
    %get3A_0 = memref.load %arg1[%get3A] : memref<48xi32, #tpu.memory_space<smem>>
    %c0_i32 = arith.constant 0 : i32
    %c0_i32_1 = arith.constant 0 : i32
    %c0_i32_2 = arith.constant 0 : i32
    return %get3A_0, %c0_i32, %c0_i32_1 : i32, i32, i32
  }
  func.func @transform_2(%arg0: i32, %arg1: memref<48xi32, #tpu.memory_space<smem>>, %arg2: memref<1xi32, #tpu.memory_space<smem>>) -> (i32, i32, i32) {
    %get3A = arith.index_cast %arg0 : i32 to index
    %get3A_0 = memref.load %arg1[%get3A] : memref<48xi32, #tpu.memory_space<smem>>
    %c0_i32 = arith.constant 0 : i32
    %c0_i32_1 = arith.constant 0 : i32
    %c0_i32_2 = arith.constant 0 : i32
    return %get3A_0, %c0_i32, %c0_i32_1 : i32, i32, i32
  }
  func.func @transform_3(%arg0: i32, %arg1: memref<48xi32, #tpu.memory_space<smem>>, %arg2: memref<1xi32, #tpu.memory_space<smem>>) -> (i32, i32, i32) {
    %get3A = arith.index_cast %arg0 : i32 to index
    %get3A_0 = memref.load %arg1[%get3A] : memref<48xi32, #tpu.memory_space<smem>>
    %c0_i32 = arith.constant 0 : i32
    %c0_i32_1 = arith.constant 0 : i32
    %c0_i32_2 = arith.constant 0 : i32
    return %get3A_0, %c0_i32, %c0_i32_1 : i32, i32, i32
  }
  func.func @transform_4(%arg0: i32, %arg1: memref<48xi32, #tpu.memory_space<smem>>, %arg2: memref<1xi32, #tpu.memory_space<smem>>) -> (i32, i32, i32) {
    %get3A = arith.index_cast %arg0 : i32 to index
    %get3A_0 = memref.load %arg1[%get3A] : memref<48xi32, #tpu.memory_space<smem>>
    %c0_i32 = arith.constant 0 : i32
    %c0_i32_1 = arith.constant 0 : i32
    %c0_i32_2 = arith.constant 0 : i32
    return %get3A_0, %c0_i32, %c0_i32_1 : i32, i32, i32
  }
  func.func @transform_5(%arg0: i32, %arg1: memref<48xi32, #tpu.memory_space<smem>>, %arg2: memref<1xi32, #tpu.memory_space<smem>>) -> (i32, i32) {
    %c0_i32 = arith.constant 0 : i32
    %c0_i32_0 = arith.constant 0 : i32
    return %arg0, %c0_i32 : i32, i32
  }
}

module attributes {stable_mosaic.version = 14 : i64} {
  func.func @_aux_body(%arg0: i32, %arg1: memref<1x512x512xbf16, #tpu.memory_space<vmem>>, %arg2: memref<1x512x512xbf16, #tpu.memory_space<vmem>>, %arg3: memref<16x128xf32, #tpu.memory_space<vmem>>, %arg4: memref<8x128xf32, #tpu.memory_space<vmem>>) attributes {dimension_semantics = [#tpu.dimension_semantics<arbitrary>], iteration_bounds = array<i64: 16>, scalar_prefetch = 0 : i64, scratch_operands = 0 : i64, tpu.core_type = #tpu.core_type<tc>, window_params = [{transform_indices = @transform_0, window_bounds = array<i64: 1, 512, 512>}, {transform_indices = @transform_1, window_bounds = array<i64: 1, 512, 512>}, {pipeline_mode = #tpu.pipeline_mode<synchronous>, transform_indices = @transform_2, window_bounds = array<i64: 16, 128>}, {pipeline_mode = #tpu.pipeline_mode<synchronous>, transform_indices = @transform_3, window_bounds = array<i64: 8, 128>}]} {
    %eq3A = arith.constant 0 : i32
    %eq3A_0 = arith.cmpi eq, %arg0, %eq3A : i32
    %convert_element_type3A = arith.extui %eq3A_0 : i1 to i32
    %cond3A = arith.constant 0 : i32
    %cond3A_1 = arith.cmpi ne, %convert_element_type3A, %cond3A : i32
    scf.if %cond3A_1 {
      %broadcast_in_dim3A = arith.constant 0.000000e+00 : f32
      %broadcast_in_dim3A_42 = vector.broadcast %broadcast_in_dim3A : f32 to vector<8x128xf32>
      %swap3A_43 = arith.constant 0 : index
      %swap3A_44 = arith.constant 0 : index
      %swap3A_45 = vector.load %arg4[%swap3A_43, %swap3A_44] : memref<8x128xf32, #tpu.memory_space<vmem>>, vector<8x128xf32>
      tpu.vector_store %arg4[%swap3A_43, %swap3A_44], %broadcast_in_dim3A_42 {strides = array<i32>} : memref<8x128xf32, #tpu.memory_space<vmem>>, vector<8x128xf32>,
    } else {
    }
    %get3A = arith.constant 0 : index
    %get3A_2 = arith.constant 0 : index
    %get3A_3 = arith.constant 0 : index
    %get3A_4 = vector.load %arg1[%get3A, %get3A_2, %get3A_3] : memref<1x512x512xbf16, #tpu.memory_space<vmem>>, vector<1x512x512xbf16>
    %get3A_5 = vector.shape_cast %get3A_4 : vector<1x512x512xbf16> to vector<512x512xbf16>
    %convert_element_type3A_6 = arith.extf %get3A_5 : vector<512x512xbf16> to vector<512x512xf32>
    %abs3A = math.absf %convert_element_type3A_6 : vector<512x512xf32>
    %get3A_7 = arith.constant 0 : index
    %get3A_8 = arith.constant 0 : index
    %get3A_9 = arith.constant 0 : index
    %get3A_10 = vector.load %arg2[%get3A_7, %get3A_8, %get3A_9] : memref<1x512x512xbf16, #tpu.memory_space<vmem>>, vector<1x512x512xbf16>
    %get3A_11 = vector.shape_cast %get3A_10 : vector<1x512x512xbf16> to vector<512x512xbf16>
    %convert_element_type3A_12 = arith.extf %get3A_11 : vector<512x512xbf16> to vector<512x512xf32>
    %abs3A_13 = math.absf %convert_element_type3A_12 : vector<512x512xf32>
    %sub3A = arith.constant 1.000000e+00 : f32
    %sub3A_14 = vector.broadcast %sub3A : f32 to vector<512x512xf32>
    %sub3A_15 = arith.subf %sub3A_14, %abs3A : vector<512x512xf32>
    %abs3A_16 = math.absf %sub3A_15 : vector<512x512xf32>
    %mul3A = arith.mulf %abs3A, %abs3A_16 : vector<512x512xf32>
    %reduce_sum3A = vector.shape_cast %mul3A : vector<512x512xf32> to vector<1x512x512xf32>
    %reduce_sum3A_17 = arith.constant dense<0.000000e+00> : vector<1xf32>
    %reduce_sum3A_18 = vector.multi_reduction <add>, %reduce_sum3A, %reduce_sum3A_17 [1, 2] : vector<1x512x512xf32> to vector<1xf32>
    %reduce_sum3A_19 = vector.shape_cast %reduce_sum3A_18 : vector<1xf32> to vector<1x1x1xf32>
    %reduce_sum3A_20 = vector.extract %reduce_sum3A_19[0, 0, 0] : f32 from vector<1x1x1xf32>
    %sub3A_21 = arith.constant 1.000000e+00 : f32
    %sub3A_22 = vector.broadcast %sub3A_21 : f32 to vector<512x512xf32>
    %sub3A_23 = arith.subf %sub3A_22, %abs3A_13 : vector<512x512xf32>
    %abs3A_24 = math.absf %sub3A_23 : vector<512x512xf32>
    %mul3A_25 = arith.mulf %abs3A_13, %abs3A_24 : vector<512x512xf32>
    %reduce_sum3A_26 = vector.shape_cast %mul3A_25 : vector<512x512xf32> to vector<1x512x512xf32>
    %reduce_sum3A_27 = arith.constant dense<0.000000e+00> : vector<1xf32>
    %reduce_sum3A_28 = vector.multi_reduction <add>, %reduce_sum3A_26, %reduce_sum3A_27 [1, 2] : vector<1x512x512xf32> to vector<1xf32>
    %reduce_sum3A_29 = vector.shape_cast %reduce_sum3A_28 : vector<1xf32> to vector<1x1x1xf32>
    %reduce_sum3A_30 = vector.extract %reduce_sum3A_29[0, 0, 0] : f32 from vector<1x1x1xf32>
    %add3A = arith.addf %reduce_sum3A_20, %reduce_sum3A_30 : f32
    %get3A_31 = arith.constant 0 : index
    %get3A_32 = arith.constant 0 : index
    %get3A_33 = vector.load %arg4[%get3A_31, %get3A_32] : memref<8x128xf32, #tpu.memory_space<vmem>>, vector<1x1xf32>
    %reshape3A = vector.broadcast %add3A : f32 to vector<1x1xf32>
    %add3A_34 = arith.addf %get3A_33, %reshape3A : vector<1x1xf32>
    %swap3A = arith.constant 0 : index
    %swap3A_35 = arith.constant 0 : index
    %swap3A_36 = vector.load %arg4[%swap3A, %swap3A_35] : memref<8x128xf32, #tpu.memory_space<vmem>>, vector<1x1xf32>
    tpu.vector_store %arg4[%swap3A, %swap3A_35], %add3A_34 {strides = array<i32>} : memref<8x128xf32, #tpu.memory_space<vmem>>, vector<1x1xf32>,
    %eq3A_37 = arith.constant 15 : i32
    %eq3A_38 = arith.cmpi eq, %arg0, %eq3A_37 : i32
    %convert_element_type3A_39 = arith.extui %eq3A_38 : i1 to i32
    %cond3A_40 = arith.constant 0 : i32
    %cond3A_41 = arith.cmpi ne, %convert_element_type3A_39, %cond3A_40 : i32
    scf.if %cond3A_41 {
      %get3A_42 = arith.constant 0 : index
      %get3A_43 = arith.constant 0 : index
      %get3A_44 = vector.load %arg3[%get3A_42, %get3A_43] : memref<16x128xf32, #tpu.memory_space<vmem>>, vector<16x1xf32>
      %mul3A_45 = arith.constant 2.44140625E-4 : f32
      %mul3A_46 = vector.broadcast %mul3A_45 : f32 to vector<16x1xf32>
      %mul3A_47 = arith.mulf %get3A_44, %mul3A_46 : vector<16x1xf32>
      %get3A_48 = arith.constant 0 : index
      %get3A_49 = arith.constant 1 : index
      %get3A_50 = vector.load %arg3[%get3A_48, %get3A_49] : memref<16x128xf32, #tpu.memory_space<vmem>>, vector<16x1xf32>
      %mul3A_51 = arith.constant 2.44140625E-4 : f32
      %mul3A_52 = vector.broadcast %mul3A_51 : f32 to vector<16x1xf32>
      %mul3A_53 = arith.mulf %get3A_50, %mul3A_52 : vector<16x1xf32>
      %mul3A_54 = arith.mulf %mul3A_47, %mul3A_53 : vector<16x1xf32>
      %reduce_sum3A_55 = vector.shape_cast %mul3A_54 : vector<16x1xf32> to vector<1x16x1xf32>
      %reduce_sum3A_56 = arith.constant dense<0.000000e+00> : vector<1xf32>
      %reduce_sum3A_57 = vector.multi_reduction <add>, %reduce_sum3A_55, %reduce_sum3A_56 [1, 2] : vector<1x16x1xf32> to vector<1xf32>
      %reduce_sum3A_58 = vector.shape_cast %reduce_sum3A_57 : vector<1xf32> to vector<1x1x1xf32>
      %reduce_sum3A_59 = vector.extract %reduce_sum3A_58[0, 0, 0] : f32 from vector<1x1x1xf32>
      %mul3A_60 = arith.constant 1.600000e+01 : f32
      %mul3A_61 = arith.mulf %mul3A_60, %reduce_sum3A_59 : f32
      %get3A_62 = arith.constant 0 : index
      %get3A_63 = arith.constant 0 : index
      %get3A_64 = vector.load %arg4[%get3A_62, %get3A_63] : memref<8x128xf32, #tpu.memory_space<vmem>>, vector<1x1xf32>
      %get3A_65 = vector.extract %get3A_64[0, 0] : f32 from vector<1x1xf32>
      %div3A = arith.constant 0x4A800000 : f32
      %div3A_66 = arith.divf %get3A_65, %div3A : f32
      %mul3A_67 = arith.constant 5.000000e-03 : f32
      %mul3A_68 = arith.mulf %mul3A_67, %mul3A_61 : f32
      %mul3A_69 = arith.constant 0.00999999977 : f32
      %mul3A_70 = arith.mulf %mul3A_69, %div3A_66 : f32
      %add3A_71 = arith.addf %mul3A_68, %mul3A_70 : f32
      %reshape3A_72 = vector.broadcast %add3A_71 : f32 to vector<1x1xf32>
      %swap3A_73 = arith.constant 0 : index
      %swap3A_74 = arith.constant 0 : index
      %swap3A_75 = vector.load %arg4[%swap3A_73, %swap3A_74] : memref<8x128xf32, #tpu.memory_space<vmem>>, vector<1x1xf32>
      tpu.vector_store %arg4[%swap3A_73, %swap3A_74], %reshape3A_72 {strides = array<i32>} : memref<8x128xf32, #tpu.memory_space<vmem>>, vector<1x1xf32>,
    } else {
    }
    return
  }
  func.func @transform_0(%arg0: i32) -> (i32, i32, i32) {
    %c0_i32 = arith.constant 0 : i32
    %c0_i32_0 = arith.constant 0 : i32
    %c0_i32_1 = arith.constant 0 : i32
    return %arg0, %c0_i32, %c0_i32_0 : i32, i32, i32
  }
  func.func @transform_1(%arg0: i32) -> (i32, i32, i32) {
    %c0_i32 = arith.constant 0 : i32
    %c0_i32_0 = arith.constant 0 : i32
    %c0_i32_1 = arith.constant 0 : i32
    return %arg0, %c0_i32, %c0_i32_0 : i32, i32, i32
  }
  func.func @transform_2(%arg0: i32) -> (i32, i32) {
    %c0_i32 = arith.constant 0 : i32
    %c0_i32_0 = arith.constant 0 : i32
    %c0_i32_1 = arith.constant 0 : i32
    return %c0_i32, %c0_i32_0 : i32, i32
  }
  func.func @transform_3(%arg0: i32) -> (i32, i32) {
    %c0_i32 = arith.constant 0 : i32
    %c0_i32_0 = arith.constant 0 : i32
    %c0_i32_1 = arith.constant 0 : i32
    return %c0_i32, %c0_i32_0 : i32, i32
  }
}

module attributes {stable_mosaic.version = 14 : i64} {
  func.func @_head_body(%arg0: i32, %arg1: memref<2048x512xf32, #tpu.memory_space<vmem>>, %arg2: memref<512x4xf32, #tpu.memory_space<vmem>>, %arg3: memref<512x128xf32, #tpu.memory_space<vmem>>, %arg4: memref<1x128xf32, #tpu.memory_space<vmem>>, %arg5: memref<128x8xf32, #tpu.memory_space<vmem>>, %arg6: memref<1x8xf32, #tpu.memory_space<vmem>>, %arg7: memref<512x8xf32, #tpu.memory_space<vmem>>) attributes {dimension_semantics = [#tpu.dimension_semantics<arbitrary>], iteration_bounds = array<i64: 8>, scalar_prefetch = 0 : i64, scratch_operands = 0 : i64, tpu.core_type = #tpu.core_type<tc>, window_params = [{transform_indices = @transform_0, window_bounds = array<i64: 2048, 512>}, {transform_indices = @transform_1, window_bounds = array<i64: 512, 4>}, {pipeline_mode = #tpu.pipeline_mode<synchronous>, transform_indices = @transform_2, window_bounds = array<i64: 512, 128>}, {pipeline_mode = #tpu.pipeline_mode<synchronous>, transform_indices = @transform_3, window_bounds = array<i64: 1, 128>}, {pipeline_mode = #tpu.pipeline_mode<synchronous>, transform_indices = @transform_4, window_bounds = array<i64: 128, 8>}, {pipeline_mode = #tpu.pipeline_mode<synchronous>, transform_indices = @transform_5, window_bounds = array<i64: 1, 8>}, {transform_indices = @transform_6, window_bounds = array<i64: 512, 8>}]} {
    %get3A = arith.constant 0 : index
    %get3A_0 = arith.constant 0 : index
    %get3A_1 = vector.load %arg1[%get3A, %get3A_0] : memref<2048x512xf32, #tpu.memory_space<vmem>>, vector<2048x512xf32>
    %reshape3A = vector.shape_cast %get3A_1 : vector<2048x512xf32> to vector<512x4x512xf32>
    %get3A_2 = arith.constant 0 : index
    %get3A_3 = arith.constant 0 : index
    %get3A_4 = vector.load %arg2[%get3A_2, %get3A_3] : memref<512x4xf32, #tpu.memory_space<vmem>>, vector<512x4xf32>
    %slice3A = vector.extract_strided_slice %reshape3A {offsets = [0, 0, 0], sizes = [512, 1, 512], strides = [1, 1, 1]} : vector<512x4x512xf32> to vector<512x1x512xf32>
    %squeeze3A = vector.shape_cast %slice3A : vector<512x1x512xf32> to vector<512x512xf32>
    %slice3A_5 = vector.extract_strided_slice %get3A_4 {offsets = [0, 0], sizes = [512, 1], strides = [1, 1]} : vector<512x4xf32> to vector<512x1xf32>
    %mul3A = vector.broadcast %slice3A_5 : vector<512x1xf32> to vector<512x512xf32>
    %mul3A_6 = arith.mulf %squeeze3A, %mul3A : vector<512x512xf32>
    %slice3A_7 = vector.extract_strided_slice %reshape3A {offsets = [0, 1, 0], sizes = [512, 1, 512], strides = [1, 1, 1]} : vector<512x4x512xf32> to vector<512x1x512xf32>
    %squeeze3A_8 = vector.shape_cast %slice3A_7 : vector<512x1x512xf32> to vector<512x512xf32>
    %slice3A_9 = vector.extract_strided_slice %get3A_4 {offsets = [0, 1], sizes = [512, 1], strides = [1, 1]} : vector<512x4xf32> to vector<512x1xf32>
    %mul3A_10 = vector.broadcast %slice3A_9 : vector<512x1xf32> to vector<512x512xf32>
    %mul3A_11 = arith.mulf %squeeze3A_8, %mul3A_10 : vector<512x512xf32>
    %add3A = arith.addf %mul3A_6, %mul3A_11 : vector<512x512xf32>
    %slice3A_12 = vector.extract_strided_slice %reshape3A {offsets = [0, 2, 0], sizes = [512, 1, 512], strides = [1, 1, 1]} : vector<512x4x512xf32> to vector<512x1x512xf32>
    %squeeze3A_13 = vector.shape_cast %slice3A_12 : vector<512x1x512xf32> to vector<512x512xf32>
    %slice3A_14 = vector.extract_strided_slice %get3A_4 {offsets = [0, 2], sizes = [512, 1], strides = [1, 1]} : vector<512x4xf32> to vector<512x1xf32>
    %mul3A_15 = vector.broadcast %slice3A_14 : vector<512x1xf32> to vector<512x512xf32>
    %mul3A_16 = arith.mulf %squeeze3A_13, %mul3A_15 : vector<512x512xf32>
    %add3A_17 = arith.addf %add3A, %mul3A_16 : vector<512x512xf32>
    %slice3A_18 = vector.extract_strided_slice %reshape3A {offsets = [0, 3, 0], sizes = [512, 1, 512], strides = [1, 1, 1]} : vector<512x4x512xf32> to vector<512x1x512xf32>
    %squeeze3A_19 = vector.shape_cast %slice3A_18 : vector<512x1x512xf32> to vector<512x512xf32>
    %slice3A_20 = vector.extract_strided_slice %get3A_4 {offsets = [0, 3], sizes = [512, 1], strides = [1, 1]} : vector<512x4xf32> to vector<512x1xf32>
    %mul3A_21 = vector.broadcast %slice3A_20 : vector<512x1xf32> to vector<512x512xf32>
    %mul3A_22 = arith.mulf %squeeze3A_19, %mul3A_21 : vector<512x512xf32>
    %add3A_23 = arith.addf %add3A_17, %mul3A_22 : vector<512x512xf32>
    %get3A_24 = arith.constant 0 : index
    %get3A_25 = arith.constant 0 : index
    %get3A_26 = vector.load %arg3[%get3A_24, %get3A_25] : memref<512x128xf32, #tpu.memory_space<vmem>>, vector<512x128xf32>
    %dot_general3A = arith.constant dense<0.000000e+00> : vector<512x128xf32>
    %dot_general3A_27 = tpu.matmul %add3A_23, %get3A_26, %dot_general3A {dimension_numbers = #tpu.dot_dimension_numbers<[1], [0], [0], [1], [0, 0, 1, 1], [], []>, transpose_lhs_hint = false} : vector<512x512xf32>, vector<512x128xf32>, vector<512x128xf32> -> vector<512x128xf32>
    %get3A_28 = arith.constant 0 : index
    %get3A_29 = arith.constant 0 : index
    %get3A_30 = vector.load %arg4[%get3A_28, %get3A_29] : memref<1x128xf32, #tpu.memory_space<vmem>>, vector<1x128xf32>
    %add3A_31 = vector.broadcast %get3A_30 : vector<1x128xf32> to vector<512x128xf32>
    %add3A_32 = arith.addf %dot_general3A_27, %add3A_31 : vector<512x128xf32>
    %max3A = arith.constant 0.000000e+00 : f32
    %max3A_33 = vector.broadcast %max3A : f32 to vector<512x128xf32>
    %max3A_34 = arith.maximumf %add3A_32, %max3A_33 : vector<512x128xf32>
    %get3A_35 = arith.constant 0 : index
    %get3A_36 = arith.constant 0 : index
    %get3A_37 = vector.load %arg5[%get3A_35, %get3A_36] : memref<128x8xf32, #tpu.memory_space<vmem>>, vector<128x8xf32>
    %dot_general3A_38 = arith.constant dense<0.000000e+00> : vector<512x8xf32>
    %dot_general3A_39 = tpu.matmul %max3A_34, %get3A_37, %dot_general3A_38 {dimension_numbers = #tpu.dot_dimension_numbers<[1], [0], [0], [1], [0, 0, 1, 1], [], []>, transpose_lhs_hint = false} : vector<512x128xf32>, vector<128x8xf32>, vector<512x8xf32> -> vector<512x8xf32>
    %get3A_40 = arith.constant 0 : index
    %get3A_41 = arith.constant 0 : index
    %get3A_42 = vector.load %arg6[%get3A_40, %get3A_41] : memref<1x8xf32, #tpu.memory_space<vmem>>, vector<1x8xf32>
    %add3A_43 = vector.broadcast %get3A_42 : vector<1x8xf32> to vector<512x8xf32>
    %add3A_44 = arith.addf %dot_general3A_39, %add3A_43 : vector<512x8xf32>
    %neg3A = arith.constant 0.000000e+00 : f32
    %neg3A_45 = vector.broadcast %neg3A : f32 to vector<512x8xf32>
    %neg3A_46 = arith.subf %neg3A_45, %add3A_44 : vector<512x8xf32>
    %exp3A = math.exp %neg3A_46 : vector<512x8xf32>
    %add3A_47 = arith.constant 1.000000e+00 : f32
    %add3A_48 = vector.broadcast %add3A_47 : f32 to vector<512x8xf32>
    %add3A_49 = arith.addf %add3A_48, %exp3A : vector<512x8xf32>
    %div3A = arith.constant 1.000000e+00 : f32
    %div3A_50 = vector.broadcast %div3A : f32 to vector<512x8xf32>
    %div3A_51 = arith.divf %div3A_50, %add3A_49 : vector<512x8xf32>
    %swap3A = arith.constant 0 : index
    %swap3A_52 = arith.constant 0 : index
    %swap3A_53 = vector.load %arg7[%swap3A, %swap3A_52] : memref<512x8xf32, #tpu.memory_space<vmem>>, vector<512x8xf32>
    tpu.vector_store %arg7[%swap3A, %swap3A_52], %div3A_51 {strides = array<i32>} : memref<512x8xf32, #tpu.memory_space<vmem>>, vector<512x8xf32>,
    return
  }
  func.func @transform_0(%arg0: i32) -> (i32, i32) {
    %c0_i32 = arith.constant 0 : i32
    %c0_i32_0 = arith.constant 0 : i32
    return %arg0, %c0_i32 : i32, i32
  }
  func.func @transform_1(%arg0: i32) -> (i32, i32) {
    %c0_i32 = arith.constant 0 : i32
    %c0_i32_0 = arith.constant 0 : i32
    return %arg0, %c0_i32 : i32, i32
  }
  func.func @transform_2(%arg0: i32) -> (i32, i32) {
    %c0_i32 = arith.constant 0 : i32
    %c0_i32_0 = arith.constant 0 : i32
    %c0_i32_1 = arith.constant 0 : i32
    return %c0_i32, %c0_i32_0 : i32, i32
  }
  func.func @transform_3(%arg0: i32) -> (i32, i32) {
    %c0_i32 = arith.constant 0 : i32
    %c0_i32_0 = arith.constant 0 : i32
    %c0_i32_1 = arith.constant 0 : i32
    return %c0_i32, %c0_i32_0 : i32, i32
  }
  func.func @transform_4(%arg0: i32) -> (i32, i32) {
    %c0_i32 = arith.constant 0 : i32
    %c0_i32_0 = arith.constant 0 : i32
    %c0_i32_1 = arith.constant 0 : i32
    return %c0_i32, %c0_i32_0 : i32, i32
  }
  func.func @transform_5(%arg0: i32) -> (i32, i32) {
    %c0_i32 = arith.constant 0 : i32
    %c0_i32_0 = arith.constant 0 : i32
    %c0_i32_1 = arith.constant 0 : i32
    return %c0_i32, %c0_i32_0 : i32, i32
  }
  func.func @transform_6(%arg0: i32) -> (i32, i32) {
    %c0_i32 = arith.constant 0 : i32
    %c0_i32_0 = arith.constant 0 : i32
    return %arg0, %c0_i32 : i32, i32
  }
}

</mosaic_0001>

<sc_bundles>
// kernel: kernel.12.cloned.1.call-start
scs
__scs_entry_jumppad:
0x0: {  	(pc) =	sbr.rel $0x88, $3  }
0x1: {  	(tag) =	ssettag $0x0;
	lr =	simm.s32 $0x1  }
0x2: {  	[smem:$0x3F90] =	sst lr;
	_ =	strace $0xD0000000  }
0x3: {  	_ = 	snop  }
0x4: {  	_ = 	snop  }
0x5: {  	_ = 	snop  }
0x6: {  	_ = 	snop  }
0x7: {  	_ = 	snop  }
__scs_overlays_trampoline_lowered:
0x8: {  	[smem:$0x3F9F] =	sst s0  }
0x9: {  	[smem:$0x3FA0] =	sst s1  }
0xa: {  	[smem:$0x3FA1] =	sst s2  }
0xb: {  	[smem:$0x3FA2] =	sst s3  }
0xc: {  	[smem:$0x3FA3] =	sst s4  }
0xd: {  	[smem:$0x3FA4] =	sst s5  }
0xe: {  	[smem:$0x3FA5] =	sst s6  }
0xf: {  	[smem:$0x3FA6] =	sst s7  }
0x10: {  	[smem:$0x3FA7] =	sst s8  }
0x11: {  	[smem:$0x3FA8] =	sst s9;
	s0 =	simm.s32 @!p0 $0x0  }
0x12: {  	s1 =	sld [smem:$0x3F8E];
	s0 =	simm.s32 @p0 $0x1  }
0x13: {  	[smem:$0x3FA9] =	sst s0;
	s0 =	simm.s32 @!p1 $0x0  }
0x14: {  	s2 =	sld [smem:$0x3F8D];
	s0 =	simm.s32 @p1 $0x1  }
0x15: {  	[smem:$0x3FAA] =	sst s0;
	s0 =	simm.s32 @!p2 $0x0  }
0x16: {  	s3 =	sld [smem:$0x3FDB];
	s0 =	simm.s32 @p2 $0x1  }
0x17: {  	s4 =	simm.s32 $0x1BF5;
	[smem:$0x3FAC] =	sst s0  }
0x18: {  	s0 =	sld [smem:$0x3F8F];
	_ =	swait.ge [sflag:s4], $0x0  }
0x19: {  	s7 =	sld [smem:$0x3F90]  }
0x1a: {  	s8 =	sadd.s32 $0xFFFFE003, lr  }
0x1b: {  	s9 =	sadd.s32 $0xFFFFFEF7, lr;
	s5 =	simm.s32 $0xFFFFFFFF;
	p2 =	slt.u32 s8, $0xFFFFF086  }
0x1c: {  	p1 =	slt.u32 s9, $0xF7A;
	s5 =	simm.s32 @!p2 $0x0  }
0x1d: {  	s5 =	simm.s32 @p1 $0x1;
	p0 =	seq.s32 s7, s2  }
0x1e: {  	s7 =	smul.u32 @!p0 $0xF7A, s2;
	p2 =	seq.s32 @!p0 s5, $0x0  }
0x1f: {  	s9 =	smul.u32 $0xF7A, s1;
	s8 =	simm.s32 @!p0 $0x1BF5;
	p2 =	por !p2, p0  }
0x20: {  	[sflag:s8] =	ssyncset.s32 @!p0 $0xFFFFF086;
	s6 =	sadd.s32 @!p0 s3, s7;
	s7 =	simm.s32 @!p0 $0x108  }
0x21: {  	s3 =	sadd.s32 s3, s9;
	s6 =	sadd.s32 @!p0 $0x88, s6;
	s7 =	simm.s32 @p2 $0x1082  }
0x22: {  	[simem:s7], [sflag:s8] =	dma.local @!p0 [hbm:s6], $0xF7A  }
0x23: {  	s9 =	sor.u32 $0xD0000000, s2;
	s6 =	simm.s32 $0x108;
	_ =	swait.ge @!p0 [sflag:s8], $0x0  }
0x24: {  	s3 =	sadd.s32 $0x88, s3;
	s6 =	simm.s32 @!p1 $0x1082;
	[sflag:s4] =	ssyncset.s32 $0xFFFFF086  }
0x25: {  	[simem:s6], [sflag:s4] =	dma.local [hbm:s3], $0xF7A  }
0x26: {  	[smem:$0x3F90] =	sst s1;
	(tag) =	ssettag s2;
	_ =	strace s9  }
0x27: {  	s1 =	sld [smem:$0x3FA0]  }
0x28: {  	s2 =	sld [smem:$0x3FA1]  }
0x29: {  	s4 =	sld [smem:$0x3FA3]  }
0x2a: {  	p0 =	seq.s32 s5, $0x0;
	s5 =	sld [smem:$0x3FA4]  }
0x2b: {  	s6 =	sld [smem:$0x3FA5]  }
0x2c: {  	s7 =	sld [smem:$0x3FA6]  }
0x2d: {  	s3 =	simm.s32 $0x108;
	s8 =	sld [smem:$0x3FA7]  }
0x2e: {  	s3 =	simm.s32 @!p0 $0x1082;
	s9 =	sld [smem:$0x3FA8]  }
0x2f: {  	lr =	sadd.s32 s0, s3;
	s0 =	sld [smem:$0x3F9F]  }
0x30: {  	s3 =	sld [smem:$0x3FA2]  }
0x31: {  	[smem:$0x3FAB] =	sst s10  }
0x32: {  	s10 =	sld [smem:$0x3FA9];
	_ =	sdelay $0x3  }
0x33: {  	p0 =	seq.s32 s10, $0x1;
	s10 =	sld [smem:$0x3FAB];
	_ =	sdelay $0x3  }
0x34: {  	[smem:$0x3FAB] =	sst s10  }
0x35: {  	s10 =	sld [smem:$0x3FAA];
	_ =	sdelay $0x3  }
0x36: {  	p1 =	seq.s32 s10, $0x1;
	s10 =	sld [smem:$0x3FAB];
	_ =	sdelay $0x3  }
0x37: {  	[smem:$0x3FAB] =	sst s10  }
0x38: {  	s10 =	sld [smem:$0x3FAC]  }
0x39: {  	_ = 	snop;
	(pc) =	sbr.ind lr, $3  }
0x3a: {  	_ = 	snop  }
0x3b: {  	_ = 	snop  }
0x3c: {  	p2 =	seq.s32 s10, $0x1;
	s10 =	sld [smem:$0x3FAB]  }
0x3d: {  	_ =	shalt  }
0x3e: {  	_ =	shalt  }
0x3f: {  	_ =	shalt  }
0x40: {  	_ =	shalt  }
0x41: {  	_ =	shalt  }
0x42: {  	_ =	shalt  }
0x43: {  	_ =	shalt  }
0x44: {  	_ =	shalt  }
0x45: {  	_ =	shalt  }
0x46: {  	_ =	shalt  }
0x47: {  	_ =	shalt  }
0x48: {  	_ =	shalt  }
0x49: {  	_ =	shalt  }
0x4a: {  	_ =	shalt  }
0x4b: {  	_ =	shalt  }
0x4c: {  	_ =	shalt  }
0x4d: {  	_ =	shalt  }
0x4e: {  	_ =	shalt  }
0x4f: {  	_ =	shalt  }
0x50: {  	_ =	shalt  }
0x51: {  	_ =	shalt  }
0x52: {  	_ =	shalt  }
0x53: {  	_ =	shalt  }
0x54: {  	_ =	shalt  }
0x55: {  	_ =	shalt  }
0x56: {  	_ =	shalt  }
0x57: {  	_ =	shalt  }
0x58: {  	_ =	shalt  }
0x59: {  	_ =	shalt  }
0x5a: {  	_ =	shalt  }
0x5b: {  	_ =	shalt  }
0x5c: {  	_ =	shalt  }
0x5d: {  	_ =	shalt  }
0x5e: {  	_ =	shalt  }
0x5f: {  	_ =	shalt  }
0x60: {  	_ =	shalt  }
0x61: {  	_ =	shalt  }
0x62: {  	_ =	shalt  }
0x63: {  	_ =	shalt  }
0x64: {  	_ =	shalt  }
0x65: {  	_ =	shalt  }
0x66: {  	_ =	shalt  }
0x67: {  	_ =	shalt  }
0x68: {  	_ =	shalt  }
0x69: {  	_ =	shalt  }
0x6a: {  	_ =	shalt  }
0x6b: {  	_ =	shalt  }
0x6c: {  	_ =	shalt  }
0x6d: {  	_ =	shalt  }
0x6e: {  	_ =	shalt  }
0x6f: {  	_ =	shalt  }
0x70: {  	_ =	shalt  }
0x71: {  	_ =	shalt  }
0x72: {  	_ =	shalt  }
0x73: {  	_ =	shalt  }
0x74: {  	_ =	shalt  }
0x75: {  	_ =	shalt  }
0x76: {  	_ =	shalt  }
0x77: {  	_ =	shalt  }
0x78: {  	_ =	shalt  }
0x79: {  	_ =	shalt  }
0x7a: {  	_ =	shalt  }
0x7b: {  	_ =	shalt  }
0x7c: {  	_ =	shalt  }
0x7d: {  	_ =	shalt  }
0x7e: {  	_ =	shalt  }
0x7f: {  	_ =	shalt  }
0x80: {  	_ =	shalt  }
0x81: {  	_ =	shalt  }
0x82: {  	_ =	shalt  }
0x83: {  	_ =	shalt  }
0x84: {  	_ =	shalt  }
0x85: {  	_ =	shalt  }
0x86: {  	_ =	shalt  }
0x87: {  	_ =	shalt  }
.Lfunc_end0:
.L_simem_size_0:
called_computation.1_lowered:
.L_overlay_start_0:
0x88: {  	s2 =	sld [smem:$0x3FD9]  }
0x89: {  	s3 =	sld [smem:$0x3FFE];
	_ =	sdelay $0x1  }
0x8a: {  	s1 =	srdreg.scid  }
0x8b: {  	s0 =	sand.u32 $0x1, s1  }
0x8c: {  	s14 =	sshll.u32 s0, $0xA;
	s2 =	sadd.s32 s3, s2  }
0x8d: {  	s2 =	sadd.s32 s2, s14  }
0x8e: {  	[smem:$0x3FB7] =	sst s2  }
0x8f: {  	_ = 	snop  }
0x90: {  	s2 =	sld [smem:$0x3FD0];
	_ =	sdelay $0x2  }
0x91: {  	s15 =	simm.s32 $0xA;
	s4 =	simm.s32 $0x10  }
0x92: {  	[smem:s4], [sflag:s15] =	dma.local [hbm:s2], $0x1  }
0x93: {  	_ =	swait.eq [sflag:s15], $0x1  }
0x94: {  	[sflag:s15] =	ssyncset.done $0x0  }
0x95: {  	[sflag:s15] =	ssyncadd.s32 $0xFFFFFFFF  }
0x96: {  	s16 =	sld [smem:$0x10];
	(tm) =	ssettm $0x1  }
0x97: {  	s17 =	sld [smem:$0x3FFB];
	_ =	sdelay $0x3  }
0x98: {  	_ =	strace s17  }
0x99: {  	s3 =	sld [smem:$0x3FFC];
	_ =	sdelay $0x3  }
0x9a: {  	_ =	strace s3  }
0x9b: {  	s3 =	sld [smem:$0x3FFD];
	_ =	sdelay $0x3  }
0x9c: {  	_ =	strace s3  }
0x9d: {  	_ =	strace $0x8FFFFFFF  }
0x9e: {  	s18 =	sld [smem:$0x3FDB];
	_ =	sdelay $0x1  }
0x9f: {  	s19 =	simm.s32 $_scs_section_size  }
0xa0: {  	s5 =	simm.s32 $_size__tile_overlayer_lowered;
	s6 =	simm.s32 $_tile_overlayer_lowered  }
0xa1: {  	s22 =	simm.s32 $0x1BFF;
	s21 =	sshll.u32 s6, $0x1;
	s3 =	sadd.s32 s19, s18  }
0xa2: {  	s7 =	simm.s32 $0x0;
	s20 =	sshll.u32 s5, $0x1;
	s5 =	sadd.s32 s21, s3  }
0xa3: {  	[timem:s7], [sflag:s22] =	dma.local [hbm:s5], s20  }
0xa4: {  	_ =	swait.ge [sflag:s22], s20  }
0xa5: {  	s4 =	ssub.s32 $0x0, s20;
	[sflag:s22] =	ssyncset.done $0x0  }
0xa6: {  	[sflag:s22] =	ssyncadd.s32 s4;
	_ =	sdelay $0x1  }
0xa7: {  	s23 =	simm.s32 $0x1B8B  }
0xa8: {  	_ =	swait.ge [sflag:s23], $0x1  }
0xa9: {  	[sflag:s23] =	ssyncset.done $0x0  }
0xaa: {  	s25 =	simm.s32 $0x1B8E;
	s24 =	sld [smem:$0x3FFE];
	[sflag:s23] =	ssyncadd.s32 $0xFFFFFFFF  }
0xab: {  	s26 =	simm.s32 $execute0_lowered;
	[smem:$0x3FD2] =	sst s25  }
0xac: {  	s5 =	sshll.u32 s26, $0x1;
	_ =	strace $0x80000049;
	[dreg:$0x1] =	wrdreg $0xFFFFFFFF  }
0xad: {  	s28 =	simm.s32 $_size_execute0_lowered;
	s3 =	sadd.s32 s3, s5;
	[dreg:$0x0] =	wrdreg $0x0  }
0xae: {  	s5 =	sshll.u32 s28, $0x1;
	[dreg:$0x2] =	wrdreg s3  }
0xaf: {  	[dreg:$0x3] =	wrdreg s5  }
0xb0: {  	[dreg:$0x4] =	wrdreg $0xC0  }
0xb1: {  	_ =	task [dreg:s7], $0x5FFFF  }
0xb2: {  	[dreg:$0x1] =	wrdreg $0xFFFFFFFF  }
0xb3: {  	[dreg:$0x0] =	wrdreg $0x60  }
0xb4: {  	[dreg:$0x2] =	wrdreg s24  }
0xb5: {  	[dreg:$0x3] =	wrdreg s16  }
0xb6: {  	[dreg:$0x4] =	wrdreg $0x9  }
0xb7: {  	_ =	task.clear_ibuf [dreg:s7], $0x5FFFF;
	_ =	strace $0x90000049  }
0xb8: {  	s29 =	simm.s32 $0x9;
	_ =	strace $0x8000004B  }
0xb9: {  	_ =	swait.ge [sflag:s29], $0x1  }
0xba: {  	[sflag:s29] =	ssyncadd.s32 $0xFFFFFFFF  }
0xbb: {  	_ =	strace $0x9000004B  }
0xbc: {  	_ =	sfence  }
0xbd: {  	s30 =	sld [smem:$0x0];
	_ =	sdelay $0x2  }
0xbe: {  	s31 =	sshll.u32 s1, $0xD;
	s1 =	sshrl.u32 s1, $0x2  }
0xbf: {  	s3 =	sand.u32 $0x4000, s31;
	s1 =	sadd.s32 s1, s30  }
0xc0: {  	s0 =	sor.u32 s3, s0;
	s1 =	sshll.u32 s1, $0x11  }
0xc1: {  	s0 =	sor.u32 s1, s0  }
0xc2: {  	s0 =	sadd.s32 $0x8F2B, s0  }
0xc3: {  	[sflag:s0] =	ssyncadd.remote.s32 $0x1  }
0xc4: {  	_ =	sfence.sel $0xFFFF  }
0xc5: {  	[dreg:$0x0] =	wrdreg $0xFFFFFFFF;
	(pc) =	sbr.abs _section_cstart, $3  }
0xc6: {  	[dreg:$0x1] =	wrdreg $0xFFFFFFFF  }
0xc7: {  	_ =	task.clear_ibuf [dreg:s7], $0x2FFFF;
	_ =	strace $0x9FFFFFFF  }
0xc8: {  	(tm) =	ssettm $0x7FFFFFFF  }
0xc9: {  	_ =	shalt  }
tec
execute0_lowered:
.L_overlay_start_1:
0x0: {  	(tag) =	ssettag $0x1  }
0x1: {  	s0 =	rddreg [dreg:$0x0]  }
0x2: {  	s1 =	rddreg [dreg:$0x1];
	s2 =	srdreg.scid  }
0x3: {  	s3 =	stileid.u32;
	s4 =	sand.u32 $0x1, s2;
	s2 =	simm.s32 $0x0  }
0x4: {  	s3 =	sshll.u32 s3, $0xA;
	s9 =	sadd.s32 $0x62E00, s0;
	s5 =	sshll.u32 s4, $0x9  }
0x5: {  	[smem:$0x7FF] =	sst s2;
	s4 =	ssub.s32 $0x2, s4;
	s5 =	sor.u32 s5, s3  }
0x6: {  	_ =	strace $0x8000004A;
	s3 =	sadd.s32 $0x1E2E00, s0;
	s21 =	sshrl.u32 s4, $0x1  }
0x7: {  	s6 =	sshrl.u32 s5, $0x3;
	s7 =	sor.u32 $0x40, s5;
	s26 =	sor.u32 $0x80, s5  }
0x8: {  	s10 =	sshll.u32 s5, $0x6;
	s11 =	sor.u32 $0xC0, s5;
	s12 =	sor.u32 $0x100, s5  }
0x9: {  	s14 =	sor.u32 $0x140, s5;
	s20 =	sor.u32 $0x180, s5;
	s5 =	sor.u32 $0x1C0, s5  }
0xa: {  	s6 =	sadd.s32 s1, s6;
	s8 =	sshrl.u32 s7, $0x3;
	s28 =	sshrl.u32 s26, $0x3  }
0xb: {  	s29 =	sadd.s32 s9, s10;
	s30 =	sshrl.u32 s11, $0x3;
	s7 =	sshll.u32 s7, $0x6  }
0xc: {  	s13 =	sshrl.u32 s12, $0x3;
	s16 =	sshrl.u32 s14, $0x3;
	[dreg:$0x3] =	wrdreg s6  }
0xd: {  	s18 =	sshll.u32 s11, $0x6;
	s25 =	sadd.s32 s1, s8;
	[dreg:$0x6] =	wrdreg s29  }
0xe: {  	s22 =	sshrl.u32 s20, $0x3;
	s6 =	sadd.s32 s1, s28;
	[dreg:$0x4] =	wrdreg s25  }
0xf: {  	s24 =	sshrl.u32 s5, $0x3;
	s31 =	sadd.s32 s1, s30;
	[dreg:$0x5] =	wrdreg s6  }
0x10: {  	s5 =	sshll.u32 s5, $0x6;
	s10 =	sadd.s32 s9, s7;
	[dreg:$0x7] =	wrdreg s31  }
0x11: {  	s8 =	sshll.u32 s26, $0x6;
	s17 =	sadd.s32 s1, s16;
	[dreg:$0x8] =	wrdreg s10  }
0x12: {  	s19 =	sadd.s32 s9, s18;
	s7 =	sshll.u32 s12, $0x6;
	[dreg:$0xb] =	wrdreg s17  }
0x13: {  	s28 =	sshll.u32 s20, $0x6;
	s6 =	sadd.s32 s1, s13;
	[dreg:$0xc] =	wrdreg s19  }
0x14: {  	s30 =	ssub.s32 s4, s21;
	s15 =	sadd.s32 s9, s8;
	[dreg:$0x9] =	wrdreg s6  }
0x15: {  	s4 =	sadd.s32 $0x1E2F00, s0;
	s23 =	sadd.s32 s9, s7;
	[dreg:$0xa] =	wrdreg s15  }
0x16: {  	s20 =	simm.s32 $0x100;
	s29 =	sadd.s32 s9, s28;
	[dreg:$0xe] =	wrdreg s23  }
0x17: {  	s16 =	simm.s32 $0x3;
	s31 =	sadd.s32 s9, s5;
	[dreg:$0x11] =	wrdreg s29  }
0x18: {  	s25 =	sshll.u32 s14, $0x6;
	s6 =	sadd.s32 s1, s22;
	[dreg:$0x12] =	wrdreg s31  }
0x19: {  	v2 =	vlaneseq.u32;
	s5 =	smax.u32 s30, $0x1;
	s1 =	sadd.s32 s1, s24;
	[dreg:$0xd] =	wrdreg s6  }
0x1a: {  	vm0 =	vmmov $0xffff;
	v1 =	vshrl.u32 v2, $0x3;
	s26 =	sadd.s32 s9, s25;
	s24 =	simm.s32 $0x2;
	[dreg:$0xf] =	wrdreg s1  }
0x1b: {  	v0 =	vand.u32 $0x7, v2;
	v2 =	vor.u32 $0x8, v2;
	v1 =	vmul.u32 $0x8, v1;
	s25 =	simm.s32 $0x8100;
	[dreg:$0x10] =	wrdreg s26;
	s6 =	simm.s32 $0x1  }
.LBB2_1:
0x1c: {  	s17 =	rddreg [dreg:$0x3]  }
0x1d: {  	[tilespmem:s2], [sflag:$0x1] =	stream.linear.gather [hbm4b:s17+s2], $0x40, $0x38;
	[tilespmem:$0x10100] =	vst v63  }
0x1e: {  	_ =	swait.ge [sflag:s6], $0x40  }
0x1f: {  	[sflag:s6] =	ssyncset.done $0x0  }
0x20: {  	[sflag:s6] =	ssyncadd.s32 $0xFFFFFFC0  }
0x21: {  	v3 =	vld [tilespmem:$0x0];
	_ =	sdelay $0x4  }
0x22: {  	v4 =	vshll.u32 v3, $0x2  }
0x23: {  	v3 =	vand.u32 $0x7, v3;
	v4 =	vand.u32 $0xFFFFFFE0, v4  }
0x24: {  	v3 =	vor.u32 v3, v4  }
0x25: {  	v4 =	vperm.xlane v3, v0;
	_ =	sdelay $0x1  }
0x26: {  	v4 =	vadd.s32 v1, v4;
	_ =	sdelay $0x1  }
0x27: {  	v3 =	vperm.xlane v3, v2;
	_ =	sdelay $0x1  }
0x28: {  	v3 =	vadd.s32 v1, v3  }
0x29: {  	[tilespmem:s20], [sflag:$0x2] =	stream.indirect_vreg.gather [hbm4b:s3+s2], $0x80, v4, vm0, $0xb8;
	[tilespmem:$0x10100] =	vst v63  }
0x2a: {  	s0 =	simm.s32 $0x900  }
0x2b: {  	[tilespmem:s0], [sflag:$0x2] =	stream.indirect_vreg.gather [hbm4b:s4+s2], $0x80, v4, vm0, $0xb8;
	[tilespmem:$0x10100] =	vst v63  }
0x2c: {  	s30 =	simm.s32 $0x1100  }
0x2d: {  	[tilespmem:s30], [sflag:$0x2] =	stream.indirect_vreg.gather [hbm4b:s3+s2], $0x80, v3, vm0, $0xb8;
	[tilespmem:$0x10100] =	vst v63  }
0x2e: {  	s31 =	simm.s32 $0x1900  }
0x2f: {  	[tilespmem:s31], [sflag:$0x2] =	stream.indirect_vreg.gather [hbm4b:s4+s2], $0x80, v3, vm0, $0xb8;
	[tilespmem:$0x10100] =	vst v63  }
0x30: {  	v3 =	vld [tilespmem:$0x10];
	_ =	sdelay $0x4  }
0x31: {  	v33 =	vshll.u32 v3, $0x2  }
0x32: {  	v3 =	vand.u32 $0x7, v3;
	v4 =	vand.u32 $0xFFFFFFE0, v33  }
0x33: {  	v3 =	vor.u32 v3, v4  }
0x34: {  	v4 =	vperm.xlane v3, v0;
	_ =	sdelay $0x1  }
0x35: {  	v4 =	vadd.s32 v1, v4;
	_ =	sdelay $0x1  }
0x36: {  	v3 =	vperm.xlane v3, v2;
	_ =	sdelay $0x1  }
0x37: {  	s1 =	simm.s32 $0x2100;
	v3 =	vadd.s32 v1, v3  }
0x38: {  	[tilespmem:s1], [sflag:$0x2] =	stream.indirect_vreg.gather [hbm4b:s3+s2], $0x80, v4, vm0, $0xb8;
	[tilespmem:$0x10100] =	vst v63  }
0x39: {  	s9 =	simm.s32 $0x2900  }
0x3a: {  	[tilespmem:s9], [sflag:$0x2] =	stream.indirect_vreg.gather [hbm4b:s4+s2], $0x80, v4, vm0, $0xb8;
	[tilespmem:$0x10100] =	vst v63  }
0x3b: {  	s10 =	simm.s32 $0x3100  }
0x3c: {  	[tilespmem:s10], [sflag:$0x2] =	stream.indirect_vreg.gather [hbm4b:s3+s2], $0x80, v3, vm0, $0xb8;
	[tilespmem:$0x10100] =	vst v63  }
0x3d: {  	s11 =	simm.s32 $0x3900  }
0x3e: {  	[tilespmem:s11], [sflag:$0x2] =	stream.indirect_vreg.gather [hbm4b:s4+s2], $0x80, v3, vm0, $0xb8;
	[tilespmem:$0x10100] =	vst v63  }
0x3f: {  	v3 =	vld [tilespmem:$0x20];
	_ =	sdelay $0x4  }
0x40: {  	v34 =	vshll.u32 v3, $0x2  }
0x41: {  	v3 =	vand.u32 $0x7, v3;
	v4 =	vand.u32 $0xFFFFFFE0, v34  }
0x42: {  	v3 =	vor.u32 v3, v4  }
0x43: {  	v4 =	vperm.xlane v3, v0;
	_ =	sdelay $0x1  }
0x44: {  	v4 =	vadd.s32 v1, v4;
	_ =	sdelay $0x1  }
0x45: {  	v3 =	vperm.xlane v3, v2;
	_ =	sdelay $0x1  }
0x46: {  	s12 =	simm.s32 $0x4100;
	v3 =	vadd.s32 v1, v3  }
0x47: {  	[tilespmem:s12], [sflag:$0x2] =	stream.indirect_vreg.gather [hbm4b:s3+s2], $0x80, v4, vm0, $0xb8;
	[tilespmem:$0x10100] =	vst v63  }
0x48: {  	s14 =	simm.s32 $0x4900  }
0x49: {  	[tilespmem:s14], [sflag:$0x2] =	stream.indirect_vreg.gather [hbm4b:s4+s2], $0x80, v4, vm0, $0xb8;
	[tilespmem:$0x10100] =	vst v63  }
0x4a: {  	s15 =	simm.s32 $0x5100  }
0x4b: {  	[tilespmem:s15], [sflag:$0x2] =	stream.indirect_vreg.gather [hbm4b:s3+s2], $0x80, v3, vm0, $0xb8;
	[tilespmem:$0x10100] =	vst v63  }
0x4c: {  	s17 =	simm.s32 $0x5900  }
0x4d: {  	[tilespmem:s17], [sflag:$0x2] =	stream.indirect_vreg.gather [hbm4b:s4+s2], $0x80, v3, vm0, $0xb8;
	[tilespmem:$0x10100] =	vst v63  }
0x4e: {  	v3 =	vld [tilespmem:$0x30];
	_ =	sdelay $0x4  }
0x4f: {  	v35 =	vshll.u32 v3, $0x2  }
0x50: {  	v3 =	vand.u32 $0x7, v3;
	v4 =	vand.u32 $0xFFFFFFE0, v35  }
0x51: {  	v3 =	vor.u32 v3, v4  }
0x52: {  	v4 =	vperm.xlane v3, v0;
	_ =	sdelay $0x1  }
0x53: {  	v4 =	vadd.s32 v1, v4;
	_ =	sdelay $0x1  }
0x54: {  	v3 =	vperm.xlane v3, v2;
	_ =	sdelay $0x1  }
0x55: {  	s18 =	simm.s32 $0x6100;
	v3 =	vadd.s32 v1, v3  }
0x56: {  	[tilespmem:s18], [sflag:$0x2] =	stream.indirect_vreg.gather [hbm4b:s3+s2], $0x80, v4, vm0, $0xb8;
	[tilespmem:$0x10100] =	vst v63  }
0x57: {  	s19 =	simm.s32 $0x6900  }
0x58: {  	[tilespmem:s19], [sflag:$0x2] =	stream.indirect_vreg.gather [hbm4b:s4+s2], $0x80, v4, vm0, $0xb8;
	[tilespmem:$0x10100] =	vst v63  }
0x59: {  	s21 =	simm.s32 $0x7100  }
0x5a: {  	[tilespmem:s21], [sflag:$0x2] =	stream.indirect_vreg.gather [hbm4b:s3+s2], $0x80, v3, vm0, $0xb8;
	[tilespmem:$0x10100] =	vst v63  }
0x5b: {  	s23 =	simm.s32 $0x7900  }
0x5c: {  	[tilespmem:s23], [sflag:$0x2] =	stream.indirect_vreg.gather [hbm4b:s4+s2], $0x80, v3, vm0, $0xb8;
	[tilespmem:$0x10100] =	vst v63  }
0x5d: {  	s26 =	simm.s32 $0x80;
	s22 =	rddreg [dreg:$0x4]  }
0x5e: {  	[tilespmem:s26], [sflag:$0x1] =	stream.linear.gather [hbm4b:s22+s2], $0x40, $0x38;
	[tilespmem:$0x10100] =	vst v63  }
0x5f: {  	_ =	swait.ge [sflag:s24], $0x8000  }
0x60: {  	[sflag:s24] =	ssyncset.done $0x0  }
0x61: {  	[sflag:s24] =	ssyncadd.s32 $0xFFFF8000  }
0x62: {  	_ =	swait.ge [sflag:s6], $0x40  }
0x63: {  	[sflag:s6] =	ssyncset.done $0x0  }
0x64: {  	[sflag:s6] =	ssyncadd.s32 $0xFFFFFFC0  }
0x65: {  	v3 =	vld [tilespmem:$0x80];
	_ =	sdelay $0x4  }
0x66: {  	v36 =	vshll.u32 v3, $0x2  }
0x67: {  	v3 =	vand.u32 $0x7, v3;
	v4 =	vand.u32 $0xFFFFFFE0, v36  }
0x68: {  	v3 =	vor.u32 v3, v4  }
0x69: {  	v4 =	vperm.xlane v3, v0;
	_ =	sdelay $0x1  }
0x6a: {  	v4 =	vadd.s32 v1, v4;
	_ =	sdelay $0x1  }
0x6b: {  	v3 =	vperm.xlane v3, v2;
	_ =	sdelay $0x1  }
0x6c: {  	v3 =	vadd.s32 v1, v3  }
0x6d: {  	[tilespmem:s25], [sflag:$0x2] =	stream.indirect_vreg.gather [hbm4b:s3+s2], $0x80, v4, vm0, $0xb8;
	[tilespmem:$0x10100] =	vst v63  }
0x6e: {  	s28 =	simm.s32 $0x8900  }
0x6f: {  	[tilespmem:s28], [sflag:$0x2] =	stream.indirect_vreg.gather [hbm4b:s4+s2], $0x80, v4, vm0, $0xb8;
	[tilespmem:$0x10100] =	vst v63  }
0x70: {  	s29 =	simm.s32 $0x9100  }
0x71: {  	[tilespmem:s29], [sflag:$0x2] =	stream.indirect_vreg.gather [hbm4b:s3+s2], $0x80, v3, vm0, $0xb8;
	[tilespmem:$0x10100] =	vst v63  }
0x72: {  	s30 =	simm.s32 $0x9900  }
0x73: {  	[tilespmem:s30], [sflag:$0x2] =	stream.indirect_vreg.gather [hbm4b:s4+s2], $0x80, v3, vm0, $0xb8;
	[tilespmem:$0x10100] =	vst v63  }
0x74: {  	v3 =	vld [tilespmem:$0x90];
	_ =	sdelay $0x4  }
0x75: {  	v37 =	vshll.u32 v3, $0x2  }
0x76: {  	v3 =	vand.u32 $0x7, v3;
	v4 =	vand.u32 $0xFFFFFFE0, v37  }
0x77: {  	v3 =	vor.u32 v3, v4  }
0x78: {  	v4 =	vperm.xlane v3, v0;
	_ =	sdelay $0x1  }
0x79: {  	v4 =	vadd.s32 v1, v4;
	_ =	sdelay $0x1  }
0x7a: {  	v3 =	vperm.xlane v3, v2;
	_ =	sdelay $0x1  }
0x7b: {  	s31 =	simm.s32 $0xA100;
	v3 =	vadd.s32 v1, v3  }
0x7c: {  	[tilespmem:s31], [sflag:$0x2] =	stream.indirect_vreg.gather [hbm4b:s3+s2], $0x80, v4, vm0, $0xb8;
	[tilespmem:$0x10100] =	vst v63  }
0x7d: {  	s9 =	simm.s32 $0xA900  }
0x7e: {  	[tilespmem:s9], [sflag:$0x2] =	stream.indirect_vreg.gather [hbm4b:s4+s2], $0x80, v4, vm0, $0xb8;
	[tilespmem:$0x10100] =	vst v63  }
0x7f: {  	s14 =	simm.s32 $0xB100  }
0x80: {  	[tilespmem:s14], [sflag:$0x2] =	stream.indirect_vreg.gather [hbm4b:s3+s2], $0x80, v3, vm0, $0xb8;
	[tilespmem:$0x10100] =	vst v63  }
0x81: {  	s15 =	simm.s32 $0xB900  }
0x82: {  	[tilespmem:s15], [sflag:$0x2] =	stream.indirect_vreg.gather [hbm4b:s4+s2], $0x80, v3, vm0, $0xb8;
	[tilespmem:$0x10100] =	vst v63  }
0x83: {  	v3 =	vld [tilespmem:$0xA0];
	_ =	sdelay $0x4  }
0x84: {  	v38 =	vshll.u32 v3, $0x2  }
0x85: {  	v3 =	vand.u32 $0x7, v3;
	v4 =	vand.u32 $0xFFFFFFE0, v38  }
0x86: {  	v3 =	vor.u32 v3, v4  }
0x87: {  	v4 =	vperm.xlane v3, v0;
	_ =	sdelay $0x1  }
0x88: {  	v4 =	vadd.s32 v1, v4;
	_ =	sdelay $0x1  }
0x89: {  	v3 =	vperm.xlane v3, v2;
	_ =	sdelay $0x1  }
0x8a: {  	s18 =	simm.s32 $0xC100;
	v3 =	vadd.s32 v1, v3  }
0x8b: {  	[tilespmem:s18], [sflag:$0x2] =	stream.indirect_vreg.gather [hbm4b:s3+s2], $0x80, v4, vm0, $0xb8;
	[tilespmem:$0x10100] =	vst v63  }
0x8c: {  	s21 =	simm.s32 $0xC900  }
0x8d: {  	[tilespmem:s21], [sflag:$0x2] =	stream.indirect_vreg.gather [hbm4b:s4+s2], $0x80, v4, vm0, $0xb8;
	[tilespmem:$0x10100] =	vst v63  }
0x8e: {  	s22 =	simm.s32 $0xD100  }
0x8f: {  	[tilespmem:s22], [sflag:$0x2] =	stream.indirect_vreg.gather [hbm4b:s3+s2], $0x80, v3, vm0, $0xb8;
	[tilespmem:$0x10100] =	vst v63  }
0x90: {  	s23 =	simm.s32 $0xD900  }
0x91: {  	[tilespmem:s23], [sflag:$0x2] =	stream.indirect_vreg.gather [hbm4b:s4+s2], $0x80, v3, vm0, $0xb8;
	[tilespmem:$0x10100] =	vst v63  }
0x92: {  	v3 =	vld [tilespmem:$0xB0];
	_ =	sdelay $0x4  }
0x93: {  	v39 =	vshll.u32 v3, $0x2  }
0x94: {  	v3 =	vand.u32 $0x7, v3;
	v4 =	vand.u32 $0xFFFFFFE0, v39  }
0x95: {  	v3 =	vor.u32 v3, v4  }
0x96: {  	v4 =	vperm.xlane v3, v0;
	_ =	sdelay $0x1  }
0x97: {  	v4 =	vadd.s32 v1, v4;
	_ =	sdelay $0x1  }
0x98: {  	v3 =	vperm.xlane v3, v2;
	_ =	sdelay $0x1  }
0x99: {  	s26 =	simm.s32 $0xE100;
	v3 =	vadd.s32 v1, v3  }
0x9a: {  	[tilespmem:s26], [sflag:$0x2] =	stream.indirect_vreg.gather [hbm4b:s3+s2], $0x80, v4, vm0, $0xb8;
	[tilespmem:$0x10100] =	vst v63  }
0x9b: {  	s28 =	simm.s32 $0xE900  }
0x9c: {  	[tilespmem:s28], [sflag:$0x2] =	stream.indirect_vreg.gather [hbm4b:s4+s2], $0x80, v4, vm0, $0xb8;
	[tilespmem:$0x10100] =	vst v63  }
0x9d: {  	s0 =	simm.s32 $0xF100  }
0x9e: {  	[tilespmem:s0], [sflag:$0x2] =	stream.indirect_vreg.gather [hbm4b:s3+s2], $0x80, v3, vm0, $0xb8;
	[tilespmem:$0x10100] =	vst v63  }
0x9f: {  	s18 =	simm.s32 $0xF900  }
0xa0: {  	[tilespmem:s18], [sflag:$0x2] =	stream.indirect_vreg.gather [hbm4b:s4+s2], $0x80, v3, vm0, $0xb8;
	[tilespmem:$0x10100] =	vst v63  }
0xa1: {  	s9 =	rddreg [dreg:$0x5]  }
0xa2: {  	[tilespmem:s2], [sflag:$0x1] =	stream.linear.gather [hbm4b:s9+s2], $0x40, $0x38;
	[tilespmem:$0x10100] =	vst v63  }
0xa3: {  	s14 =	rddreg [dreg:$0x6]  }
0xa4: {  	[hbm4b:s14+s2] =	stream.linear.scatter [tilespmem:s20], [sflag:$0x3], $0x8000, $0x38;
	[tilespmem:$0x10100] =	vst v63  }
0xa5: {  	_ =	swait.ge [sflag:s24], $0x8000  }
0xa6: {  	[sflag:s24] =	ssyncset.done $0x0  }
0xa7: {  	[sflag:s24] =	ssyncadd.s32 $0xFFFF8000  }
0xa8: {  	_ =	swait.ge [sflag:s6], $0x40  }
0xa9: {  	[sflag:s6] =	ssyncset.done $0x0  }
0xaa: {  	[sflag:s6] =	ssyncadd.s32 $0xFFFFFFC0  }
0xab: {  	_ =	swait.ge [sflag:s16], $0x8000  }
0xac: {  	[sflag:s16] =	ssyncset.done $0x0  }
0xad: {  	[sflag:s16] =	ssyncadd.s32 $0xFFFF8000  }
0xae: {  	v3 =	vld [tilespmem:$0x0];
	_ =	sdelay $0x4  }
0xaf: {  	v40 =	vshll.u32 v3, $0x2  }
0xb0: {  	v3 =	vand.u32 $0x7, v3;
	v4 =	vand.u32 $0xFFFFFFE0, v40  }
0xb1: {  	v3 =	vor.u32 v3, v4  }
0xb2: {  	v4 =	vperm.xlane v3, v0;
	_ =	sdelay $0x1  }
0xb3: {  	v4 =	vadd.s32 v1, v4;
	_ =	sdelay $0x1  }
0xb4: {  	v3 =	vperm.xlane v3, v2;
	_ =	sdelay $0x1  }
0xb5: {  	v3 =	vadd.s32 v1, v3  }
0xb6: {  	[tilespmem:s20], [sflag:$0x2] =	stream.indirect_vreg.gather [hbm4b:s3+s2], $0x80, v4, vm0, $0xb8;
	[tilespmem:$0x10100] =	vst v63  }
0xb7: {  	s7 =	simm.s32 $0x900  }
0xb8: {  	[tilespmem:s7], [sflag:$0x2] =	stream.indirect_vreg.gather [hbm4b:s4+s2], $0x80, v4, vm0, $0xb8;
	[tilespmem:$0x10100] =	vst v63  }
0xb9: {  	s23 =	simm.s32 $0x1100  }
0xba: {  	[tilespmem:s23], [sflag:$0x2] =	stream.indirect_vreg.gather [hbm4b:s3+s2], $0x80, v3, vm0, $0xb8;
	[tilespmem:$0x10100] =	vst v63  }
0xbb: {  	s8 =	simm.s32 $0x1900  }
0xbc: {  	[tilespmem:s8], [sflag:$0x2] =	stream.indirect_vreg.gather [hbm4b:s4+s2], $0x80, v3, vm0, $0xb8;
	[tilespmem:$0x10100] =	vst v63  }
0xbd: {  	v3 =	vld [tilespmem:$0x10];
	_ =	sdelay $0x4  }
0xbe: {  	v41 =	vshll.u32 v3, $0x2  }
0xbf: {  	v3 =	vand.u32 $0x7, v3;
	v4 =	vand.u32 $0xFFFFFFE0, v41  }
0xc0: {  	v3 =	vor.u32 v3, v4  }
0xc1: {  	v4 =	vperm.xlane v3, v0;
	_ =	sdelay $0x1  }
0xc2: {  	v4 =	vadd.s32 v1, v4;
	_ =	sdelay $0x1  }
0xc3: {  	v3 =	vperm.xlane v3, v2;
	_ =	sdelay $0x1  }
0xc4: {  	s8 =	simm.s32 $0x2100;
	v3 =	vadd.s32 v1, v3  }
0xc5: {  	[tilespmem:s8], [sflag:$0x2] =	stream.indirect_vreg.gather [hbm4b:s3+s2], $0x80, v4, vm0, $0xb8;
	[tilespmem:$0x10100] =	vst v63  }
0xc6: {  	s9 =	simm.s32 $0x2900  }
0xc7: {  	[tilespmem:s9], [sflag:$0x2] =	stream.indirect_vreg.gather [hbm4b:s4+s2], $0x80, v4, vm0, $0xb8;
	[tilespmem:$0x10100] =	vst v63  }
0xc8: {  	s10 =	simm.s32 $0x3100  }
0xc9: {  	[tilespmem:s10], [sflag:$0x2] =	stream.indirect_vreg.gather [hbm4b:s3+s2], $0x80, v3, vm0, $0xb8;
	[tilespmem:$0x10100] =	vst v63  }
0xca: {  	s13 =	simm.s32 $0x3900  }
0xcb: {  	[tilespmem:s13], [sflag:$0x2] =	stream.indirect_vreg.gather [hbm4b:s4+s2], $0x80, v3, vm0, $0xb8;
	[tilespmem:$0x10100] =	vst v63  }
0xcc: {  	v3 =	vld [tilespmem:$0x20];
	_ =	sdelay $0x4  }
0xcd: {  	v42 =	vshll.u32 v3, $0x2  }
0xce: {  	v3 =	vand.u32 $0x7, v3;
	v4 =	vand.u32 $0xFFFFFFE0, v42  }
0xcf: {  	v3 =	vor.u32 v3, v4  }
0xd0: {  	v4 =	vperm.xlane v3, v0;
	_ =	sdelay $0x1  }
0xd1: {  	v4 =	vadd.s32 v1, v4;
	_ =	sdelay $0x1  }
0xd2: {  	v3 =	vperm.xlane v3, v2;
	_ =	sdelay $0x1  }
0xd3: {  	s11 =	simm.s32 $0x4100;
	v3 =	vadd.s32 v1, v3  }
0xd4: {  	[tilespmem:s11], [sflag:$0x2] =	stream.indirect_vreg.gather [hbm4b:s3+s2], $0x80, v4, vm0, $0xb8;
	[tilespmem:$0x10100] =	vst v63  }
0xd5: {  	s12 =	simm.s32 $0x4900  }
0xd6: {  	[tilespmem:s12], [sflag:$0x2] =	stream.indirect_vreg.gather [hbm4b:s4+s2], $0x80, v4, vm0, $0xb8;
	[tilespmem:$0x10100] =	vst v63  }
0xd7: {  	s26 =	simm.s32 $0x5100  }
0xd8: {  	[tilespmem:s26], [sflag:$0x2] =	stream.indirect_vreg.gather [hbm4b:s3+s2], $0x80, v3, vm0, $0xb8;
	[tilespmem:$0x10100] =	vst v63  }
0xd9: {  	s13 =	simm.s32 $0x5900  }
0xda: {  	[tilespmem:s13], [sflag:$0x2] =	stream.indirect_vreg.gather [hbm4b:s4+s2], $0x80, v3, vm0, $0xb8;
	[tilespmem:$0x10100] =	vst v63  }
0xdb: {  	v3 =	vld [tilespmem:$0x30];
	_ =	sdelay $0x4  }
0xdc: {  	v43 =	vshll.u32 v3, $0x2  }
0xdd: {  	v3 =	vand.u32 $0x7, v3;
	v4 =	vand.u32 $0xFFFFFFE0, v43  }
0xde: {  	v3 =	vor.u32 v3, v4  }
0xdf: {  	v4 =	vperm.xlane v3, v0;
	_ =	sdelay $0x1  }
0xe0: {  	v4 =	vadd.s32 v1, v4;
	_ =	sdelay $0x1  }
0xe1: {  	v3 =	vperm.xlane v3, v2;
	_ =	sdelay $0x1  }
0xe2: {  	s10 =	simm.s32 $0x6100;
	v3 =	vadd.s32 v1, v3  }
0xe3: {  	[tilespmem:s10], [sflag:$0x2] =	stream.indirect_vreg.gather [hbm4b:s3+s2], $0x80, v4, vm0, $0xb8;
	[tilespmem:$0x10100] =	vst v63  }
0xe4: {  	s11 =	simm.s32 $0x6900  }
0xe5: {  	[tilespmem:s11], [sflag:$0x2] =	stream.indirect_vreg.gather [hbm4b:s4+s2], $0x80, v4, vm0, $0xb8;
	[tilespmem:$0x10100] =	vst v63  }
0xe6: {  	s14 =	simm.s32 $0x7100  }
0xe7: {  	[tilespmem:s14], [sflag:$0x2] =	stream.indirect_vreg.gather [hbm4b:s3+s2], $0x80, v3, vm0, $0xb8;
	[tilespmem:$0x10100] =	vst v63  }
0xe8: {  	s12 =	simm.s32 $0x7900  }
0xe9: {  	[tilespmem:s12], [sflag:$0x2] =	stream.indirect_vreg.gather [hbm4b:s4+s2], $0x80, v3, vm0, $0xb8;
	[tilespmem:$0x10100] =	vst v63  }
0xea: {  	s1 =	simm.s32 $0x80;
	s18 =	rddreg [dreg:$0x7]  }
0xeb: {  	[tilespmem:s1], [sflag:$0x1] =	stream.linear.gather [hbm4b:s18+s2], $0x40, $0x38;
	[tilespmem:$0x10100] =	vst v63  }
0xec: {  	s28 =	rddreg [dreg:$0x8]  }
0xed: {  	[hbm4b:s28+s2] =	stream.linear.scatter [tilespmem:s25], [sflag:$0x3], $0x8000, $0x38;
	[tilespmem:$0x10100] =	vst v63  }
0xee: {  	_ =	swait.ge [sflag:s24], $0x8000  }
0xef: {  	[sflag:s24] =	ssyncset.done $0x0  }
0xf0: {  	[sflag:s24] =	ssyncadd.s32 $0xFFFF8000  }
0xf1: {  	_ =	swait.ge [sflag:s6], $0x40  }
0xf2: {  	[sflag:s6] =	ssyncset.done $0x0  }
0xf3: {  	[sflag:s6] =	ssyncadd.s32 $0xFFFFFFC0  }
0xf4: {  	_ =	swait.ge [sflag:s16], $0x8000  }
0xf5: {  	[sflag:s16] =	ssyncset.done $0x0  }
0xf6: {  	[sflag:s16] =	ssyncadd.s32 $0xFFFF8000  }
0xf7: {  	v3 =	vld [tilespmem:$0x80];
	_ =	sdelay $0x4  }
0xf8: {  	v44 =	vshll.u32 v3, $0x2  }
0xf9: {  	v3 =	vand.u32 $0x7, v3;
	v4 =	vand.u32 $0xFFFFFFE0, v44  }
0xfa: {  	v3 =	vor.u32 v3, v4  }
0xfb: {  	v4 =	vperm.xlane v3, v0;
	_ =	sdelay $0x1  }
0xfc: {  	v4 =	vadd.s32 v1, v4;
	_ =	sdelay $0x1  }
0xfd: {  	v3 =	vperm.xlane v3, v2;
	_ =	sdelay $0x1  }
0xfe: {  	v3 =	vadd.s32 v1, v3  }
0xff: {  	[tilespmem:s25], [sflag:$0x2] =	stream.indirect_vreg.gather [hbm4b:s3+s2], $0x80, v4, vm0, $0xb8;
	[tilespmem:$0x10100] =	vst v63  }
0x100: {  	s0 =	simm.s32 $0x8900  }
0x101: {  	[tilespmem:s0], [sflag:$0x2] =	stream.indirect_vreg.gather [hbm4b:s4+s2], $0x80, v4, vm0, $0xb8;
	[tilespmem:$0x10100] =	vst v63  }
0x102: {  	s1 =	simm.s32 $0x9100  }
0x103: {  	[tilespmem:s1], [sflag:$0x2] =	stream.indirect_vreg.gather [hbm4b:s3+s2], $0x80, v3, vm0, $0xb8;
	[tilespmem:$0x10100] =	vst v63  }
0x104: {  	s7 =	simm.s32 $0x9900  }
0x105: {  	[tilespmem:s7], [sflag:$0x2] =	stream.indirect_vreg.gather [hbm4b:s4+s2], $0x80, v3, vm0, $0xb8;
	[tilespmem:$0x10100] =	vst v63  }
0x106: {  	v3 =	vld [tilespmem:$0x90];
	_ =	sdelay $0x4  }
0x107: {  	v45 =	vshll.u32 v3, $0x2  }
0x108: {  	v3 =	vand.u32 $0x7, v3;
	v4 =	vand.u32 $0xFFFFFFE0, v45  }
0x109: {  	v3 =	vor.u32 v3, v4  }
0x10a: {  	v4 =	vperm.xlane v3, v0;
	_ =	sdelay $0x1  }
0x10b: {  	v4 =	vadd.s32 v1, v4;
	_ =	sdelay $0x1  }
0x10c: {  	v3 =	vperm.xlane v3, v2;
	_ =	sdelay $0x1  }
0x10d: {  	s31 =	simm.s32 $0xA100;
	v3 =	vadd.s32 v1, v3  }
0x10e: {  	[tilespmem:s31], [sflag:$0x2] =	stream.indirect_vreg.gather [hbm4b:s3+s2], $0x80, v4, vm0, $0xb8;
	[tilespmem:$0x10100] =	vst v63  }
0x10f: {  	s29 =	simm.s32 $0xA900  }
0x110: {  	[tilespmem:s29], [sflag:$0x2] =	stream.indirect_vreg.gather [hbm4b:s4+s2], $0x80, v4, vm0, $0xb8;
	[tilespmem:$0x10100] =	vst v63  }
0x111: {  	s30 =	simm.s32 $0xB100  }
0x112: {  	[tilespmem:s30], [sflag:$0x2] =	stream.indirect_vreg.gather [hbm4b:s3+s2], $0x80, v3, vm0, $0xb8;
	[tilespmem:$0x10100] =	vst v63  }
0x113: {  	s19 =	simm.s32 $0xB900  }
0x114: {  	[tilespmem:s19], [sflag:$0x2] =	stream.indirect_vreg.gather [hbm4b:s4+s2], $0x80, v3, vm0, $0xb8;
	[tilespmem:$0x10100] =	vst v63  }
0x115: {  	v3 =	vld [tilespmem:$0xA0];
	_ =	sdelay $0x4  }
0x116: {  	v46 =	vshll.u32 v3, $0x2  }
0x117: {  	v3 =	vand.u32 $0x7, v3;
	v4 =	vand.u32 $0xFFFFFFE0, v46  }
0x118: {  	v3 =	vor.u32 v3, v4  }
0x119: {  	v4 =	vperm.xlane v3, v0;
	_ =	sdelay $0x1  }
0x11a: {  	v4 =	vadd.s32 v1, v4;
	_ =	sdelay $0x1  }
0x11b: {  	v3 =	vperm.xlane v3, v2;
	_ =	sdelay $0x1  }
0x11c: {  	s30 =	simm.s32 $0xC100;
	v3 =	vadd.s32 v1, v3  }
0x11d: {  	[tilespmem:s30], [sflag:$0x2] =	stream.indirect_vreg.gather [hbm4b:s3+s2], $0x80, v4, vm0, $0xb8;
	[tilespmem:$0x10100] =	vst v63  }
0x11e: {  	s31 =	simm.s32 $0xC900  }
0x11f: {  	[tilespmem:s31], [sflag:$0x2] =	stream.indirect_vreg.gather [hbm4b:s4+s2], $0x80, v4, vm0, $0xb8;
	[tilespmem:$0x10100] =	vst v63  }
0x120: {  	s18 =	simm.s32 $0xD100  }
0x121: {  	[tilespmem:s18], [sflag:$0x2] =	stream.indirect_vreg.gather [hbm4b:s3+s2], $0x80, v3, vm0, $0xb8;
	[tilespmem:$0x10100] =	vst v63  }
0x122: {  	s21 =	simm.s32 $0xD900  }
0x123: {  	[tilespmem:s21], [sflag:$0x2] =	stream.indirect_vreg.gather [hbm4b:s4+s2], $0x80, v3, vm0, $0xb8;
	[tilespmem:$0x10100] =	vst v63  }
0x124: {  	v3 =	vld [tilespmem:$0xB0];
	_ =	sdelay $0x4  }
0x125: {  	v47 =	vshll.u32 v3, $0x2  }
0x126: {  	v3 =	vand.u32 $0x7, v3;
	v4 =	vand.u32 $0xFFFFFFE0, v47  }
0x127: {  	v3 =	vor.u32 v3, v4  }
0x128: {  	v4 =	vperm.xlane v3, v0;
	_ =	sdelay $0x1  }
0x129: {  	v4 =	vadd.s32 v1, v4;
	_ =	sdelay $0x1  }
0x12a: {  	v3 =	vperm.xlane v3, v2;
	_ =	sdelay $0x1  }
0x12b: {  	s21 =	simm.s32 $0xE100;
	v3 =	vadd.s32 v1, v3  }
0x12c: {  	[tilespmem:s21], [sflag:$0x2] =	stream.indirect_vreg.gather [hbm4b:s3+s2], $0x80, v4, vm0, $0xb8;
	[tilespmem:$0x10100] =	vst v63  }
0x12d: {  	s18 =	simm.s32 $0xE900  }
0x12e: {  	[tilespmem:s18], [sflag:$0x2] =	stream.indirect_vreg.gather [hbm4b:s4+s2], $0x80, v4, vm0, $0xb8;
	[tilespmem:$0x10100] =	vst v63  }
0x12f: {  	s22 =	simm.s32 $0xF100  }
0x130: {  	[tilespmem:s22], [sflag:$0x2] =	stream.indirect_vreg.gather [hbm4b:s3+s2], $0x80, v3, vm0, $0xb8;
	[tilespmem:$0x10100] =	vst v63  }
0x131: {  	s15 =	simm.s32 $0xF900  }
0x132: {  	[tilespmem:s15], [sflag:$0x2] =	stream.indirect_vreg.gather [hbm4b:s4+s2], $0x80, v3, vm0, $0xb8;
	[tilespmem:$0x10100] =	vst v63  }
0x133: {  	s22 =	rddreg [dreg:$0x9]  }
0x134: {  	[tilespmem:s2], [sflag:$0x1] =	stream.linear.gather [hbm4b:s22+s2], $0x40, $0x38;
	[tilespmem:$0x10100] =	vst v63  }
0x135: {  	s15 =	rddreg [dreg:$0xa]  }
0x136: {  	[hbm4b:s15+s2] =	stream.linear.scatter [tilespmem:s20], [sflag:$0x3], $0x8000, $0x38;
	[tilespmem:$0x10100] =	vst v63  }
0x137: {  	_ =	swait.ge [sflag:s24], $0x8000  }
0x138: {  	[sflag:s24] =	ssyncset.done $0x0  }
0x139: {  	[sflag:s24] =	ssyncadd.s32 $0xFFFF8000  }
0x13a: {  	_ =	swait.ge [sflag:s6], $0x40  }
0x13b: {  	[sflag:s6] =	ssyncset.done $0x0  }
0x13c: {  	[sflag:s6] =	ssyncadd.s32 $0xFFFFFFC0  }
0x13d: {  	_ =	swait.ge [sflag:s16], $0x8000  }
0x13e: {  	[sflag:s16] =	ssyncset.done $0x0  }
0x13f: {  	[sflag:s16] =	ssyncadd.s32 $0xFFFF8000  }
0x140: {  	v3 =	vld [tilespmem:$0x0];
	_ =	sdelay $0x4  }
0x141: {  	v48 =	vshll.u32 v3, $0x2  }
0x142: {  	v3 =	vand.u32 $0x7, v3;
	v4 =	vand.u32 $0xFFFFFFE0, v48  }
0x143: {  	v3 =	vor.u32 v3, v4  }
0x144: {  	v4 =	vperm.xlane v3, v0;
	_ =	sdelay $0x1  }
0x145: {  	v4 =	vadd.s32 v1, v4;
	_ =	sdelay $0x1  }
0x146: {  	v3 =	vperm.xlane v3, v2;
	_ =	sdelay $0x1  }
0x147: {  	v3 =	vadd.s32 v1, v3  }
0x148: {  	[tilespmem:s20], [sflag:$0x2] =	stream.indirect_vreg.gather [hbm4b:s3+s2], $0x80, v4, vm0, $0xb8;
	[tilespmem:$0x10100] =	vst v63  }
0x149: {  	s22 =	simm.s32 $0x900  }
0x14a: {  	[tilespmem:s22], [sflag:$0x2] =	stream.indirect_vreg.gather [hbm4b:s4+s2], $0x80, v4, vm0, $0xb8;
	[tilespmem:$0x10100] =	vst v63  }
0x14b: {  	_ = 	snop  }
0x14c: {  	[tilespmem:s23], [sflag:$0x2] =	stream.indirect_vreg.gather [hbm4b:s3+s2], $0x80, v3, vm0, $0xb8;
	[tilespmem:$0x10100] =	vst v63  }
0x14d: {  	s17 =	simm.s32 $0x1900  }
0x14e: {  	[tilespmem:s17], [sflag:$0x2] =	stream.indirect_vreg.gather [hbm4b:s4+s2], $0x80, v3, vm0, $0xb8;
	[tilespmem:$0x10100] =	vst v63  }
0x14f: {  	v3 =	vld [tilespmem:$0x10];
	_ =	sdelay $0x4  }
0x150: {  	v49 =	vshll.u32 v3, $0x2  }
0x151: {  	v3 =	vand.u32 $0x7, v3;
	v4 =	vand.u32 $0xFFFFFFE0, v49  }
0x152: {  	v3 =	vor.u32 v3, v4  }
0x153: {  	v4 =	vperm.xlane v3, v0;
	_ =	sdelay $0x1  }
0x154: {  	v4 =	vadd.s32 v1, v4;
	_ =	sdelay $0x1  }
0x155: {  	v3 =	vperm.xlane v3, v2;
	_ =	sdelay $0x1  }
0x156: {  	v3 =	vadd.s32 v1, v3  }
0x157: {  	[tilespmem:s8], [sflag:$0x2] =	stream.indirect_vreg.gather [hbm4b:s3+s2], $0x80, v4, vm0, $0xb8;
	[tilespmem:$0x10100] =	vst v63  }
0x158: {  	_ = 	snop  }
0x159: {  	[tilespmem:s9], [sflag:$0x2] =	stream.indirect_vreg.gather [hbm4b:s4+s2], $0x80, v4, vm0, $0xb8;
	[tilespmem:$0x10100] =	vst v63  }
0x15a: {  	s18 =	simm.s32 $0x3100  }
0x15b: {  	[tilespmem:s18], [sflag:$0x2] =	stream.indirect_vreg.gather [hbm4b:s3+s2], $0x80, v3, vm0, $0xb8;
	[tilespmem:$0x10100] =	vst v63  }
0x15c: {  	s23 =	simm.s32 $0x3900  }
0x15d: {  	[tilespmem:s23], [sflag:$0x2] =	stream.indirect_vreg.gather [hbm4b:s4+s2], $0x80, v3, vm0, $0xb8;
	[tilespmem:$0x10100] =	vst v63  }
0x15e: {  	v3 =	vld [tilespmem:$0x20];
	_ =	sdelay $0x4  }
0x15f: {  	v50 =	vshll.u32 v3, $0x2  }
0x160: {  	v3 =	vand.u32 $0x7, v3;
	v4 =	vand.u32 $0xFFFFFFE0, v50  }
0x161: {  	v3 =	vor.u32 v3, v4  }
0x162: {  	v4 =	vperm.xlane v3, v0;
	_ =	sdelay $0x1  }
0x163: {  	v4 =	vadd.s32 v1, v4;
	_ =	sdelay $0x1  }
0x164: {  	v3 =	vperm.xlane v3, v2;
	_ =	sdelay $0x1  }
0x165: {  	s17 =	simm.s32 $0x4100;
	v3 =	vadd.s32 v1, v3  }
0x166: {  	[tilespmem:s17], [sflag:$0x2] =	stream.indirect_vreg.gather [hbm4b:s3+s2], $0x80, v4, vm0, $0xb8;
	[tilespmem:$0x10100] =	vst v63  }
0x167: {  	s18 =	simm.s32 $0x4900  }
0x168: {  	[tilespmem:s18], [sflag:$0x2] =	stream.indirect_vreg.gather [hbm4b:s4+s2], $0x80, v4, vm0, $0xb8;
	[tilespmem:$0x10100] =	vst v63  }
0x169: {  	_ = 	snop  }
0x16a: {  	[tilespmem:s26], [sflag:$0x2] =	stream.indirect_vreg.gather [hbm4b:s3+s2], $0x80, v3, vm0, $0xb8;
	[tilespmem:$0x10100] =	vst v63  }
0x16b: {  	_ = 	snop  }
0x16c: {  	[tilespmem:s13], [sflag:$0x2] =	stream.indirect_vreg.gather [hbm4b:s4+s2], $0x80, v3, vm0, $0xb8;
	[tilespmem:$0x10100] =	vst v63  }
0x16d: {  	v3 =	vld [tilespmem:$0x30];
	_ =	sdelay $0x4  }
0x16e: {  	v51 =	vshll.u32 v3, $0x2  }
0x16f: {  	v3 =	vand.u32 $0x7, v3;
	v4 =	vand.u32 $0xFFFFFFE0, v51  }
0x170: {  	v3 =	vor.u32 v3, v4  }
0x171: {  	v4 =	vperm.xlane v3, v0;
	_ =	sdelay $0x1  }
0x172: {  	v4 =	vadd.s32 v1, v4;
	_ =	sdelay $0x1  }
0x173: {  	v3 =	vperm.xlane v3, v2;
	_ =	sdelay $0x1  }
0x174: {  	v3 =	vadd.s32 v1, v3  }
0x175: {  	[tilespmem:s10], [sflag:$0x2] =	stream.indirect_vreg.gather [hbm4b:s3+s2], $0x80, v4, vm0, $0xb8;
	[tilespmem:$0x10100] =	vst v63  }
0x176: {  	_ = 	snop  }
0x177: {  	[tilespmem:s11], [sflag:$0x2] =	stream.indirect_vreg.gather [hbm4b:s4+s2], $0x80, v4, vm0, $0xb8;
	[tilespmem:$0x10100] =	vst v63  }
0x178: {  	_ = 	snop  }
0x179: {  	[tilespmem:s14], [sflag:$0x2] =	stream.indirect_vreg.gather [hbm4b:s3+s2], $0x80, v3, vm0, $0xb8;
	[tilespmem:$0x10100] =	vst v63  }
0x17a: {  	_ = 	snop  }
0x17b: {  	[tilespmem:s12], [sflag:$0x2] =	stream.indirect_vreg.gather [hbm4b:s4+s2], $0x80, v3, vm0, $0xb8;
	[tilespmem:$0x10100] =	vst v63  }
0x17c: {  	s23 =	rddreg [dreg:$0xb];
	s26 =	simm.s32 $0x80  }
0x17d: {  	[tilespmem:s26], [sflag:$0x1] =	stream.linear.gather [hbm4b:s23+s2], $0x40, $0x38;
	[tilespmem:$0x10100] =	vst v63  }
0x17e: {  	s18 =	rddreg [dreg:$0xc]  }
0x17f: {  	[hbm4b:s18+s2] =	stream.linear.scatter [tilespmem:s25], [sflag:$0x3], $0x8000, $0x38;
	[tilespmem:$0x10100] =	vst v63  }
0x180: {  	_ =	swait.ge [sflag:s24], $0x8000  }
0x181: {  	[sflag:s24] =	ssyncset.done $0x0  }
0x182: {  	[sflag:s24] =	ssyncadd.s32 $0xFFFF8000  }
0x183: {  	_ =	swait.ge [sflag:s6], $0x40  }
0x184: {  	[sflag:s6] =	ssyncset.done $0x0  }
0x185: {  	[sflag:s6] =	ssyncadd.s32 $0xFFFFFFC0  }
0x186: {  	_ =	swait.ge [sflag:s16], $0x8000  }
0x187: {  	[sflag:s16] =	ssyncset.done $0x0  }
0x188: {  	[sflag:s16] =	ssyncadd.s32 $0xFFFF8000  }
0x189: {  	v3 =	vld [tilespmem:$0x80];
	_ =	sdelay $0x4  }
0x18a: {  	v52 =	vshll.u32 v3, $0x2  }
0x18b: {  	v3 =	vand.u32 $0x7, v3;
	v4 =	vand.u32 $0xFFFFFFE0, v52  }
0x18c: {  	v3 =	vor.u32 v3, v4  }
0x18d: {  	v4 =	vperm.xlane v3, v0;
	_ =	sdelay $0x1  }
0x18e: {  	v4 =	vadd.s32 v1, v4;
	_ =	sdelay $0x1  }
0x18f: {  	v3 =	vperm.xlane v3, v2;
	_ =	sdelay $0x1  }
0x190: {  	v3 =	vadd.s32 v1, v3  }
0x191: {  	[tilespmem:s25], [sflag:$0x2] =	stream.indirect_vreg.gather [hbm4b:s3+s2], $0x80, v4, vm0, $0xb8;
	[tilespmem:$0x10100] =	vst v63  }
0x192: {  	_ = 	snop  }
0x193: {  	[tilespmem:s0], [sflag:$0x2] =	stream.indirect_vreg.gather [hbm4b:s4+s2], $0x80, v4, vm0, $0xb8;
	[tilespmem:$0x10100] =	vst v63  }
0x194: {  	_ = 	snop  }
0x195: {  	[tilespmem:s1], [sflag:$0x2] =	stream.indirect_vreg.gather [hbm4b:s3+s2], $0x80, v3, vm0, $0xb8;
	[tilespmem:$0x10100] =	vst v63  }
0x196: {  	_ = 	snop  }
0x197: {  	[tilespmem:s7], [sflag:$0x2] =	stream.indirect_vreg.gather [hbm4b:s4+s2], $0x80, v3, vm0, $0xb8;
	[tilespmem:$0x10100] =	vst v63  }
0x198: {  	v3 =	vld [tilespmem:$0x90];
	_ =	sdelay $0x4  }
0x199: {  	v53 =	vshll.u32 v3, $0x2  }
0x19a: {  	v3 =	vand.u32 $0x7, v3;
	v4 =	vand.u32 $0xFFFFFFE0, v53  }
0x19b: {  	v3 =	vor.u32 v3, v4  }
0x19c: {  	v4 =	vperm.xlane v3, v0;
	_ =	sdelay $0x1  }
0x19d: {  	v4 =	vadd.s32 v1, v4;
	_ =	sdelay $0x1  }
0x19e: {  	v3 =	vperm.xlane v3, v2;
	_ =	sdelay $0x1  }
0x19f: {  	s26 =	simm.s32 $0xA100;
	v3 =	vadd.s32 v1, v3  }
0x1a0: {  	[tilespmem:s26], [sflag:$0x2] =	stream.indirect_vreg.gather [hbm4b:s3+s2], $0x80, v4, vm0, $0xb8;
	[tilespmem:$0x10100] =	vst v63  }
0x1a1: {  	s28 =	simm.s32 $0xA900  }
0x1a2: {  	[tilespmem:s28], [sflag:$0x2] =	stream.indirect_vreg.gather [hbm4b:s4+s2], $0x80, v4, vm0, $0xb8;
	[tilespmem:$0x10100] =	vst v63  }
0x1a3: {  	s29 =	simm.s32 $0xB100  }
0x1a4: {  	[tilespmem:s29], [sflag:$0x2] =	stream.indirect_vreg.gather [hbm4b:s3+s2], $0x80, v3, vm0, $0xb8;
	[tilespmem:$0x10100] =	vst v63  }
0x1a5: {  	s29 =	simm.s32 $0xB900  }
0x1a6: {  	[tilespmem:s29], [sflag:$0x2] =	stream.indirect_vreg.gather [hbm4b:s4+s2], $0x80, v3, vm0, $0xb8;
	[tilespmem:$0x10100] =	vst v63  }
0x1a7: {  	v3 =	vld [tilespmem:$0xA0];
	_ =	sdelay $0x4  }
0x1a8: {  	v54 =	vshll.u32 v3, $0x2  }
0x1a9: {  	v3 =	vand.u32 $0x7, v3;
	v4 =	vand.u32 $0xFFFFFFE0, v54  }
0x1aa: {  	v3 =	vor.u32 v3, v4  }
0x1ab: {  	v4 =	vperm.xlane v3, v0;
	_ =	sdelay $0x1  }
0x1ac: {  	v4 =	vadd.s32 v1, v4;
	_ =	sdelay $0x1  }
0x1ad: {  	v3 =	vperm.xlane v3, v2;
	_ =	sdelay $0x1  }
0x1ae: {  	s19 =	simm.s32 $0xC100;
	v3 =	vadd.s32 v1, v3  }
0x1af: {  	[tilespmem:s19], [sflag:$0x2] =	stream.indirect_vreg.gather [hbm4b:s3+s2], $0x80, v4, vm0, $0xb8;
	[tilespmem:$0x10100] =	vst v63  }
0x1b0: {  	s30 =	simm.s32 $0xC900  }
0x1b1: {  	[tilespmem:s30], [sflag:$0x2] =	stream.indirect_vreg.gather [hbm4b:s4+s2], $0x80, v4, vm0, $0xb8;
	[tilespmem:$0x10100] =	vst v63  }
0x1b2: {  	s31 =	simm.s32 $0xD100  }
0x1b3: {  	[tilespmem:s31], [sflag:$0x2] =	stream.indirect_vreg.gather [hbm4b:s3+s2], $0x80, v3, vm0, $0xb8;
	[tilespmem:$0x10100] =	vst v63  }
0x1b4: {  	s18 =	simm.s32 $0xD900  }
0x1b5: {  	[tilespmem:s18], [sflag:$0x2] =	stream.indirect_vreg.gather [hbm4b:s4+s2], $0x80, v3, vm0, $0xb8;
	[tilespmem:$0x10100] =	vst v63  }
0x1b6: {  	v3 =	vld [tilespmem:$0xB0];
	_ =	sdelay $0x4  }
0x1b7: {  	v55 =	vshll.u32 v3, $0x2  }
0x1b8: {  	v3 =	vand.u32 $0x7, v3;
	v4 =	vand.u32 $0xFFFFFFE0, v55  }
0x1b9: {  	v3 =	vor.u32 v3, v4  }
0x1ba: {  	v4 =	vperm.xlane v3, v0;
	_ =	sdelay $0x1  }
0x1bb: {  	v4 =	vadd.s32 v1, v4;
	_ =	sdelay $0x1  }
0x1bc: {  	v3 =	vperm.xlane v3, v2;
	_ =	sdelay $0x1  }
0x1bd: {  	s21 =	simm.s32 $0xE100;
	v3 =	vadd.s32 v1, v3  }
0x1be: {  	[tilespmem:s21], [sflag:$0x2] =	stream.indirect_vreg.gather [hbm4b:s3+s2], $0x80, v4, vm0, $0xb8;
	[tilespmem:$0x10100] =	vst v63  }
0x1bf: {  	s21 =	simm.s32 $0xE900  }
0x1c0: {  	[tilespmem:s21], [sflag:$0x2] =	stream.indirect_vreg.gather [hbm4b:s4+s2], $0x80, v4, vm0, $0xb8;
	[tilespmem:$0x10100] =	vst v63  }
0x1c1: {  	s18 =	simm.s32 $0xF100  }
0x1c2: {  	[tilespmem:s18], [sflag:$0x2] =	stream.indirect_vreg.gather [hbm4b:s3+s2], $0x80, v3, vm0, $0xb8;
	[tilespmem:$0x10100] =	vst v63  }
0x1c3: {  	s18 =	simm.s32 $0xF900  }
0x1c4: {  	[tilespmem:s18], [sflag:$0x2] =	stream.indirect_vreg.gather [hbm4b:s4+s2], $0x80, v3, vm0, $0xb8;
	[tilespmem:$0x10100] =	vst v63  }
0x1c5: {  	s17 =	rddreg [dreg:$0xd]  }
0x1c6: {  	[tilespmem:s2], [sflag:$0x1] =	stream.linear.gather [hbm4b:s17+s2], $0x40, $0x38;
	[tilespmem:$0x10100] =	vst v63  }
0x1c7: {  	s18 =	rddreg [dreg:$0xe]  }
0x1c8: {  	[hbm4b:s18+s2] =	stream.linear.scatter [tilespmem:s20], [sflag:$0x3], $0x8000, $0x38;
	[tilespmem:$0x10100] =	vst v63  }
0x1c9: {  	_ =	swait.ge [sflag:s24], $0x8000  }
0x1ca: {  	[sflag:s24] =	ssyncset.done $0x0  }
0x1cb: {  	[sflag:s24] =	ssyncadd.s32 $0xFFFF8000  }
0x1cc: {  	_ =	swait.ge [sflag:s6], $0x40  }
0x1cd: {  	[sflag:s6] =	ssyncset.done $0x0  }
0x1ce: {  	[sflag:s6] =	ssyncadd.s32 $0xFFFFFFC0  }
0x1cf: {  	_ =	swait.ge [sflag:s16], $0x8000  }
0x1d0: {  	[sflag:s16] =	ssyncset.done $0x0  }
0x1d1: {  	[sflag:s16] =	ssyncadd.s32 $0xFFFF8000  }
0x1d2: {  	v3 =	vld [tilespmem:$0x0];
	_ =	sdelay $0x4  }
0x1d3: {  	v56 =	vshll.u32 v3, $0x2  }
0x1d4: {  	v3 =	vand.u32 $0x7, v3;
	v4 =	vand.u32 $0xFFFFFFE0, v56  }
0x1d5: {  	v3 =	vor.u32 v3, v4  }
0x1d6: {  	v4 =	vperm.xlane v3, v0;
	_ =	sdelay $0x1  }
0x1d7: {  	v4 =	vadd.s32 v1, v4;
	_ =	sdelay $0x1  }
0x1d8: {  	v3 =	vperm.xlane v3, v2;
	_ =	sdelay $0x1  }
0x1d9: {  	v3 =	vadd.s32 v1, v3  }
0x1da: {  	[tilespmem:s20], [sflag:$0x2] =	stream.indirect_vreg.gather [hbm4b:s3+s2], $0x80, v4, vm0, $0xb8;
	[tilespmem:$0x10100] =	vst v63  }
0x1db: {  	s18 =	simm.s32 $0x900  }
0x1dc: {  	[tilespmem:s18], [sflag:$0x2] =	stream.indirect_vreg.gather [hbm4b:s4+s2], $0x80, v4, vm0, $0xb8;
	[tilespmem:$0x10100] =	vst v63  }
0x1dd: {  	s22 =	simm.s32 $0x1100  }
0x1de: {  	[tilespmem:s22], [sflag:$0x2] =	stream.indirect_vreg.gather [hbm4b:s3+s2], $0x80, v3, vm0, $0xb8;
	[tilespmem:$0x10100] =	vst v63  }
0x1df: {  	s22 =	simm.s32 $0x1900  }
0x1e0: {  	[tilespmem:s22], [sflag:$0x2] =	stream.indirect_vreg.gather [hbm4b:s4+s2], $0x80, v3, vm0, $0xb8;
	[tilespmem:$0x10100] =	vst v63  }
0x1e1: {  	v3 =	vld [tilespmem:$0x10];
	_ =	sdelay $0x4  }
0x1e2: {  	v57 =	vshll.u32 v3, $0x2  }
0x1e3: {  	v3 =	vand.u32 $0x7, v3;
	v4 =	vand.u32 $0xFFFFFFE0, v57  }
0x1e4: {  	v3 =	vor.u32 v3, v4  }
0x1e5: {  	v4 =	vperm.xlane v3, v0;
	_ =	sdelay $0x1  }
0x1e6: {  	v4 =	vadd.s32 v1, v4;
	_ =	sdelay $0x1  }
0x1e7: {  	v3 =	vperm.xlane v3, v2;
	_ =	sdelay $0x1  }
0x1e8: {  	s8 =	simm.s32 $0x2100;
	v3 =	vadd.s32 v1, v3  }
0x1e9: {  	[tilespmem:s8], [sflag:$0x2] =	stream.indirect_vreg.gather [hbm4b:s3+s2], $0x80, v4, vm0, $0xb8;
	[tilespmem:$0x10100] =	vst v63  }
0x1ea: {  	s9 =	simm.s32 $0x2900  }
0x1eb: {  	[tilespmem:s9], [sflag:$0x2] =	stream.indirect_vreg.gather [hbm4b:s4+s2], $0x80, v4, vm0, $0xb8;
	[tilespmem:$0x10100] =	vst v63  }
0x1ec: {  	s17 =	simm.s32 $0x3100  }
0x1ed: {  	[tilespmem:s17], [sflag:$0x2] =	stream.indirect_vreg.gather [hbm4b:s3+s2], $0x80, v3, vm0, $0xb8;
	[tilespmem:$0x10100] =	vst v63  }
0x1ee: {  	s18 =	simm.s32 $0x3900  }
0x1ef: {  	[tilespmem:s18], [sflag:$0x2] =	stream.indirect_vreg.gather [hbm4b:s4+s2], $0x80, v3, vm0, $0xb8;
	[tilespmem:$0x10100] =	vst v63  }
0x1f0: {  	v3 =	vld [tilespmem:$0x20];
	_ =	sdelay $0x4  }
0x1f1: {  	v58 =	vshll.u32 v3, $0x2  }
0x1f2: {  	v3 =	vand.u32 $0x7, v3;
	v4 =	vand.u32 $0xFFFFFFE0, v58  }
0x1f3: {  	v3 =	vor.u32 v3, v4  }
0x1f4: {  	v4 =	vperm.xlane v3, v0;
	_ =	sdelay $0x1  }
0x1f5: {  	v4 =	vadd.s32 v1, v4;
	_ =	sdelay $0x1  }
0x1f6: {  	v3 =	vperm.xlane v3, v2;
	_ =	sdelay $0x1  }
0x1f7: {  	s22 =	simm.s32 $0x4100;
	v3 =	vadd.s32 v1, v3  }
0x1f8: {  	[tilespmem:s22], [sflag:$0x2] =	stream.indirect_vreg.gather [hbm4b:s3+s2], $0x80, v4, vm0, $0xb8;
	[tilespmem:$0x10100] =	vst v63  }
0x1f9: {  	s9 =	simm.s32 $0x4900  }
0x1fa: {  	[tilespmem:s9], [sflag:$0x2] =	stream.indirect_vreg.gather [hbm4b:s4+s2], $0x80, v4, vm0, $0xb8;
	[tilespmem:$0x10100] =	vst v63  }
0x1fb: {  	s15 =	simm.s32 $0x5100  }
0x1fc: {  	[tilespmem:s15], [sflag:$0x2] =	stream.indirect_vreg.gather [hbm4b:s3+s2], $0x80, v3, vm0, $0xb8;
	[tilespmem:$0x10100] =	vst v63  }
0x1fd: {  	s13 =	simm.s32 $0x5900  }
0x1fe: {  	[tilespmem:s13], [sflag:$0x2] =	stream.indirect_vreg.gather [hbm4b:s4+s2], $0x80, v3, vm0, $0xb8;
	[tilespmem:$0x10100] =	vst v63  }
0x1ff: {  	v3 =	vld [tilespmem:$0x30];
	_ =	sdelay $0x4  }
0x200: {  	v59 =	vshll.u32 v3, $0x2  }
0x201: {  	v3 =	vand.u32 $0x7, v3;
	v4 =	vand.u32 $0xFFFFFFE0, v59  }
0x202: {  	v3 =	vor.u32 v3, v4  }
0x203: {  	v4 =	vperm.xlane v3, v0;
	_ =	sdelay $0x1  }
0x204: {  	v4 =	vadd.s32 v1, v4;
	_ =	sdelay $0x1  }
0x205: {  	v3 =	vperm.xlane v3, v2;
	_ =	sdelay $0x1  }
0x206: {  	s10 =	simm.s32 $0x6100;
	v3 =	vadd.s32 v1, v3  }
0x207: {  	[tilespmem:s10], [sflag:$0x2] =	stream.indirect_vreg.gather [hbm4b:s3+s2], $0x80, v4, vm0, $0xb8;
	[tilespmem:$0x10100] =	vst v63  }
0x208: {  	s11 =	simm.s32 $0x6900  }
0x209: {  	[tilespmem:s11], [sflag:$0x2] =	stream.indirect_vreg.gather [hbm4b:s4+s2], $0x80, v4, vm0, $0xb8;
	[tilespmem:$0x10100] =	vst v63  }
0x20a: {  	s14 =	simm.s32 $0x7100  }
0x20b: {  	[tilespmem:s14], [sflag:$0x2] =	stream.indirect_vreg.gather [hbm4b:s3+s2], $0x80, v3, vm0, $0xb8;
	[tilespmem:$0x10100] =	vst v63  }
0x20c: {  	s12 =	simm.s32 $0x7900  }
0x20d: {  	[tilespmem:s12], [sflag:$0x2] =	stream.indirect_vreg.gather [hbm4b:s4+s2], $0x80, v3, vm0, $0xb8;
	[tilespmem:$0x10100] =	vst v63  }
0x20e: {  	s15 =	simm.s32 $0x80;
	s13 =	rddreg [dreg:$0xf]  }
0x20f: {  	[tilespmem:s15], [sflag:$0x1] =	stream.linear.gather [hbm4b:s13+s2], $0x40, $0x38;
	[tilespmem:$0x10100] =	vst v63  }
0x210: {  	s14 =	rddreg [dreg:$0x10]  }
0x211: {  	[hbm4b:s14+s2] =	stream.linear.scatter [tilespmem:s25], [sflag:$0x3], $0x8000, $0x38;
	[tilespmem:$0x10100] =	vst v63  }
0x212: {  	_ =	swait.ge [sflag:s24], $0x8000  }
0x213: {  	[sflag:s24] =	ssyncset.done $0x0  }
0x214: {  	[sflag:s24] =	ssyncadd.s32 $0xFFFF8000  }
0x215: {  	_ =	swait.ge [sflag:s6], $0x40  }
0x216: {  	[sflag:s6] =	ssyncset.done $0x0  }
0x217: {  	[sflag:s6] =	ssyncadd.s32 $0xFFFFFFC0  }
0x218: {  	_ =	swait.ge [sflag:s16], $0x8000  }
0x219: {  	[sflag:s16] =	ssyncset.done $0x0  }
0x21a: {  	[sflag:s16] =	ssyncadd.s32 $0xFFFF8000  }
0x21b: {  	v3 =	vld [tilespmem:$0x80];
	_ =	sdelay $0x4  }
0x21c: {  	v60 =	vshll.u32 v3, $0x2  }
0x21d: {  	v3 =	vand.u32 $0x7, v3;
	v4 =	vand.u32 $0xFFFFFFE0, v60  }
0x21e: {  	v3 =	vor.u32 v3, v4  }
0x21f: {  	v4 =	vperm.xlane v3, v0;
	_ =	sdelay $0x1  }
0x220: {  	v4 =	vadd.s32 v1, v4;
	_ =	sdelay $0x1  }
0x221: {  	v3 =	vperm.xlane v3, v2;
	_ =	sdelay $0x1  }
0x222: {  	v3 =	vadd.s32 v1, v3  }
0x223: {  	[tilespmem:s25], [sflag:$0x2] =	stream.indirect_vreg.gather [hbm4b:s3+s2], $0x80, v4, vm0, $0xb8;
	[tilespmem:$0x10100] =	vst v63  }
0x224: {  	s0 =	simm.s32 $0x8900  }
0x225: {  	[tilespmem:s0], [sflag:$0x2] =	stream.indirect_vreg.gather [hbm4b:s4+s2], $0x80, v4, vm0, $0xb8;
	[tilespmem:$0x10100] =	vst v63  }
0x226: {  	s1 =	simm.s32 $0x9100  }
0x227: {  	[tilespmem:s1], [sflag:$0x2] =	stream.indirect_vreg.gather [hbm4b:s3+s2], $0x80, v3, vm0, $0xb8;
	[tilespmem:$0x10100] =	vst v63  }
0x228: {  	s7 =	simm.s32 $0x9900  }
0x229: {  	[tilespmem:s7], [sflag:$0x2] =	stream.indirect_vreg.gather [hbm4b:s4+s2], $0x80, v3, vm0, $0xb8;
	[tilespmem:$0x10100] =	vst v63  }
0x22a: {  	v3 =	vld [tilespmem:$0x90];
	_ =	sdelay $0x4  }
0x22b: {  	v61 =	vshll.u32 v3, $0x2  }
0x22c: {  	v3 =	vand.u32 $0x7, v3;
	v4 =	vand.u32 $0xFFFFFFE0, v61  }
0x22d: {  	v3 =	vor.u32 v3, v4  }
0x22e: {  	v4 =	vperm.xlane v3, v0;
	_ =	sdelay $0x1  }
0x22f: {  	v4 =	vadd.s32 v1, v4;
	_ =	sdelay $0x1  }
0x230: {  	v3 =	vperm.xlane v3, v2;
	_ =	sdelay $0x1  }
0x231: {  	s22 =	simm.s32 $0xA100;
	v3 =	vadd.s32 v1, v3  }
0x232: {  	[tilespmem:s22], [sflag:$0x2] =	stream.indirect_vreg.gather [hbm4b:s3+s2], $0x80, v4, vm0, $0xb8;
	[tilespmem:$0x10100] =	vst v63  }
0x233: {  	s23 =	simm.s32 $0xA900  }
0x234: {  	[tilespmem:s23], [sflag:$0x2] =	stream.indirect_vreg.gather [hbm4b:s4+s2], $0x80, v4, vm0, $0xb8;
	[tilespmem:$0x10100] =	vst v63  }
0x235: {  	s26 =	simm.s32 $0xB100  }
0x236: {  	[tilespmem:s26], [sflag:$0x2] =	stream.indirect_vreg.gather [hbm4b:s3+s2], $0x80, v3, vm0, $0xb8;
	[tilespmem:$0x10100] =	vst v63  }
0x237: {  	s26 =	simm.s32 $0xB900  }
0x238: {  	[tilespmem:s26], [sflag:$0x2] =	stream.indirect_vreg.gather [hbm4b:s4+s2], $0x80, v3, vm0, $0xb8;
	[tilespmem:$0x10100] =	vst v63  }
0x239: {  	v3 =	vld [tilespmem:$0xA0];
	_ =	sdelay $0x4  }
0x23a: {  	v62 =	vshll.u32 v3, $0x2  }
0x23b: {  	v3 =	vand.u32 $0x7, v3;
	v4 =	vand.u32 $0xFFFFFFE0, v62  }
0x23c: {  	v3 =	vor.u32 v3, v4  }
0x23d: {  	v4 =	vperm.xlane v3, v0;
	_ =	sdelay $0x1  }
0x23e: {  	v4 =	vadd.s32 v1, v4;
	_ =	sdelay $0x1  }
0x23f: {  	v3 =	vperm.xlane v3, v2;
	_ =	sdelay $0x1  }
0x240: {  	s28 =	simm.s32 $0xC100;
	v3 =	vadd.s32 v1, v3  }
0x241: {  	[tilespmem:s28], [sflag:$0x2] =	stream.indirect_vreg.gather [hbm4b:s3+s2], $0x80, v4, vm0, $0xb8;
	[tilespmem:$0x10100] =	vst v63  }
0x242: {  	s19 =	simm.s32 $0xC900  }
0x243: {  	[tilespmem:s19], [sflag:$0x2] =	stream.indirect_vreg.gather [hbm4b:s4+s2], $0x80, v4, vm0, $0xb8;
	[tilespmem:$0x10100] =	vst v63  }
0x244: {  	s29 =	simm.s32 $0xD100  }
0x245: {  	[tilespmem:s29], [sflag:$0x2] =	stream.indirect_vreg.gather [hbm4b:s3+s2], $0x80, v3, vm0, $0xb8;
	[tilespmem:$0x10100] =	vst v63  }
0x246: {  	s31 =	simm.s32 $0xD900  }
0x247: {  	[tilespmem:s31], [sflag:$0x2] =	stream.indirect_vreg.gather [hbm4b:s4+s2], $0x80, v3, vm0, $0xb8;
	[tilespmem:$0x10100] =	vst v63  }
0x248: {  	v3 =	vld [tilespmem:$0xB0];
	_ =	sdelay $0x4  }
0x249: {  	v63 =	vshll.u32 v3, $0x2  }
0x24a: {  	v3 =	vand.u32 $0x7, v3;
	v4 =	vand.u32 $0xFFFFFFE0, v63  }
0x24b: {  	v3 =	vor.u32 v3, v4  }
0x24c: {  	v4 =	vperm.xlane v3, v0;
	_ =	sdelay $0x1  }
0x24d: {  	v4 =	vadd.s32 v1, v4;
	_ =	sdelay $0x1  }
0x24e: {  	v3 =	vperm.xlane v3, v2;
	_ =	sdelay $0x1  }
0x24f: {  	s30 =	simm.s32 $0xE100;
	v3 =	vadd.s32 v1, v3  }
0x250: {  	[tilespmem:s30], [sflag:$0x2] =	stream.indirect_vreg.gather [hbm4b:s3+s2], $0x80, v4, vm0, $0xb8;
	[tilespmem:$0x10100] =	vst v63  }
0x251: {  	s21 =	simm.s32 $0xE900  }
0x252: {  	[tilespmem:s21], [sflag:$0x2] =	stream.indirect_vreg.gather [hbm4b:s4+s2], $0x80, v4, vm0, $0xb8;
	[tilespmem:$0x10100] =	vst v63  }
0x253: {  	s28 =	simm.s32 $0xF100  }
0x254: {  	[tilespmem:s28], [sflag:$0x2] =	stream.indirect_vreg.gather [hbm4b:s3+s2], $0x80, v3, vm0, $0xb8;
	[tilespmem:$0x10100] =	vst v63  }
0x255: {  	s30 =	simm.s32 $0xF900  }
0x256: {  	[tilespmem:s30], [sflag:$0x2] =	stream.indirect_vreg.gather [hbm4b:s4+s2], $0x80, v3, vm0, $0xb8;
	[tilespmem:$0x10100] =	vst v63  }
0x257: {  	s29 =	rddreg [dreg:$0x11]  }
0x258: {  	[hbm4b:s29+s2] =	stream.linear.scatter [tilespmem:s20], [sflag:$0x3], $0x8000, $0x38;
	[tilespmem:$0x10100] =	vst v63  }
0x259: {  	_ =	swait.ge [sflag:s24], $0x8000  }
0x25a: {  	[sflag:s24] =	ssyncset.done $0x0  }
0x25b: {  	[sflag:s24] =	ssyncadd.s32 $0xFFFF8000  }
0x25c: {  	_ =	swait.ge [sflag:s16], $0x8000  }
0x25d: {  	p0 =	sne.s32 s5, $0x1;
	[sflag:s16] =	ssyncset.done $0x0  }
.Ltmp0:
0x25e: {  	s31 =	rddreg [dreg:$0x12];
	[sflag:s16] =	ssyncadd.s32 $0xFFFF8000;
	(pc) =	sbr.rel @p0 .LBB2_1-.Ltmp0, $4  }
0x25f: {  	[hbm4b:s31+s2] =	stream.linear.scatter [tilespmem:s25], [sflag:$0x3], $0x8000, $0x38;
	[tilespmem:$0x10100] =	vst v63  }
0x260: {  	_ =	swait.ge [sflag:s16], $0x8000  }
0x261: {  	[sflag:s16] =	ssyncset.done $0x0  }
0x262: {  	s5 =	sadd.s32 $0xFFFFFFFF, s5;
	[sflag:s16] =	ssyncadd.s32 $0xFFFF8000  }
0x263: {  	_ =	sfence.sel $0x180000  }
0x264: {  	[bflag:$0x0] =	sbarrier.arrive $0xFFFF  }
0x265: {  	_ =	strace $0x9000004A  }
0x266: {  	s0 =	stileid.u32;
	[bflag:$0x2] =	sbarrier.arrive $0xFFFF  }
0x267: {  	p0 =	sne.s32 s0, $0x0;
	s0 =	rddreg [dreg:$0x2]  }
0x268: {  	s0 =	sadd.s32 @!p0 $0x100000, s0  }
0x269: {  	[sflag:s0] =	ssyncadd.tile.s32 @!p0 $0x1;
	_ =	shalt  }
.Lfunc_end2:
_tile_overlayer_lowered:
.L_overlay_start_2:
0x26a: {  	(tag) =	ssettag $0x2  }
0x26b: {  	s0 =	rddreg [dreg:$0x0];
	s2 =	stileid.u32  }
0x26c: {  	s1 =	rddreg [dreg:$0x1];
	p0 =	sne.s32 s2, $0x0  }
0x26d: {  	s3 =	rddreg [dreg:$0x2];
	[bflag:$0x3] =	sbarrier.arrive $0xFFFF;
	s2 =	simm.s32 @!p0 $0x1C04  }
0x26e: {  	[timem:s3], [sflag:s2] =	dma.local @!p0 [hbm:s0], s1  }
0x26f: {  	s0 =	simm.s32 @!p0 $0x4  }
0x270: {  	_ =	swait.ge @!p0 [sflag:s0], s1  }
0x271: {  	s1 =	ssub.s32 @!p0 $0x0, s1;
	[sflag:s0] =	ssyncset.done @!p0 $0x0  }
0x272: {  	[sflag:s0] =	ssyncadd.s32 @!p0 s1  }
0x273: {  	[bflag:$0x3] =	sbarrier.arrive $0xFFFF  }
0x274: {  	_ =	shalt  }

// kernel: kernel.9.cloned.1.call-start
scs
__scs_entry_jumppad:
0x0: {  	(pc) =	sbr.rel $0x88, $3  }
0x1: {  	(tag) =	ssettag $0x0;
	lr =	simm.s32 $0x1  }
0x2: {  	[smem:$0x3F90] =	sst lr;
	_ =	strace $0xD0000000  }
0x3: {  	_ = 	snop  }
0x4: {  	_ = 	snop  }
0x5: {  	_ = 	snop  }
0x6: {  	_ = 	snop  }
0x7: {  	_ = 	snop  }
__scs_overlays_trampoline_lowered:
0x8: {  	[smem:$0x3F9F] =	sst s0  }
0x9: {  	[smem:$0x3FA0] =	sst s1  }
0xa: {  	[smem:$0x3FA1] =	sst s2  }
0xb: {  	[smem:$0x3FA2] =	sst s3  }
0xc: {  	[smem:$0x3FA3] =	sst s4  }
0xd: {  	[smem:$0x3FA4] =	sst s5  }
0xe: {  	[smem:$0x3FA5] =	sst s6  }
0xf: {  	[smem:$0x3FA6] =	sst s7  }
0x10: {  	[smem:$0x3FA7] =	sst s8  }
0x11: {  	[smem:$0x3FA8] =	sst s9;
	s0 =	simm.s32 @!p0 $0x0  }
0x12: {  	s1 =	sld [smem:$0x3F8E];
	s0 =	simm.s32 @p0 $0x1  }
0x13: {  	[smem:$0x3FA9] =	sst s0;
	s0 =	simm.s32 @!p1 $0x0  }
0x14: {  	s2 =	sld [smem:$0x3F8D];
	s0 =	simm.s32 @p1 $0x1  }
0x15: {  	[smem:$0x3FAA] =	sst s0;
	s0 =	simm.s32 @!p2 $0x0  }
0x16: {  	s3 =	sld [smem:$0x3FDB];
	s0 =	simm.s32 @p2 $0x1  }
0x17: {  	s4 =	simm.s32 $0x1BF5;
	[smem:$0x3FAC] =	sst s0  }
0x18: {  	s0 =	sld [smem:$0x3F8F];
	_ =	swait.ge [sflag:s4], $0x0  }
0x19: {  	s7 =	sld [smem:$0x3F90]  }
0x1a: {  	s8 =	sadd.s32 $0xFFFFE003, lr  }
0x1b: {  	s9 =	sadd.s32 $0xFFFFFEF7, lr;
	s5 =	simm.s32 $0xFFFFFFFF;
	p2 =	slt.u32 s8, $0xFFFFF086  }
0x1c: {  	p1 =	slt.u32 s9, $0xF7A;
	s5 =	simm.s32 @!p2 $0x0  }
0x1d: {  	s5 =	simm.s32 @p1 $0x1;
	p0 =	seq.s32 s7, s2  }
0x1e: {  	s7 =	smul.u32 @!p0 $0xF7A, s2;
	p2 =	seq.s32 @!p0 s5, $0x0  }
0x1f: {  	s9 =	smul.u32 $0xF7A, s1;
	s8 =	simm.s32 @!p0 $0x1BF5;
	p2 =	por !p2, p0  }
0x20: {  	[sflag:s8] =	ssyncset.s32 @!p0 $0xFFFFF086;
	s6 =	sadd.s32 @!p0 s3, s7;
	s7 =	simm.s32 @!p0 $0x108  }
0x21: {  	s3 =	sadd.s32 s3, s9;
	s6 =	sadd.s32 @!p0 $0x88, s6;
	s7 =	simm.s32 @p2 $0x1082  }
0x22: {  	[simem:s7], [sflag:s8] =	dma.local @!p0 [hbm:s6], $0xF7A  }
0x23: {  	s9 =	sor.u32 $0xD0000000, s2;
	s6 =	simm.s32 $0x108;
	_ =	swait.ge @!p0 [sflag:s8], $0x0  }
0x24: {  	s3 =	sadd.s32 $0x88, s3;
	s6 =	simm.s32 @!p1 $0x1082;
	[sflag:s4] =	ssyncset.s32 $0xFFFFF086  }
0x25: {  	[simem:s6], [sflag:s4] =	dma.local [hbm:s3], $0xF7A  }
0x26: {  	[smem:$0x3F90] =	sst s1;
	(tag) =	ssettag s2;
	_ =	strace s9  }
0x27: {  	s1 =	sld [smem:$0x3FA0]  }
0x28: {  	s2 =	sld [smem:$0x3FA1]  }
0x29: {  	s4 =	sld [smem:$0x3FA3]  }
0x2a: {  	p0 =	seq.s32 s5, $0x0;
	s5 =	sld [smem:$0x3FA4]  }
0x2b: {  	s6 =	sld [smem:$0x3FA5]  }
0x2c: {  	s7 =	sld [smem:$0x3FA6]  }
0x2d: {  	s3 =	simm.s32 $0x108;
	s8 =	sld [smem:$0x3FA7]  }
0x2e: {  	s3 =	simm.s32 @!p0 $0x1082;
	s9 =	sld [smem:$0x3FA8]  }
0x2f: {  	lr =	sadd.s32 s0, s3;
	s0 =	sld [smem:$0x3F9F]  }
0x30: {  	s3 =	sld [smem:$0x3FA2]  }
0x31: {  	[smem:$0x3FAB] =	sst s10  }
0x32: {  	s10 =	sld [smem:$0x3FA9];
	_ =	sdelay $0x3  }
0x33: {  	p0 =	seq.s32 s10, $0x1;
	s10 =	sld [smem:$0x3FAB];
	_ =	sdelay $0x3  }
0x34: {  	[smem:$0x3FAB] =	sst s10  }
0x35: {  	s10 =	sld [smem:$0x3FAA];
	_ =	sdelay $0x3  }
0x36: {  	p1 =	seq.s32 s10, $0x1;
	s10 =	sld [smem:$0x3FAB];
	_ =	sdelay $0x3  }
0x37: {  	[smem:$0x3FAB] =	sst s10  }
0x38: {  	s10 =	sld [smem:$0x3FAC]  }
0x39: {  	_ = 	snop;
	(pc) =	sbr.ind lr, $3  }
0x3a: {  	_ = 	snop  }
0x3b: {  	_ = 	snop  }
0x3c: {  	p2 =	seq.s32 s10, $0x1;
	s10 =	sld [smem:$0x3FAB]  }
0x3d: {  	_ =	shalt  }
0x3e: {  	_ =	shalt  }
0x3f: {  	_ =	shalt  }
0x40: {  	_ =	shalt  }
0x41: {  	_ =	shalt  }
0x42: {  	_ =	shalt  }
0x43: {  	_ =	shalt  }
0x44: {  	_ =	shalt  }
0x45: {  	_ =	shalt  }
0x46: {  	_ =	shalt  }
0x47: {  	_ =	shalt  }
0x48: {  	_ =	shalt  }
0x49: {  	_ =	shalt  }
0x4a: {  	_ =	shalt  }
0x4b: {  	_ =	shalt  }
0x4c: {  	_ =	shalt  }
0x4d: {  	_ =	shalt  }
0x4e: {  	_ =	shalt  }
0x4f: {  	_ =	shalt  }
0x50: {  	_ =	shalt  }
0x51: {  	_ =	shalt  }
0x52: {  	_ =	shalt  }
0x53: {  	_ =	shalt  }
0x54: {  	_ =	shalt  }
0x55: {  	_ =	shalt  }
0x56: {  	_ =	shalt  }
0x57: {  	_ =	shalt  }
0x58: {  	_ =	shalt  }
0x59: {  	_ =	shalt  }
0x5a: {  	_ =	shalt  }
0x5b: {  	_ =	shalt  }
0x5c: {  	_ =	shalt  }
0x5d: {  	_ =	shalt  }
0x5e: {  	_ =	shalt  }
0x5f: {  	_ =	shalt  }
0x60: {  	_ =	shalt  }
0x61: {  	_ =	shalt  }
0x62: {  	_ =	shalt  }
0x63: {  	_ =	shalt  }
0x64: {  	_ =	shalt  }
0x65: {  	_ =	shalt  }
0x66: {  	_ =	shalt  }
0x67: {  	_ =	shalt  }
0x68: {  	_ =	shalt  }
0x69: {  	_ =	shalt  }
0x6a: {  	_ =	shalt  }
0x6b: {  	_ =	shalt  }
0x6c: {  	_ =	shalt  }
0x6d: {  	_ =	shalt  }
0x6e: {  	_ =	shalt  }
0x6f: {  	_ =	shalt  }
0x70: {  	_ =	shalt  }
0x71: {  	_ =	shalt  }
0x72: {  	_ =	shalt  }
0x73: {  	_ =	shalt  }
0x74: {  	_ =	shalt  }
0x75: {  	_ =	shalt  }
0x76: {  	_ =	shalt  }
0x77: {  	_ =	shalt  }
0x78: {  	_ =	shalt  }
0x79: {  	_ =	shalt  }
0x7a: {  	_ =	shalt  }
0x7b: {  	_ =	shalt  }
0x7c: {  	_ =	shalt  }
0x7d: {  	_ =	shalt  }
0x7e: {  	_ =	shalt  }
0x7f: {  	_ =	shalt  }
0x80: {  	_ =	shalt  }
0x81: {  	_ =	shalt  }
0x82: {  	_ =	shalt  }
0x83: {  	_ =	shalt  }
0x84: {  	_ =	shalt  }
0x85: {  	_ =	shalt  }
0x86: {  	_ =	shalt  }
0x87: {  	_ =	shalt  }
.Lfunc_end0:
.L_simem_size_0:
called_computation_lowered:
.L_overlay_start_0:
0x88: {  	s2 =	sld [smem:$0x3FD9]  }
0x89: {  	s3 =	sld [smem:$0x3FFE];
	_ =	sdelay $0x1  }
0x8a: {  	s1 =	srdreg.scid  }
0x8b: {  	s0 =	sand.u32 $0x1, s1  }
0x8c: {  	s14 =	sshll.u32 s0, $0xA;
	s2 =	sadd.s32 s3, s2  }
0x8d: {  	s2 =	sadd.s32 s2, s14  }
0x8e: {  	[smem:$0x3FB7] =	sst s2  }
0x8f: {  	_ = 	snop  }
0x90: {  	s2 =	sld [smem:$0x3FD0];
	_ =	sdelay $0x2  }
0x91: {  	s15 =	simm.s32 $0xA;
	s4 =	simm.s32 $0x10  }
0x92: {  	[smem:s4], [sflag:s15] =	dma.local [hbm:s2], $0x1  }
0x93: {  	_ =	swait.eq [sflag:s15], $0x1  }
0x94: {  	[sflag:s15] =	ssyncset.done $0x0  }
0x95: {  	[sflag:s15] =	ssyncadd.s32 $0xFFFFFFFF  }
0x96: {  	s16 =	sld [smem:$0x11];
	(tm) =	ssettm $0x1  }
0x97: {  	s17 =	sld [smem:$0x3FFB];
	_ =	sdelay $0x3  }
0x98: {  	_ =	strace s17  }
0x99: {  	s3 =	sld [smem:$0x3FFC];
	_ =	sdelay $0x3  }
0x9a: {  	_ =	strace s3  }
0x9b: {  	s3 =	sld [smem:$0x3FFD];
	_ =	sdelay $0x3  }
0x9c: {  	_ =	strace s3  }
0x9d: {  	_ =	strace $0x8FFFFFFF  }
0x9e: {  	s18 =	sld [smem:$0x3FDB];
	_ =	sdelay $0x1  }
0x9f: {  	s19 =	simm.s32 $_scs_section_size  }
0xa0: {  	s5 =	simm.s32 $_size__tile_overlayer_lowered;
	s6 =	simm.s32 $_tile_overlayer_lowered  }
0xa1: {  	s22 =	simm.s32 $0x1BFF;
	s21 =	sshll.u32 s6, $0x1;
	s3 =	sadd.s32 s19, s18  }
0xa2: {  	s7 =	simm.s32 $0x0;
	s20 =	sshll.u32 s5, $0x1;
	s5 =	sadd.s32 s21, s3  }
0xa3: {  	[timem:s7], [sflag:s22] =	dma.local [hbm:s5], s20  }
0xa4: {  	_ =	swait.ge [sflag:s22], s20  }
0xa5: {  	s4 =	ssub.s32 $0x0, s20;
	[sflag:s22] =	ssyncset.done $0x0  }
0xa6: {  	[sflag:s22] =	ssyncadd.s32 s4;
	_ =	sdelay $0x1  }
0xa7: {  	s23 =	simm.s32 $0x1B8B  }
0xa8: {  	_ =	swait.ge [sflag:s23], $0x1  }
0xa9: {  	[sflag:s23] =	ssyncset.done $0x0  }
0xaa: {  	s25 =	simm.s32 $0x1B8E;
	s24 =	sld [smem:$0x3FFE];
	[sflag:s23] =	ssyncadd.s32 $0xFFFFFFFF  }
0xab: {  	s26 =	simm.s32 $execute0_lowered;
	[smem:$0x3FD2] =	sst s25  }
0xac: {  	s5 =	sshll.u32 s26, $0x1;
	_ =	strace $0x80000046;
	[dreg:$0x1] =	wrdreg $0xFFFFFFFF  }
0xad: {  	s28 =	simm.s32 $_size_execute0_lowered;
	s3 =	sadd.s32 s3, s5;
	[dreg:$0x0] =	wrdreg $0x0  }
0xae: {  	s5 =	sshll.u32 s28, $0x1;
	[dreg:$0x2] =	wrdreg s3  }
0xaf: {  	[dreg:$0x3] =	wrdreg s5  }
0xb0: {  	[dreg:$0x4] =	wrdreg $0xC0  }
0xb1: {  	_ =	task [dreg:s7], $0x5FFFF  }
0xb2: {  	[dreg:$0x1] =	wrdreg $0xFFFFFFFF  }
0xb3: {  	[dreg:$0x0] =	wrdreg $0x60  }
0xb4: {  	[dreg:$0x2] =	wrdreg s24  }
0xb5: {  	[dreg:$0x3] =	wrdreg s16  }
0xb6: {  	[dreg:$0x4] =	wrdreg $0x9  }
0xb7: {  	_ =	task.clear_ibuf [dreg:s7], $0x5FFFF;
	_ =	strace $0x90000046  }
0xb8: {  	s29 =	simm.s32 $0x9;
	_ =	strace $0x80000048  }
0xb9: {  	_ =	swait.ge [sflag:s29], $0x1  }
0xba: {  	[sflag:s29] =	ssyncadd.s32 $0xFFFFFFFF  }
0xbb: {  	_ =	strace $0x90000048  }
0xbc: {  	_ =	sfence  }
0xbd: {  	s30 =	sld [smem:$0x0];
	_ =	sdelay $0x2  }
0xbe: {  	s31 =	sshll.u32 s1, $0xD;
	s1 =	sshrl.u32 s1, $0x2  }
0xbf: {  	s3 =	sand.u32 $0x4000, s31;
	s1 =	sadd.s32 s1, s30  }
0xc0: {  	s0 =	sor.u32 s3, s0;
	s1 =	sshll.u32 s1, $0x11  }
0xc1: {  	s0 =	sor.u32 s1, s0  }
0xc2: {  	s0 =	sadd.s32 $0x8F2B, s0  }
0xc3: {  	[sflag:s0] =	ssyncadd.remote.s32 $0x1  }
0xc4: {  	_ =	sfence.sel $0xFFFF  }
0xc5: {  	[dreg:$0x0] =	wrdreg $0xFFFFFFFF;
	(pc) =	sbr.abs _section_cstart, $3  }
0xc6: {  	[dreg:$0x1] =	wrdreg $0xFFFFFFFF  }
0xc7: {  	_ =	task.clear_ibuf [dreg:s7], $0x2FFFF;
	_ =	strace $0x9FFFFFFF  }
0xc8: {  	(tm) =	ssettm $0x7FFFFFFF  }
0xc9: {  	_ =	shalt  }
tec
execute0_lowered:
.L_overlay_start_1:
0x0: {  	(tag) =	ssettag $0x1  }
0x1: {  	s0 =	srdreg.scid;
	s1 =	rddreg [dreg:$0x0]  }
0x2: {  	s2 =	stileid.u32;
	s4 =	rddreg [dreg:$0x1]  }
0x3: {  	s20 =	simm.s32 $0x80;
	s21 =	simm.s32 $0x100;
	s0 =	sand.u32 $0x1, s0  }
0x4: {  	s22 =	simm.s32 $0x180;
	s2 =	sshll.u32 s2, $0x8;
	s3 =	sshll.u32 s0, $0x7  }
0x5: {  	s23 =	simm.s32 $0x200;
	s3 =	sor.u32 s3, s2;
	s2 =	simm.s32 $0x0  }
0x6: {  	s24 =	simm.s32 $0x280;
	s8 =	simm.s32 $0x1;
	[smem:$0x7FF] =	sst s2  }
0x7: {  	s25 =	simm.s32 $0x300;
	_ =	strace $0x80000047;
	[dreg:$0xc] =	wrdreg s20  }
0x8: {  	s9 =	simm.s32 $0x2;
	s26 =	simm.s32 $0x380;
	[dreg:$0xd] =	wrdreg s21  }
0x9: {  	s10 =	simm.s32 $0x8400;
	s28 =	simm.s32 $0x4400;
	[dreg:$0xe] =	wrdreg s22  }
0xa: {  	s29 =	simm.s32 $0x4C00;
	s30 =	simm.s32 $0x5400;
	[dreg:$0xf] =	wrdreg s23  }
0xb: {  	s31 =	simm.s32 $0x5C00;
	s0 =	ssub.s32 $0x2, s0;
	[dreg:$0x10] =	wrdreg s24  }
0xc: {  	s5 =	sshll.u32 s3, $0x6;
	s3 =	sshrl.u32 s3, $0x1;
	[dreg:$0x11] =	wrdreg s25  }
0xd: {  	s5 =	sadd.s32 s5, s1;
	s7 =	sadd.s32 s4, s3;
	[dreg:$0x12] =	wrdreg s26  }
0xe: {  	s19 =	sshrl.u32 s0, $0x1;
	s6 =	sadd.s32 $0x2C00, s5;
	[dreg:$0x13] =	wrdreg s7  }
0xf: {  	s0 =	ssub.s32 s0, s19;
	s3 =	sadd.s32 $0x10, s7;
	[dreg:$0x3] =	wrdreg s6  }
0x10: {  	s4 =	sadd.s32 $0x62E00, s1;
	s12 =	sadd.s32 $0x20, s7;
	[dreg:$0x4] =	wrdreg s3  }
0x11: {  	s26 =	simm.s32 $0x3;
	s13 =	sadd.s32 $0x30, s7;
	[dreg:$0x5] =	wrdreg s12  }
0x12: {  	s23 =	simm.s32 $0x2C00;
	s14 =	sadd.s32 $0x3C00, s5;
	[dreg:$0x6] =	wrdreg s13  }
0x13: {  	s24 =	simm.s32 $0x3400;
	s15 =	sadd.s32 $0x8, s7;
	[dreg:$0x7] =	wrdreg s14  }
0x14: {  	s25 =	simm.s32 $0x3C00;
	s16 =	sadd.s32 $0x18, s7;
	[dreg:$0x8] =	wrdreg s15  }
0x15: {  	s17 =	sadd.s32 $0x28, s7;
	s18 =	sadd.s32 $0x38, s7;
	[dreg:$0x9] =	wrdreg s16  }
0x16: {  	s5 =	sadd.s32 $0x62F00, s1;
	s7 =	simm.s32 $0x400;
	[dreg:$0xa] =	wrdreg s17  }
0x17: {  	v2 =	vlaneseq.u32;
	[dreg:$0xb] =	wrdreg s18;
	s6 =	smax.u32 s0, $0x1;
	s12 =	simm.s32 $0xCC00  }
0x18: {  	vm0 =	vmmov $0xffff;
	v1 =	vshrl.u32 v2, $0x3;
	s13 =	simm.s32 $0xD400;
	s14 =	simm.s32 $0xDC00;
	s15 =	simm.s32 $0xE400  }
0x19: {  	v0 =	vand.u32 $0x7, v2;
	v2 =	vor.u32 $0x8, v2;
	v1 =	vmul.u32 $0x8, v1;
	s16 =	simm.s32 $0xEC00;
	s17 =	simm.s32 $0xF400;
	s18 =	simm.s32 $0xFC00  }
.LBB2_1:
0x1a: {  	s19 =	rddreg [dreg:$0x3]  }
0x1b: {  	s0 =	rddreg [dreg:$0x4]  }
0x1c: {  	s20 =	rddreg [dreg:$0xc]  }
0x1d: {  	s21 =	rddreg [dreg:$0x13]  }
0x1e: {  	[tilespmem:s7], [sflag:$0x1] =	stream.linear.gather [hbm4b:s19+s2], $0x8000, $0x38;
	[tilespmem:$0x10400] =	vst v63  }
0x1f: {  	s1 =	rddreg [dreg:$0x5]  }
0x20: {  	[tilespmem:s2], [sflag:$0x2] =	stream.linear.gather [hbm4b:s21+s2], $0x40, $0x38;
	[tilespmem:$0x10400] =	vst v63  }
0x21: {  	s3 =	rddreg [dreg:$0xd]  }
0x22: {  	[tilespmem:s20], [sflag:$0x2] =	stream.linear.gather [hbm4b:s0+s2], $0x40, $0x38;
	[tilespmem:$0x10400] =	vst v63  }
0x23: {  	s11 =	rddreg [dreg:$0x6]  }
0x24: {  	[tilespmem:s3], [sflag:$0x2] =	stream.linear.gather [hbm4b:s1+s2], $0x40, $0x38;
	[tilespmem:$0x10400] =	vst v63  }
0x25: {  	s22 =	rddreg [dreg:$0xe]  }
0x26: {  	[tilespmem:s22], [sflag:$0x2] =	stream.linear.gather [hbm4b:s11+s2], $0x40, $0x38;
	[tilespmem:$0x10400] =	vst v63  }
0x27: {  	_ =	swait.ge [sflag:s8], $0x8000  }
0x28: {  	[sflag:s8] =	ssyncset.done $0x0  }
0x29: {  	[sflag:s8] =	ssyncadd.s32 $0xFFFF8000  }
0x2a: {  	_ =	swait.ge [sflag:s9], $0x40  }
0x2b: {  	[sflag:s9] =	ssyncset.done $0x0  }
0x2c: {  	[sflag:s9] =	ssyncadd.s32 $0xFFFFFFC0  }
0x2d: {  	_ =	swait.ge [sflag:s9], $0x40  }
0x2e: {  	[sflag:s9] =	ssyncset.done $0x0  }
0x2f: {  	[sflag:s9] =	ssyncadd.s32 $0xFFFFFFC0  }
0x30: {  	_ =	swait.ge [sflag:s9], $0x40  }
0x31: {  	[sflag:s9] =	ssyncset.done $0x0  }
0x32: {  	[sflag:s9] =	ssyncadd.s32 $0xFFFFFFC0  }
0x33: {  	_ =	swait.ge [sflag:s9], $0x40  }
0x34: {  	s22 =	rddreg [dreg:$0x7]  }
0x35: {  	s0 =	rddreg [dreg:$0x8]  }
0x36: {  	[sflag:s9] =	ssyncset.done $0x0;
	s1 =	rddreg [dreg:$0xf]  }
0x37: {  	s3 =	rddreg [dreg:$0x9];
	[sflag:s9] =	ssyncadd.s32 $0xFFFFFFC0  }
0x38: {  	[tilespmem:s10], [sflag:$0x1] =	stream.linear.gather [hbm4b:s22+s2], $0x8000, $0x38;
	[tilespmem:$0x10400] =	vst v63  }
0x39: {  	s11 =	rddreg [dreg:$0x10]  }
0x3a: {  	[tilespmem:s1], [sflag:$0x2] =	stream.linear.gather [hbm4b:s0+s2], $0x40, $0x38;
	[tilespmem:$0x10400] =	vst v63  }
0x3b: {  	s0 =	rddreg [dreg:$0xa]  }
0x3c: {  	s1 =	rddreg [dreg:$0x11]  }
0x3d: {  	[tilespmem:s11], [sflag:$0x2] =	stream.linear.gather [hbm4b:s3+s2], $0x40, $0x38;
	[tilespmem:$0x10400] =	vst v63  }
0x3e: {  	s3 =	rddreg [dreg:$0xb]  }
0x3f: {  	[tilespmem:s1], [sflag:$0x2] =	stream.linear.gather [hbm4b:s0+s2], $0x40, $0x38;
	[tilespmem:$0x10400] =	vst v63  }
0x40: {  	s11 =	rddreg [dreg:$0x12]  }
0x41: {  	[tilespmem:s11], [sflag:$0x2] =	stream.linear.gather [hbm4b:s3+s2], $0x40, $0x38;
	[tilespmem:$0x10400] =	vst v63  }
0x42: {  	v3 =	vld [tilespmem:$0x0];
	_ =	sdelay $0x4  }
0x43: {  	v4 =	vshll.u32 v3, $0x2  }
0x44: {  	v3 =	vand.u32 $0x7, v3;
	v4 =	vand.u32 $0xFFFFFFE0, v4  }
0x45: {  	v3 =	vor.u32 v3, v4  }
0x46: {  	v4 =	vperm.xlane v3, v0;
	_ =	sdelay $0x1  }
0x47: {  	v4 =	vadd.s32 v1, v4;
	_ =	sdelay $0x1  }
0x48: {  	v3 =	vperm.xlane v3, v2;
	_ =	sdelay $0x1  }
0x49: {  	v3 =	vadd.s32 v1, v3  }
0x4a: {  	[hbm4b:s4+s2] =	stream.indirect_vreg.scatter [tilespmem:s7], [sflag:$0x3], $0x80, v4, vm0, $0xb8;
	[tilespmem:$0x10400] =	vst v63  }
0x4b: {  	s19 =	simm.s32 $0xC00  }
0x4c: {  	[hbm4b:s5+s2] =	stream.indirect_vreg.scatter [tilespmem:s19], [sflag:$0x3], $0x80, v4, vm0, $0xb8;
	[tilespmem:$0x10400] =	vst v63  }
0x4d: {  	s20 =	simm.s32 $0x1400  }
0x4e: {  	[hbm4b:s4+s2] =	stream.indirect_vreg.scatter [tilespmem:s20], [sflag:$0x3], $0x80, v3, vm0, $0xb8;
	[tilespmem:$0x10400] =	vst v63  }
0x4f: {  	s21 =	simm.s32 $0x1C00  }
0x50: {  	[hbm4b:s5+s2] =	stream.indirect_vreg.scatter [tilespmem:s21], [sflag:$0x3], $0x80, v3, vm0, $0xb8;
	[tilespmem:$0x10400] =	vst v63  }
0x51: {  	v3 =	vld [tilespmem:$0x10];
	_ =	sdelay $0x4  }
0x52: {  	v33 =	vshll.u32 v3, $0x2  }
0x53: {  	v3 =	vand.u32 $0x7, v3;
	v4 =	vand.u32 $0xFFFFFFE0, v33  }
0x54: {  	v3 =	vor.u32 v3, v4  }
0x55: {  	v4 =	vperm.xlane v3, v0;
	_ =	sdelay $0x1  }
0x56: {  	v4 =	vadd.s32 v1, v4;
	_ =	sdelay $0x1  }
0x57: {  	v3 =	vperm.xlane v3, v2;
	_ =	sdelay $0x1  }
0x58: {  	s22 =	simm.s32 $0x2400;
	v3 =	vadd.s32 v1, v3  }
0x59: {  	[hbm4b:s4+s2] =	stream.indirect_vreg.scatter [tilespmem:s22], [sflag:$0x3], $0x80, v4, vm0, $0xb8;
	[tilespmem:$0x10400] =	vst v63  }
0x5a: {  	_ = 	snop  }
0x5b: {  	[hbm4b:s5+s2] =	stream.indirect_vreg.scatter [tilespmem:s23], [sflag:$0x3], $0x80, v4, vm0, $0xb8;
	[tilespmem:$0x10400] =	vst v63  }
0x5c: {  	_ = 	snop  }
0x5d: {  	[hbm4b:s4+s2] =	stream.indirect_vreg.scatter [tilespmem:s24], [sflag:$0x3], $0x80, v3, vm0, $0xb8;
	[tilespmem:$0x10400] =	vst v63  }
0x5e: {  	_ = 	snop  }
0x5f: {  	[hbm4b:s5+s2] =	stream.indirect_vreg.scatter [tilespmem:s25], [sflag:$0x3], $0x80, v3, vm0, $0xb8;
	[tilespmem:$0x10400] =	vst v63  }
0x60: {  	v3 =	vld [tilespmem:$0x20];
	_ =	sdelay $0x4  }
0x61: {  	v34 =	vshll.u32 v3, $0x2  }
0x62: {  	v3 =	vand.u32 $0x7, v3;
	v4 =	vand.u32 $0xFFFFFFE0, v34  }
0x63: {  	v3 =	vor.u32 v3, v4  }
0x64: {  	v4 =	vperm.xlane v3, v0;
	_ =	sdelay $0x1  }
0x65: {  	v4 =	vadd.s32 v1, v4;
	_ =	sdelay $0x1  }
0x66: {  	v3 =	vperm.xlane v3, v2;
	_ =	sdelay $0x1  }
0x67: {  	v3 =	vadd.s32 v1, v3  }
0x68: {  	[hbm4b:s4+s2] =	stream.indirect_vreg.scatter [tilespmem:s28], [sflag:$0x3], $0x80, v4, vm0, $0xb8;
	[tilespmem:$0x10400] =	vst v63  }
0x69: {  	_ = 	snop  }
0x6a: {  	[hbm4b:s5+s2] =	stream.indirect_vreg.scatter [tilespmem:s29], [sflag:$0x3], $0x80, v4, vm0, $0xb8;
	[tilespmem:$0x10400] =	vst v63  }
0x6b: {  	_ = 	snop  }
0x6c: {  	[hbm4b:s4+s2] =	stream.indirect_vreg.scatter [tilespmem:s30], [sflag:$0x3], $0x80, v3, vm0, $0xb8;
	[tilespmem:$0x10400] =	vst v63  }
0x6d: {  	_ = 	snop  }
0x6e: {  	[hbm4b:s5+s2] =	stream.indirect_vreg.scatter [tilespmem:s31], [sflag:$0x3], $0x80, v3, vm0, $0xb8;
	[tilespmem:$0x10400] =	vst v63  }
0x6f: {  	v3 =	vld [tilespmem:$0x30];
	_ =	sdelay $0x4  }
0x70: {  	v35 =	vshll.u32 v3, $0x2  }
0x71: {  	v3 =	vand.u32 $0x7, v3;
	v4 =	vand.u32 $0xFFFFFFE0, v35  }
0x72: {  	v3 =	vor.u32 v3, v4  }
0x73: {  	v4 =	vperm.xlane v3, v0;
	_ =	sdelay $0x1  }
0x74: {  	v4 =	vadd.s32 v1, v4;
	_ =	sdelay $0x1  }
0x75: {  	v3 =	vperm.xlane v3, v2;
	_ =	sdelay $0x1  }
0x76: {  	s1 =	simm.s32 $0x6400;
	v3 =	vadd.s32 v1, v3  }
0x77: {  	[hbm4b:s4+s2] =	stream.indirect_vreg.scatter [tilespmem:s1], [sflag:$0x3], $0x80, v4, vm0, $0xb8;
	[tilespmem:$0x10400] =	vst v63  }
0x78: {  	s0 =	simm.s32 $0x6C00  }
0x79: {  	[hbm4b:s5+s2] =	stream.indirect_vreg.scatter [tilespmem:s0], [sflag:$0x3], $0x80, v4, vm0, $0xb8;
	[tilespmem:$0x10400] =	vst v63  }
0x7a: {  	s3 =	simm.s32 $0x7400  }
0x7b: {  	[hbm4b:s4+s2] =	stream.indirect_vreg.scatter [tilespmem:s3], [sflag:$0x3], $0x80, v3, vm0, $0xb8;
	[tilespmem:$0x10400] =	vst v63  }
0x7c: {  	s11 =	simm.s32 $0x7C00  }
0x7d: {  	[hbm4b:s5+s2] =	stream.indirect_vreg.scatter [tilespmem:s11], [sflag:$0x3], $0x80, v3, vm0, $0xb8;
	[tilespmem:$0x10400] =	vst v63  }
0x7e: {  	v3 =	vld [tilespmem:$0x80];
	_ =	sdelay $0x4  }
0x7f: {  	v36 =	vshll.u32 v3, $0x2  }
0x80: {  	v3 =	vand.u32 $0x7, v3;
	v4 =	vand.u32 $0xFFFFFFE0, v36  }
0x81: {  	v3 =	vor.u32 v3, v4  }
0x82: {  	v4 =	vperm.xlane v3, v0;
	_ =	sdelay $0x1  }
0x83: {  	v4 =	vadd.s32 v1, v4;
	_ =	sdelay $0x1  }
0x84: {  	v3 =	vperm.xlane v3, v2;
	_ =	sdelay $0x1  }
0x85: {  	v3 =	vadd.s32 v1, v3  }
0x86: {  	[hbm4b:s4+s2] =	stream.indirect_vreg.scatter [tilespmem:s7], [sflag:$0x3], $0x80, v4, vm0, $0xb8;
	[tilespmem:$0x10400] =	vst v63  }
0x87: {  	_ = 	snop  }
0x88: {  	[hbm4b:s5+s2] =	stream.indirect_vreg.scatter [tilespmem:s19], [sflag:$0x3], $0x80, v4, vm0, $0xb8;
	[tilespmem:$0x10400] =	vst v63  }
0x89: {  	_ = 	snop  }
0x8a: {  	[hbm4b:s4+s2] =	stream.indirect_vreg.scatter [tilespmem:s20], [sflag:$0x3], $0x80, v3, vm0, $0xb8;
	[tilespmem:$0x10400] =	vst v63  }
0x8b: {  	_ = 	snop  }
0x8c: {  	[hbm4b:s5+s2] =	stream.indirect_vreg.scatter [tilespmem:s21], [sflag:$0x3], $0x80, v3, vm0, $0xb8;
	[tilespmem:$0x10400] =	vst v63  }
0x8d: {  	v3 =	vld [tilespmem:$0x90];
	_ =	sdelay $0x4  }
0x8e: {  	v37 =	vshll.u32 v3, $0x2  }
0x8f: {  	v3 =	vand.u32 $0x7, v3;
	v4 =	vand.u32 $0xFFFFFFE0, v37  }
0x90: {  	v3 =	vor.u32 v3, v4  }
0x91: {  	v4 =	vperm.xlane v3, v0;
	_ =	sdelay $0x1  }
0x92: {  	v4 =	vadd.s32 v1, v4;
	_ =	sdelay $0x1  }
0x93: {  	v3 =	vperm.xlane v3, v2;
	_ =	sdelay $0x1  }
0x94: {  	v3 =	vadd.s32 v1, v3  }
0x95: {  	[hbm4b:s4+s2] =	stream.indirect_vreg.scatter [tilespmem:s22], [sflag:$0x3], $0x80, v4, vm0, $0xb8;
	[tilespmem:$0x10400] =	vst v63  }
0x96: {  	_ = 	snop  }
0x97: {  	[hbm4b:s5+s2] =	stream.indirect_vreg.scatter [tilespmem:s23], [sflag:$0x3], $0x80, v4, vm0, $0xb8;
	[tilespmem:$0x10400] =	vst v63  }
0x98: {  	_ = 	snop  }
0x99: {  	[hbm4b:s4+s2] =	stream.indirect_vreg.scatter [tilespmem:s24], [sflag:$0x3], $0x80, v3, vm0, $0xb8;
	[tilespmem:$0x10400] =	vst v63  }
0x9a: {  	_ = 	snop  }
0x9b: {  	[hbm4b:s5+s2] =	stream.indirect_vreg.scatter [tilespmem:s25], [sflag:$0x3], $0x80, v3, vm0, $0xb8;
	[tilespmem:$0x10400] =	vst v63  }
0x9c: {  	v3 =	vld [tilespmem:$0xA0];
	_ =	sdelay $0x4  }
0x9d: {  	v38 =	vshll.u32 v3, $0x2  }
0x9e: {  	v3 =	vand.u32 $0x7, v3;
	v4 =	vand.u32 $0xFFFFFFE0, v38  }
0x9f: {  	v3 =	vor.u32 v3, v4  }
0xa0: {  	v4 =	vperm.xlane v3, v0;
	_ =	sdelay $0x1  }
0xa1: {  	v4 =	vadd.s32 v1, v4;
	_ =	sdelay $0x1  }
0xa2: {  	v3 =	vperm.xlane v3, v2;
	_ =	sdelay $0x1  }
0xa3: {  	v3 =	vadd.s32 v1, v3  }
0xa4: {  	[hbm4b:s4+s2] =	stream.indirect_vreg.scatter [tilespmem:s28], [sflag:$0x3], $0x80, v4, vm0, $0xb8;
	[tilespmem:$0x10400] =	vst v63  }
0xa5: {  	_ = 	snop  }
0xa6: {  	[hbm4b:s5+s2] =	stream.indirect_vreg.scatter [tilespmem:s29], [sflag:$0x3], $0x80, v4, vm0, $0xb8;
	[tilespmem:$0x10400] =	vst v63  }
0xa7: {  	_ = 	snop  }
0xa8: {  	[hbm4b:s4+s2] =	stream.indirect_vreg.scatter [tilespmem:s30], [sflag:$0x3], $0x80, v3, vm0, $0xb8;
	[tilespmem:$0x10400] =	vst v63  }
0xa9: {  	_ = 	snop  }
0xaa: {  	[hbm4b:s5+s2] =	stream.indirect_vreg.scatter [tilespmem:s31], [sflag:$0x3], $0x80, v3, vm0, $0xb8;
	[tilespmem:$0x10400] =	vst v63  }
0xab: {  	v3 =	vld [tilespmem:$0xB0];
	_ =	sdelay $0x4  }
0xac: {  	v39 =	vshll.u32 v3, $0x2  }
0xad: {  	v3 =	vand.u32 $0x7, v3;
	v4 =	vand.u32 $0xFFFFFFE0, v39  }
0xae: {  	v3 =	vor.u32 v3, v4  }
0xaf: {  	v4 =	vperm.xlane v3, v0;
	_ =	sdelay $0x1  }
0xb0: {  	v4 =	vadd.s32 v1, v4;
	_ =	sdelay $0x1  }
0xb1: {  	v3 =	vperm.xlane v3, v2;
	_ =	sdelay $0x1  }
0xb2: {  	v3 =	vadd.s32 v1, v3  }
0xb3: {  	[hbm4b:s4+s2] =	stream.indirect_vreg.scatter [tilespmem:s1], [sflag:$0x3], $0x80, v4, vm0, $0xb8;
	[tilespmem:$0x10400] =	vst v63  }
0xb4: {  	_ = 	snop  }
0xb5: {  	[hbm4b:s5+s2] =	stream.indirect_vreg.scatter [tilespmem:s0], [sflag:$0x3], $0x80, v4, vm0, $0xb8;
	[tilespmem:$0x10400] =	vst v63  }
0xb6: {  	_ = 	snop  }
0xb7: {  	[hbm4b:s4+s2] =	stream.indirect_vreg.scatter [tilespmem:s3], [sflag:$0x3], $0x80, v3, vm0, $0xb8;
	[tilespmem:$0x10400] =	vst v63  }
0xb8: {  	_ = 	snop  }
0xb9: {  	[hbm4b:s5+s2] =	stream.indirect_vreg.scatter [tilespmem:s11], [sflag:$0x3], $0x80, v3, vm0, $0xb8;
	[tilespmem:$0x10400] =	vst v63  }
0xba: {  	v3 =	vld [tilespmem:$0x100];
	_ =	sdelay $0x4  }
0xbb: {  	v40 =	vshll.u32 v3, $0x2  }
0xbc: {  	v3 =	vand.u32 $0x7, v3;
	v4 =	vand.u32 $0xFFFFFFE0, v40  }
0xbd: {  	v3 =	vor.u32 v3, v4  }
0xbe: {  	v4 =	vperm.xlane v3, v0;
	_ =	sdelay $0x1  }
0xbf: {  	v4 =	vadd.s32 v1, v4;
	_ =	sdelay $0x1  }
0xc0: {  	v3 =	vperm.xlane v3, v2;
	_ =	sdelay $0x1  }
0xc1: {  	v3 =	vadd.s32 v1, v3  }
0xc2: {  	[hbm4b:s4+s2] =	stream.indirect_vreg.scatter [tilespmem:s7], [sflag:$0x3], $0x80, v4, vm0, $0xb8;
	[tilespmem:$0x10400] =	vst v63  }
0xc3: {  	_ = 	snop  }
0xc4: {  	[hbm4b:s5+s2] =	stream.indirect_vreg.scatter [tilespmem:s19], [sflag:$0x3], $0x80, v4, vm0, $0xb8;
	[tilespmem:$0x10400] =	vst v63  }
0xc5: {  	_ = 	snop  }
0xc6: {  	[hbm4b:s4+s2] =	stream.indirect_vreg.scatter [tilespmem:s20], [sflag:$0x3], $0x80, v3, vm0, $0xb8;
	[tilespmem:$0x10400] =	vst v63  }
0xc7: {  	_ = 	snop  }
0xc8: {  	[hbm4b:s5+s2] =	stream.indirect_vreg.scatter [tilespmem:s21], [sflag:$0x3], $0x80, v3, vm0, $0xb8;
	[tilespmem:$0x10400] =	vst v63  }
0xc9: {  	v3 =	vld [tilespmem:$0x110];
	_ =	sdelay $0x4  }
0xca: {  	v41 =	vshll.u32 v3, $0x2  }
0xcb: {  	v3 =	vand.u32 $0x7, v3;
	v4 =	vand.u32 $0xFFFFFFE0, v41  }
0xcc: {  	v3 =	vor.u32 v3, v4  }
0xcd: {  	v4 =	vperm.xlane v3, v0;
	_ =	sdelay $0x1  }
0xce: {  	v4 =	vadd.s32 v1, v4;
	_ =	sdelay $0x1  }
0xcf: {  	v3 =	vperm.xlane v3, v2;
	_ =	sdelay $0x1  }
0xd0: {  	v3 =	vadd.s32 v1, v3  }
0xd1: {  	[hbm4b:s4+s2] =	stream.indirect_vreg.scatter [tilespmem:s22], [sflag:$0x3], $0x80, v4, vm0, $0xb8;
	[tilespmem:$0x10400] =	vst v63  }
0xd2: {  	_ = 	snop  }
0xd3: {  	[hbm4b:s5+s2] =	stream.indirect_vreg.scatter [tilespmem:s23], [sflag:$0x3], $0x80, v4, vm0, $0xb8;
	[tilespmem:$0x10400] =	vst v63  }
0xd4: {  	_ = 	snop  }
0xd5: {  	[hbm4b:s4+s2] =	stream.indirect_vreg.scatter [tilespmem:s24], [sflag:$0x3], $0x80, v3, vm0, $0xb8;
	[tilespmem:$0x10400] =	vst v63  }
0xd6: {  	_ = 	snop  }
0xd7: {  	[hbm4b:s5+s2] =	stream.indirect_vreg.scatter [tilespmem:s25], [sflag:$0x3], $0x80, v3, vm0, $0xb8;
	[tilespmem:$0x10400] =	vst v63  }
0xd8: {  	v3 =	vld [tilespmem:$0x120];
	_ =	sdelay $0x4  }
0xd9: {  	v42 =	vshll.u32 v3, $0x2  }
0xda: {  	v3 =	vand.u32 $0x7, v3;
	v4 =	vand.u32 $0xFFFFFFE0, v42  }
0xdb: {  	v3 =	vor.u32 v3, v4  }
0xdc: {  	v4 =	vperm.xlane v3, v0;
	_ =	sdelay $0x1  }
0xdd: {  	v4 =	vadd.s32 v1, v4;
	_ =	sdelay $0x1  }
0xde: {  	v3 =	vperm.xlane v3, v2;
	_ =	sdelay $0x1  }
0xdf: {  	v3 =	vadd.s32 v1, v3  }
0xe0: {  	[hbm4b:s4+s2] =	stream.indirect_vreg.scatter [tilespmem:s28], [sflag:$0x3], $0x80, v4, vm0, $0xb8;
	[tilespmem:$0x10400] =	vst v63  }
0xe1: {  	_ = 	snop  }
0xe2: {  	[hbm4b:s5+s2] =	stream.indirect_vreg.scatter [tilespmem:s29], [sflag:$0x3], $0x80, v4, vm0, $0xb8;
	[tilespmem:$0x10400] =	vst v63  }
0xe3: {  	_ = 	snop  }
0xe4: {  	[hbm4b:s4+s2] =	stream.indirect_vreg.scatter [tilespmem:s30], [sflag:$0x3], $0x80, v3, vm0, $0xb8;
	[tilespmem:$0x10400] =	vst v63  }
0xe5: {  	_ = 	snop  }
0xe6: {  	[hbm4b:s5+s2] =	stream.indirect_vreg.scatter [tilespmem:s31], [sflag:$0x3], $0x80, v3, vm0, $0xb8;
	[tilespmem:$0x10400] =	vst v63  }
0xe7: {  	v3 =	vld [tilespmem:$0x130];
	_ =	sdelay $0x4  }
0xe8: {  	v43 =	vshll.u32 v3, $0x2  }
0xe9: {  	v3 =	vand.u32 $0x7, v3;
	v4 =	vand.u32 $0xFFFFFFE0, v43  }
0xea: {  	v3 =	vor.u32 v3, v4  }
0xeb: {  	v4 =	vperm.xlane v3, v0;
	_ =	sdelay $0x1  }
0xec: {  	v4 =	vadd.s32 v1, v4;
	_ =	sdelay $0x1  }
0xed: {  	v3 =	vperm.xlane v3, v2;
	_ =	sdelay $0x1  }
0xee: {  	v3 =	vadd.s32 v1, v3  }
0xef: {  	[hbm4b:s4+s2] =	stream.indirect_vreg.scatter [tilespmem:s1], [sflag:$0x3], $0x80, v4, vm0, $0xb8;
	[tilespmem:$0x10400] =	vst v63  }
0xf0: {  	_ = 	snop  }
0xf1: {  	[hbm4b:s5+s2] =	stream.indirect_vreg.scatter [tilespmem:s0], [sflag:$0x3], $0x80, v4, vm0, $0xb8;
	[tilespmem:$0x10400] =	vst v63  }
0xf2: {  	_ = 	snop  }
0xf3: {  	[hbm4b:s4+s2] =	stream.indirect_vreg.scatter [tilespmem:s3], [sflag:$0x3], $0x80, v3, vm0, $0xb8;
	[tilespmem:$0x10400] =	vst v63  }
0xf4: {  	_ = 	snop  }
0xf5: {  	[hbm4b:s5+s2] =	stream.indirect_vreg.scatter [tilespmem:s11], [sflag:$0x3], $0x80, v3, vm0, $0xb8;
	[tilespmem:$0x10400] =	vst v63  }
0xf6: {  	v3 =	vld [tilespmem:$0x180];
	_ =	sdelay $0x4  }
0xf7: {  	v44 =	vshll.u32 v3, $0x2  }
0xf8: {  	v3 =	vand.u32 $0x7, v3;
	v4 =	vand.u32 $0xFFFFFFE0, v44  }
0xf9: {  	v3 =	vor.u32 v3, v4  }
0xfa: {  	v4 =	vperm.xlane v3, v0;
	_ =	sdelay $0x1  }
0xfb: {  	v4 =	vadd.s32 v1, v4;
	_ =	sdelay $0x1  }
0xfc: {  	v3 =	vperm.xlane v3, v2;
	_ =	sdelay $0x1  }
0xfd: {  	v3 =	vadd.s32 v1, v3  }
0xfe: {  	[hbm4b:s4+s2] =	stream.indirect_vreg.scatter [tilespmem:s7], [sflag:$0x3], $0x80, v4, vm0, $0xb8;
	[tilespmem:$0x10400] =	vst v63  }
0xff: {  	_ = 	snop  }
0x100: {  	[hbm4b:s5+s2] =	stream.indirect_vreg.scatter [tilespmem:s19], [sflag:$0x3], $0x80, v4, vm0, $0xb8;
	[tilespmem:$0x10400] =	vst v63  }
0x101: {  	_ = 	snop  }
0x102: {  	[hbm4b:s4+s2] =	stream.indirect_vreg.scatter [tilespmem:s20], [sflag:$0x3], $0x80, v3, vm0, $0xb8;
	[tilespmem:$0x10400] =	vst v63  }
0x103: {  	_ = 	snop  }
0x104: {  	[hbm4b:s5+s2] =	stream.indirect_vreg.scatter [tilespmem:s21], [sflag:$0x3], $0x80, v3, vm0, $0xb8;
	[tilespmem:$0x10400] =	vst v63  }
0x105: {  	v3 =	vld [tilespmem:$0x190];
	_ =	sdelay $0x4  }
0x106: {  	v45 =	vshll.u32 v3, $0x2  }
0x107: {  	v3 =	vand.u32 $0x7, v3;
	v4 =	vand.u32 $0xFFFFFFE0, v45  }
0x108: {  	v3 =	vor.u32 v3, v4  }
0x109: {  	v4 =	vperm.xlane v3, v0;
	_ =	sdelay $0x1  }
0x10a: {  	v4 =	vadd.s32 v1, v4;
	_ =	sdelay $0x1  }
0x10b: {  	v3 =	vperm.xlane v3, v2;
	_ =	sdelay $0x1  }
0x10c: {  	v3 =	vadd.s32 v1, v3  }
0x10d: {  	[hbm4b:s4+s2] =	stream.indirect_vreg.scatter [tilespmem:s22], [sflag:$0x3], $0x80, v4, vm0, $0xb8;
	[tilespmem:$0x10400] =	vst v63  }
0x10e: {  	_ = 	snop  }
0x10f: {  	[hbm4b:s5+s2] =	stream.indirect_vreg.scatter [tilespmem:s23], [sflag:$0x3], $0x80, v4, vm0, $0xb8;
	[tilespmem:$0x10400] =	vst v63  }
0x110: {  	_ = 	snop  }
0x111: {  	[hbm4b:s4+s2] =	stream.indirect_vreg.scatter [tilespmem:s24], [sflag:$0x3], $0x80, v3, vm0, $0xb8;
	[tilespmem:$0x10400] =	vst v63  }
0x112: {  	_ = 	snop  }
0x113: {  	[hbm4b:s5+s2] =	stream.indirect_vreg.scatter [tilespmem:s25], [sflag:$0x3], $0x80, v3, vm0, $0xb8;
	[tilespmem:$0x10400] =	vst v63  }
0x114: {  	v3 =	vld [tilespmem:$0x1A0];
	_ =	sdelay $0x4  }
0x115: {  	v46 =	vshll.u32 v3, $0x2  }
0x116: {  	v3 =	vand.u32 $0x7, v3;
	v4 =	vand.u32 $0xFFFFFFE0, v46  }
0x117: {  	v3 =	vor.u32 v3, v4  }
0x118: {  	v4 =	vperm.xlane v3, v0;
	_ =	sdelay $0x1  }
0x119: {  	v4 =	vadd.s32 v1, v4;
	_ =	sdelay $0x1  }
0x11a: {  	v3 =	vperm.xlane v3, v2;
	_ =	sdelay $0x1  }
0x11b: {  	v3 =	vadd.s32 v1, v3  }
0x11c: {  	[hbm4b:s4+s2] =	stream.indirect_vreg.scatter [tilespmem:s28], [sflag:$0x3], $0x80, v4, vm0, $0xb8;
	[tilespmem:$0x10400] =	vst v63  }
0x11d: {  	_ = 	snop  }
0x11e: {  	[hbm4b:s5+s2] =	stream.indirect_vreg.scatter [tilespmem:s29], [sflag:$0x3], $0x80, v4, vm0, $0xb8;
	[tilespmem:$0x10400] =	vst v63  }
0x11f: {  	_ = 	snop  }
0x120: {  	[hbm4b:s4+s2] =	stream.indirect_vreg.scatter [tilespmem:s30], [sflag:$0x3], $0x80, v3, vm0, $0xb8;
	[tilespmem:$0x10400] =	vst v63  }
0x121: {  	_ = 	snop  }
0x122: {  	[hbm4b:s5+s2] =	stream.indirect_vreg.scatter [tilespmem:s31], [sflag:$0x3], $0x80, v3, vm0, $0xb8;
	[tilespmem:$0x10400] =	vst v63  }
0x123: {  	v3 =	vld [tilespmem:$0x1B0];
	_ =	sdelay $0x4  }
0x124: {  	v47 =	vshll.u32 v3, $0x2  }
0x125: {  	v3 =	vand.u32 $0x7, v3;
	v4 =	vand.u32 $0xFFFFFFE0, v47  }
0x126: {  	v3 =	vor.u32 v3, v4  }
0x127: {  	v4 =	vperm.xlane v3, v0;
	_ =	sdelay $0x1  }
0x128: {  	v4 =	vadd.s32 v1, v4;
	_ =	sdelay $0x1  }
0x129: {  	v3 =	vperm.xlane v3, v2;
	_ =	sdelay $0x1  }
0x12a: {  	v3 =	vadd.s32 v1, v3  }
0x12b: {  	[hbm4b:s4+s2] =	stream.indirect_vreg.scatter [tilespmem:s1], [sflag:$0x3], $0x80, v4, vm0, $0xb8;
	[tilespmem:$0x10400] =	vst v63  }
0x12c: {  	_ = 	snop  }
0x12d: {  	[hbm4b:s5+s2] =	stream.indirect_vreg.scatter [tilespmem:s0], [sflag:$0x3], $0x80, v4, vm0, $0xb8;
	[tilespmem:$0x10400] =	vst v63  }
0x12e: {  	_ = 	snop  }
0x12f: {  	[hbm4b:s4+s2] =	stream.indirect_vreg.scatter [tilespmem:s3], [sflag:$0x3], $0x80, v3, vm0, $0xb8;
	[tilespmem:$0x10400] =	vst v63  }
0x130: {  	_ = 	snop  }
0x131: {  	[hbm4b:s5+s2] =	stream.indirect_vreg.scatter [tilespmem:s11], [sflag:$0x3], $0x80, v3, vm0, $0xb8;
	[tilespmem:$0x10400] =	vst v63  }
0x132: {  	_ =	swait.ge [sflag:s8], $0x8000  }
0x133: {  	[sflag:s8] =	ssyncset.done $0x0  }
0x134: {  	[sflag:s8] =	ssyncadd.s32 $0xFFFF8000  }
0x135: {  	_ =	swait.ge [sflag:s9], $0x40  }
0x136: {  	[sflag:s9] =	ssyncset.done $0x0  }
0x137: {  	[sflag:s9] =	ssyncadd.s32 $0xFFFFFFC0  }
0x138: {  	_ =	swait.ge [sflag:s9], $0x40  }
0x139: {  	[sflag:s9] =	ssyncset.done $0x0  }
0x13a: {  	[sflag:s9] =	ssyncadd.s32 $0xFFFFFFC0  }
0x13b: {  	_ =	swait.ge [sflag:s9], $0x40  }
0x13c: {  	[sflag:s9] =	ssyncset.done $0x0  }
0x13d: {  	[sflag:s9] =	ssyncadd.s32 $0xFFFFFFC0  }
0x13e: {  	_ =	swait.ge [sflag:s9], $0x40  }
0x13f: {  	[sflag:s9] =	ssyncset.done $0x0  }
0x140: {  	[sflag:s9] =	ssyncadd.s32 $0xFFFFFFC0  }
0x141: {  	_ =	swait.ge [sflag:s26], $0x8000  }
0x142: {  	[sflag:s26] =	ssyncset.done $0x0  }
0x143: {  	[sflag:s26] =	ssyncadd.s32 $0xFFFF8000  }
0x144: {  	_ =	swait.ge [sflag:s26], $0x8000  }
0x145: {  	[sflag:s26] =	ssyncset.done $0x0  }
0x146: {  	[sflag:s26] =	ssyncadd.s32 $0xFFFF8000  }
0x147: {  	_ =	swait.ge [sflag:s26], $0x8000  }
0x148: {  	[sflag:s26] =	ssyncset.done $0x0  }
0x149: {  	[sflag:s26] =	ssyncadd.s32 $0xFFFF8000  }
0x14a: {  	_ =	swait.ge [sflag:s26], $0x8000  }
0x14b: {  	[sflag:s26] =	ssyncset.done $0x0  }
0x14c: {  	[sflag:s26] =	ssyncadd.s32 $0xFFFF8000  }
0x14d: {  	v3 =	vld [tilespmem:$0x200];
	_ =	sdelay $0x4  }
0x14e: {  	v48 =	vshll.u32 v3, $0x2  }
0x14f: {  	v3 =	vand.u32 $0x7, v3;
	v4 =	vand.u32 $0xFFFFFFE0, v48  }
0x150: {  	v3 =	vor.u32 v3, v4  }
0x151: {  	v4 =	vperm.xlane v3, v0;
	_ =	sdelay $0x1  }
0x152: {  	v4 =	vadd.s32 v1, v4;
	_ =	sdelay $0x1  }
0x153: {  	v3 =	vperm.xlane v3, v2;
	_ =	sdelay $0x1  }
0x154: {  	v3 =	vadd.s32 v1, v3  }
0x155: {  	[hbm4b:s4+s2] =	stream.indirect_vreg.scatter [tilespmem:s10], [sflag:$0x3], $0x80, v4, vm0, $0xb8;
	[tilespmem:$0x10400] =	vst v63  }
0x156: {  	s0 =	simm.s32 $0x8C00  }
0x157: {  	[hbm4b:s5+s2] =	stream.indirect_vreg.scatter [tilespmem:s0], [sflag:$0x3], $0x80, v4, vm0, $0xb8;
	[tilespmem:$0x10400] =	vst v63  }
0x158: {  	s1 =	simm.s32 $0x9400  }
0x159: {  	[hbm4b:s4+s2] =	stream.indirect_vreg.scatter [tilespmem:s1], [sflag:$0x3], $0x80, v3, vm0, $0xb8;
	[tilespmem:$0x10400] =	vst v63  }
0x15a: {  	s3 =	simm.s32 $0x9C00  }
0x15b: {  	[hbm4b:s5+s2] =	stream.indirect_vreg.scatter [tilespmem:s3], [sflag:$0x3], $0x80, v3, vm0, $0xb8;
	[tilespmem:$0x10400] =	vst v63  }
0x15c: {  	v3 =	vld [tilespmem:$0x210];
	_ =	sdelay $0x4  }
0x15d: {  	v49 =	vshll.u32 v3, $0x2  }
0x15e: {  	v3 =	vand.u32 $0x7, v3;
	v4 =	vand.u32 $0xFFFFFFE0, v49  }
0x15f: {  	v3 =	vor.u32 v3, v4  }
0x160: {  	v4 =	vperm.xlane v3, v0;
	_ =	sdelay $0x1  }
0x161: {  	v4 =	vadd.s32 v1, v4;
	_ =	sdelay $0x1  }
0x162: {  	v3 =	vperm.xlane v3, v2;
	_ =	sdelay $0x1  }
0x163: {  	s11 =	simm.s32 $0xA400;
	v3 =	vadd.s32 v1, v3  }
0x164: {  	[hbm4b:s4+s2] =	stream.indirect_vreg.scatter [tilespmem:s11], [sflag:$0x3], $0x80, v4, vm0, $0xb8;
	[tilespmem:$0x10400] =	vst v63  }
0x165: {  	s19 =	simm.s32 $0xAC00  }
0x166: {  	[hbm4b:s5+s2] =	stream.indirect_vreg.scatter [tilespmem:s19], [sflag:$0x3], $0x80, v4, vm0, $0xb8;
	[tilespmem:$0x10400] =	vst v63  }
0x167: {  	s20 =	simm.s32 $0xB400  }
0x168: {  	[hbm4b:s4+s2] =	stream.indirect_vreg.scatter [tilespmem:s20], [sflag:$0x3], $0x80, v3, vm0, $0xb8;
	[tilespmem:$0x10400] =	vst v63  }
0x169: {  	s21 =	simm.s32 $0xBC00  }
0x16a: {  	[hbm4b:s5+s2] =	stream.indirect_vreg.scatter [tilespmem:s21], [sflag:$0x3], $0x80, v3, vm0, $0xb8;
	[tilespmem:$0x10400] =	vst v63  }
0x16b: {  	v3 =	vld [tilespmem:$0x220];
	_ =	sdelay $0x4  }
0x16c: {  	v50 =	vshll.u32 v3, $0x2  }
0x16d: {  	v3 =	vand.u32 $0x7, v3;
	v4 =	vand.u32 $0xFFFFFFE0, v50  }
0x16e: {  	v3 =	vor.u32 v3, v4  }
0x16f: {  	v4 =	vperm.xlane v3, v0;
	_ =	sdelay $0x1  }
0x170: {  	v4 =	vadd.s32 v1, v4;
	_ =	sdelay $0x1  }
0x171: {  	v3 =	vperm.xlane v3, v2;
	_ =	sdelay $0x1  }
0x172: {  	s22 =	simm.s32 $0xC400;
	v3 =	vadd.s32 v1, v3  }
0x173: {  	[hbm4b:s4+s2] =	stream.indirect_vreg.scatter [tilespmem:s22], [sflag:$0x3], $0x80, v4, vm0, $0xb8;
	[tilespmem:$0x10400] =	vst v63  }
0x174: {  	_ = 	snop  }
0x175: {  	[hbm4b:s5+s2] =	stream.indirect_vreg.scatter [tilespmem:s12], [sflag:$0x3], $0x80, v4, vm0, $0xb8;
	[tilespmem:$0x10400] =	vst v63  }
0x176: {  	_ = 	snop  }
0x177: {  	[hbm4b:s4+s2] =	stream.indirect_vreg.scatter [tilespmem:s13], [sflag:$0x3], $0x80, v3, vm0, $0xb8;
	[tilespmem:$0x10400] =	vst v63  }
0x178: {  	_ = 	snop  }
0x179: {  	[hbm4b:s5+s2] =	stream.indirect_vreg.scatter [tilespmem:s14], [sflag:$0x3], $0x80, v3, vm0, $0xb8;
	[tilespmem:$0x10400] =	vst v63  }
0x17a: {  	v3 =	vld [tilespmem:$0x230];
	_ =	sdelay $0x4  }
0x17b: {  	v51 =	vshll.u32 v3, $0x2  }
0x17c: {  	v3 =	vand.u32 $0x7, v3;
	v4 =	vand.u32 $0xFFFFFFE0, v51  }
0x17d: {  	v3 =	vor.u32 v3, v4  }
0x17e: {  	v4 =	vperm.xlane v3, v0;
	_ =	sdelay $0x1  }
0x17f: {  	v4 =	vadd.s32 v1, v4;
	_ =	sdelay $0x1  }
0x180: {  	v3 =	vperm.xlane v3, v2;
	_ =	sdelay $0x1  }
0x181: {  	v3 =	vadd.s32 v1, v3  }
0x182: {  	[hbm4b:s4+s2] =	stream.indirect_vreg.scatter [tilespmem:s15], [sflag:$0x3], $0x80, v4, vm0, $0xb8;
	[tilespmem:$0x10400] =	vst v63  }
0x183: {  	_ = 	snop  }
0x184: {  	[hbm4b:s5+s2] =	stream.indirect_vreg.scatter [tilespmem:s16], [sflag:$0x3], $0x80, v4, vm0, $0xb8;
	[tilespmem:$0x10400] =	vst v63  }
0x185: {  	_ = 	snop  }
0x186: {  	[hbm4b:s4+s2] =	stream.indirect_vreg.scatter [tilespmem:s17], [sflag:$0x3], $0x80, v3, vm0, $0xb8;
	[tilespmem:$0x10400] =	vst v63  }
0x187: {  	_ = 	snop  }
0x188: {  	[hbm4b:s5+s2] =	stream.indirect_vreg.scatter [tilespmem:s18], [sflag:$0x3], $0x80, v3, vm0, $0xb8;
	[tilespmem:$0x10400] =	vst v63  }
0x189: {  	v3 =	vld [tilespmem:$0x280];
	_ =	sdelay $0x4  }
0x18a: {  	v52 =	vshll.u32 v3, $0x2  }
0x18b: {  	v3 =	vand.u32 $0x7, v3;
	v4 =	vand.u32 $0xFFFFFFE0, v52  }
0x18c: {  	v3 =	vor.u32 v3, v4  }
0x18d: {  	v4 =	vperm.xlane v3, v0;
	_ =	sdelay $0x1  }
0x18e: {  	v4 =	vadd.s32 v1, v4;
	_ =	sdelay $0x1  }
0x18f: {  	v3 =	vperm.xlane v3, v2;
	_ =	sdelay $0x1  }
0x190: {  	v3 =	vadd.s32 v1, v3  }
0x191: {  	[hbm4b:s4+s2] =	stream.indirect_vreg.scatter [tilespmem:s10], [sflag:$0x3], $0x80, v4, vm0, $0xb8;
	[tilespmem:$0x10400] =	vst v63  }
0x192: {  	_ = 	snop  }
0x193: {  	[hbm4b:s5+s2] =	stream.indirect_vreg.scatter [tilespmem:s0], [sflag:$0x3], $0x80, v4, vm0, $0xb8;
	[tilespmem:$0x10400] =	vst v63  }
0x194: {  	_ = 	snop  }
0x195: {  	[hbm4b:s4+s2] =	stream.indirect_vreg.scatter [tilespmem:s1], [sflag:$0x3], $0x80, v3, vm0, $0xb8;
	[tilespmem:$0x10400] =	vst v63  }
0x196: {  	_ = 	snop  }
0x197: {  	[hbm4b:s5+s2] =	stream.indirect_vreg.scatter [tilespmem:s3], [sflag:$0x3], $0x80, v3, vm0, $0xb8;
	[tilespmem:$0x10400] =	vst v63  }
0x198: {  	v3 =	vld [tilespmem:$0x290];
	_ =	sdelay $0x4  }
0x199: {  	v53 =	vshll.u32 v3, $0x2  }
0x19a: {  	v3 =	vand.u32 $0x7, v3;
	v4 =	vand.u32 $0xFFFFFFE0, v53  }
0x19b: {  	v3 =	vor.u32 v3, v4  }
0x19c: {  	v4 =	vperm.xlane v3, v0;
	_ =	sdelay $0x1  }
0x19d: {  	v4 =	vadd.s32 v1, v4;
	_ =	sdelay $0x1  }
0x19e: {  	v3 =	vperm.xlane v3, v2;
	_ =	sdelay $0x1  }
0x19f: {  	v3 =	vadd.s32 v1, v3  }
0x1a0: {  	[hbm4b:s4+s2] =	stream.indirect_vreg.scatter [tilespmem:s11], [sflag:$0x3], $0x80, v4, vm0, $0xb8;
	[tilespmem:$0x10400] =	vst v63  }
0x1a1: {  	_ = 	snop  }
0x1a2: {  	[hbm4b:s5+s2] =	stream.indirect_vreg.scatter [tilespmem:s19], [sflag:$0x3], $0x80, v4, vm0, $0xb8;
	[tilespmem:$0x10400] =	vst v63  }
0x1a3: {  	_ = 	snop  }
0x1a4: {  	[hbm4b:s4+s2] =	stream.indirect_vreg.scatter [tilespmem:s20], [sflag:$0x3], $0x80, v3, vm0, $0xb8;
	[tilespmem:$0x10400] =	vst v63  }
0x1a5: {  	_ = 	snop  }
0x1a6: {  	[hbm4b:s5+s2] =	stream.indirect_vreg.scatter [tilespmem:s21], [sflag:$0x3], $0x80, v3, vm0, $0xb8;
	[tilespmem:$0x10400] =	vst v63  }
0x1a7: {  	v3 =	vld [tilespmem:$0x2A0];
	_ =	sdelay $0x4  }
0x1a8: {  	v54 =	vshll.u32 v3, $0x2  }
0x1a9: {  	v3 =	vand.u32 $0x7, v3;
	v4 =	vand.u32 $0xFFFFFFE0, v54  }
0x1aa: {  	v3 =	vor.u32 v3, v4  }
0x1ab: {  	v4 =	vperm.xlane v3, v0;
	_ =	sdelay $0x1  }
0x1ac: {  	v4 =	vadd.s32 v1, v4;
	_ =	sdelay $0x1  }
0x1ad: {  	v3 =	vperm.xlane v3, v2;
	_ =	sdelay $0x1  }
0x1ae: {  	v3 =	vadd.s32 v1, v3  }
0x1af: {  	[hbm4b:s4+s2] =	stream.indirect_vreg.scatter [tilespmem:s22], [sflag:$0x3], $0x80, v4, vm0, $0xb8;
	[tilespmem:$0x10400] =	vst v63  }
0x1b0: {  	_ = 	snop  }
0x1b1: {  	[hbm4b:s5+s2] =	stream.indirect_vreg.scatter [tilespmem:s12], [sflag:$0x3], $0x80, v4, vm0, $0xb8;
	[tilespmem:$0x10400] =	vst v63  }
0x1b2: {  	_ = 	snop  }
0x1b3: {  	[hbm4b:s4+s2] =	stream.indirect_vreg.scatter [tilespmem:s13], [sflag:$0x3], $0x80, v3, vm0, $0xb8;
	[tilespmem:$0x10400] =	vst v63  }
0x1b4: {  	_ = 	snop  }
0x1b5: {  	[hbm4b:s5+s2] =	stream.indirect_vreg.scatter [tilespmem:s14], [sflag:$0x3], $0x80, v3, vm0, $0xb8;
	[tilespmem:$0x10400] =	vst v63  }
0x1b6: {  	v3 =	vld [tilespmem:$0x2B0];
	_ =	sdelay $0x4  }
0x1b7: {  	v55 =	vshll.u32 v3, $0x2  }
0x1b8: {  	v3 =	vand.u32 $0x7, v3;
	v4 =	vand.u32 $0xFFFFFFE0, v55  }
0x1b9: {  	v3 =	vor.u32 v3, v4  }
0x1ba: {  	v4 =	vperm.xlane v3, v0;
	_ =	sdelay $0x1  }
0x1bb: {  	v4 =	vadd.s32 v1, v4;
	_ =	sdelay $0x1  }
0x1bc: {  	v3 =	vperm.xlane v3, v2;
	_ =	sdelay $0x1  }
0x1bd: {  	v3 =	vadd.s32 v1, v3  }
0x1be: {  	[hbm4b:s4+s2] =	stream.indirect_vreg.scatter [tilespmem:s15], [sflag:$0x3], $0x80, v4, vm0, $0xb8;
	[tilespmem:$0x10400] =	vst v63  }
0x1bf: {  	_ = 	snop  }
0x1c0: {  	[hbm4b:s5+s2] =	stream.indirect_vreg.scatter [tilespmem:s16], [sflag:$0x3], $0x80, v4, vm0, $0xb8;
	[tilespmem:$0x10400] =	vst v63  }
0x1c1: {  	_ = 	snop  }
0x1c2: {  	[hbm4b:s4+s2] =	stream.indirect_vreg.scatter [tilespmem:s17], [sflag:$0x3], $0x80, v3, vm0, $0xb8;
	[tilespmem:$0x10400] =	vst v63  }
0x1c3: {  	_ = 	snop  }
0x1c4: {  	[hbm4b:s5+s2] =	stream.indirect_vreg.scatter [tilespmem:s18], [sflag:$0x3], $0x80, v3, vm0, $0xb8;
	[tilespmem:$0x10400] =	vst v63  }
0x1c5: {  	v3 =	vld [tilespmem:$0x300];
	_ =	sdelay $0x4  }
0x1c6: {  	v56 =	vshll.u32 v3, $0x2  }
0x1c7: {  	v3 =	vand.u32 $0x7, v3;
	v4 =	vand.u32 $0xFFFFFFE0, v56  }
0x1c8: {  	v3 =	vor.u32 v3, v4  }
0x1c9: {  	v4 =	vperm.xlane v3, v0;
	_ =	sdelay $0x1  }
0x1ca: {  	v4 =	vadd.s32 v1, v4;
	_ =	sdelay $0x1  }
0x1cb: {  	v3 =	vperm.xlane v3, v2;
	_ =	sdelay $0x1  }
0x1cc: {  	v3 =	vadd.s32 v1, v3  }
0x1cd: {  	[hbm4b:s4+s2] =	stream.indirect_vreg.scatter [tilespmem:s10], [sflag:$0x3], $0x80, v4, vm0, $0xb8;
	[tilespmem:$0x10400] =	vst v63  }
0x1ce: {  	_ = 	snop  }
0x1cf: {  	[hbm4b:s5+s2] =	stream.indirect_vreg.scatter [tilespmem:s0], [sflag:$0x3], $0x80, v4, vm0, $0xb8;
	[tilespmem:$0x10400] =	vst v63  }
0x1d0: {  	_ = 	snop  }
0x1d1: {  	[hbm4b:s4+s2] =	stream.indirect_vreg.scatter [tilespmem:s1], [sflag:$0x3], $0x80, v3, vm0, $0xb8;
	[tilespmem:$0x10400] =	vst v63  }
0x1d2: {  	_ = 	snop  }
0x1d3: {  	[hbm4b:s5+s2] =	stream.indirect_vreg.scatter [tilespmem:s3], [sflag:$0x3], $0x80, v3, vm0, $0xb8;
	[tilespmem:$0x10400] =	vst v63  }
0x1d4: {  	v3 =	vld [tilespmem:$0x310];
	_ =	sdelay $0x4  }
0x1d5: {  	v57 =	vshll.u32 v3, $0x2  }
0x1d6: {  	v3 =	vand.u32 $0x7, v3;
	v4 =	vand.u32 $0xFFFFFFE0, v57  }
0x1d7: {  	v3 =	vor.u32 v3, v4  }
0x1d8: {  	v4 =	vperm.xlane v3, v0;
	_ =	sdelay $0x1  }
0x1d9: {  	v4 =	vadd.s32 v1, v4;
	_ =	sdelay $0x1  }
0x1da: {  	v3 =	vperm.xlane v3, v2;
	_ =	sdelay $0x1  }
0x1db: {  	v3 =	vadd.s32 v1, v3  }
0x1dc: {  	[hbm4b:s4+s2] =	stream.indirect_vreg.scatter [tilespmem:s11], [sflag:$0x3], $0x80, v4, vm0, $0xb8;
	[tilespmem:$0x10400] =	vst v63  }
0x1dd: {  	_ = 	snop  }
0x1de: {  	[hbm4b:s5+s2] =	stream.indirect_vreg.scatter [tilespmem:s19], [sflag:$0x3], $0x80, v4, vm0, $0xb8;
	[tilespmem:$0x10400] =	vst v63  }
0x1df: {  	_ = 	snop  }
0x1e0: {  	[hbm4b:s4+s2] =	stream.indirect_vreg.scatter [tilespmem:s20], [sflag:$0x3], $0x80, v3, vm0, $0xb8;
	[tilespmem:$0x10400] =	vst v63  }
0x1e1: {  	_ = 	snop  }
0x1e2: {  	[hbm4b:s5+s2] =	stream.indirect_vreg.scatter [tilespmem:s21], [sflag:$0x3], $0x80, v3, vm0, $0xb8;
	[tilespmem:$0x10400] =	vst v63  }
0x1e3: {  	v3 =	vld [tilespmem:$0x320];
	_ =	sdelay $0x4  }
0x1e4: {  	v58 =	vshll.u32 v3, $0x2  }
0x1e5: {  	v3 =	vand.u32 $0x7, v3;
	v4 =	vand.u32 $0xFFFFFFE0, v58  }
0x1e6: {  	v3 =	vor.u32 v3, v4  }
0x1e7: {  	v4 =	vperm.xlane v3, v0;
	_ =	sdelay $0x1  }
0x1e8: {  	v4 =	vadd.s32 v1, v4;
	_ =	sdelay $0x1  }
0x1e9: {  	v3 =	vperm.xlane v3, v2;
	_ =	sdelay $0x1  }
0x1ea: {  	v3 =	vadd.s32 v1, v3  }
0x1eb: {  	[hbm4b:s4+s2] =	stream.indirect_vreg.scatter [tilespmem:s22], [sflag:$0x3], $0x80, v4, vm0, $0xb8;
	[tilespmem:$0x10400] =	vst v63  }
0x1ec: {  	_ = 	snop  }
0x1ed: {  	[hbm4b:s5+s2] =	stream.indirect_vreg.scatter [tilespmem:s12], [sflag:$0x3], $0x80, v4, vm0, $0xb8;
	[tilespmem:$0x10400] =	vst v63  }
0x1ee: {  	_ = 	snop  }
0x1ef: {  	[hbm4b:s4+s2] =	stream.indirect_vreg.scatter [tilespmem:s13], [sflag:$0x3], $0x80, v3, vm0, $0xb8;
	[tilespmem:$0x10400] =	vst v63  }
0x1f0: {  	_ = 	snop  }
0x1f1: {  	[hbm4b:s5+s2] =	stream.indirect_vreg.scatter [tilespmem:s14], [sflag:$0x3], $0x80, v3, vm0, $0xb8;
	[tilespmem:$0x10400] =	vst v63  }
0x1f2: {  	v3 =	vld [tilespmem:$0x330];
	_ =	sdelay $0x4  }
0x1f3: {  	v59 =	vshll.u32 v3, $0x2  }
0x1f4: {  	v3 =	vand.u32 $0x7, v3;
	v4 =	vand.u32 $0xFFFFFFE0, v59  }
0x1f5: {  	v3 =	vor.u32 v3, v4  }
0x1f6: {  	v4 =	vperm.xlane v3, v0;
	_ =	sdelay $0x1  }
0x1f7: {  	v4 =	vadd.s32 v1, v4;
	_ =	sdelay $0x1  }
0x1f8: {  	v3 =	vperm.xlane v3, v2;
	_ =	sdelay $0x1  }
0x1f9: {  	v3 =	vadd.s32 v1, v3  }
0x1fa: {  	[hbm4b:s4+s2] =	stream.indirect_vreg.scatter [tilespmem:s15], [sflag:$0x3], $0x80, v4, vm0, $0xb8;
	[tilespmem:$0x10400] =	vst v63  }
0x1fb: {  	_ = 	snop  }
0x1fc: {  	[hbm4b:s5+s2] =	stream.indirect_vreg.scatter [tilespmem:s16], [sflag:$0x3], $0x80, v4, vm0, $0xb8;
	[tilespmem:$0x10400] =	vst v63  }
0x1fd: {  	_ = 	snop  }
0x1fe: {  	[hbm4b:s4+s2] =	stream.indirect_vreg.scatter [tilespmem:s17], [sflag:$0x3], $0x80, v3, vm0, $0xb8;
	[tilespmem:$0x10400] =	vst v63  }
0x1ff: {  	_ = 	snop  }
0x200: {  	[hbm4b:s5+s2] =	stream.indirect_vreg.scatter [tilespmem:s18], [sflag:$0x3], $0x80, v3, vm0, $0xb8;
	[tilespmem:$0x10400] =	vst v63  }
0x201: {  	v3 =	vld [tilespmem:$0x380];
	_ =	sdelay $0x4  }
0x202: {  	v60 =	vshll.u32 v3, $0x2  }
0x203: {  	v3 =	vand.u32 $0x7, v3;
	v4 =	vand.u32 $0xFFFFFFE0, v60  }
0x204: {  	v3 =	vor.u32 v3, v4  }
0x205: {  	v4 =	vperm.xlane v3, v0;
	_ =	sdelay $0x1  }
0x206: {  	v4 =	vadd.s32 v1, v4;
	_ =	sdelay $0x1  }
0x207: {  	v3 =	vperm.xlane v3, v2;
	_ =	sdelay $0x1  }
0x208: {  	v3 =	vadd.s32 v1, v3  }
0x209: {  	[hbm4b:s4+s2] =	stream.indirect_vreg.scatter [tilespmem:s10], [sflag:$0x3], $0x80, v4, vm0, $0xb8;
	[tilespmem:$0x10400] =	vst v63  }
0x20a: {  	_ = 	snop  }
0x20b: {  	[hbm4b:s5+s2] =	stream.indirect_vreg.scatter [tilespmem:s0], [sflag:$0x3], $0x80, v4, vm0, $0xb8;
	[tilespmem:$0x10400] =	vst v63  }
0x20c: {  	_ = 	snop  }
0x20d: {  	[hbm4b:s4+s2] =	stream.indirect_vreg.scatter [tilespmem:s1], [sflag:$0x3], $0x80, v3, vm0, $0xb8;
	[tilespmem:$0x10400] =	vst v63  }
0x20e: {  	_ = 	snop  }
0x20f: {  	[hbm4b:s5+s2] =	stream.indirect_vreg.scatter [tilespmem:s3], [sflag:$0x3], $0x80, v3, vm0, $0xb8;
	[tilespmem:$0x10400] =	vst v63  }
0x210: {  	v3 =	vld [tilespmem:$0x390];
	_ =	sdelay $0x4  }
0x211: {  	v61 =	vshll.u32 v3, $0x2  }
0x212: {  	v3 =	vand.u32 $0x7, v3;
	v4 =	vand.u32 $0xFFFFFFE0, v61  }
0x213: {  	v3 =	vor.u32 v3, v4  }
0x214: {  	v4 =	vperm.xlane v3, v0;
	_ =	sdelay $0x1  }
0x215: {  	v4 =	vadd.s32 v1, v4;
	_ =	sdelay $0x1  }
0x216: {  	v3 =	vperm.xlane v3, v2;
	_ =	sdelay $0x1  }
0x217: {  	v3 =	vadd.s32 v1, v3  }
0x218: {  	[hbm4b:s4+s2] =	stream.indirect_vreg.scatter [tilespmem:s11], [sflag:$0x3], $0x80, v4, vm0, $0xb8;
	[tilespmem:$0x10400] =	vst v63  }
0x219: {  	_ = 	snop  }
0x21a: {  	[hbm4b:s5+s2] =	stream.indirect_vreg.scatter [tilespmem:s19], [sflag:$0x3], $0x80, v4, vm0, $0xb8;
	[tilespmem:$0x10400] =	vst v63  }
0x21b: {  	_ = 	snop  }
0x21c: {  	[hbm4b:s4+s2] =	stream.indirect_vreg.scatter [tilespmem:s20], [sflag:$0x3], $0x80, v3, vm0, $0xb8;
	[tilespmem:$0x10400] =	vst v63  }
0x21d: {  	_ = 	snop  }
0x21e: {  	[hbm4b:s5+s2] =	stream.indirect_vreg.scatter [tilespmem:s21], [sflag:$0x3], $0x80, v3, vm0, $0xb8;
	[tilespmem:$0x10400] =	vst v63  }
0x21f: {  	v3 =	vld [tilespmem:$0x3A0];
	_ =	sdelay $0x4  }
0x220: {  	v62 =	vshll.u32 v3, $0x2  }
0x221: {  	v3 =	vand.u32 $0x7, v3;
	v4 =	vand.u32 $0xFFFFFFE0, v62  }
0x222: {  	v3 =	vor.u32 v3, v4  }
0x223: {  	v4 =	vperm.xlane v3, v0;
	_ =	sdelay $0x1  }
0x224: {  	v4 =	vadd.s32 v1, v4;
	_ =	sdelay $0x1  }
0x225: {  	v3 =	vperm.xlane v3, v2;
	_ =	sdelay $0x1  }
0x226: {  	v3 =	vadd.s32 v1, v3  }
0x227: {  	[hbm4b:s4+s2] =	stream.indirect_vreg.scatter [tilespmem:s22], [sflag:$0x3], $0x80, v4, vm0, $0xb8;
	[tilespmem:$0x10400] =	vst v63  }
0x228: {  	_ = 	snop  }
0x229: {  	[hbm4b:s5+s2] =	stream.indirect_vreg.scatter [tilespmem:s12], [sflag:$0x3], $0x80, v4, vm0, $0xb8;
	[tilespmem:$0x10400] =	vst v63  }
0x22a: {  	_ = 	snop  }
0x22b: {  	[hbm4b:s4+s2] =	stream.indirect_vreg.scatter [tilespmem:s13], [sflag:$0x3], $0x80, v3, vm0, $0xb8;
	[tilespmem:$0x10400] =	vst v63  }
0x22c: {  	_ = 	snop  }
0x22d: {  	[hbm4b:s5+s2] =	stream.indirect_vreg.scatter [tilespmem:s14], [sflag:$0x3], $0x80, v3, vm0, $0xb8;
	[tilespmem:$0x10400] =	vst v63  }
0x22e: {  	v3 =	vld [tilespmem:$0x3B0];
	_ =	sdelay $0x4  }
0x22f: {  	v63 =	vshll.u32 v3, $0x2  }
0x230: {  	v3 =	vand.u32 $0x7, v3;
	v4 =	vand.u32 $0xFFFFFFE0, v63  }
0x231: {  	v3 =	vor.u32 v3, v4  }
0x232: {  	v4 =	vperm.xlane v3, v0;
	_ =	sdelay $0x1  }
0x233: {  	v4 =	vadd.s32 v1, v4;
	_ =	sdelay $0x1  }
0x234: {  	v3 =	vperm.xlane v3, v2;
	_ =	sdelay $0x1  }
0x235: {  	v3 =	vadd.s32 v1, v3  }
0x236: {  	[hbm4b:s4+s2] =	stream.indirect_vreg.scatter [tilespmem:s15], [sflag:$0x3], $0x80, v4, vm0, $0xb8;
	[tilespmem:$0x10400] =	vst v63  }
0x237: {  	_ = 	snop  }
0x238: {  	[hbm4b:s5+s2] =	stream.indirect_vreg.scatter [tilespmem:s16], [sflag:$0x3], $0x80, v4, vm0, $0xb8;
	[tilespmem:$0x10400] =	vst v63  }
0x239: {  	_ = 	snop  }
0x23a: {  	[hbm4b:s4+s2] =	stream.indirect_vreg.scatter [tilespmem:s17], [sflag:$0x3], $0x80, v3, vm0, $0xb8;
	[tilespmem:$0x10400] =	vst v63  }
0x23b: {  	_ = 	snop  }
0x23c: {  	[hbm4b:s5+s2] =	stream.indirect_vreg.scatter [tilespmem:s18], [sflag:$0x3], $0x80, v3, vm0, $0xb8;
	[tilespmem:$0x10400] =	vst v63  }
0x23d: {  	_ =	swait.ge [sflag:s26], $0x8000  }
0x23e: {  	[sflag:s26] =	ssyncset.done $0x0  }
0x23f: {  	[sflag:s26] =	ssyncadd.s32 $0xFFFF8000  }
0x240: {  	_ =	swait.ge [sflag:s26], $0x8000  }
0x241: {  	[sflag:s26] =	ssyncset.done $0x0  }
0x242: {  	[sflag:s26] =	ssyncadd.s32 $0xFFFF8000  }
0x243: {  	p0 =	sne.s32 s6, $0x1;
	_ =	swait.ge [sflag:s26], $0x8000  }
.Ltmp0:
0x244: {  	[sflag:s26] =	ssyncset.done $0x0;
	(pc) =	sbr.rel @p0 .LBB2_1-.Ltmp0, $4  }
0x245: {  	[sflag:s26] =	ssyncadd.s32 $0xFFFF8000  }
0x246: {  	_ =	swait.ge [sflag:s26], $0x8000  }
0x247: {  	[sflag:s26] =	ssyncset.done $0x0  }
0x248: {  	s6 =	sadd.s32 $0xFFFFFFFF, s6;
	[sflag:s26] =	ssyncadd.s32 $0xFFFF8000  }
0x249: {  	_ =	sfence.sel $0x180000  }
0x24a: {  	[bflag:$0x0] =	sbarrier.arrive $0xFFFF  }
0x24b: {  	_ =	strace $0x90000047  }
0x24c: {  	s0 =	stileid.u32;
	[bflag:$0x2] =	sbarrier.arrive $0xFFFF  }
0x24d: {  	p0 =	sne.s32 s0, $0x0;
	s0 =	rddreg [dreg:$0x2]  }
0x24e: {  	s0 =	sadd.s32 @!p0 $0x100000, s0  }
0x24f: {  	[sflag:s0] =	ssyncadd.tile.s32 @!p0 $0x1;
	_ =	shalt  }
.Lfunc_end2:
_tile_overlayer_lowered:
.L_overlay_start_2:
0x250: {  	(tag) =	ssettag $0x2  }
0x251: {  	s0 =	rddreg [dreg:$0x0];
	s2 =	stileid.u32  }
0x252: {  	s1 =	rddreg [dreg:$0x1];
	p0 =	sne.s32 s2, $0x0  }
0x253: {  	s3 =	rddreg [dreg:$0x2];
	[bflag:$0x3] =	sbarrier.arrive $0xFFFF;
	s2 =	simm.s32 @!p0 $0x1C04  }
0x254: {  	[timem:s3], [sflag:s2] =	dma.local @!p0 [hbm:s0], s1  }
0x255: {  	s0 =	simm.s32 @!p0 $0x4  }
0x256: {  	_ =	swait.ge @!p0 [sflag:s0], s1  }
0x257: {  	s1 =	ssub.s32 @!p0 $0x0, s1;
	[sflag:s0] =	ssyncset.done @!p0 $0x0  }
0x258: {  	[sflag:s0] =	ssyncadd.s32 @!p0 s1  }
0x259: {  	[bflag:$0x3] =	sbarrier.arrive $0xFFFF  }
0x25a: {  	_ =	shalt  }

</sc_bundles>
